<compile_context>
chip_gen: v7x
topology: tpu7x:2x2x1
jax: 0.10.2.dev20260603
libtpu: 0.0.44.dev20260713+nightly
codegen_flags: <defaults>
</compile_context>

<pallas_src>
import functools

import jax
import jax.numpy as jnp
from jax import lax
from jax.experimental import pallas as pl
from jax.experimental.pallas import tpu as pltpu
from jax.experimental.pallas import tpu_sc as plsc

N = 10000
E = 320000
D = 128
H = 256
EPS = 1e-7
BN_EPS = 1e-5

NC = 2
NS = 16
NW = NC * NS
EPW = E // NW
K = 80
NCHUNK = EPW // K
RPT = N // NS


def _make_sc_segsum(with_cnt):
    W = D
    mesh = plsc.VectorSubcoreMesh(core_axis_name="c", subcore_axis_name="s",
                                  num_cores=NC, num_subcores=NS)

    out_type = [jax.ShapeDtypeStruct((NC, N, W), jnp.float32)]
    scratch = [
        pltpu.VMEM((NCHUNK, K), jnp.int32),
        pltpu.VMEM((K,), jnp.int32),
        pltpu.VMEM((K,), jnp.int32),
        pltpu.VMEM((K,), jnp.int32),
        pltpu.VMEM((K,), jnp.int32),
        pltpu.VMEM((K,), jnp.int32),
        pltpu.VMEM((K,), jnp.int32),
        pltpu.VMEM((K, W), jnp.float32),
        pltpu.VMEM((K, W), jnp.float32),
        pltpu.VMEM((K, W), jnp.float32),
        pltpu.VMEM_SHARED((N, W), jnp.float32),
        pltpu.SemaphoreType.DMA,
        pltpu.SemaphoreType.DMA,
        pltpu.SemaphoreType.DMA,
        pltpu.SemaphoreType.DMA,
        pltpu.SemaphoreType.DMA,
        pltpu.SemaphoreType.DMA,
    ]
    if with_cnt:
        out_type.append(jax.ShapeDtypeStruct((NC, N), jnp.float32))
        scratch += [
            pltpu.VMEM((K,), jnp.float32),
            pltpu.VMEM((1024,), jnp.float32),
            pltpu.VMEM_SHARED((N,), jnp.float32),
        ]

    @functools.partial(
        pl.kernel,
        out_type=tuple(out_type) if with_cnt else out_type[0],
        mesh=mesh,
        scratch_types=scratch,
        compiler_params=pltpu.CompilerParams(use_tc_tiling_on_sc=False),
    )
    def seg_kernel(table_hbm, pk2d_hbm, out_hbm, *rest):
        if with_cnt:
            (cnt_hbm, pkall, sv0, sv1, sv2, dv0, dv1, dv2, rw0, rw1, rw2,
             acc, gs0, gs1, gs2, ss0, ss1, ss2, onesv, zb, cntacc) = rest
        else:
            (pkall, sv0, sv1, sv2, dv0, dv1, dv2, rw0, rw1, rw2,
             acc, gs0, gs1, gs2, ss0, ss1, ss2) = rest
        srcv = (sv0, sv1, sv2)
        dstv = (dv0, dv1, dv2)
        rows = (rw0, rw1, rw2)
        gsem = (gs0, gs1, gs2)
        ssem = (ss0, ss1, ss2)
        c = lax.axis_index("c")
        s = lax.axis_index("s")
        wid = c * NS + s
        zv = jnp.zeros((16,), jnp.float32)
        m16 = jnp.full((16,), 0xFFFF, jnp.int32)

        def unpack(j, sv, dv):
            @pl.loop(0, K // 16)
            def _(q):
                v = pkall[j, pl.ds(q * 16, 16)]
                sv[pl.ds(q * 16, 16)] = v & m16
                dv[pl.ds(q * 16, 16)] = lax.shift_right_logical(v, 16)

        @pl.loop(0, K)
        def _(r):
            @pl.loop(0, W // 16)
            def _(q):
                rw2[r, pl.ds(q * 16, 16)] = zv

        pltpu.sync_copy(pk2d_hbm.at[pl.ds(wid * NCHUNK, NCHUNK)], pkall)

        unpack(0, srcv[0], dstv[0])
        pltpu.async_copy(table_hbm.at[srcv[0]], rows[0], gsem[0])
        unpack(1, srcv[1], dstv[1])
        pltpu.async_copy(table_hbm.at[srcv[1]], rows[1], gsem[1])

        @pl.loop(0, RPT // K)
        def _(i):
            pltpu.sync_copy(rw2, acc.at[pl.ds(s * RPT + i * K, K)])

        rem = RPT - (RPT // K) * K
        if rem:
            pltpu.sync_copy(rw2.at[pl.ds(0, rem)],
                            acc.at[pl.ds(s * RPT + (RPT // K) * K, rem)])

        if with_cnt:
            ov = jnp.ones((16,), jnp.float32)

            @pl.loop(0, K // 16)
            def _(q):
                onesv[pl.ds(q * 16, 16)] = ov

            @pl.loop(0, 64)
            def _(q):
                zb[pl.ds(q * 16, 16)] = zv

            @pl.when(s < 10)
            def _():
                pltpu.sync_copy(zb.at[pl.ds(0, 1000)],
                                cntacc.at[pl.ds(s * 1000, 1000)])

        plsc.subcore_barrier()

        def wait_gather(i):
            pltpu.make_async_copy(
                table_hbm.at[srcv[i]], rows[i], gsem[i]).wait()

        def wait_scatter(p):
            pltpu.make_async_copy(rows[p], acc.at[dstv[p]], ssem[p]).wait()
            if with_cnt:
                pltpu.make_async_copy(onesv, cntacc.at[dstv[p]],
                                      ssem[p]).wait()

        def step(i, prep_chunk, p, prep_wait, do_prep):
            wait_gather(i)
            pltpu.async_copy(rows[i], acc.at[dstv[i]], ssem[i], add=True)
            if with_cnt:
                pltpu.async_copy(onesv, cntacc.at[dstv[i]], ssem[i],
                                 add=True)
            if do_prep:
                if prep_wait:
                    wait_scatter(p)
                unpack(prep_chunk, srcv[p], dstv[p])
                pltpu.async_copy(table_hbm.at[srcv[p]], rows[p], gsem[p])

        step(0, 2, 2, False, True)
        step(1, 3, 0, True, True)
        step(2, 4, 1, True, True)

        @pl.loop(0, (NCHUNK - 5) // 3)
        def _(gg):
            b = 3 + gg * 3
            step(0, b + 2, 2, True, True)
            step(1, b + 3, 0, True, True)
            step(2, b + 4, 1, True, True)

        step(0, 0, 0, False, False)
        step(1, 0, 0, False, False)

        wait_scatter(2)
        wait_scatter(0)
        wait_scatter(1)

        plsc.subcore_barrier()
        pltpu.sync_copy(acc.at[pl.ds(s * RPT, RPT)],
                        out_hbm.at[c, pl.ds(s * RPT, RPT)])
        if with_cnt:
            @pl.when(s < 10)
            def _():
                pltpu.sync_copy(cntacc.at[pl.ds(s * 1000, 1000)],
                                cnt_hbm.at[c, pl.ds(s * 1000, 1000)])

    return seg_kernel


@functools.cache
def _sc_segsum(with_cnt):
    return _make_sc_segsum(with_cnt)


def _prep(x):
    def body(x_ref, o_ref):
        o_ref[...] = jnp.maximum(x_ref[...], 0.0) + EPS

    return pl.pallas_call(
        body, out_shape=jax.ShapeDtypeStruct((N, D), jnp.float32))(x)


def _mlp(out, w1, b1, g, be, w2, b2):
    h = jnp.dot(out, w1, preferred_element_type=jnp.float32) + b1
    mu = jnp.mean(h, axis=0, keepdims=True)
    dlt = h - mu
    var = jnp.mean(dlt * dlt, axis=0, keepdims=True)
    hn = g * dlt * lax.rsqrt(var + BN_EPS) + be
    hr = jnp.maximum(hn, 0.0)
    return jnp.dot(hr, w2, preferred_element_type=jnp.float32) + b2


def _elu(y):
    return jnp.where(y > 0.0, y, jnp.exp(jnp.minimum(y, 0.0)) - 1.0)


def _layer0(sp, cnt2, x, w1, b1, g, be, w2, b2):
    def body(sp_ref, cnt_ref, x_ref, w1_ref, b1_ref, g_ref, be_ref, w2_ref,
             b2_ref, z_ref, t_ref, r_ref):
        sumx = sp_ref[0] + sp_ref[1]
        cnt = (cnt_ref[0] + cnt_ref[1])[:, None]
        recip = 1.0 / jnp.maximum(cnt, 1.0)
        out = sumx * recip + x_ref[...]
        y = _mlp(out, w1_ref[...], b1_ref[...], g_ref[...], be_ref[...],
                 w2_ref[...], b2_ref[...])
        z_ref[...] = _elu(y)
        t_ref[...] = jnp.maximum(y, 0.0) + EPS
        r_ref[...] = recip

    return pl.pallas_call(
        body,
        out_shape=(
            jax.ShapeDtypeStruct((N, D), jnp.float32),
            jax.ShapeDtypeStruct((N, D), jnp.float32),
            jax.ShapeDtypeStruct((N, 1), jnp.float32),
        ))(sp, cnt2, x, w1, b1, g, be, w2, b2)


def _layer_mid(sp, h_in, recip, w1, b1, g, be, w2, b2):
    def body(sp_ref, h_ref, r_ref, w1_ref, b1_ref, g_ref, be_ref, w2_ref,
             b2_ref, z_ref, t_ref):
        spsum = sp_ref[0] + sp_ref[1]
        out = spsum * r_ref[...] + h_ref[...]
        y = _mlp(out, w1_ref[...], b1_ref[...], g_ref[...], be_ref[...],
                 w2_ref[...], b2_ref[...])
        z_ref[...] = _elu(y)
        t_ref[...] = jnp.maximum(y, 0.0) + EPS

    return pl.pallas_call(
        body,
        out_shape=(
            jax.ShapeDtypeStruct((N, D), jnp.float32),
            jax.ShapeDtypeStruct((N, D), jnp.float32),
        ))(sp, h_in, recip, w1, b1, g, be, w2, b2)


def _layer_last(sp, h_in, recip, w1, b1, g, be, w2, b2):
    def body(sp_ref, h_ref, r_ref, w1_ref, b1_ref, g_ref, be_ref, w2_ref,
             b2_ref, y_ref):
        spsum = sp_ref[0] + sp_ref[1]
        out = spsum * r_ref[...] + h_ref[...]
        y_ref[...] = _mlp(out, w1_ref[...], b1_ref[...], g_ref[...],
                          be_ref[...], w2_ref[...], b2_ref[...])

    return pl.pallas_call(
        body,
        out_shape=jax.ShapeDtypeStruct((N, D), jnp.float32),
    )(sp, h_in, recip, w1, b1, g, be, w2, b2)


def kernel(x, edge_index, W1_0, b1_0, g_0, be_0, W2_0, b2_0,
           W1_1, b1_1, g_1, be_1, W2_1, b2_1,
           W1_2, b1_2, g_2, be_2, W2_2, b2_2):
    ei = edge_index.astype(jnp.int32)
    packed = (ei[0] + ei[1] * 65536).reshape(E // K, K)

    t0 = _prep(x)
    sp0, cnt2 = _sc_segsum(True)(t0, packed)
    z1, t1, recip = _layer0(sp0, cnt2, x, W1_0, b1_0, g_0, be_0, W2_0, b2_0)

    sp1 = _sc_segsum(False)(t1, packed)
    z2, t2 = _layer_mid(sp1, z1, recip, W1_1, b1_1, g_1, be_1, W2_1, b2_1)

    sp2 = _sc_segsum(False)(t2, packed)
    return _layer_last(sp2, z2, recip, W1_2, b1_2, g_2, be_2, W2_2, b2_2)

# --- scband reference (transcript-rebuilt; emitter-appended) ---
"""Pipeline reference for scband-gen-35115652612103 (READ-ONLY COPY).

The authoritative reference and input builder live on the scoring server;
editing this copy changes nothing except your own understanding.
"""

import jax, jax.numpy as jnp
import numpy as np

N = 10000
E = 320000
D = 128
H = 256
EPS = 1e-7
BN_EPS = 1e-5


def _bn(h, gamma, beta):
    mu = jnp.mean(h, axis=0, keepdims=True)
    var = jnp.var(h, axis=0, keepdims=True)
    return gamma * (h - mu) / jnp.sqrt(var + BN_EPS) + beta


def _genconv(x, src, dst, p):
    W1, b1, g, be, W2, b2 = p
    # GENConv message: relu(x_j) + eps, aggr='mean' over dst nodes
    msg = jax.nn.relu(jnp.take(x, src, axis=0)) + EPS
    s = jax.ops.segment_sum(msg, dst, num_segments=N)
    cnt = jax.ops.segment_sum(jnp.ones((msg.shape[0],), msg.dtype), dst, num_segments=N)
    agg = s / jnp.maximum(cnt, 1.0)[:, None]
    # residual with x_dst, then MLP [D -> 2D -> D] with BatchNorm (train mode) + ReLU
    out = agg + x
    h = jnp.dot(out, W1) + b1
    h = _bn(h, g, be)
    h = jax.nn.relu(h)
    return jnp.dot(h, W2) + b2


def setup_inputs(seed: int = 0) -> dict:
    key = jax.random.key(seed)
    ks = jax.random.split(key, 8)
    inp = {}
    inp["x"] = jax.random.normal(ks[0], (N, D), dtype=jnp.float32)
    inp["edge_index"] = jax.random.randint(ks[1], (2, E), 0, N)
    for l in range(3):
        k1 = jax.random.fold_in(ks[2], l)
        k2 = jax.random.fold_in(ks[3], l)
        inp[f"W1_{l}"] = jax.random.normal(k1, (D, H), dtype=jnp.float32) / np.sqrt(D)
        inp[f"b1_{l}"] = jnp.zeros((H,), dtype=jnp.float32)
        inp[f"g_{l}"] = jnp.ones((H,), dtype=jnp.float32)
        inp[f"be_{l}"] = jnp.zeros((H,), dtype=jnp.float32)
        inp[f"W2_{l}"] = jax.random.normal(k2, (H, D), dtype=jnp.float32) / np.sqrt(H)
        inp[f"b2_{l}"] = jnp.zeros((D,), dtype=jnp.float32)
    return inp


def reference(x, edge_index, W1_0, b1_0, g_0, be_0, W2_0, b2_0, W1_1, b1_1, g_1, be_1, W2_1, b2_1, W1_2, b1_2, g_2, be_2, W2_2, b2_2):
    src = edge_index[0]
    dst = edge_index[1]
    ps = (W1_0, b1_0, g_0, be_0, W2_0, b2_0,
          W1_1, b1_1, g_1, be_1, W2_1, b2_1,
          W1_2, b1_2, g_2, be_2, W2_2, b2_2)
    h = x
    for l in range(2):
        h = _genconv(h, src, dst, ps[6 * l:6 * l + 6])
        h = jax.nn.elu(h)
    return _genconv(h, src, dst, ps[12:18])

if __name__ == "__main__":
    import jax
    _d = setup_inputs()
    print(jax.jit(kernel)(*tuple(_d.values())))

</pallas_src>

<mosaic_0001>
#map = affine_map<(d0, d1) -> (0, 0)>
#map1 = affine_map<(d0, d1) -> (0, 0, 0)>
module attributes {stable_mosaic.version = 14 : i64} {
  func.func @seg_kernel(%arg0: i32, %arg1: i32, %arg2: memref<10000x128xf32, #tpu.memory_space<hbm>>, %arg3: memref<4000x80xi32, #tpu.memory_space<hbm>>, %arg4: memref<2x10000x128xf32, #tpu.memory_space<hbm>>, %arg5: memref<125x80xi32, #tpu.memory_space<vmem>>, %arg6: memref<80xi32, #tpu.memory_space<vmem>>, %arg7: memref<80xi32, #tpu.memory_space<vmem>>, %arg8: memref<80xi32, #tpu.memory_space<vmem>>, %arg9: memref<80xi32, #tpu.memory_space<vmem>>, %arg10: memref<80xi32, #tpu.memory_space<vmem>>, %arg11: memref<80xi32, #tpu.memory_space<vmem>>, %arg12: memref<80x128xf32, #tpu.memory_space<vmem>>, %arg13: memref<80x128xf32, #tpu.memory_space<vmem>>, %arg14: memref<80x128xf32, #tpu.memory_space<vmem>>, %arg15: memref<10000x128xf32, #tpu.memory_space<vmem_shared>>, %arg16: memref<!tpu.dma_semaphore, #tpu.memory_space<semaphore_mem>>, %arg17: memref<!tpu.dma_semaphore, #tpu.memory_space<semaphore_mem>>, %arg18: memref<!tpu.dma_semaphore, #tpu.memory_space<semaphore_mem>>, %arg19: memref<!tpu.dma_semaphore, #tpu.memory_space<semaphore_mem>>, %arg20: memref<!tpu.dma_semaphore, #tpu.memory_space<semaphore_mem>>, %arg21: memref<!tpu.dma_semaphore, #tpu.memory_space<semaphore_mem>>) attributes {dimension_semantics = [#tpu.dimension_semantics<core_parallel>, #tpu.dimension_semantics<subcore_parallel>], iteration_bounds = array<i64: 2, 16>, scalar_prefetch = 0 : i64, scratch_operands = 17 : i64, tpu.core_type = #tpu.core_type<sc_vector_subcore>, window_params = [{transform_indices = #map}, {transform_indices = #map}, {transform_indices = #map1}]} {
    %mul3A = arith.constant 16 : i32
    %mul3A_0 = arith.muli %arg0, %mul3A : i32
    %add3A = arith.addi %mul3A_0, %arg1 : i32
    %broadcast_in_dim3A = arith.constant 0.000000e+00 : f32
    %broadcast_in_dim3A_1 = vector.broadcast %broadcast_in_dim3A : f32 to vector<16xf32>
    %broadcast_in_dim3A_2 = arith.constant 65535 : i32
    %broadcast_in_dim3A_3 = vector.broadcast %broadcast_in_dim3A_2 : i32 to vector<16xi32>
    %scan3A = arith.constant 0 : i32
    %scan3A_4 = arith.constant 80 : i32
    %scan3A_5 = arith.addi %scan3A, %scan3A_4 : i32
    %scan3A_6 = arith.constant 1 : i32
    scf.for %scan3A_112 = %scan3A to %scan3A_5 step %scan3A_6  : i32 {
      %mul3A_113 = arith.constant 1 : i32
      %mul3A_114 = arith.muli %scan3A_112, %mul3A_113 : i32
      %add3A_115 = arith.constant 0 : i32
      %add3A_116 = arith.addi %add3A_115, %mul3A_114 : i32
      %scan3A_117 = arith.constant 0 : i32
      %scan3A_118 = arith.constant 8 : i32
      %scan3A_119 = arith.addi %scan3A_117, %scan3A_118 : i32
      %scan3A_120 = arith.constant 1 : i32
      scf.for %scan3A_122 = %scan3A_117 to %scan3A_119 step %scan3A_120  : i32 {
        %mul3A_123 = arith.constant 1 : i32
        %mul3A_124 = arith.muli %scan3A_122, %mul3A_123 : i32
        %add3A_125 = arith.constant 0 : i32
        %add3A_126 = arith.addi %add3A_125, %mul3A_124 : i32
        %mul3A_127 = arith.constant 16 : i32
        %mul3A_128 = arith.muli %add3A_126, %mul3A_127 : i32
        %swap3A = arith.index_cast %add3A_116 : i32 to index
        %swap3A_129 = arith.index_cast %mul3A_128 : i32 to index
        %swap3A_130 = tpu.vector_load %arg14[%swap3A, %swap3A_129] {strides = array<i32>} : memref<80x128xf32, #tpu.memory_space<vmem>>, vector<1x16xf32>,
        %swap3A_131 = vector.shape_cast %swap3A_130 : vector<1x16xf32> to vector<16xf32>
        %swap3A_132 = vector.shape_cast %broadcast_in_dim3A_1 : vector<16xf32> to vector<1x16xf32>
        tpu.vector_store %arg14[%swap3A, %swap3A_129], %swap3A_132 {strides = array<i32>} : memref<80x128xf32, #tpu.memory_space<vmem>>, vector<1x16xf32>,
      }
      %scan3A_121 = arith.constant 8 : i32
    }
    %scan3A_7 = arith.constant 80 : i32
    %mul3A_8 = arith.constant 125 : i32
    %mul3A_9 = arith.muli %add3A, %mul3A_8 : i32
    "tpu.region"() ({
      %run_scoped3A = tpu.sem_alloc : memref<!tpu.dma_semaphore, #tpu.memory_space<semaphore_mem>>
      %dma_start3A_112 = arith.constant 0 : i32
      %dma_start3A_113 = tpu.memref_slice %arg3[%mul3A_9, %dma_start3A_112] : memref<4000x80xi32, #tpu.memory_space<hbm>> -> memref<125x80xi32, #tpu.memory_space<hbm>>
      %dma_start3A_114 = arith.constant 0 : i32
      %dma_start3A_115 = tpu.memref_slice %arg3[%mul3A_9, %dma_start3A_114] : memref<4000x80xi32, #tpu.memory_space<hbm>> -> memref<125x80xi32, #tpu.memory_space<hbm>>
      tpu.enqueue_dma source(%dma_start3A_115 : memref<125x80xi32, #tpu.memory_space<hbm>>) target(%arg5 : memref<125x80xi32, #tpu.memory_space<vmem>>) target_semaphore(%run_scoped3A : memref<!tpu.dma_semaphore, #tpu.memory_space<semaphore_mem>>)
      %dma_wait3A_116 = arith.constant 0 : i32
      %dma_wait3A_117 = tpu.memref_slice %arg3[%mul3A_9, %dma_wait3A_116] : memref<4000x80xi32, #tpu.memory_space<hbm>> -> memref<125x80xi32, #tpu.memory_space<hbm>>
      %dma_wait3A_118 = arith.constant 0 : i32
      %dma_wait3A_119 = tpu.memref_slice %arg3[%mul3A_9, %dma_wait3A_118] : memref<4000x80xi32, #tpu.memory_space<hbm>> -> memref<125x80xi32, #tpu.memory_space<hbm>>
      tpu.wait_dma2 semaphore(%run_scoped3A : memref<!tpu.dma_semaphore, #tpu.memory_space<semaphore_mem>>) src(%dma_wait3A_119 : memref<125x80xi32, #tpu.memory_space<hbm>>) dst(%arg5 : memref<125x80xi32, #tpu.memory_space<vmem>>)
      tpu.yield
    }) : () -> ()
    %scan3A_10 = arith.constant 0 : i32
    %scan3A_11 = arith.constant 5 : i32
    %scan3A_12 = arith.addi %scan3A_10, %scan3A_11 : i32
    %scan3A_13 = arith.constant 1 : i32
    scf.for %scan3A_112 = %scan3A_10 to %scan3A_12 step %scan3A_13  : i32 {
      %mul3A_113 = arith.constant 1 : i32
      %mul3A_114 = arith.muli %scan3A_112, %mul3A_113 : i32
      %add3A_115 = arith.constant 0 : i32
      %add3A_116 = arith.addi %add3A_115, %mul3A_114 : i32
      %mul3A_117 = arith.constant 16 : i32
      %mul3A_118 = arith.muli %add3A_116, %mul3A_117 : i32
      %get3A = arith.constant 0 : i32
      %get3A_119 = arith.index_cast %get3A : i32 to index
      %get3A_120 = arith.index_cast %mul3A_118 : i32 to index
      %get3A_121 = tpu.vector_load %arg5[%get3A_119, %get3A_120] {strides = array<i32>} : memref<125x80xi32, #tpu.memory_space<vmem>>, vector<1x16xi32>,
      %get3A_122 = vector.shape_cast %get3A_121 : vector<1x16xi32> to vector<16xi32>
      %and3A = arith.andi %get3A_122, %broadcast_in_dim3A_3 : vector<16xi32>
      %mul3A_123 = arith.constant 16 : i32
      %mul3A_124 = arith.muli %add3A_116, %mul3A_123 : i32
      %swap3A = arith.index_cast %mul3A_124 : i32 to index
      %swap3A_125 = tpu.vector_load %arg6[%swap3A] {strides = array<i32>} : memref<80xi32, #tpu.memory_space<vmem>>, vector<16xi32>,
      %swap3A_126 = vector.shape_cast %swap3A_125 : vector<16xi32> to vector<16xi32>
      %swap3A_127 = vector.shape_cast %and3A : vector<16xi32> to vector<16xi32>
      tpu.vector_store %arg6[%swap3A], %swap3A_127 {strides = array<i32>} : memref<80xi32, #tpu.memory_space<vmem>>, vector<16xi32>,
      %shift_right_logical3A = arith.constant 16 : i32
      %shift_right_logical3A_128 = vector.broadcast %shift_right_logical3A : i32 to vector<16xi32>
      %shift_right_logical3A_129 = arith.shrui %get3A_122, %shift_right_logical3A_128 : vector<16xi32>
      %mul3A_130 = arith.constant 16 : i32
      %mul3A_131 = arith.muli %add3A_116, %mul3A_130 : i32
      %swap3A_132 = arith.index_cast %mul3A_131 : i32 to index
      %swap3A_133 = tpu.vector_load %arg9[%swap3A_132] {strides = array<i32>} : memref<80xi32, #tpu.memory_space<vmem>>, vector<16xi32>,
      %swap3A_134 = vector.shape_cast %swap3A_133 : vector<16xi32> to vector<16xi32>
      %swap3A_135 = vector.shape_cast %shift_right_logical3A_129 : vector<16xi32> to vector<16xi32>
      tpu.vector_store %arg9[%swap3A_132], %swap3A_135 {strides = array<i32>} : memref<80xi32, #tpu.memory_space<vmem>>, vector<16xi32>,
    }
    %scan3A_14 = arith.constant 5 : i32
    %dma_start3A = arith.constant 0 : i32
    %dma_start3A_15 = arith.constant 0 : i32
    %dma_start3A_16 = tpu.memref_slice %arg2[%dma_start3A, %dma_start3A_15] : memref<10000x128xf32, #tpu.memory_space<hbm>> -> memref<10000x128xf32, #tpu.memory_space<hbm>>
    tpu.enqueue_indirect_dma source(%dma_start3A_16 : memref<10000x128xf32, #tpu.memory_space<hbm>>) target(%arg12 : memref<80x128xf32, #tpu.memory_space<vmem>>) offsets(%arg6 : memref<80xi32, #tpu.memory_space<vmem>>) semaphore(%arg16 : memref<!tpu.dma_semaphore, #tpu.memory_space<semaphore_mem>>)
    %scan3A_17 = arith.constant 0 : i32
    %scan3A_18 = arith.constant 5 : i32
    %scan3A_19 = arith.addi %scan3A_17, %scan3A_18 : i32
    %scan3A_20 = arith.constant 1 : i32
    scf.for %scan3A_112 = %scan3A_17 to %scan3A_19 step %scan3A_20  : i32 {
      %mul3A_113 = arith.constant 1 : i32
      %mul3A_114 = arith.muli %scan3A_112, %mul3A_113 : i32
      %add3A_115 = arith.constant 0 : i32
      %add3A_116 = arith.addi %add3A_115, %mul3A_114 : i32
      %mul3A_117 = arith.constant 16 : i32
      %mul3A_118 = arith.muli %add3A_116, %mul3A_117 : i32
      %get3A = arith.constant 1 : i32
      %get3A_119 = arith.index_cast %get3A : i32 to index
      %get3A_120 = arith.index_cast %mul3A_118 : i32 to index
      %get3A_121 = tpu.vector_load %arg5[%get3A_119, %get3A_120] {strides = array<i32>} : memref<125x80xi32, #tpu.memory_space<vmem>>, vector<1x16xi32>,
      %get3A_122 = vector.shape_cast %get3A_121 : vector<1x16xi32> to vector<16xi32>
      %and3A = arith.andi %get3A_122, %broadcast_in_dim3A_3 : vector<16xi32>
      %mul3A_123 = arith.constant 16 : i32
      %mul3A_124 = arith.muli %add3A_116, %mul3A_123 : i32
      %swap3A = arith.index_cast %mul3A_124 : i32 to index
      %swap3A_125 = tpu.vector_load %arg7[%swap3A] {strides = array<i32>} : memref<80xi32, #tpu.memory_space<vmem>>, vector<16xi32>,
      %swap3A_126 = vector.shape_cast %swap3A_125 : vector<16xi32> to vector<16xi32>
      %swap3A_127 = vector.shape_cast %and3A : vector<16xi32> to vector<16xi32>
      tpu.vector_store %arg7[%swap3A], %swap3A_127 {strides = array<i32>} : memref<80xi32, #tpu.memory_space<vmem>>, vector<16xi32>,
      %shift_right_logical3A = arith.constant 16 : i32
      %shift_right_logical3A_128 = vector.broadcast %shift_right_logical3A : i32 to vector<16xi32>
      %shift_right_logical3A_129 = arith.shrui %get3A_122, %shift_right_logical3A_128 : vector<16xi32>
      %mul3A_130 = arith.constant 16 : i32
      %mul3A_131 = arith.muli %add3A_116, %mul3A_130 : i32
      %swap3A_132 = arith.index_cast %mul3A_131 : i32 to index
      %swap3A_133 = tpu.vector_load %arg10[%swap3A_132] {strides = array<i32>} : memref<80xi32, #tpu.memory_space<vmem>>, vector<16xi32>,
      %swap3A_134 = vector.shape_cast %swap3A_133 : vector<16xi32> to vector<16xi32>
      %swap3A_135 = vector.shape_cast %shift_right_logical3A_129 : vector<16xi32> to vector<16xi32>
      tpu.vector_store %arg10[%swap3A_132], %swap3A_135 {strides = array<i32>} : memref<80xi32, #tpu.memory_space<vmem>>, vector<16xi32>,
    }
    %scan3A_21 = arith.constant 5 : i32
    %dma_start3A_22 = arith.constant 0 : i32
    %dma_start3A_23 = arith.constant 0 : i32
    %dma_start3A_24 = tpu.memref_slice %arg2[%dma_start3A_22, %dma_start3A_23] : memref<10000x128xf32, #tpu.memory_space<hbm>> -> memref<10000x128xf32, #tpu.memory_space<hbm>>
    tpu.enqueue_indirect_dma source(%dma_start3A_24 : memref<10000x128xf32, #tpu.memory_space<hbm>>) target(%arg13 : memref<80x128xf32, #tpu.memory_space<vmem>>) offsets(%arg7 : memref<80xi32, #tpu.memory_space<vmem>>) semaphore(%arg17 : memref<!tpu.dma_semaphore, #tpu.memory_space<semaphore_mem>>)
    %scan3A_25 = arith.constant 0 : i32
    %scan3A_26 = arith.constant 7 : i32
    %scan3A_27 = arith.addi %scan3A_25, %scan3A_26 : i32
    %scan3A_28 = arith.constant 1 : i32
    scf.for %scan3A_112 = %scan3A_25 to %scan3A_27 step %scan3A_28  : i32 {
      %mul3A_113 = arith.constant 1 : i32
      %mul3A_114 = arith.muli %scan3A_112, %mul3A_113 : i32
      %add3A_115 = arith.constant 0 : i32
      %add3A_116 = arith.addi %add3A_115, %mul3A_114 : i32
      %mul3A_117 = arith.constant 625 : i32
      %mul3A_118 = arith.muli %arg1, %mul3A_117 : i32
      %mul3A_119 = arith.constant 80 : i32
      %mul3A_120 = arith.muli %add3A_116, %mul3A_119 : i32
      %add3A_121 = arith.addi %mul3A_118, %mul3A_120 : i32
      "tpu.region"() ({
        %run_scoped3A = tpu.sem_alloc : memref<!tpu.dma_semaphore, #tpu.memory_space<semaphore_mem>>
        %dma_start3A_122 = arith.constant 0 : i32
        %dma_start3A_123 = tpu.memref_slice %arg15[%add3A_121, %dma_start3A_122] : memref<10000x128xf32, #tpu.memory_space<vmem_shared>> -> memref<80x128xf32, #tpu.memory_space<vmem_shared>>
        %dma_start3A_124 = arith.constant 0 : i32
        %dma_start3A_125 = tpu.memref_slice %arg15[%add3A_121, %dma_start3A_124] : memref<10000x128xf32, #tpu.memory_space<vmem_shared>> -> memref<80x128xf32, #tpu.memory_space<vmem_shared>>
        tpu.enqueue_dma source(%arg14 : memref<80x128xf32, #tpu.memory_space<vmem>>) target(%dma_start3A_125 : memref<80x128xf32, #tpu.memory_space<vmem_shared>>) target_semaphore(%run_scoped3A : memref<!tpu.dma_semaphore, #tpu.memory_space<semaphore_mem>>)
        %dma_wait3A_126 = arith.constant 0 : i32
        %dma_wait3A_127 = tpu.memref_slice %arg15[%add3A_121, %dma_wait3A_126] : memref<10000x128xf32, #tpu.memory_space<vmem_shared>> -> memref<80x128xf32, #tpu.memory_space<vmem_shared>>
        %dma_wait3A_128 = arith.constant 0 : i32
        %dma_wait3A_129 = tpu.memref_slice %arg15[%add3A_121, %dma_wait3A_128] : memref<10000x128xf32, #tpu.memory_space<vmem_shared>> -> memref<80x128xf32, #tpu.memory_space<vmem_shared>>
        tpu.wait_dma2 semaphore(%run_scoped3A : memref<!tpu.dma_semaphore, #tpu.memory_space<semaphore_mem>>) src(%arg14 : memref<80x128xf32, #tpu.memory_space<vmem>>) dst(%dma_wait3A_129 : memref<80x128xf32, #tpu.memory_space<vmem_shared>>)
        tpu.yield
      }) : () -> ()
    }
    %scan3A_29 = arith.constant 7 : i32
    %mul3A_30 = arith.constant 625 : i32
    %mul3A_31 = arith.muli %arg1, %mul3A_30 : i32
    %add3A_32 = arith.constant 560 : i32
    %add3A_33 = arith.addi %mul3A_31, %add3A_32 : i32
    "tpu.region"() ({
      %run_scoped3A = tpu.sem_alloc : memref<!tpu.dma_semaphore, #tpu.memory_space<semaphore_mem>>
      %dma_start3A_112 = arith.constant 0 : i32
      %dma_start3A_113 = arith.constant 0 : i32
      %dma_start3A_114 = tpu.memref_slice %arg14[%dma_start3A_112, %dma_start3A_113] : memref<80x128xf32, #tpu.memory_space<vmem>> -> memref<65x128xf32, #tpu.memory_space<vmem>>
      %dma_start3A_115 = arith.constant 0 : i32
      %dma_start3A_116 = tpu.memref_slice %arg15[%add3A_33, %dma_start3A_115] : memref<10000x128xf32, #tpu.memory_space<vmem_shared>> -> memref<65x128xf32, #tpu.memory_space<vmem_shared>>
      %dma_start3A_117 = arith.constant 0 : i32
      %dma_start3A_118 = tpu.memref_slice %arg15[%add3A_33, %dma_start3A_117] : memref<10000x128xf32, #tpu.memory_space<vmem_shared>> -> memref<65x128xf32, #tpu.memory_space<vmem_shared>>
      %dma_start3A_119 = arith.constant 0 : i32
      %dma_start3A_120 = arith.constant 0 : i32
      %dma_start3A_121 = tpu.memref_slice %arg14[%dma_start3A_119, %dma_start3A_120] : memref<80x128xf32, #tpu.memory_space<vmem>> -> memref<65x128xf32, #tpu.memory_space<vmem>>
      tpu.enqueue_dma source(%dma_start3A_121 : memref<65x128xf32, #tpu.memory_space<vmem>>) target(%dma_start3A_118 : memref<65x128xf32, #tpu.memory_space<vmem_shared>>) target_semaphore(%run_scoped3A : memref<!tpu.dma_semaphore, #tpu.memory_space<semaphore_mem>>)
      %dma_wait3A_122 = arith.constant 0 : i32
      %dma_wait3A_123 = arith.constant 0 : i32
      %dma_wait3A_124 = tpu.memref_slice %arg14[%dma_wait3A_122, %dma_wait3A_123] : memref<80x128xf32, #tpu.memory_space<vmem>> -> memref<65x128xf32, #tpu.memory_space<vmem>>
      %dma_wait3A_125 = arith.constant 0 : i32
      %dma_wait3A_126 = tpu.memref_slice %arg15[%add3A_33, %dma_wait3A_125] : memref<10000x128xf32, #tpu.memory_space<vmem_shared>> -> memref<65x128xf32, #tpu.memory_space<vmem_shared>>
      %dma_wait3A_127 = arith.constant 0 : i32
      %dma_wait3A_128 = tpu.memref_slice %arg15[%add3A_33, %dma_wait3A_127] : memref<10000x128xf32, #tpu.memory_space<vmem_shared>> -> memref<65x128xf32, #tpu.memory_space<vmem_shared>>
      %dma_wait3A_129 = arith.constant 0 : i32
      %dma_wait3A_130 = arith.constant 0 : i32
      %dma_wait3A_131 = tpu.memref_slice %arg14[%dma_wait3A_129, %dma_wait3A_130] : memref<80x128xf32, #tpu.memory_space<vmem>> -> memref<65x128xf32, #tpu.memory_space<vmem>>
      tpu.wait_dma2 semaphore(%run_scoped3A : memref<!tpu.dma_semaphore, #tpu.memory_space<semaphore_mem>>) src(%dma_wait3A_131 : memref<65x128xf32, #tpu.memory_space<vmem>>) dst(%dma_wait3A_128 : memref<65x128xf32, #tpu.memory_space<vmem_shared>>)
      tpu.yield
    }) : () -> ()
    %barrier3A = arith.constant 0 : index
    tpu.barrier barrier_id(%barrier3A)
    %dma_wait3A = arith.constant 0 : i32
    %dma_wait3A_34 = arith.constant 0 : i32
    %dma_wait3A_35 = tpu.memref_slice %arg2[%dma_wait3A, %dma_wait3A_34] : memref<10000x128xf32, #tpu.memory_space<hbm>> -> memref<10000x128xf32, #tpu.memory_space<hbm>>
    tpu.wait_indirect_dma semaphore(%arg16 : memref<!tpu.dma_semaphore, #tpu.memory_space<semaphore_mem>>) src(%dma_wait3A_35 : memref<10000x128xf32, #tpu.memory_space<hbm>>) dst(%arg12 : memref<80x128xf32, #tpu.memory_space<vmem>>)
    %dma_start3A_36 = arith.constant 0 : i32
    %dma_start3A_37 = arith.constant 0 : i32
    %dma_start3A_38 = tpu.memref_slice %arg15[%dma_start3A_36, %dma_start3A_37] : memref<10000x128xf32, #tpu.memory_space<vmem_shared>> -> memref<10000x128xf32, #tpu.memory_space<vmem_shared>>
    tpu.enqueue_indirect_dma source(%arg12 : memref<80x128xf32, #tpu.memory_space<vmem>>) target(%dma_start3A_38 : memref<10000x128xf32, #tpu.memory_space<vmem_shared>>) offsets(%arg9 : memref<80xi32, #tpu.memory_space<vmem>>) semaphore(%arg19 : memref<!tpu.dma_semaphore, #tpu.memory_space<semaphore_mem>>) {add = true}
    %scan3A_39 = arith.constant 0 : i32
    %scan3A_40 = arith.constant 5 : i32
    %scan3A_41 = arith.addi %scan3A_39, %scan3A_40 : i32
    %scan3A_42 = arith.constant 1 : i32
    scf.for %scan3A_112 = %scan3A_39 to %scan3A_41 step %scan3A_42  : i32 {
      %mul3A_113 = arith.constant 1 : i32
      %mul3A_114 = arith.muli %scan3A_112, %mul3A_113 : i32
      %add3A_115 = arith.constant 0 : i32
      %add3A_116 = arith.addi %add3A_115, %mul3A_114 : i32
      %mul3A_117 = arith.constant 16 : i32
      %mul3A_118 = arith.muli %add3A_116, %mul3A_117 : i32
      %get3A = arith.constant 2 : i32
      %get3A_119 = arith.index_cast %get3A : i32 to index
      %get3A_120 = arith.index_cast %mul3A_118 : i32 to index
      %get3A_121 = tpu.vector_load %arg5[%get3A_119, %get3A_120] {strides = array<i32>} : memref<125x80xi32, #tpu.memory_space<vmem>>, vector<1x16xi32>,
      %get3A_122 = vector.shape_cast %get3A_121 : vector<1x16xi32> to vector<16xi32>
      %and3A = arith.andi %get3A_122, %broadcast_in_dim3A_3 : vector<16xi32>
      %mul3A_123 = arith.constant 16 : i32
      %mul3A_124 = arith.muli %add3A_116, %mul3A_123 : i32
      %swap3A = arith.index_cast %mul3A_124 : i32 to index
      %swap3A_125 = tpu.vector_load %arg8[%swap3A] {strides = array<i32>} : memref<80xi32, #tpu.memory_space<vmem>>, vector<16xi32>,
      %swap3A_126 = vector.shape_cast %swap3A_125 : vector<16xi32> to vector<16xi32>
      %swap3A_127 = vector.shape_cast %and3A : vector<16xi32> to vector<16xi32>
      tpu.vector_store %arg8[%swap3A], %swap3A_127 {strides = array<i32>} : memref<80xi32, #tpu.memory_space<vmem>>, vector<16xi32>,
      %shift_right_logical3A = arith.constant 16 : i32
      %shift_right_logical3A_128 = vector.broadcast %shift_right_logical3A : i32 to vector<16xi32>
      %shift_right_logical3A_129 = arith.shrui %get3A_122, %shift_right_logical3A_128 : vector<16xi32>
      %mul3A_130 = arith.constant 16 : i32
      %mul3A_131 = arith.muli %add3A_116, %mul3A_130 : i32
      %swap3A_132 = arith.index_cast %mul3A_131 : i32 to index
      %swap3A_133 = tpu.vector_load %arg11[%swap3A_132] {strides = array<i32>} : memref<80xi32, #tpu.memory_space<vmem>>, vector<16xi32>,
      %swap3A_134 = vector.shape_cast %swap3A_133 : vector<16xi32> to vector<16xi32>
      %swap3A_135 = vector.shape_cast %shift_right_logical3A_129 : vector<16xi32> to vector<16xi32>
      tpu.vector_store %arg11[%swap3A_132], %swap3A_135 {strides = array<i32>} : memref<80xi32, #tpu.memory_space<vmem>>, vector<16xi32>,
    }
    %scan3A_43 = arith.constant 5 : i32
    %dma_start3A_44 = arith.constant 0 : i32
    %dma_start3A_45 = arith.constant 0 : i32
    %dma_start3A_46 = tpu.memref_slice %arg2[%dma_start3A_44, %dma_start3A_45] : memref<10000x128xf32, #tpu.memory_space<hbm>> -> memref<10000x128xf32, #tpu.memory_space<hbm>>
    tpu.enqueue_indirect_dma source(%dma_start3A_46 : memref<10000x128xf32, #tpu.memory_space<hbm>>) target(%arg14 : memref<80x128xf32, #tpu.memory_space<vmem>>) offsets(%arg8 : memref<80xi32, #tpu.memory_space<vmem>>) semaphore(%arg18 : memref<!tpu.dma_semaphore, #tpu.memory_space<semaphore_mem>>)
    %dma_wait3A_47 = arith.constant 0 : i32
    %dma_wait3A_48 = arith.constant 0 : i32
    %dma_wait3A_49 = tpu.memref_slice %arg2[%dma_wait3A_47, %dma_wait3A_48] : memref<10000x128xf32, #tpu.memory_space<hbm>> -> memref<10000x128xf32, #tpu.memory_space<hbm>>
    tpu.wait_indirect_dma semaphore(%arg17 : memref<!tpu.dma_semaphore, #tpu.memory_space<semaphore_mem>>) src(%dma_wait3A_49 : memref<10000x128xf32, #tpu.memory_space<hbm>>) dst(%arg13 : memref<80x128xf32, #tpu.memory_space<vmem>>)
    %dma_start3A_50 = arith.constant 0 : i32
    %dma_start3A_51 = arith.constant 0 : i32
    %dma_start3A_52 = tpu.memref_slice %arg15[%dma_start3A_50, %dma_start3A_51] : memref<10000x128xf32, #tpu.memory_space<vmem_shared>> -> memref<10000x128xf32, #tpu.memory_space<vmem_shared>>
    tpu.enqueue_indirect_dma source(%arg13 : memref<80x128xf32, #tpu.memory_space<vmem>>) target(%dma_start3A_52 : memref<10000x128xf32, #tpu.memory_space<vmem_shared>>) offsets(%arg10 : memref<80xi32, #tpu.memory_space<vmem>>) semaphore(%arg20 : memref<!tpu.dma_semaphore, #tpu.memory_space<semaphore_mem>>) {add = true}
    %dma_wait3A_53 = arith.constant 0 : i32
    %dma_wait3A_54 = arith.constant 0 : i32
    %dma_wait3A_55 = tpu.memref_slice %arg15[%dma_wait3A_53, %dma_wait3A_54] : memref<10000x128xf32, #tpu.memory_space<vmem_shared>> -> memref<10000x128xf32, #tpu.memory_space<vmem_shared>>
    tpu.wait_indirect_dma semaphore(%arg19 : memref<!tpu.dma_semaphore, #tpu.memory_space<semaphore_mem>>) src(%arg12 : memref<80x128xf32, #tpu.memory_space<vmem>>) dst(%dma_wait3A_55 : memref<10000x128xf32, #tpu.memory_space<vmem_shared>>)
    %scan3A_56 = arith.constant 0 : i32
    %scan3A_57 = arith.constant 5 : i32
    %scan3A_58 = arith.addi %scan3A_56, %scan3A_57 : i32
    %scan3A_59 = arith.constant 1 : i32
    scf.for %scan3A_112 = %scan3A_56 to %scan3A_58 step %scan3A_59  : i32 {
      %mul3A_113 = arith.constant 1 : i32
      %mul3A_114 = arith.muli %scan3A_112, %mul3A_113 : i32
      %add3A_115 = arith.constant 0 : i32
      %add3A_116 = arith.addi %add3A_115, %mul3A_114 : i32
      %mul3A_117 = arith.constant 16 : i32
      %mul3A_118 = arith.muli %add3A_116, %mul3A_117 : i32
      %get3A = arith.constant 3 : i32
      %get3A_119 = arith.index_cast %get3A : i32 to index
      %get3A_120 = arith.index_cast %mul3A_118 : i32 to index
      %get3A_121 = tpu.vector_load %arg5[%get3A_119, %get3A_120] {strides = array<i32>} : memref<125x80xi32, #tpu.memory_space<vmem>>, vector<1x16xi32>,
      %get3A_122 = vector.shape_cast %get3A_121 : vector<1x16xi32> to vector<16xi32>
      %and3A = arith.andi %get3A_122, %broadcast_in_dim3A_3 : vector<16xi32>
      %mul3A_123 = arith.constant 16 : i32
      %mul3A_124 = arith.muli %add3A_116, %mul3A_123 : i32
      %swap3A = arith.index_cast %mul3A_124 : i32 to index
      %swap3A_125 = tpu.vector_load %arg6[%swap3A] {strides = array<i32>} : memref<80xi32, #tpu.memory_space<vmem>>, vector<16xi32>,
      %swap3A_126 = vector.shape_cast %swap3A_125 : vector<16xi32> to vector<16xi32>
      %swap3A_127 = vector.shape_cast %and3A : vector<16xi32> to vector<16xi32>
      tpu.vector_store %arg6[%swap3A], %swap3A_127 {strides = array<i32>} : memref<80xi32, #tpu.memory_space<vmem>>, vector<16xi32>,
      %shift_right_logical3A = arith.constant 16 : i32
      %shift_right_logical3A_128 = vector.broadcast %shift_right_logical3A : i32 to vector<16xi32>
      %shift_right_logical3A_129 = arith.shrui %get3A_122, %shift_right_logical3A_128 : vector<16xi32>
      %mul3A_130 = arith.constant 16 : i32
      %mul3A_131 = arith.muli %add3A_116, %mul3A_130 : i32
      %swap3A_132 = arith.index_cast %mul3A_131 : i32 to index
      %swap3A_133 = tpu.vector_load %arg9[%swap3A_132] {strides = array<i32>} : memref<80xi32, #tpu.memory_space<vmem>>, vector<16xi32>,
      %swap3A_134 = vector.shape_cast %swap3A_133 : vector<16xi32> to vector<16xi32>
      %swap3A_135 = vector.shape_cast %shift_right_logical3A_129 : vector<16xi32> to vector<16xi32>
      tpu.vector_store %arg9[%swap3A_132], %swap3A_135 {strides = array<i32>} : memref<80xi32, #tpu.memory_space<vmem>>, vector<16xi32>,
    }
    %scan3A_60 = arith.constant 5 : i32
    %dma_start3A_61 = arith.constant 0 : i32
    %dma_start3A_62 = arith.constant 0 : i32
    %dma_start3A_63 = tpu.memref_slice %arg2[%dma_start3A_61, %dma_start3A_62] : memref<10000x128xf32, #tpu.memory_space<hbm>> -> memref<10000x128xf32, #tpu.memory_space<hbm>>
    tpu.enqueue_indirect_dma source(%dma_start3A_63 : memref<10000x128xf32, #tpu.memory_space<hbm>>) target(%arg12 : memref<80x128xf32, #tpu.memory_space<vmem>>) offsets(%arg6 : memref<80xi32, #tpu.memory_space<vmem>>) semaphore(%arg16 : memref<!tpu.dma_semaphore, #tpu.memory_space<semaphore_mem>>)
    %dma_wait3A_64 = arith.constant 0 : i32
    %dma_wait3A_65 = arith.constant 0 : i32
    %dma_wait3A_66 = tpu.memref_slice %arg2[%dma_wait3A_64, %dma_wait3A_65] : memref<10000x128xf32, #tpu.memory_space<hbm>> -> memref<10000x128xf32, #tpu.memory_space<hbm>>
    tpu.wait_indirect_dma semaphore(%arg18 : memref<!tpu.dma_semaphore, #tpu.memory_space<semaphore_mem>>) src(%dma_wait3A_66 : memref<10000x128xf32, #tpu.memory_space<hbm>>) dst(%arg14 : memref<80x128xf32, #tpu.memory_space<vmem>>)
    %dma_start3A_67 = arith.constant 0 : i32
    %dma_start3A_68 = arith.constant 0 : i32
    %dma_start3A_69 = tpu.memref_slice %arg15[%dma_start3A_67, %dma_start3A_68] : memref<10000x128xf32, #tpu.memory_space<vmem_shared>> -> memref<10000x128xf32, #tpu.memory_space<vmem_shared>>
    tpu.enqueue_indirect_dma source(%arg14 : memref<80x128xf32, #tpu.memory_space<vmem>>) target(%dma_start3A_69 : memref<10000x128xf32, #tpu.memory_space<vmem_shared>>) offsets(%arg11 : memref<80xi32, #tpu.memory_space<vmem>>) semaphore(%arg21 : memref<!tpu.dma_semaphore, #tpu.memory_space<semaphore_mem>>) {add = true}
    %dma_wait3A_70 = arith.constant 0 : i32
    %dma_wait3A_71 = arith.constant 0 : i32
    %dma_wait3A_72 = tpu.memref_slice %arg15[%dma_wait3A_70, %dma_wait3A_71] : memref<10000x128xf32, #tpu.memory_space<vmem_shared>> -> memref<10000x128xf32, #tpu.memory_space<vmem_shared>>
    tpu.wait_indirect_dma semaphore(%arg20 : memref<!tpu.dma_semaphore, #tpu.memory_space<semaphore_mem>>) src(%arg13 : memref<80x128xf32, #tpu.memory_space<vmem>>) dst(%dma_wait3A_72 : memref<10000x128xf32, #tpu.memory_space<vmem_shared>>)
    %scan3A_73 = arith.constant 0 : i32
    %scan3A_74 = arith.constant 5 : i32
    %scan3A_75 = arith.addi %scan3A_73, %scan3A_74 : i32
    %scan3A_76 = arith.constant 1 : i32
    scf.for %scan3A_112 = %scan3A_73 to %scan3A_75 step %scan3A_76  : i32 {
      %mul3A_113 = arith.constant 1 : i32
      %mul3A_114 = arith.muli %scan3A_112, %mul3A_113 : i32
      %add3A_115 = arith.constant 0 : i32
      %add3A_116 = arith.addi %add3A_115, %mul3A_114 : i32
      %mul3A_117 = arith.constant 16 : i32
      %mul3A_118 = arith.muli %add3A_116, %mul3A_117 : i32
      %get3A = arith.constant 4 : i32
      %get3A_119 = arith.index_cast %get3A : i32 to index
      %get3A_120 = arith.index_cast %mul3A_118 : i32 to index
      %get3A_121 = tpu.vector_load %arg5[%get3A_119, %get3A_120] {strides = array<i32>} : memref<125x80xi32, #tpu.memory_space<vmem>>, vector<1x16xi32>,
      %get3A_122 = vector.shape_cast %get3A_121 : vector<1x16xi32> to vector<16xi32>
      %and3A = arith.andi %get3A_122, %broadcast_in_dim3A_3 : vector<16xi32>
      %mul3A_123 = arith.constant 16 : i32
      %mul3A_124 = arith.muli %add3A_116, %mul3A_123 : i32
      %swap3A = arith.index_cast %mul3A_124 : i32 to index
      %swap3A_125 = tpu.vector_load %arg7[%swap3A] {strides = array<i32>} : memref<80xi32, #tpu.memory_space<vmem>>, vector<16xi32>,
      %swap3A_126 = vector.shape_cast %swap3A_125 : vector<16xi32> to vector<16xi32>
      %swap3A_127 = vector.shape_cast %and3A : vector<16xi32> to vector<16xi32>
      tpu.vector_store %arg7[%swap3A], %swap3A_127 {strides = array<i32>} : memref<80xi32, #tpu.memory_space<vmem>>, vector<16xi32>,
      %shift_right_logical3A = arith.constant 16 : i32
      %shift_right_logical3A_128 = vector.broadcast %shift_right_logical3A : i32 to vector<16xi32>
      %shift_right_logical3A_129 = arith.shrui %get3A_122, %shift_right_logical3A_128 : vector<16xi32>
      %mul3A_130 = arith.constant 16 : i32
      %mul3A_131 = arith.muli %add3A_116, %mul3A_130 : i32
      %swap3A_132 = arith.index_cast %mul3A_131 : i32 to index
      %swap3A_133 = tpu.vector_load %arg10[%swap3A_132] {strides = array<i32>} : memref<80xi32, #tpu.memory_space<vmem>>, vector<16xi32>,
      %swap3A_134 = vector.shape_cast %swap3A_133 : vector<16xi32> to vector<16xi32>
      %swap3A_135 = vector.shape_cast %shift_right_logical3A_129 : vector<16xi32> to vector<16xi32>
      tpu.vector_store %arg10[%swap3A_132], %swap3A_135 {strides = array<i32>} : memref<80xi32, #tpu.memory_space<vmem>>, vector<16xi32>,
    }
    %scan3A_77 = arith.constant 5 : i32
    %dma_start3A_78 = arith.constant 0 : i32
    %dma_start3A_79 = arith.constant 0 : i32
    %dma_start3A_80 = tpu.memref_slice %arg2[%dma_start3A_78, %dma_start3A_79] : memref<10000x128xf32, #tpu.memory_space<hbm>> -> memref<10000x128xf32, #tpu.memory_space<hbm>>
    tpu.enqueue_indirect_dma source(%dma_start3A_80 : memref<10000x128xf32, #tpu.memory_space<hbm>>) target(%arg13 : memref<80x128xf32, #tpu.memory_space<vmem>>) offsets(%arg7 : memref<80xi32, #tpu.memory_space<vmem>>) semaphore(%arg17 : memref<!tpu.dma_semaphore, #tpu.memory_space<semaphore_mem>>)
    %scan3A_81 = arith.constant 0 : i32
    %scan3A_82 = arith.constant 40 : i32
    %scan3A_83 = arith.addi %scan3A_81, %scan3A_82 : i32
    %scan3A_84 = arith.constant 1 : i32
    scf.for %scan3A_112 = %scan3A_81 to %scan3A_83 step %scan3A_84  : i32 {
      %mul3A_113 = arith.constant 1 : i32
      %mul3A_114 = arith.muli %scan3A_112, %mul3A_113 : i32
      %add3A_115 = arith.constant 0 : i32
      %add3A_116 = arith.addi %add3A_115, %mul3A_114 : i32
      %mul3A_117 = arith.constant 3 : i32
      %mul3A_118 = arith.muli %add3A_116, %mul3A_117 : i32
      %add3A_119 = arith.constant 3 : i32
      %add3A_120 = arith.addi %add3A_119, %mul3A_118 : i32
      %add3A_121 = arith.constant 2 : i32
      %add3A_122 = arith.addi %add3A_120, %add3A_121 : i32
      %dma_wait3A_123 = arith.constant 0 : i32
      %dma_wait3A_124 = arith.constant 0 : i32
      %dma_wait3A_125 = tpu.memref_slice %arg2[%dma_wait3A_123, %dma_wait3A_124] : memref<10000x128xf32, #tpu.memory_space<hbm>> -> memref<10000x128xf32, #tpu.memory_space<hbm>>
      tpu.wait_indirect_dma semaphore(%arg16 : memref<!tpu.dma_semaphore, #tpu.memory_space<semaphore_mem>>) src(%dma_wait3A_125 : memref<10000x128xf32, #tpu.memory_space<hbm>>) dst(%arg12 : memref<80x128xf32, #tpu.memory_space<vmem>>)
      %dma_start3A_126 = arith.constant 0 : i32
      %dma_start3A_127 = arith.constant 0 : i32
      %dma_start3A_128 = tpu.memref_slice %arg15[%dma_start3A_126, %dma_start3A_127] : memref<10000x128xf32, #tpu.memory_space<vmem_shared>> -> memref<10000x128xf32, #tpu.memory_space<vmem_shared>>
      tpu.enqueue_indirect_dma source(%arg12 : memref<80x128xf32, #tpu.memory_space<vmem>>) target(%dma_start3A_128 : memref<10000x128xf32, #tpu.memory_space<vmem_shared>>) offsets(%arg9 : memref<80xi32, #tpu.memory_space<vmem>>) semaphore(%arg19 : memref<!tpu.dma_semaphore, #tpu.memory_space<semaphore_mem>>) {add = true}
      %dma_wait3A_129 = arith.constant 0 : i32
      %dma_wait3A_130 = arith.constant 0 : i32
      %dma_wait3A_131 = tpu.memref_slice %arg15[%dma_wait3A_129, %dma_wait3A_130] : memref<10000x128xf32, #tpu.memory_space<vmem_shared>> -> memref<10000x128xf32, #tpu.memory_space<vmem_shared>>
      tpu.wait_indirect_dma semaphore(%arg21 : memref<!tpu.dma_semaphore, #tpu.memory_space<semaphore_mem>>) src(%arg14 : memref<80x128xf32, #tpu.memory_space<vmem>>) dst(%dma_wait3A_131 : memref<10000x128xf32, #tpu.memory_space<vmem_shared>>)
      %scan3A_132 = arith.constant 0 : i32
      %scan3A_133 = arith.constant 5 : i32
      %scan3A_134 = arith.addi %scan3A_132, %scan3A_133 : i32
      %scan3A_135 = arith.constant 1 : i32
      scf.for %scan3A_178 = %scan3A_132 to %scan3A_134 step %scan3A_135  : i32 {
        %mul3A_179 = arith.constant 1 : i32
        %mul3A_180 = arith.muli %scan3A_178, %mul3A_179 : i32
        %add3A_181 = arith.constant 0 : i32
        %add3A_182 = arith.addi %add3A_181, %mul3A_180 : i32
        %mul3A_183 = arith.constant 16 : i32
        %mul3A_184 = arith.muli %add3A_182, %mul3A_183 : i32
        %get3A = arith.index_cast %add3A_122 : i32 to index
        %get3A_185 = arith.index_cast %mul3A_184 : i32 to index
        %get3A_186 = tpu.vector_load %arg5[%get3A, %get3A_185] {strides = array<i32>} : memref<125x80xi32, #tpu.memory_space<vmem>>, vector<1x16xi32>,
        %get3A_187 = vector.shape_cast %get3A_186 : vector<1x16xi32> to vector<16xi32>
        %and3A = arith.andi %get3A_187, %broadcast_in_dim3A_3 : vector<16xi32>
        %mul3A_188 = arith.constant 16 : i32
        %mul3A_189 = arith.muli %add3A_182, %mul3A_188 : i32
        %swap3A = arith.index_cast %mul3A_189 : i32 to index
        %swap3A_190 = tpu.vector_load %arg8[%swap3A] {strides = array<i32>} : memref<80xi32, #tpu.memory_space<vmem>>, vector<16xi32>,
        %swap3A_191 = vector.shape_cast %swap3A_190 : vector<16xi32> to vector<16xi32>
        %swap3A_192 = vector.shape_cast %and3A : vector<16xi32> to vector<16xi32>
        tpu.vector_store %arg8[%swap3A], %swap3A_192 {strides = array<i32>} : memref<80xi32, #tpu.memory_space<vmem>>, vector<16xi32>,
        %shift_right_logical3A = arith.constant 16 : i32
        %shift_right_logical3A_193 = vector.broadcast %shift_right_logical3A : i32 to vector<16xi32>
        %shift_right_logical3A_194 = arith.shrui %get3A_187, %shift_right_logical3A_193 : vector<16xi32>
        %mul3A_195 = arith.constant 16 : i32
        %mul3A_196 = arith.muli %add3A_182, %mul3A_195 : i32
        %swap3A_197 = arith.index_cast %mul3A_196 : i32 to index
        %swap3A_198 = tpu.vector_load %arg11[%swap3A_197] {strides = array<i32>} : memref<80xi32, #tpu.memory_space<vmem>>, vector<16xi32>,
        %swap3A_199 = vector.shape_cast %swap3A_198 : vector<16xi32> to vector<16xi32>
        %swap3A_200 = vector.shape_cast %shift_right_logical3A_194 : vector<16xi32> to vector<16xi32>
        tpu.vector_store %arg11[%swap3A_197], %swap3A_200 {strides = array<i32>} : memref<80xi32, #tpu.memory_space<vmem>>, vector<16xi32>,
      }
      %scan3A_136 = arith.constant 5 : i32
      %dma_start3A_137 = arith.constant 0 : i32
      %dma_start3A_138 = arith.constant 0 : i32
      %dma_start3A_139 = tpu.memref_slice %arg2[%dma_start3A_137, %dma_start3A_138] : memref<10000x128xf32, #tpu.memory_space<hbm>> -> memref<10000x128xf32, #tpu.memory_space<hbm>>
      tpu.enqueue_indirect_dma source(%dma_start3A_139 : memref<10000x128xf32, #tpu.memory_space<hbm>>) target(%arg14 : memref<80x128xf32, #tpu.memory_space<vmem>>) offsets(%arg8 : memref<80xi32, #tpu.memory_space<vmem>>) semaphore(%arg18 : memref<!tpu.dma_semaphore, #tpu.memory_space<semaphore_mem>>)
      %add3A_140 = arith.constant 3 : i32
      %add3A_141 = arith.addi %add3A_120, %add3A_140 : i32
      %dma_wait3A_142 = arith.constant 0 : i32
      %dma_wait3A_143 = arith.constant 0 : i32
      %dma_wait3A_144 = tpu.memref_slice %arg2[%dma_wait3A_142, %dma_wait3A_143] : memref<10000x128xf32, #tpu.memory_space<hbm>> -> memref<10000x128xf32, #tpu.memory_space<hbm>>
      tpu.wait_indirect_dma semaphore(%arg17 : memref<!tpu.dma_semaphore, #tpu.memory_space<semaphore_mem>>) src(%dma_wait3A_144 : memref<10000x128xf32, #tpu.memory_space<hbm>>) dst(%arg13 : memref<80x128xf32, #tpu.memory_space<vmem>>)
      %dma_start3A_145 = arith.constant 0 : i32
      %dma_start3A_146 = arith.constant 0 : i32
      %dma_start3A_147 = tpu.memref_slice %arg15[%dma_start3A_145, %dma_start3A_146] : memref<10000x128xf32, #tpu.memory_space<vmem_shared>> -> memref<10000x128xf32, #tpu.memory_space<vmem_shared>>
      tpu.enqueue_indirect_dma source(%arg13 : memref<80x128xf32, #tpu.memory_space<vmem>>) target(%dma_start3A_147 : memref<10000x128xf32, #tpu.memory_space<vmem_shared>>) offsets(%arg10 : memref<80xi32, #tpu.memory_space<vmem>>) semaphore(%arg20 : memref<!tpu.dma_semaphore, #tpu.memory_space<semaphore_mem>>) {add = true}
      %dma_wait3A_148 = arith.constant 0 : i32
      %dma_wait3A_149 = arith.constant 0 : i32
      %dma_wait3A_150 = tpu.memref_slice %arg15[%dma_wait3A_148, %dma_wait3A_149] : memref<10000x128xf32, #tpu.memory_space<vmem_shared>> -> memref<10000x128xf32, #tpu.memory_space<vmem_shared>>
      tpu.wait_indirect_dma semaphore(%arg19 : memref<!tpu.dma_semaphore, #tpu.memory_space<semaphore_mem>>) src(%arg12 : memref<80x128xf32, #tpu.memory_space<vmem>>) dst(%dma_wait3A_150 : memref<10000x128xf32, #tpu.memory_space<vmem_shared>>)
      %scan3A_151 = arith.constant 0 : i32
      %scan3A_152 = arith.constant 5 : i32
      %scan3A_153 = arith.addi %scan3A_151, %scan3A_152 : i32
      %scan3A_154 = arith.constant 1 : i32
      scf.for %scan3A_178 = %scan3A_151 to %scan3A_153 step %scan3A_154  : i32 {
        %mul3A_179 = arith.constant 1 : i32
        %mul3A_180 = arith.muli %scan3A_178, %mul3A_179 : i32
        %add3A_181 = arith.constant 0 : i32
        %add3A_182 = arith.addi %add3A_181, %mul3A_180 : i32
        %mul3A_183 = arith.constant 16 : i32
        %mul3A_184 = arith.muli %add3A_182, %mul3A_183 : i32
        %get3A = arith.index_cast %add3A_141 : i32 to index
        %get3A_185 = arith.index_cast %mul3A_184 : i32 to index
        %get3A_186 = tpu.vector_load %arg5[%get3A, %get3A_185] {strides = array<i32>} : memref<125x80xi32, #tpu.memory_space<vmem>>, vector<1x16xi32>,
        %get3A_187 = vector.shape_cast %get3A_186 : vector<1x16xi32> to vector<16xi32>
        %and3A = arith.andi %get3A_187, %broadcast_in_dim3A_3 : vector<16xi32>
        %mul3A_188 = arith.constant 16 : i32
        %mul3A_189 = arith.muli %add3A_182, %mul3A_188 : i32
        %swap3A = arith.index_cast %mul3A_189 : i32 to index
        %swap3A_190 = tpu.vector_load %arg6[%swap3A] {strides = array<i32>} : memref<80xi32, #tpu.memory_space<vmem>>, vector<16xi32>,
        %swap3A_191 = vector.shape_cast %swap3A_190 : vector<16xi32> to vector<16xi32>
        %swap3A_192 = vector.shape_cast %and3A : vector<16xi32> to vector<16xi32>
        tpu.vector_store %arg6[%swap3A], %swap3A_192 {strides = array<i32>} : memref<80xi32, #tpu.memory_space<vmem>>, vector<16xi32>,
        %shift_right_logical3A = arith.constant 16 : i32
        %shift_right_logical3A_193 = vector.broadcast %shift_right_logical3A : i32 to vector<16xi32>
        %shift_right_logical3A_194 = arith.shrui %get3A_187, %shift_right_logical3A_193 : vector<16xi32>
        %mul3A_195 = arith.constant 16 : i32
        %mul3A_196 = arith.muli %add3A_182, %mul3A_195 : i32
        %swap3A_197 = arith.index_cast %mul3A_196 : i32 to index
        %swap3A_198 = tpu.vector_load %arg9[%swap3A_197] {strides = array<i32>} : memref<80xi32, #tpu.memory_space<vmem>>, vector<16xi32>,
        %swap3A_199 = vector.shape_cast %swap3A_198 : vector<16xi32> to vector<16xi32>
        %swap3A_200 = vector.shape_cast %shift_right_logical3A_194 : vector<16xi32> to vector<16xi32>
        tpu.vector_store %arg9[%swap3A_197], %swap3A_200 {strides = array<i32>} : memref<80xi32, #tpu.memory_space<vmem>>, vector<16xi32>,
      }
      %scan3A_155 = arith.constant 5 : i32
      %dma_start3A_156 = arith.constant 0 : i32
      %dma_start3A_157 = arith.constant 0 : i32
      %dma_start3A_158 = tpu.memref_slice %arg2[%dma_start3A_156, %dma_start3A_157] : memref<10000x128xf32, #tpu.memory_space<hbm>> -> memref<10000x128xf32, #tpu.memory_space<hbm>>
      tpu.enqueue_indirect_dma source(%dma_start3A_158 : memref<10000x128xf32, #tpu.memory_space<hbm>>) target(%arg12 : memref<80x128xf32, #tpu.memory_space<vmem>>) offsets(%arg6 : memref<80xi32, #tpu.memory_space<vmem>>) semaphore(%arg16 : memref<!tpu.dma_semaphore, #tpu.memory_space<semaphore_mem>>)
      %add3A_159 = arith.constant 4 : i32
      %add3A_160 = arith.addi %add3A_120, %add3A_159 : i32
      %dma_wait3A_161 = arith.constant 0 : i32
      %dma_wait3A_162 = arith.constant 0 : i32
      %dma_wait3A_163 = tpu.memref_slice %arg2[%dma_wait3A_161, %dma_wait3A_162] : memref<10000x128xf32, #tpu.memory_space<hbm>> -> memref<10000x128xf32, #tpu.memory_space<hbm>>
      tpu.wait_indirect_dma semaphore(%arg18 : memref<!tpu.dma_semaphore, #tpu.memory_space<semaphore_mem>>) src(%dma_wait3A_163 : memref<10000x128xf32, #tpu.memory_space<hbm>>) dst(%arg14 : memref<80x128xf32, #tpu.memory_space<vmem>>)
      %dma_start3A_164 = arith.constant 0 : i32
      %dma_start3A_165 = arith.constant 0 : i32
      %dma_start3A_166 = tpu.memref_slice %arg15[%dma_start3A_164, %dma_start3A_165] : memref<10000x128xf32, #tpu.memory_space<vmem_shared>> -> memref<10000x128xf32, #tpu.memory_space<vmem_shared>>
      tpu.enqueue_indirect_dma source(%arg14 : memref<80x128xf32, #tpu.memory_space<vmem>>) target(%dma_start3A_166 : memref<10000x128xf32, #tpu.memory_space<vmem_shared>>) offsets(%arg11 : memref<80xi32, #tpu.memory_space<vmem>>) semaphore(%arg21 : memref<!tpu.dma_semaphore, #tpu.memory_space<semaphore_mem>>) {add = true}
      %dma_wait3A_167 = arith.constant 0 : i32
      %dma_wait3A_168 = arith.constant 0 : i32
      %dma_wait3A_169 = tpu.memref_slice %arg15[%dma_wait3A_167, %dma_wait3A_168] : memref<10000x128xf32, #tpu.memory_space<vmem_shared>> -> memref<10000x128xf32, #tpu.memory_space<vmem_shared>>
      tpu.wait_indirect_dma semaphore(%arg20 : memref<!tpu.dma_semaphore, #tpu.memory_space<semaphore_mem>>) src(%arg13 : memref<80x128xf32, #tpu.memory_space<vmem>>) dst(%dma_wait3A_169 : memref<10000x128xf32, #tpu.memory_space<vmem_shared>>)
      %scan3A_170 = arith.constant 0 : i32
      %scan3A_171 = arith.constant 5 : i32
      %scan3A_172 = arith.addi %scan3A_170, %scan3A_171 : i32
      %scan3A_173 = arith.constant 1 : i32
      scf.for %scan3A_178 = %scan3A_170 to %scan3A_172 step %scan3A_173  : i32 {
        %mul3A_179 = arith.constant 1 : i32
        %mul3A_180 = arith.muli %scan3A_178, %mul3A_179 : i32
        %add3A_181 = arith.constant 0 : i32
        %add3A_182 = arith.addi %add3A_181, %mul3A_180 : i32
        %mul3A_183 = arith.constant 16 : i32
        %mul3A_184 = arith.muli %add3A_182, %mul3A_183 : i32
        %get3A = arith.index_cast %add3A_160 : i32 to index
        %get3A_185 = arith.index_cast %mul3A_184 : i32 to index
        %get3A_186 = tpu.vector_load %arg5[%get3A, %get3A_185] {strides = array<i32>} : memref<125x80xi32, #tpu.memory_space<vmem>>, vector<1x16xi32>,
        %get3A_187 = vector.shape_cast %get3A_186 : vector<1x16xi32> to vector<16xi32>
        %and3A = arith.andi %get3A_187, %broadcast_in_dim3A_3 : vector<16xi32>
        %mul3A_188 = arith.constant 16 : i32
        %mul3A_189 = arith.muli %add3A_182, %mul3A_188 : i32
        %swap3A = arith.index_cast %mul3A_189 : i32 to index
        %swap3A_190 = tpu.vector_load %arg7[%swap3A] {strides = array<i32>} : memref<80xi32, #tpu.memory_space<vmem>>, vector<16xi32>,
        %swap3A_191 = vector.shape_cast %swap3A_190 : vector<16xi32> to vector<16xi32>
        %swap3A_192 = vector.shape_cast %and3A : vector<16xi32> to vector<16xi32>
        tpu.vector_store %arg7[%swap3A], %swap3A_192 {strides = array<i32>} : memref<80xi32, #tpu.memory_space<vmem>>, vector<16xi32>,
        %shift_right_logical3A = arith.constant 16 : i32
        %shift_right_logical3A_193 = vector.broadcast %shift_right_logical3A : i32 to vector<16xi32>
        %shift_right_logical3A_194 = arith.shrui %get3A_187, %shift_right_logical3A_193 : vector<16xi32>
        %mul3A_195 = arith.constant 16 : i32
        %mul3A_196 = arith.muli %add3A_182, %mul3A_195 : i32
        %swap3A_197 = arith.index_cast %mul3A_196 : i32 to index
        %swap3A_198 = tpu.vector_load %arg10[%swap3A_197] {strides = array<i32>} : memref<80xi32, #tpu.memory_space<vmem>>, vector<16xi32>,
        %swap3A_199 = vector.shape_cast %swap3A_198 : vector<16xi32> to vector<16xi32>
        %swap3A_200 = vector.shape_cast %shift_right_logical3A_194 : vector<16xi32> to vector<16xi32>
        tpu.vector_store %arg10[%swap3A_197], %swap3A_200 {strides = array<i32>} : memref<80xi32, #tpu.memory_space<vmem>>, vector<16xi32>,
      }
      %scan3A_174 = arith.constant 5 : i32
      %dma_start3A_175 = arith.constant 0 : i32
      %dma_start3A_176 = arith.constant 0 : i32
      %dma_start3A_177 = tpu.memref_slice %arg2[%dma_start3A_175, %dma_start3A_176] : memref<10000x128xf32, #tpu.memory_space<hbm>> -> memref<10000x128xf32, #tpu.memory_space<hbm>>
      tpu.enqueue_indirect_dma source(%dma_start3A_177 : memref<10000x128xf32, #tpu.memory_space<hbm>>) target(%arg13 : memref<80x128xf32, #tpu.memory_space<vmem>>) offsets(%arg7 : memref<80xi32, #tpu.memory_space<vmem>>) semaphore(%arg17 : memref<!tpu.dma_semaphore, #tpu.memory_space<semaphore_mem>>)
    }
    %scan3A_85 = arith.constant 40 : i32
    %dma_wait3A_86 = arith.constant 0 : i32
    %dma_wait3A_87 = arith.constant 0 : i32
    %dma_wait3A_88 = tpu.memref_slice %arg2[%dma_wait3A_86, %dma_wait3A_87] : memref<10000x128xf32, #tpu.memory_space<hbm>> -> memref<10000x128xf32, #tpu.memory_space<hbm>>
    tpu.wait_indirect_dma semaphore(%arg16 : memref<!tpu.dma_semaphore, #tpu.memory_space<semaphore_mem>>) src(%dma_wait3A_88 : memref<10000x128xf32, #tpu.memory_space<hbm>>) dst(%arg12 : memref<80x128xf32, #tpu.memory_space<vmem>>)
    %dma_start3A_89 = arith.constant 0 : i32
    %dma_start3A_90 = arith.constant 0 : i32
    %dma_start3A_91 = tpu.memref_slice %arg15[%dma_start3A_89, %dma_start3A_90] : memref<10000x128xf32, #tpu.memory_space<vmem_shared>> -> memref<10000x128xf32, #tpu.memory_space<vmem_shared>>
    tpu.enqueue_indirect_dma source(%arg12 : memref<80x128xf32, #tpu.memory_space<vmem>>) target(%dma_start3A_91 : memref<10000x128xf32, #tpu.memory_space<vmem_shared>>) offsets(%arg9 : memref<80xi32, #tpu.memory_space<vmem>>) semaphore(%arg19 : memref<!tpu.dma_semaphore, #tpu.memory_space<semaphore_mem>>) {add = true}
    %dma_wait3A_92 = arith.constant 0 : i32
    %dma_wait3A_93 = arith.constant 0 : i32
    %dma_wait3A_94 = tpu.memref_slice %arg2[%dma_wait3A_92, %dma_wait3A_93] : memref<10000x128xf32, #tpu.memory_space<hbm>> -> memref<10000x128xf32, #tpu.memory_space<hbm>>
    tpu.wait_indirect_dma semaphore(%arg17 : memref<!tpu.dma_semaphore, #tpu.memory_space<semaphore_mem>>) src(%dma_wait3A_94 : memref<10000x128xf32, #tpu.memory_space<hbm>>) dst(%arg13 : memref<80x128xf32, #tpu.memory_space<vmem>>)
    %dma_start3A_95 = arith.constant 0 : i32
    %dma_start3A_96 = arith.constant 0 : i32
    %dma_start3A_97 = tpu.memref_slice %arg15[%dma_start3A_95, %dma_start3A_96] : memref<10000x128xf32, #tpu.memory_space<vmem_shared>> -> memref<10000x128xf32, #tpu.memory_space<vmem_shared>>
    tpu.enqueue_indirect_dma source(%arg13 : memref<80x128xf32, #tpu.memory_space<vmem>>) target(%dma_start3A_97 : memref<10000x128xf32, #tpu.memory_space<vmem_shared>>) offsets(%arg10 : memref<80xi32, #tpu.memory_space<vmem>>) semaphore(%arg20 : memref<!tpu.dma_semaphore, #tpu.memory_space<semaphore_mem>>) {add = true}
    %dma_wait3A_98 = arith.constant 0 : i32
    %dma_wait3A_99 = arith.constant 0 : i32
    %dma_wait3A_100 = tpu.memref_slice %arg15[%dma_wait3A_98, %dma_wait3A_99] : memref<10000x128xf32, #tpu.memory_space<vmem_shared>> -> memref<10000x128xf32, #tpu.memory_space<vmem_shared>>
    tpu.wait_indirect_dma semaphore(%arg21 : memref<!tpu.dma_semaphore, #tpu.memory_space<semaphore_mem>>) src(%arg14 : memref<80x128xf32, #tpu.memory_space<vmem>>) dst(%dma_wait3A_100 : memref<10000x128xf32, #tpu.memory_space<vmem_shared>>)
    %dma_wait3A_101 = arith.constant 0 : i32
    %dma_wait3A_102 = arith.constant 0 : i32
    %dma_wait3A_103 = tpu.memref_slice %arg15[%dma_wait3A_101, %dma_wait3A_102] : memref<10000x128xf32, #tpu.memory_space<vmem_shared>> -> memref<10000x128xf32, #tpu.memory_space<vmem_shared>>
    tpu.wait_indirect_dma semaphore(%arg19 : memref<!tpu.dma_semaphore, #tpu.memory_space<semaphore_mem>>) src(%arg12 : memref<80x128xf32, #tpu.memory_space<vmem>>) dst(%dma_wait3A_103 : memref<10000x128xf32, #tpu.memory_space<vmem_shared>>)
    %dma_wait3A_104 = arith.constant 0 : i32
    %dma_wait3A_105 = arith.constant 0 : i32
    %dma_wait3A_106 = tpu.memref_slice %arg15[%dma_wait3A_104, %dma_wait3A_105] : memref<10000x128xf32, #tpu.memory_space<vmem_shared>> -> memref<10000x128xf32, #tpu.memory_space<vmem_shared>>
    tpu.wait_indirect_dma semaphore(%arg20 : memref<!tpu.dma_semaphore, #tpu.memory_space<semaphore_mem>>) src(%arg13 : memref<80x128xf32, #tpu.memory_space<vmem>>) dst(%dma_wait3A_106 : memref<10000x128xf32, #tpu.memory_space<vmem_shared>>)
    %barrier3A_107 = arith.constant 0 : index
    tpu.barrier barrier_id(%barrier3A_107)
    %mul3A_108 = arith.constant 625 : i32
    %mul3A_109 = arith.muli %arg1, %mul3A_108 : i32
    %mul3A_110 = arith.constant 625 : i32
    %mul3A_111 = arith.muli %arg1, %mul3A_110 : i32
    "tpu.region"() ({
      %run_scoped3A = tpu.sem_alloc : memref<!tpu.dma_semaphore, #tpu.memory_space<semaphore_mem>>
      %dma_start3A_112 = arith.constant 0 : i32
      %dma_start3A_113 = tpu.memref_slice %arg4[%arg0, %mul3A_111, %dma_start3A_112] : memref<2x10000x128xf32, #tpu.memory_space<hbm>> -> memref<1x625x128xf32, #tpu.memory_space<hbm>>
      %dma_start3A_114 = tpu.memref_squeeze %dma_start3A_113 : memref<1x625x128xf32, #tpu.memory_space<hbm>> -> memref<625x128xf32, #tpu.memory_space<hbm>>
      %dma_start3A_115 = arith.constant 0 : i32
      %dma_start3A_116 = tpu.memref_slice %arg15[%mul3A_109, %dma_start3A_115] : memref<10000x128xf32, #tpu.memory_space<vmem_shared>> -> memref<625x128xf32, #tpu.memory_space<vmem_shared>>
      tpu.enqueue_dma source(%dma_start3A_116 : memref<625x128xf32, #tpu.memory_space<vmem_shared>>) target(%dma_start3A_114 : memref<625x128xf32, #tpu.memory_space<hbm>>) target_semaphore(%run_scoped3A : memref<!tpu.dma_semaphore, #tpu.memory_space<semaphore_mem>>)
      %dma_wait3A_117 = arith.constant 0 : i32
      %dma_wait3A_118 = tpu.memref_slice %arg4[%arg0, %mul3A_111, %dma_wait3A_117] : memref<2x10000x128xf32, #tpu.memory_space<hbm>> -> memref<1x625x128xf32, #tpu.memory_space<hbm>>
      %dma_wait3A_119 = tpu.memref_squeeze %dma_wait3A_118 : memref<1x625x128xf32, #tpu.memory_space<hbm>> -> memref<625x128xf32, #tpu.memory_space<hbm>>
      %dma_wait3A_120 = arith.constant 0 : i32
      %dma_wait3A_121 = tpu.memref_slice %arg15[%mul3A_109, %dma_wait3A_120] : memref<10000x128xf32, #tpu.memory_space<vmem_shared>> -> memref<625x128xf32, #tpu.memory_space<vmem_shared>>
      tpu.wait_dma2 semaphore(%run_scoped3A : memref<!tpu.dma_semaphore, #tpu.memory_space<semaphore_mem>>) src(%dma_wait3A_121 : memref<625x128xf32, #tpu.memory_space<vmem_shared>>) dst(%dma_wait3A_119 : memref<625x128xf32, #tpu.memory_space<hbm>>)
      tpu.yield
    }) : () -> ()
    return
  }
}

#map = affine_map<(d0, d1) -> (0, 0)>
#map1 = affine_map<(d0, d1) -> (0, 0, 0)>
module attributes {stable_mosaic.version = 14 : i64} {
  func.func @seg_kernel(%arg0: i32, %arg1: i32, %arg2: memref<10000x128xf32, #tpu.memory_space<hbm>>, %arg3: memref<4000x80xi32, #tpu.memory_space<hbm>>, %arg4: memref<2x10000x128xf32, #tpu.memory_space<hbm>>, %arg5: memref<2x10000xf32, #tpu.memory_space<hbm>>, %arg6: memref<125x80xi32, #tpu.memory_space<vmem>>, %arg7: memref<80xi32, #tpu.memory_space<vmem>>, %arg8: memref<80xi32, #tpu.memory_space<vmem>>, %arg9: memref<80xi32, #tpu.memory_space<vmem>>, %arg10: memref<80xi32, #tpu.memory_space<vmem>>, %arg11: memref<80xi32, #tpu.memory_space<vmem>>, %arg12: memref<80xi32, #tpu.memory_space<vmem>>, %arg13: memref<80x128xf32, #tpu.memory_space<vmem>>, %arg14: memref<80x128xf32, #tpu.memory_space<vmem>>, %arg15: memref<80x128xf32, #tpu.memory_space<vmem>>, %arg16: memref<10000x128xf32, #tpu.memory_space<vmem_shared>>, %arg17: memref<!tpu.dma_semaphore, #tpu.memory_space<semaphore_mem>>, %arg18: memref<!tpu.dma_semaphore, #tpu.memory_space<semaphore_mem>>, %arg19: memref<!tpu.dma_semaphore, #tpu.memory_space<semaphore_mem>>, %arg20: memref<!tpu.dma_semaphore, #tpu.memory_space<semaphore_mem>>, %arg21: memref<!tpu.dma_semaphore, #tpu.memory_space<semaphore_mem>>, %arg22: memref<!tpu.dma_semaphore, #tpu.memory_space<semaphore_mem>>, %arg23: memref<80xf32, #tpu.memory_space<vmem>>, %arg24: memref<1024xf32, #tpu.memory_space<vmem>>, %arg25: memref<10000xf32, #tpu.memory_space<vmem_shared>>) attributes {dimension_semantics = [#tpu.dimension_semantics<core_parallel>, #tpu.dimension_semantics<subcore_parallel>], iteration_bounds = array<i64: 2, 16>, scalar_prefetch = 0 : i64, scratch_operands = 20 : i64, tpu.core_type = #tpu.core_type<sc_vector_subcore>, window_params = [{transform_indices = #map}, {transform_indices = #map}, {transform_indices = #map1}, {transform_indices = #map}]} {
    %mul3A = arith.constant 16 : i32
    %mul3A_0 = arith.muli %arg0, %mul3A : i32
    %add3A = arith.addi %mul3A_0, %arg1 : i32
    %broadcast_in_dim3A = arith.constant 0.000000e+00 : f32
    %broadcast_in_dim3A_1 = vector.broadcast %broadcast_in_dim3A : f32 to vector<16xf32>
    %broadcast_in_dim3A_2 = arith.constant 65535 : i32
    %broadcast_in_dim3A_3 = vector.broadcast %broadcast_in_dim3A_2 : i32 to vector<16xi32>
    %scan3A = arith.constant 0 : i32
    %scan3A_4 = arith.constant 80 : i32
    %scan3A_5 = arith.addi %scan3A, %scan3A_4 : i32
    %scan3A_6 = arith.constant 1 : i32
    scf.for %scan3A_151 = %scan3A to %scan3A_5 step %scan3A_6  : i32 {
      %mul3A_152 = arith.constant 1 : i32
      %mul3A_153 = arith.muli %scan3A_151, %mul3A_152 : i32
      %add3A_154 = arith.constant 0 : i32
      %add3A_155 = arith.addi %add3A_154, %mul3A_153 : i32
      %scan3A_156 = arith.constant 0 : i32
      %scan3A_157 = arith.constant 8 : i32
      %scan3A_158 = arith.addi %scan3A_156, %scan3A_157 : i32
      %scan3A_159 = arith.constant 1 : i32
      scf.for %scan3A_161 = %scan3A_156 to %scan3A_158 step %scan3A_159  : i32 {
        %mul3A_162 = arith.constant 1 : i32
        %mul3A_163 = arith.muli %scan3A_161, %mul3A_162 : i32
        %add3A_164 = arith.constant 0 : i32
        %add3A_165 = arith.addi %add3A_164, %mul3A_163 : i32
        %mul3A_166 = arith.constant 16 : i32
        %mul3A_167 = arith.muli %add3A_165, %mul3A_166 : i32
        %swap3A = arith.index_cast %add3A_155 : i32 to index
        %swap3A_168 = arith.index_cast %mul3A_167 : i32 to index
        %swap3A_169 = tpu.vector_load %arg15[%swap3A, %swap3A_168] {strides = array<i32>} : memref<80x128xf32, #tpu.memory_space<vmem>>, vector<1x16xf32>,
        %swap3A_170 = vector.shape_cast %swap3A_169 : vector<1x16xf32> to vector<16xf32>
        %swap3A_171 = vector.shape_cast %broadcast_in_dim3A_1 : vector<16xf32> to vector<1x16xf32>
        tpu.vector_store %arg15[%swap3A, %swap3A_168], %swap3A_171 {strides = array<i32>} : memref<80x128xf32, #tpu.memory_space<vmem>>, vector<1x16xf32>,
      }
      %scan3A_160 = arith.constant 8 : i32
    }
    %scan3A_7 = arith.constant 80 : i32
    %mul3A_8 = arith.constant 125 : i32
    %mul3A_9 = arith.muli %add3A, %mul3A_8 : i32
    "tpu.region"() ({
      %run_scoped3A = tpu.sem_alloc : memref<!tpu.dma_semaphore, #tpu.memory_space<semaphore_mem>>
      %dma_start3A_151 = arith.constant 0 : i32
      %dma_start3A_152 = tpu.memref_slice %arg3[%mul3A_9, %dma_start3A_151] : memref<4000x80xi32, #tpu.memory_space<hbm>> -> memref<125x80xi32, #tpu.memory_space<hbm>>
      %dma_start3A_153 = arith.constant 0 : i32
      %dma_start3A_154 = tpu.memref_slice %arg3[%mul3A_9, %dma_start3A_153] : memref<4000x80xi32, #tpu.memory_space<hbm>> -> memref<125x80xi32, #tpu.memory_space<hbm>>
      tpu.enqueue_dma source(%dma_start3A_154 : memref<125x80xi32, #tpu.memory_space<hbm>>) target(%arg6 : memref<125x80xi32, #tpu.memory_space<vmem>>) target_semaphore(%run_scoped3A : memref<!tpu.dma_semaphore, #tpu.memory_space<semaphore_mem>>)
      %dma_wait3A_155 = arith.constant 0 : i32
      %dma_wait3A_156 = tpu.memref_slice %arg3[%mul3A_9, %dma_wait3A_155] : memref<4000x80xi32, #tpu.memory_space<hbm>> -> memref<125x80xi32, #tpu.memory_space<hbm>>
      %dma_wait3A_157 = arith.constant 0 : i32
      %dma_wait3A_158 = tpu.memref_slice %arg3[%mul3A_9, %dma_wait3A_157] : memref<4000x80xi32, #tpu.memory_space<hbm>> -> memref<125x80xi32, #tpu.memory_space<hbm>>
      tpu.wait_dma2 semaphore(%run_scoped3A : memref<!tpu.dma_semaphore, #tpu.memory_space<semaphore_mem>>) src(%dma_wait3A_158 : memref<125x80xi32, #tpu.memory_space<hbm>>) dst(%arg6 : memref<125x80xi32, #tpu.memory_space<vmem>>)
      tpu.yield
    }) : () -> ()
    %scan3A_10 = arith.constant 0 : i32
    %scan3A_11 = arith.constant 5 : i32
    %scan3A_12 = arith.addi %scan3A_10, %scan3A_11 : i32
    %scan3A_13 = arith.constant 1 : i32
    scf.for %scan3A_151 = %scan3A_10 to %scan3A_12 step %scan3A_13  : i32 {
      %mul3A_152 = arith.constant 1 : i32
      %mul3A_153 = arith.muli %scan3A_151, %mul3A_152 : i32
      %add3A_154 = arith.constant 0 : i32
      %add3A_155 = arith.addi %add3A_154, %mul3A_153 : i32
      %mul3A_156 = arith.constant 16 : i32
      %mul3A_157 = arith.muli %add3A_155, %mul3A_156 : i32
      %get3A = arith.constant 0 : i32
      %get3A_158 = arith.index_cast %get3A : i32 to index
      %get3A_159 = arith.index_cast %mul3A_157 : i32 to index
      %get3A_160 = tpu.vector_load %arg6[%get3A_158, %get3A_159] {strides = array<i32>} : memref<125x80xi32, #tpu.memory_space<vmem>>, vector<1x16xi32>,
      %get3A_161 = vector.shape_cast %get3A_160 : vector<1x16xi32> to vector<16xi32>
      %and3A = arith.andi %get3A_161, %broadcast_in_dim3A_3 : vector<16xi32>
      %mul3A_162 = arith.constant 16 : i32
      %mul3A_163 = arith.muli %add3A_155, %mul3A_162 : i32
      %swap3A = arith.index_cast %mul3A_163 : i32 to index
      %swap3A_164 = tpu.vector_load %arg7[%swap3A] {strides = array<i32>} : memref<80xi32, #tpu.memory_space<vmem>>, vector<16xi32>,
      %swap3A_165 = vector.shape_cast %swap3A_164 : vector<16xi32> to vector<16xi32>
      %swap3A_166 = vector.shape_cast %and3A : vector<16xi32> to vector<16xi32>
      tpu.vector_store %arg7[%swap3A], %swap3A_166 {strides = array<i32>} : memref<80xi32, #tpu.memory_space<vmem>>, vector<16xi32>,
      %shift_right_logical3A = arith.constant 16 : i32
      %shift_right_logical3A_167 = vector.broadcast %shift_right_logical3A : i32 to vector<16xi32>
      %shift_right_logical3A_168 = arith.shrui %get3A_161, %shift_right_logical3A_167 : vector<16xi32>
      %mul3A_169 = arith.constant 16 : i32
      %mul3A_170 = arith.muli %add3A_155, %mul3A_169 : i32
      %swap3A_171 = arith.index_cast %mul3A_170 : i32 to index
      %swap3A_172 = tpu.vector_load %arg10[%swap3A_171] {strides = array<i32>} : memref<80xi32, #tpu.memory_space<vmem>>, vector<16xi32>,
      %swap3A_173 = vector.shape_cast %swap3A_172 : vector<16xi32> to vector<16xi32>
      %swap3A_174 = vector.shape_cast %shift_right_logical3A_168 : vector<16xi32> to vector<16xi32>
      tpu.vector_store %arg10[%swap3A_171], %swap3A_174 {strides = array<i32>} : memref<80xi32, #tpu.memory_space<vmem>>, vector<16xi32>,
    }
    %scan3A_14 = arith.constant 5 : i32
    %dma_start3A = arith.constant 0 : i32
    %dma_start3A_15 = arith.constant 0 : i32
    %dma_start3A_16 = tpu.memref_slice %arg2[%dma_start3A, %dma_start3A_15] : memref<10000x128xf32, #tpu.memory_space<hbm>> -> memref<10000x128xf32, #tpu.memory_space<hbm>>
    tpu.enqueue_indirect_dma source(%dma_start3A_16 : memref<10000x128xf32, #tpu.memory_space<hbm>>) target(%arg13 : memref<80x128xf32, #tpu.memory_space<vmem>>) offsets(%arg7 : memref<80xi32, #tpu.memory_space<vmem>>) semaphore(%arg17 : memref<!tpu.dma_semaphore, #tpu.memory_space<semaphore_mem>>)
    %scan3A_17 = arith.constant 0 : i32
    %scan3A_18 = arith.constant 5 : i32
    %scan3A_19 = arith.addi %scan3A_17, %scan3A_18 : i32
    %scan3A_20 = arith.constant 1 : i32
    scf.for %scan3A_151 = %scan3A_17 to %scan3A_19 step %scan3A_20  : i32 {
      %mul3A_152 = arith.constant 1 : i32
      %mul3A_153 = arith.muli %scan3A_151, %mul3A_152 : i32
      %add3A_154 = arith.constant 0 : i32
      %add3A_155 = arith.addi %add3A_154, %mul3A_153 : i32
      %mul3A_156 = arith.constant 16 : i32
      %mul3A_157 = arith.muli %add3A_155, %mul3A_156 : i32
      %get3A = arith.constant 1 : i32
      %get3A_158 = arith.index_cast %get3A : i32 to index
      %get3A_159 = arith.index_cast %mul3A_157 : i32 to index
      %get3A_160 = tpu.vector_load %arg6[%get3A_158, %get3A_159] {strides = array<i32>} : memref<125x80xi32, #tpu.memory_space<vmem>>, vector<1x16xi32>,
      %get3A_161 = vector.shape_cast %get3A_160 : vector<1x16xi32> to vector<16xi32>
      %and3A = arith.andi %get3A_161, %broadcast_in_dim3A_3 : vector<16xi32>
      %mul3A_162 = arith.constant 16 : i32
      %mul3A_163 = arith.muli %add3A_155, %mul3A_162 : i32
      %swap3A = arith.index_cast %mul3A_163 : i32 to index
      %swap3A_164 = tpu.vector_load %arg8[%swap3A] {strides = array<i32>} : memref<80xi32, #tpu.memory_space<vmem>>, vector<16xi32>,
      %swap3A_165 = vector.shape_cast %swap3A_164 : vector<16xi32> to vector<16xi32>
      %swap3A_166 = vector.shape_cast %and3A : vector<16xi32> to vector<16xi32>
      tpu.vector_store %arg8[%swap3A], %swap3A_166 {strides = array<i32>} : memref<80xi32, #tpu.memory_space<vmem>>, vector<16xi32>,
      %shift_right_logical3A = arith.constant 16 : i32
      %shift_right_logical3A_167 = vector.broadcast %shift_right_logical3A : i32 to vector<16xi32>
      %shift_right_logical3A_168 = arith.shrui %get3A_161, %shift_right_logical3A_167 : vector<16xi32>
      %mul3A_169 = arith.constant 16 : i32
      %mul3A_170 = arith.muli %add3A_155, %mul3A_169 : i32
      %swap3A_171 = arith.index_cast %mul3A_170 : i32 to index
      %swap3A_172 = tpu.vector_load %arg11[%swap3A_171] {strides = array<i32>} : memref<80xi32, #tpu.memory_space<vmem>>, vector<16xi32>,
      %swap3A_173 = vector.shape_cast %swap3A_172 : vector<16xi32> to vector<16xi32>
      %swap3A_174 = vector.shape_cast %shift_right_logical3A_168 : vector<16xi32> to vector<16xi32>
      tpu.vector_store %arg11[%swap3A_171], %swap3A_174 {strides = array<i32>} : memref<80xi32, #tpu.memory_space<vmem>>, vector<16xi32>,
    }
    %scan3A_21 = arith.constant 5 : i32
    %dma_start3A_22 = arith.constant 0 : i32
    %dma_start3A_23 = arith.constant 0 : i32
    %dma_start3A_24 = tpu.memref_slice %arg2[%dma_start3A_22, %dma_start3A_23] : memref<10000x128xf32, #tpu.memory_space<hbm>> -> memref<10000x128xf32, #tpu.memory_space<hbm>>
    tpu.enqueue_indirect_dma source(%dma_start3A_24 : memref<10000x128xf32, #tpu.memory_space<hbm>>) target(%arg14 : memref<80x128xf32, #tpu.memory_space<vmem>>) offsets(%arg8 : memref<80xi32, #tpu.memory_space<vmem>>) semaphore(%arg18 : memref<!tpu.dma_semaphore, #tpu.memory_space<semaphore_mem>>)
    %scan3A_25 = arith.constant 0 : i32
    %scan3A_26 = arith.constant 7 : i32
    %scan3A_27 = arith.addi %scan3A_25, %scan3A_26 : i32
    %scan3A_28 = arith.constant 1 : i32
    scf.for %scan3A_151 = %scan3A_25 to %scan3A_27 step %scan3A_28  : i32 {
      %mul3A_152 = arith.constant 1 : i32
      %mul3A_153 = arith.muli %scan3A_151, %mul3A_152 : i32
      %add3A_154 = arith.constant 0 : i32
      %add3A_155 = arith.addi %add3A_154, %mul3A_153 : i32
      %mul3A_156 = arith.constant 625 : i32
      %mul3A_157 = arith.muli %arg1, %mul3A_156 : i32
      %mul3A_158 = arith.constant 80 : i32
      %mul3A_159 = arith.muli %add3A_155, %mul3A_158 : i32
      %add3A_160 = arith.addi %mul3A_157, %mul3A_159 : i32
      "tpu.region"() ({
        %run_scoped3A = tpu.sem_alloc : memref<!tpu.dma_semaphore, #tpu.memory_space<semaphore_mem>>
        %dma_start3A_161 = arith.constant 0 : i32
        %dma_start3A_162 = tpu.memref_slice %arg16[%add3A_160, %dma_start3A_161] : memref<10000x128xf32, #tpu.memory_space<vmem_shared>> -> memref<80x128xf32, #tpu.memory_space<vmem_shared>>
        %dma_start3A_163 = arith.constant 0 : i32
        %dma_start3A_164 = tpu.memref_slice %arg16[%add3A_160, %dma_start3A_163] : memref<10000x128xf32, #tpu.memory_space<vmem_shared>> -> memref<80x128xf32, #tpu.memory_space<vmem_shared>>
        tpu.enqueue_dma source(%arg15 : memref<80x128xf32, #tpu.memory_space<vmem>>) target(%dma_start3A_164 : memref<80x128xf32, #tpu.memory_space<vmem_shared>>) target_semaphore(%run_scoped3A : memref<!tpu.dma_semaphore, #tpu.memory_space<semaphore_mem>>)
        %dma_wait3A_165 = arith.constant 0 : i32
        %dma_wait3A_166 = tpu.memref_slice %arg16[%add3A_160, %dma_wait3A_165] : memref<10000x128xf32, #tpu.memory_space<vmem_shared>> -> memref<80x128xf32, #tpu.memory_space<vmem_shared>>
        %dma_wait3A_167 = arith.constant 0 : i32
        %dma_wait3A_168 = tpu.memref_slice %arg16[%add3A_160, %dma_wait3A_167] : memref<10000x128xf32, #tpu.memory_space<vmem_shared>> -> memref<80x128xf32, #tpu.memory_space<vmem_shared>>
        tpu.wait_dma2 semaphore(%run_scoped3A : memref<!tpu.dma_semaphore, #tpu.memory_space<semaphore_mem>>) src(%arg15 : memref<80x128xf32, #tpu.memory_space<vmem>>) dst(%dma_wait3A_168 : memref<80x128xf32, #tpu.memory_space<vmem_shared>>)
        tpu.yield
      }) : () -> ()
    }
    %scan3A_29 = arith.constant 7 : i32
    %mul3A_30 = arith.constant 625 : i32
    %mul3A_31 = arith.muli %arg1, %mul3A_30 : i32
    %add3A_32 = arith.constant 560 : i32
    %add3A_33 = arith.addi %mul3A_31, %add3A_32 : i32
    "tpu.region"() ({
      %run_scoped3A = tpu.sem_alloc : memref<!tpu.dma_semaphore, #tpu.memory_space<semaphore_mem>>
      %dma_start3A_151 = arith.constant 0 : i32
      %dma_start3A_152 = arith.constant 0 : i32
      %dma_start3A_153 = tpu.memref_slice %arg15[%dma_start3A_151, %dma_start3A_152] : memref<80x128xf32, #tpu.memory_space<vmem>> -> memref<65x128xf32, #tpu.memory_space<vmem>>
      %dma_start3A_154 = arith.constant 0 : i32
      %dma_start3A_155 = tpu.memref_slice %arg16[%add3A_33, %dma_start3A_154] : memref<10000x128xf32, #tpu.memory_space<vmem_shared>> -> memref<65x128xf32, #tpu.memory_space<vmem_shared>>
      %dma_start3A_156 = arith.constant 0 : i32
      %dma_start3A_157 = tpu.memref_slice %arg16[%add3A_33, %dma_start3A_156] : memref<10000x128xf32, #tpu.memory_space<vmem_shared>> -> memref<65x128xf32, #tpu.memory_space<vmem_shared>>
      %dma_start3A_158 = arith.constant 0 : i32
      %dma_start3A_159 = arith.constant 0 : i32
      %dma_start3A_160 = tpu.memref_slice %arg15[%dma_start3A_158, %dma_start3A_159] : memref<80x128xf32, #tpu.memory_space<vmem>> -> memref<65x128xf32, #tpu.memory_space<vmem>>
      tpu.enqueue_dma source(%dma_start3A_160 : memref<65x128xf32, #tpu.memory_space<vmem>>) target(%dma_start3A_157 : memref<65x128xf32, #tpu.memory_space<vmem_shared>>) target_semaphore(%run_scoped3A : memref<!tpu.dma_semaphore, #tpu.memory_space<semaphore_mem>>)
      %dma_wait3A_161 = arith.constant 0 : i32
      %dma_wait3A_162 = arith.constant 0 : i32
      %dma_wait3A_163 = tpu.memref_slice %arg15[%dma_wait3A_161, %dma_wait3A_162] : memref<80x128xf32, #tpu.memory_space<vmem>> -> memref<65x128xf32, #tpu.memory_space<vmem>>
      %dma_wait3A_164 = arith.constant 0 : i32
      %dma_wait3A_165 = tpu.memref_slice %arg16[%add3A_33, %dma_wait3A_164] : memref<10000x128xf32, #tpu.memory_space<vmem_shared>> -> memref<65x128xf32, #tpu.memory_space<vmem_shared>>
      %dma_wait3A_166 = arith.constant 0 : i32
      %dma_wait3A_167 = tpu.memref_slice %arg16[%add3A_33, %dma_wait3A_166] : memref<10000x128xf32, #tpu.memory_space<vmem_shared>> -> memref<65x128xf32, #tpu.memory_space<vmem_shared>>
      %dma_wait3A_168 = arith.constant 0 : i32
      %dma_wait3A_169 = arith.constant 0 : i32
      %dma_wait3A_170 = tpu.memref_slice %arg15[%dma_wait3A_168, %dma_wait3A_169] : memref<80x128xf32, #tpu.memory_space<vmem>> -> memref<65x128xf32, #tpu.memory_space<vmem>>
      tpu.wait_dma2 semaphore(%run_scoped3A : memref<!tpu.dma_semaphore, #tpu.memory_space<semaphore_mem>>) src(%dma_wait3A_170 : memref<65x128xf32, #tpu.memory_space<vmem>>) dst(%dma_wait3A_167 : memref<65x128xf32, #tpu.memory_space<vmem_shared>>)
      tpu.yield
    }) : () -> ()
    %broadcast_in_dim3A_34 = arith.constant 1.000000e+00 : f32
    %broadcast_in_dim3A_35 = vector.broadcast %broadcast_in_dim3A_34 : f32 to vector<16xf32>
    %scan3A_36 = arith.constant 0 : i32
    %scan3A_37 = arith.constant 5 : i32
    %scan3A_38 = arith.addi %scan3A_36, %scan3A_37 : i32
    %scan3A_39 = arith.constant 1 : i32
    scf.for %scan3A_151 = %scan3A_36 to %scan3A_38 step %scan3A_39  : i32 {
      %mul3A_152 = arith.constant 1 : i32
      %mul3A_153 = arith.muli %scan3A_151, %mul3A_152 : i32
      %add3A_154 = arith.constant 0 : i32
      %add3A_155 = arith.addi %add3A_154, %mul3A_153 : i32
      %mul3A_156 = arith.constant 16 : i32
      %mul3A_157 = arith.muli %add3A_155, %mul3A_156 : i32
      %swap3A = arith.index_cast %mul3A_157 : i32 to index
      %swap3A_158 = tpu.vector_load %arg23[%swap3A] {strides = array<i32>} : memref<80xf32, #tpu.memory_space<vmem>>, vector<16xf32>,
      %swap3A_159 = vector.shape_cast %swap3A_158 : vector<16xf32> to vector<16xf32>
      %swap3A_160 = vector.shape_cast %broadcast_in_dim3A_35 : vector<16xf32> to vector<16xf32>
      tpu.vector_store %arg23[%swap3A], %swap3A_160 {strides = array<i32>} : memref<80xf32, #tpu.memory_space<vmem>>, vector<16xf32>,
    }
    %scan3A_40 = arith.constant 5 : i32
    %scan3A_41 = arith.constant 0 : i32
    %scan3A_42 = arith.constant 64 : i32
    %scan3A_43 = arith.addi %scan3A_41, %scan3A_42 : i32
    %scan3A_44 = arith.constant 1 : i32
    scf.for %scan3A_151 = %scan3A_41 to %scan3A_43 step %scan3A_44  : i32 {
      %mul3A_152 = arith.constant 1 : i32
      %mul3A_153 = arith.muli %scan3A_151, %mul3A_152 : i32
      %add3A_154 = arith.constant 0 : i32
      %add3A_155 = arith.addi %add3A_154, %mul3A_153 : i32
      %mul3A_156 = arith.constant 16 : i32
      %mul3A_157 = arith.muli %add3A_155, %mul3A_156 : i32
      %swap3A = arith.index_cast %mul3A_157 : i32 to index
      %swap3A_158 = tpu.vector_load %arg24[%swap3A] {strides = array<i32>} : memref<1024xf32, #tpu.memory_space<vmem>>, vector<16xf32>,
      %swap3A_159 = vector.shape_cast %swap3A_158 : vector<16xf32> to vector<16xf32>
      %swap3A_160 = vector.shape_cast %broadcast_in_dim3A_1 : vector<16xf32> to vector<16xf32>
      tpu.vector_store %arg24[%swap3A], %swap3A_160 {strides = array<i32>} : memref<1024xf32, #tpu.memory_space<vmem>>, vector<16xf32>,
    }
    %scan3A_45 = arith.constant 64 : i32
    %lt3A = arith.constant 10 : i32
    %lt3A_46 = arith.cmpi slt, %arg1, %lt3A : i32
    %convert_element_type3A = arith.extui %lt3A_46 : i1 to i32
    %cond3A = arith.constant 0 : i32
    %cond3A_47 = arith.cmpi ne, %convert_element_type3A, %cond3A : i32
    scf.if %cond3A_47 {
      %mul3A_151 = arith.constant 1000 : i32
      %mul3A_152 = arith.muli %arg1, %mul3A_151 : i32
      "tpu.region"() ({
        %run_scoped3A = tpu.sem_alloc : memref<!tpu.dma_semaphore, #tpu.memory_space<semaphore_mem>>
        %dma_start3A_153 = arith.constant 0 : i32
        %dma_start3A_154 = tpu.memref_slice %arg24[%dma_start3A_153] : memref<1024xf32, #tpu.memory_space<vmem>> -> memref<1000xf32, #tpu.memory_space<vmem>>
        %dma_start3A_155 = tpu.memref_slice %arg25[%mul3A_152] : memref<10000xf32, #tpu.memory_space<vmem_shared>> -> memref<1000xf32, #tpu.memory_space<vmem_shared>>
        %dma_start3A_156 = tpu.memref_slice %arg25[%mul3A_152] : memref<10000xf32, #tpu.memory_space<vmem_shared>> -> memref<1000xf32, #tpu.memory_space<vmem_shared>>
        %dma_start3A_157 = arith.constant 0 : i32
        %dma_start3A_158 = tpu.memref_slice %arg24[%dma_start3A_157] : memref<1024xf32, #tpu.memory_space<vmem>> -> memref<1000xf32, #tpu.memory_space<vmem>>
        tpu.enqueue_dma source(%dma_start3A_158 : memref<1000xf32, #tpu.memory_space<vmem>>) target(%dma_start3A_156 : memref<1000xf32, #tpu.memory_space<vmem_shared>>) target_semaphore(%run_scoped3A : memref<!tpu.dma_semaphore, #tpu.memory_space<semaphore_mem>>)
        %dma_wait3A_159 = arith.constant 0 : i32
        %dma_wait3A_160 = tpu.memref_slice %arg24[%dma_wait3A_159] : memref<1024xf32, #tpu.memory_space<vmem>> -> memref<1000xf32, #tpu.memory_space<vmem>>
        %dma_wait3A_161 = tpu.memref_slice %arg25[%mul3A_152] : memref<10000xf32, #tpu.memory_space<vmem_shared>> -> memref<1000xf32, #tpu.memory_space<vmem_shared>>
        %dma_wait3A_162 = tpu.memref_slice %arg25[%mul3A_152] : memref<10000xf32, #tpu.memory_space<vmem_shared>> -> memref<1000xf32, #tpu.memory_space<vmem_shared>>
        %dma_wait3A_163 = arith.constant 0 : i32
        %dma_wait3A_164 = tpu.memref_slice %arg24[%dma_wait3A_163] : memref<1024xf32, #tpu.memory_space<vmem>> -> memref<1000xf32, #tpu.memory_space<vmem>>
        tpu.wait_dma2 semaphore(%run_scoped3A : memref<!tpu.dma_semaphore, #tpu.memory_space<semaphore_mem>>) src(%dma_wait3A_164 : memref<1000xf32, #tpu.memory_space<vmem>>) dst(%dma_wait3A_162 : memref<1000xf32, #tpu.memory_space<vmem_shared>>)
        tpu.yield
      }) : () -> ()
    } else {
    }
    %barrier3A = arith.constant 0 : index
    tpu.barrier barrier_id(%barrier3A)
    %dma_wait3A = arith.constant 0 : i32
    %dma_wait3A_48 = arith.constant 0 : i32
    %dma_wait3A_49 = tpu.memref_slice %arg2[%dma_wait3A, %dma_wait3A_48] : memref<10000x128xf32, #tpu.memory_space<hbm>> -> memref<10000x128xf32, #tpu.memory_space<hbm>>
    tpu.wait_indirect_dma semaphore(%arg17 : memref<!tpu.dma_semaphore, #tpu.memory_space<semaphore_mem>>) src(%dma_wait3A_49 : memref<10000x128xf32, #tpu.memory_space<hbm>>) dst(%arg13 : memref<80x128xf32, #tpu.memory_space<vmem>>)
    %dma_start3A_50 = arith.constant 0 : i32
    %dma_start3A_51 = arith.constant 0 : i32
    %dma_start3A_52 = tpu.memref_slice %arg16[%dma_start3A_50, %dma_start3A_51] : memref<10000x128xf32, #tpu.memory_space<vmem_shared>> -> memref<10000x128xf32, #tpu.memory_space<vmem_shared>>
    tpu.enqueue_indirect_dma source(%arg13 : memref<80x128xf32, #tpu.memory_space<vmem>>) target(%dma_start3A_52 : memref<10000x128xf32, #tpu.memory_space<vmem_shared>>) offsets(%arg10 : memref<80xi32, #tpu.memory_space<vmem>>) semaphore(%arg20 : memref<!tpu.dma_semaphore, #tpu.memory_space<semaphore_mem>>) {add = true}
    %dma_start3A_53 = arith.constant 0 : i32
    %dma_start3A_54 = tpu.memref_slice %arg25[%dma_start3A_53] : memref<10000xf32, #tpu.memory_space<vmem_shared>> -> memref<10000xf32, #tpu.memory_space<vmem_shared>>
    tpu.enqueue_indirect_dma source(%arg23 : memref<80xf32, #tpu.memory_space<vmem>>) target(%dma_start3A_54 : memref<10000xf32, #tpu.memory_space<vmem_shared>>) offsets(%arg10 : memref<80xi32, #tpu.memory_space<vmem>>) semaphore(%arg20 : memref<!tpu.dma_semaphore, #tpu.memory_space<semaphore_mem>>) {add = true}
    %scan3A_55 = arith.constant 0 : i32
    %scan3A_56 = arith.constant 5 : i32
    %scan3A_57 = arith.addi %scan3A_55, %scan3A_56 : i32
    %scan3A_58 = arith.constant 1 : i32
    scf.for %scan3A_151 = %scan3A_55 to %scan3A_57 step %scan3A_58  : i32 {
      %mul3A_152 = arith.constant 1 : i32
      %mul3A_153 = arith.muli %scan3A_151, %mul3A_152 : i32
      %add3A_154 = arith.constant 0 : i32
      %add3A_155 = arith.addi %add3A_154, %mul3A_153 : i32
      %mul3A_156 = arith.constant 16 : i32
      %mul3A_157 = arith.muli %add3A_155, %mul3A_156 : i32
      %get3A = arith.constant 2 : i32
      %get3A_158 = arith.index_cast %get3A : i32 to index
      %get3A_159 = arith.index_cast %mul3A_157 : i32 to index
      %get3A_160 = tpu.vector_load %arg6[%get3A_158, %get3A_159] {strides = array<i32>} : memref<125x80xi32, #tpu.memory_space<vmem>>, vector<1x16xi32>,
      %get3A_161 = vector.shape_cast %get3A_160 : vector<1x16xi32> to vector<16xi32>
      %and3A = arith.andi %get3A_161, %broadcast_in_dim3A_3 : vector<16xi32>
      %mul3A_162 = arith.constant 16 : i32
      %mul3A_163 = arith.muli %add3A_155, %mul3A_162 : i32
      %swap3A = arith.index_cast %mul3A_163 : i32 to index
      %swap3A_164 = tpu.vector_load %arg9[%swap3A] {strides = array<i32>} : memref<80xi32, #tpu.memory_space<vmem>>, vector<16xi32>,
      %swap3A_165 = vector.shape_cast %swap3A_164 : vector<16xi32> to vector<16xi32>
      %swap3A_166 = vector.shape_cast %and3A : vector<16xi32> to vector<16xi32>
      tpu.vector_store %arg9[%swap3A], %swap3A_166 {strides = array<i32>} : memref<80xi32, #tpu.memory_space<vmem>>, vector<16xi32>,
      %shift_right_logical3A = arith.constant 16 : i32
      %shift_right_logical3A_167 = vector.broadcast %shift_right_logical3A : i32 to vector<16xi32>
      %shift_right_logical3A_168 = arith.shrui %get3A_161, %shift_right_logical3A_167 : vector<16xi32>
      %mul3A_169 = arith.constant 16 : i32
      %mul3A_170 = arith.muli %add3A_155, %mul3A_169 : i32
      %swap3A_171 = arith.index_cast %mul3A_170 : i32 to index
      %swap3A_172 = tpu.vector_load %arg12[%swap3A_171] {strides = array<i32>} : memref<80xi32, #tpu.memory_space<vmem>>, vector<16xi32>,
      %swap3A_173 = vector.shape_cast %swap3A_172 : vector<16xi32> to vector<16xi32>
      %swap3A_174 = vector.shape_cast %shift_right_logical3A_168 : vector<16xi32> to vector<16xi32>
      tpu.vector_store %arg12[%swap3A_171], %swap3A_174 {strides = array<i32>} : memref<80xi32, #tpu.memory_space<vmem>>, vector<16xi32>,
    }
    %scan3A_59 = arith.constant 5 : i32
    %dma_start3A_60 = arith.constant 0 : i32
    %dma_start3A_61 = arith.constant 0 : i32
    %dma_start3A_62 = tpu.memref_slice %arg2[%dma_start3A_60, %dma_start3A_61] : memref<10000x128xf32, #tpu.memory_space<hbm>> -> memref<10000x128xf32, #tpu.memory_space<hbm>>
    tpu.enqueue_indirect_dma source(%dma_start3A_62 : memref<10000x128xf32, #tpu.memory_space<hbm>>) target(%arg15 : memref<80x128xf32, #tpu.memory_space<vmem>>) offsets(%arg9 : memref<80xi32, #tpu.memory_space<vmem>>) semaphore(%arg19 : memref<!tpu.dma_semaphore, #tpu.memory_space<semaphore_mem>>)
    %dma_wait3A_63 = arith.constant 0 : i32
    %dma_wait3A_64 = arith.constant 0 : i32
    %dma_wait3A_65 = tpu.memref_slice %arg2[%dma_wait3A_63, %dma_wait3A_64] : memref<10000x128xf32, #tpu.memory_space<hbm>> -> memref<10000x128xf32, #tpu.memory_space<hbm>>
    tpu.wait_indirect_dma semaphore(%arg18 : memref<!tpu.dma_semaphore, #tpu.memory_space<semaphore_mem>>) src(%dma_wait3A_65 : memref<10000x128xf32, #tpu.memory_space<hbm>>) dst(%arg14 : memref<80x128xf32, #tpu.memory_space<vmem>>)
    %dma_start3A_66 = arith.constant 0 : i32
    %dma_start3A_67 = arith.constant 0 : i32
    %dma_start3A_68 = tpu.memref_slice %arg16[%dma_start3A_66, %dma_start3A_67] : memref<10000x128xf32, #tpu.memory_space<vmem_shared>> -> memref<10000x128xf32, #tpu.memory_space<vmem_shared>>
    tpu.enqueue_indirect_dma source(%arg14 : memref<80x128xf32, #tpu.memory_space<vmem>>) target(%dma_start3A_68 : memref<10000x128xf32, #tpu.memory_space<vmem_shared>>) offsets(%arg11 : memref<80xi32, #tpu.memory_space<vmem>>) semaphore(%arg21 : memref<!tpu.dma_semaphore, #tpu.memory_space<semaphore_mem>>) {add = true}
    %dma_start3A_69 = arith.constant 0 : i32
    %dma_start3A_70 = tpu.memref_slice %arg25[%dma_start3A_69] : memref<10000xf32, #tpu.memory_space<vmem_shared>> -> memref<10000xf32, #tpu.memory_space<vmem_shared>>
    tpu.enqueue_indirect_dma source(%arg23 : memref<80xf32, #tpu.memory_space<vmem>>) target(%dma_start3A_70 : memref<10000xf32, #tpu.memory_space<vmem_shared>>) offsets(%arg11 : memref<80xi32, #tpu.memory_space<vmem>>) semaphore(%arg21 : memref<!tpu.dma_semaphore, #tpu.memory_space<semaphore_mem>>) {add = true}
    %dma_wait3A_71 = arith.constant 0 : i32
    %dma_wait3A_72 = arith.constant 0 : i32
    %dma_wait3A_73 = tpu.memref_slice %arg16[%dma_wait3A_71, %dma_wait3A_72] : memref<10000x128xf32, #tpu.memory_space<vmem_shared>> -> memref<10000x128xf32, #tpu.memory_space<vmem_shared>>
    tpu.wait_indirect_dma semaphore(%arg20 : memref<!tpu.dma_semaphore, #tpu.memory_space<semaphore_mem>>) src(%arg13 : memref<80x128xf32, #tpu.memory_space<vmem>>) dst(%dma_wait3A_73 : memref<10000x128xf32, #tpu.memory_space<vmem_shared>>)
    %dma_wait3A_74 = arith.constant 0 : i32
    %dma_wait3A_75 = tpu.memref_slice %arg25[%dma_wait3A_74] : memref<10000xf32, #tpu.memory_space<vmem_shared>> -> memref<10000xf32, #tpu.memory_space<vmem_shared>>
    tpu.wait_indirect_dma semaphore(%arg20 : memref<!tpu.dma_semaphore, #tpu.memory_space<semaphore_mem>>) src(%arg23 : memref<80xf32, #tpu.memory_space<vmem>>) dst(%dma_wait3A_75 : memref<10000xf32, #tpu.memory_space<vmem_shared>>)
    %scan3A_76 = arith.constant 0 : i32
    %scan3A_77 = arith.constant 5 : i32
    %scan3A_78 = arith.addi %scan3A_76, %scan3A_77 : i32
    %scan3A_79 = arith.constant 1 : i32
    scf.for %scan3A_151 = %scan3A_76 to %scan3A_78 step %scan3A_79  : i32 {
      %mul3A_152 = arith.constant 1 : i32
      %mul3A_153 = arith.muli %scan3A_151, %mul3A_152 : i32
      %add3A_154 = arith.constant 0 : i32
      %add3A_155 = arith.addi %add3A_154, %mul3A_153 : i32
      %mul3A_156 = arith.constant 16 : i32
      %mul3A_157 = arith.muli %add3A_155, %mul3A_156 : i32
      %get3A = arith.constant 3 : i32
      %get3A_158 = arith.index_cast %get3A : i32 to index
      %get3A_159 = arith.index_cast %mul3A_157 : i32 to index
      %get3A_160 = tpu.vector_load %arg6[%get3A_158, %get3A_159] {strides = array<i32>} : memref<125x80xi32, #tpu.memory_space<vmem>>, vector<1x16xi32>,
      %get3A_161 = vector.shape_cast %get3A_160 : vector<1x16xi32> to vector<16xi32>
      %and3A = arith.andi %get3A_161, %broadcast_in_dim3A_3 : vector<16xi32>
      %mul3A_162 = arith.constant 16 : i32
      %mul3A_163 = arith.muli %add3A_155, %mul3A_162 : i32
      %swap3A = arith.index_cast %mul3A_163 : i32 to index
      %swap3A_164 = tpu.vector_load %arg7[%swap3A] {strides = array<i32>} : memref<80xi32, #tpu.memory_space<vmem>>, vector<16xi32>,
      %swap3A_165 = vector.shape_cast %swap3A_164 : vector<16xi32> to vector<16xi32>
      %swap3A_166 = vector.shape_cast %and3A : vector<16xi32> to vector<16xi32>
      tpu.vector_store %arg7[%swap3A], %swap3A_166 {strides = array<i32>} : memref<80xi32, #tpu.memory_space<vmem>>, vector<16xi32>,
      %shift_right_logical3A = arith.constant 16 : i32
      %shift_right_logical3A_167 = vector.broadcast %shift_right_logical3A : i32 to vector<16xi32>
      %shift_right_logical3A_168 = arith.shrui %get3A_161, %shift_right_logical3A_167 : vector<16xi32>
      %mul3A_169 = arith.constant 16 : i32
      %mul3A_170 = arith.muli %add3A_155, %mul3A_169 : i32
      %swap3A_171 = arith.index_cast %mul3A_170 : i32 to index
      %swap3A_172 = tpu.vector_load %arg10[%swap3A_171] {strides = array<i32>} : memref<80xi32, #tpu.memory_space<vmem>>, vector<16xi32>,
      %swap3A_173 = vector.shape_cast %swap3A_172 : vector<16xi32> to vector<16xi32>
      %swap3A_174 = vector.shape_cast %shift_right_logical3A_168 : vector<16xi32> to vector<16xi32>
      tpu.vector_store %arg10[%swap3A_171], %swap3A_174 {strides = array<i32>} : memref<80xi32, #tpu.memory_space<vmem>>, vector<16xi32>,
    }
    %scan3A_80 = arith.constant 5 : i32
    %dma_start3A_81 = arith.constant 0 : i32
    %dma_start3A_82 = arith.constant 0 : i32
    %dma_start3A_83 = tpu.memref_slice %arg2[%dma_start3A_81, %dma_start3A_82] : memref<10000x128xf32, #tpu.memory_space<hbm>> -> memref<10000x128xf32, #tpu.memory_space<hbm>>
    tpu.enqueue_indirect_dma source(%dma_start3A_83 : memref<10000x128xf32, #tpu.memory_space<hbm>>) target(%arg13 : memref<80x128xf32, #tpu.memory_space<vmem>>) offsets(%arg7 : memref<80xi32, #tpu.memory_space<vmem>>) semaphore(%arg17 : memref<!tpu.dma_semaphore, #tpu.memory_space<semaphore_mem>>)
    %dma_wait3A_84 = arith.constant 0 : i32
    %dma_wait3A_85 = arith.constant 0 : i32
    %dma_wait3A_86 = tpu.memref_slice %arg2[%dma_wait3A_84, %dma_wait3A_85] : memref<10000x128xf32, #tpu.memory_space<hbm>> -> memref<10000x128xf32, #tpu.memory_space<hbm>>
    tpu.wait_indirect_dma semaphore(%arg19 : memref<!tpu.dma_semaphore, #tpu.memory_space<semaphore_mem>>) src(%dma_wait3A_86 : memref<10000x128xf32, #tpu.memory_space<hbm>>) dst(%arg15 : memref<80x128xf32, #tpu.memory_space<vmem>>)
    %dma_start3A_87 = arith.constant 0 : i32
    %dma_start3A_88 = arith.constant 0 : i32
    %dma_start3A_89 = tpu.memref_slice %arg16[%dma_start3A_87, %dma_start3A_88] : memref<10000x128xf32, #tpu.memory_space<vmem_shared>> -> memref<10000x128xf32, #tpu.memory_space<vmem_shared>>
    tpu.enqueue_indirect_dma source(%arg15 : memref<80x128xf32, #tpu.memory_space<vmem>>) target(%dma_start3A_89 : memref<10000x128xf32, #tpu.memory_space<vmem_shared>>) offsets(%arg12 : memref<80xi32, #tpu.memory_space<vmem>>) semaphore(%arg22 : memref<!tpu.dma_semaphore, #tpu.memory_space<semaphore_mem>>) {add = true}
    %dma_start3A_90 = arith.constant 0 : i32
    %dma_start3A_91 = tpu.memref_slice %arg25[%dma_start3A_90] : memref<10000xf32, #tpu.memory_space<vmem_shared>> -> memref<10000xf32, #tpu.memory_space<vmem_shared>>
    tpu.enqueue_indirect_dma source(%arg23 : memref<80xf32, #tpu.memory_space<vmem>>) target(%dma_start3A_91 : memref<10000xf32, #tpu.memory_space<vmem_shared>>) offsets(%arg12 : memref<80xi32, #tpu.memory_space<vmem>>) semaphore(%arg22 : memref<!tpu.dma_semaphore, #tpu.memory_space<semaphore_mem>>) {add = true}
    %dma_wait3A_92 = arith.constant 0 : i32
    %dma_wait3A_93 = arith.constant 0 : i32
    %dma_wait3A_94 = tpu.memref_slice %arg16[%dma_wait3A_92, %dma_wait3A_93] : memref<10000x128xf32, #tpu.memory_space<vmem_shared>> -> memref<10000x128xf32, #tpu.memory_space<vmem_shared>>
    tpu.wait_indirect_dma semaphore(%arg21 : memref<!tpu.dma_semaphore, #tpu.memory_space<semaphore_mem>>) src(%arg14 : memref<80x128xf32, #tpu.memory_space<vmem>>) dst(%dma_wait3A_94 : memref<10000x128xf32, #tpu.memory_space<vmem_shared>>)
    %dma_wait3A_95 = arith.constant 0 : i32
    %dma_wait3A_96 = tpu.memref_slice %arg25[%dma_wait3A_95] : memref<10000xf32, #tpu.memory_space<vmem_shared>> -> memref<10000xf32, #tpu.memory_space<vmem_shared>>
    tpu.wait_indirect_dma semaphore(%arg21 : memref<!tpu.dma_semaphore, #tpu.memory_space<semaphore_mem>>) src(%arg23 : memref<80xf32, #tpu.memory_space<vmem>>) dst(%dma_wait3A_96 : memref<10000xf32, #tpu.memory_space<vmem_shared>>)
    %scan3A_97 = arith.constant 0 : i32
    %scan3A_98 = arith.constant 5 : i32
    %scan3A_99 = arith.addi %scan3A_97, %scan3A_98 : i32
    %scan3A_100 = arith.constant 1 : i32
    scf.for %scan3A_151 = %scan3A_97 to %scan3A_99 step %scan3A_100  : i32 {
      %mul3A_152 = arith.constant 1 : i32
      %mul3A_153 = arith.muli %scan3A_151, %mul3A_152 : i32
      %add3A_154 = arith.constant 0 : i32
      %add3A_155 = arith.addi %add3A_154, %mul3A_153 : i32
      %mul3A_156 = arith.constant 16 : i32
      %mul3A_157 = arith.muli %add3A_155, %mul3A_156 : i32
      %get3A = arith.constant 4 : i32
      %get3A_158 = arith.index_cast %get3A : i32 to index
      %get3A_159 = arith.index_cast %mul3A_157 : i32 to index
      %get3A_160 = tpu.vector_load %arg6[%get3A_158, %get3A_159] {strides = array<i32>} : memref<125x80xi32, #tpu.memory_space<vmem>>, vector<1x16xi32>,
      %get3A_161 = vector.shape_cast %get3A_160 : vector<1x16xi32> to vector<16xi32>
      %and3A = arith.andi %get3A_161, %broadcast_in_dim3A_3 : vector<16xi32>
      %mul3A_162 = arith.constant 16 : i32
      %mul3A_163 = arith.muli %add3A_155, %mul3A_162 : i32
      %swap3A = arith.index_cast %mul3A_163 : i32 to index
      %swap3A_164 = tpu.vector_load %arg8[%swap3A] {strides = array<i32>} : memref<80xi32, #tpu.memory_space<vmem>>, vector<16xi32>,
      %swap3A_165 = vector.shape_cast %swap3A_164 : vector<16xi32> to vector<16xi32>
      %swap3A_166 = vector.shape_cast %and3A : vector<16xi32> to vector<16xi32>
      tpu.vector_store %arg8[%swap3A], %swap3A_166 {strides = array<i32>} : memref<80xi32, #tpu.memory_space<vmem>>, vector<16xi32>,
      %shift_right_logical3A = arith.constant 16 : i32
      %shift_right_logical3A_167 = vector.broadcast %shift_right_logical3A : i32 to vector<16xi32>
      %shift_right_logical3A_168 = arith.shrui %get3A_161, %shift_right_logical3A_167 : vector<16xi32>
      %mul3A_169 = arith.constant 16 : i32
      %mul3A_170 = arith.muli %add3A_155, %mul3A_169 : i32
      %swap3A_171 = arith.index_cast %mul3A_170 : i32 to index
      %swap3A_172 = tpu.vector_load %arg11[%swap3A_171] {strides = array<i32>} : memref<80xi32, #tpu.memory_space<vmem>>, vector<16xi32>,
      %swap3A_173 = vector.shape_cast %swap3A_172 : vector<16xi32> to vector<16xi32>
      %swap3A_174 = vector.shape_cast %shift_right_logical3A_168 : vector<16xi32> to vector<16xi32>
      tpu.vector_store %arg11[%swap3A_171], %swap3A_174 {strides = array<i32>} : memref<80xi32, #tpu.memory_space<vmem>>, vector<16xi32>,
    }
    %scan3A_101 = arith.constant 5 : i32
    %dma_start3A_102 = arith.constant 0 : i32
    %dma_start3A_103 = arith.constant 0 : i32
    %dma_start3A_104 = tpu.memref_slice %arg2[%dma_start3A_102, %dma_start3A_103] : memref<10000x128xf32, #tpu.memory_space<hbm>> -> memref<10000x128xf32, #tpu.memory_space<hbm>>
    tpu.enqueue_indirect_dma source(%dma_start3A_104 : memref<10000x128xf32, #tpu.memory_space<hbm>>) target(%arg14 : memref<80x128xf32, #tpu.memory_space<vmem>>) offsets(%arg8 : memref<80xi32, #tpu.memory_space<vmem>>) semaphore(%arg18 : memref<!tpu.dma_semaphore, #tpu.memory_space<semaphore_mem>>)
    %scan3A_105 = arith.constant 0 : i32
    %scan3A_106 = arith.constant 40 : i32
    %scan3A_107 = arith.addi %scan3A_105, %scan3A_106 : i32
    %scan3A_108 = arith.constant 1 : i32
    scf.for %scan3A_151 = %scan3A_105 to %scan3A_107 step %scan3A_108  : i32 {
      %mul3A_152 = arith.constant 1 : i32
      %mul3A_153 = arith.muli %scan3A_151, %mul3A_152 : i32
      %add3A_154 = arith.constant 0 : i32
      %add3A_155 = arith.addi %add3A_154, %mul3A_153 : i32
      %mul3A_156 = arith.constant 3 : i32
      %mul3A_157 = arith.muli %add3A_155, %mul3A_156 : i32
      %add3A_158 = arith.constant 3 : i32
      %add3A_159 = arith.addi %add3A_158, %mul3A_157 : i32
      %add3A_160 = arith.constant 2 : i32
      %add3A_161 = arith.addi %add3A_159, %add3A_160 : i32
      %dma_wait3A_162 = arith.constant 0 : i32
      %dma_wait3A_163 = arith.constant 0 : i32
      %dma_wait3A_164 = tpu.memref_slice %arg2[%dma_wait3A_162, %dma_wait3A_163] : memref<10000x128xf32, #tpu.memory_space<hbm>> -> memref<10000x128xf32, #tpu.memory_space<hbm>>
      tpu.wait_indirect_dma semaphore(%arg17 : memref<!tpu.dma_semaphore, #tpu.memory_space<semaphore_mem>>) src(%dma_wait3A_164 : memref<10000x128xf32, #tpu.memory_space<hbm>>) dst(%arg13 : memref<80x128xf32, #tpu.memory_space<vmem>>)
      %dma_start3A_165 = arith.constant 0 : i32
      %dma_start3A_166 = arith.constant 0 : i32
      %dma_start3A_167 = tpu.memref_slice %arg16[%dma_start3A_165, %dma_start3A_166] : memref<10000x128xf32, #tpu.memory_space<vmem_shared>> -> memref<10000x128xf32, #tpu.memory_space<vmem_shared>>
      tpu.enqueue_indirect_dma source(%arg13 : memref<80x128xf32, #tpu.memory_space<vmem>>) target(%dma_start3A_167 : memref<10000x128xf32, #tpu.memory_space<vmem_shared>>) offsets(%arg10 : memref<80xi32, #tpu.memory_space<vmem>>) semaphore(%arg20 : memref<!tpu.dma_semaphore, #tpu.memory_space<semaphore_mem>>) {add = true}
      %dma_start3A_168 = arith.constant 0 : i32
      %dma_start3A_169 = tpu.memref_slice %arg25[%dma_start3A_168] : memref<10000xf32, #tpu.memory_space<vmem_shared>> -> memref<10000xf32, #tpu.memory_space<vmem_shared>>
      tpu.enqueue_indirect_dma source(%arg23 : memref<80xf32, #tpu.memory_space<vmem>>) target(%dma_start3A_169 : memref<10000xf32, #tpu.memory_space<vmem_shared>>) offsets(%arg10 : memref<80xi32, #tpu.memory_space<vmem>>) semaphore(%arg20 : memref<!tpu.dma_semaphore, #tpu.memory_space<semaphore_mem>>) {add = true}
      %dma_wait3A_170 = arith.constant 0 : i32
      %dma_wait3A_171 = arith.constant 0 : i32
      %dma_wait3A_172 = tpu.memref_slice %arg16[%dma_wait3A_170, %dma_wait3A_171] : memref<10000x128xf32, #tpu.memory_space<vmem_shared>> -> memref<10000x128xf32, #tpu.memory_space<vmem_shared>>
      tpu.wait_indirect_dma semaphore(%arg22 : memref<!tpu.dma_semaphore, #tpu.memory_space<semaphore_mem>>) src(%arg15 : memref<80x128xf32, #tpu.memory_space<vmem>>) dst(%dma_wait3A_172 : memref<10000x128xf32, #tpu.memory_space<vmem_shared>>)
      %dma_wait3A_173 = arith.constant 0 : i32
      %dma_wait3A_174 = tpu.memref_slice %arg25[%dma_wait3A_173] : memref<10000xf32, #tpu.memory_space<vmem_shared>> -> memref<10000xf32, #tpu.memory_space<vmem_shared>>
      tpu.wait_indirect_dma semaphore(%arg22 : memref<!tpu.dma_semaphore, #tpu.memory_space<semaphore_mem>>) src(%arg23 : memref<80xf32, #tpu.memory_space<vmem>>) dst(%dma_wait3A_174 : memref<10000xf32, #tpu.memory_space<vmem_shared>>)
      %scan3A_175 = arith.constant 0 : i32
      %scan3A_176 = arith.constant 5 : i32
      %scan3A_177 = arith.addi %scan3A_175, %scan3A_176 : i32
      %scan3A_178 = arith.constant 1 : i32
      scf.for %scan3A_229 = %scan3A_175 to %scan3A_177 step %scan3A_178  : i32 {
        %mul3A_230 = arith.constant 1 : i32
        %mul3A_231 = arith.muli %scan3A_229, %mul3A_230 : i32
        %add3A_232 = arith.constant 0 : i32
        %add3A_233 = arith.addi %add3A_232, %mul3A_231 : i32
        %mul3A_234 = arith.constant 16 : i32
        %mul3A_235 = arith.muli %add3A_233, %mul3A_234 : i32
        %get3A = arith.index_cast %add3A_161 : i32 to index
        %get3A_236 = arith.index_cast %mul3A_235 : i32 to index
        %get3A_237 = tpu.vector_load %arg6[%get3A, %get3A_236] {strides = array<i32>} : memref<125x80xi32, #tpu.memory_space<vmem>>, vector<1x16xi32>,
        %get3A_238 = vector.shape_cast %get3A_237 : vector<1x16xi32> to vector<16xi32>
        %and3A = arith.andi %get3A_238, %broadcast_in_dim3A_3 : vector<16xi32>
        %mul3A_239 = arith.constant 16 : i32
        %mul3A_240 = arith.muli %add3A_233, %mul3A_239 : i32
        %swap3A = arith.index_cast %mul3A_240 : i32 to index
        %swap3A_241 = tpu.vector_load %arg9[%swap3A] {strides = array<i32>} : memref<80xi32, #tpu.memory_space<vmem>>, vector<16xi32>,
        %swap3A_242 = vector.shape_cast %swap3A_241 : vector<16xi32> to vector<16xi32>
        %swap3A_243 = vector.shape_cast %and3A : vector<16xi32> to vector<16xi32>
        tpu.vector_store %arg9[%swap3A], %swap3A_243 {strides = array<i32>} : memref<80xi32, #tpu.memory_space<vmem>>, vector<16xi32>,
        %shift_right_logical3A = arith.constant 16 : i32
        %shift_right_logical3A_244 = vector.broadcast %shift_right_logical3A : i32 to vector<16xi32>
        %shift_right_logical3A_245 = arith.shrui %get3A_238, %shift_right_logical3A_244 : vector<16xi32>
        %mul3A_246 = arith.constant 16 : i32
        %mul3A_247 = arith.muli %add3A_233, %mul3A_246 : i32
        %swap3A_248 = arith.index_cast %mul3A_247 : i32 to index
        %swap3A_249 = tpu.vector_load %arg12[%swap3A_248] {strides = array<i32>} : memref<80xi32, #tpu.memory_space<vmem>>, vector<16xi32>,
        %swap3A_250 = vector.shape_cast %swap3A_249 : vector<16xi32> to vector<16xi32>
        %swap3A_251 = vector.shape_cast %shift_right_logical3A_245 : vector<16xi32> to vector<16xi32>
        tpu.vector_store %arg12[%swap3A_248], %swap3A_251 {strides = array<i32>} : memref<80xi32, #tpu.memory_space<vmem>>, vector<16xi32>,
      }
      %scan3A_179 = arith.constant 5 : i32
      %dma_start3A_180 = arith.constant 0 : i32
      %dma_start3A_181 = arith.constant 0 : i32
      %dma_start3A_182 = tpu.memref_slice %arg2[%dma_start3A_180, %dma_start3A_181] : memref<10000x128xf32, #tpu.memory_space<hbm>> -> memref<10000x128xf32, #tpu.memory_space<hbm>>
      tpu.enqueue_indirect_dma source(%dma_start3A_182 : memref<10000x128xf32, #tpu.memory_space<hbm>>) target(%arg15 : memref<80x128xf32, #tpu.memory_space<vmem>>) offsets(%arg9 : memref<80xi32, #tpu.memory_space<vmem>>) semaphore(%arg19 : memref<!tpu.dma_semaphore, #tpu.memory_space<semaphore_mem>>)
      %add3A_183 = arith.constant 3 : i32
      %add3A_184 = arith.addi %add3A_159, %add3A_183 : i32
      %dma_wait3A_185 = arith.constant 0 : i32
      %dma_wait3A_186 = arith.constant 0 : i32
      %dma_wait3A_187 = tpu.memref_slice %arg2[%dma_wait3A_185, %dma_wait3A_186] : memref<10000x128xf32, #tpu.memory_space<hbm>> -> memref<10000x128xf32, #tpu.memory_space<hbm>>
      tpu.wait_indirect_dma semaphore(%arg18 : memref<!tpu.dma_semaphore, #tpu.memory_space<semaphore_mem>>) src(%dma_wait3A_187 : memref<10000x128xf32, #tpu.memory_space<hbm>>) dst(%arg14 : memref<80x128xf32, #tpu.memory_space<vmem>>)
      %dma_start3A_188 = arith.constant 0 : i32
      %dma_start3A_189 = arith.constant 0 : i32
      %dma_start3A_190 = tpu.memref_slice %arg16[%dma_start3A_188, %dma_start3A_189] : memref<10000x128xf32, #tpu.memory_space<vmem_shared>> -> memref<10000x128xf32, #tpu.memory_space<vmem_shared>>
      tpu.enqueue_indirect_dma source(%arg14 : memref<80x128xf32, #tpu.memory_space<vmem>>) target(%dma_start3A_190 : memref<10000x128xf32, #tpu.memory_space<vmem_shared>>) offsets(%arg11 : memref<80xi32, #tpu.memory_space<vmem>>) semaphore(%arg21 : memref<!tpu.dma_semaphore, #tpu.memory_space<semaphore_mem>>) {add = true}
      %dma_start3A_191 = arith.constant 0 : i32
      %dma_start3A_192 = tpu.memref_slice %arg25[%dma_start3A_191] : memref<10000xf32, #tpu.memory_space<vmem_shared>> -> memref<10000xf32, #tpu.memory_space<vmem_shared>>
      tpu.enqueue_indirect_dma source(%arg23 : memref<80xf32, #tpu.memory_space<vmem>>) target(%dma_start3A_192 : memref<10000xf32, #tpu.memory_space<vmem_shared>>) offsets(%arg11 : memref<80xi32, #tpu.memory_space<vmem>>) semaphore(%arg21 : memref<!tpu.dma_semaphore, #tpu.memory_space<semaphore_mem>>) {add = true}
      %dma_wait3A_193 = arith.constant 0 : i32
      %dma_wait3A_194 = arith.constant 0 : i32
      %dma_wait3A_195 = tpu.memref_slice %arg16[%dma_wait3A_193, %dma_wait3A_194] : memref<10000x128xf32, #tpu.memory_space<vmem_shared>> -> memref<10000x128xf32, #tpu.memory_space<vmem_shared>>
      tpu.wait_indirect_dma semaphore(%arg20 : memref<!tpu.dma_semaphore, #tpu.memory_space<semaphore_mem>>) src(%arg13 : memref<80x128xf32, #tpu.memory_space<vmem>>) dst(%dma_wait3A_195 : memref<10000x128xf32, #tpu.memory_space<vmem_shared>>)
      %dma_wait3A_196 = arith.constant 0 : i32
      %dma_wait3A_197 = tpu.memref_slice %arg25[%dma_wait3A_196] : memref<10000xf32, #tpu.memory_space<vmem_shared>> -> memref<10000xf32, #tpu.memory_space<vmem_shared>>
      tpu.wait_indirect_dma semaphore(%arg20 : memref<!tpu.dma_semaphore, #tpu.memory_space<semaphore_mem>>) src(%arg23 : memref<80xf32, #tpu.memory_space<vmem>>) dst(%dma_wait3A_197 : memref<10000xf32, #tpu.memory_space<vmem_shared>>)
      %scan3A_198 = arith.constant 0 : i32
      %scan3A_199 = arith.constant 5 : i32
      %scan3A_200 = arith.addi %scan3A_198, %scan3A_199 : i32
      %scan3A_201 = arith.constant 1 : i32
      scf.for %scan3A_229 = %scan3A_198 to %scan3A_200 step %scan3A_201  : i32 {
        %mul3A_230 = arith.constant 1 : i32
        %mul3A_231 = arith.muli %scan3A_229, %mul3A_230 : i32
        %add3A_232 = arith.constant 0 : i32
        %add3A_233 = arith.addi %add3A_232, %mul3A_231 : i32
        %mul3A_234 = arith.constant 16 : i32
        %mul3A_235 = arith.muli %add3A_233, %mul3A_234 : i32
        %get3A = arith.index_cast %add3A_184 : i32 to index
        %get3A_236 = arith.index_cast %mul3A_235 : i32 to index
        %get3A_237 = tpu.vector_load %arg6[%get3A, %get3A_236] {strides = array<i32>} : memref<125x80xi32, #tpu.memory_space<vmem>>, vector<1x16xi32>,
        %get3A_238 = vector.shape_cast %get3A_237 : vector<1x16xi32> to vector<16xi32>
        %and3A = arith.andi %get3A_238, %broadcast_in_dim3A_3 : vector<16xi32>
        %mul3A_239 = arith.constant 16 : i32
        %mul3A_240 = arith.muli %add3A_233, %mul3A_239 : i32
        %swap3A = arith.index_cast %mul3A_240 : i32 to index
        %swap3A_241 = tpu.vector_load %arg7[%swap3A] {strides = array<i32>} : memref<80xi32, #tpu.memory_space<vmem>>, vector<16xi32>,
        %swap3A_242 = vector.shape_cast %swap3A_241 : vector<16xi32> to vector<16xi32>
        %swap3A_243 = vector.shape_cast %and3A : vector<16xi32> to vector<16xi32>
        tpu.vector_store %arg7[%swap3A], %swap3A_243 {strides = array<i32>} : memref<80xi32, #tpu.memory_space<vmem>>, vector<16xi32>,
        %shift_right_logical3A = arith.constant 16 : i32
        %shift_right_logical3A_244 = vector.broadcast %shift_right_logical3A : i32 to vector<16xi32>
        %shift_right_logical3A_245 = arith.shrui %get3A_238, %shift_right_logical3A_244 : vector<16xi32>
        %mul3A_246 = arith.constant 16 : i32
        %mul3A_247 = arith.muli %add3A_233, %mul3A_246 : i32
        %swap3A_248 = arith.index_cast %mul3A_247 : i32 to index
        %swap3A_249 = tpu.vector_load %arg10[%swap3A_248] {strides = array<i32>} : memref<80xi32, #tpu.memory_space<vmem>>, vector<16xi32>,
        %swap3A_250 = vector.shape_cast %swap3A_249 : vector<16xi32> to vector<16xi32>
        %swap3A_251 = vector.shape_cast %shift_right_logical3A_245 : vector<16xi32> to vector<16xi32>
        tpu.vector_store %arg10[%swap3A_248], %swap3A_251 {strides = array<i32>} : memref<80xi32, #tpu.memory_space<vmem>>, vector<16xi32>,
      }
      %scan3A_202 = arith.constant 5 : i32
      %dma_start3A_203 = arith.constant 0 : i32
      %dma_start3A_204 = arith.constant 0 : i32
      %dma_start3A_205 = tpu.memref_slice %arg2[%dma_start3A_203, %dma_start3A_204] : memref<10000x128xf32, #tpu.memory_space<hbm>> -> memref<10000x128xf32, #tpu.memory_space<hbm>>
      tpu.enqueue_indirect_dma source(%dma_start3A_205 : memref<10000x128xf32, #tpu.memory_space<hbm>>) target(%arg13 : memref<80x128xf32, #tpu.memory_space<vmem>>) offsets(%arg7 : memref<80xi32, #tpu.memory_space<vmem>>) semaphore(%arg17 : memref<!tpu.dma_semaphore, #tpu.memory_space<semaphore_mem>>)
      %add3A_206 = arith.constant 4 : i32
      %add3A_207 = arith.addi %add3A_159, %add3A_206 : i32
      %dma_wait3A_208 = arith.constant 0 : i32
      %dma_wait3A_209 = arith.constant 0 : i32
      %dma_wait3A_210 = tpu.memref_slice %arg2[%dma_wait3A_208, %dma_wait3A_209] : memref<10000x128xf32, #tpu.memory_space<hbm>> -> memref<10000x128xf32, #tpu.memory_space<hbm>>
      tpu.wait_indirect_dma semaphore(%arg19 : memref<!tpu.dma_semaphore, #tpu.memory_space<semaphore_mem>>) src(%dma_wait3A_210 : memref<10000x128xf32, #tpu.memory_space<hbm>>) dst(%arg15 : memref<80x128xf32, #tpu.memory_space<vmem>>)
      %dma_start3A_211 = arith.constant 0 : i32
      %dma_start3A_212 = arith.constant 0 : i32
      %dma_start3A_213 = tpu.memref_slice %arg16[%dma_start3A_211, %dma_start3A_212] : memref<10000x128xf32, #tpu.memory_space<vmem_shared>> -> memref<10000x128xf32, #tpu.memory_space<vmem_shared>>
      tpu.enqueue_indirect_dma source(%arg15 : memref<80x128xf32, #tpu.memory_space<vmem>>) target(%dma_start3A_213 : memref<10000x128xf32, #tpu.memory_space<vmem_shared>>) offsets(%arg12 : memref<80xi32, #tpu.memory_space<vmem>>) semaphore(%arg22 : memref<!tpu.dma_semaphore, #tpu.memory_space<semaphore_mem>>) {add = true}
      %dma_start3A_214 = arith.constant 0 : i32
      %dma_start3A_215 = tpu.memref_slice %arg25[%dma_start3A_214] : memref<10000xf32, #tpu.memory_space<vmem_shared>> -> memref<10000xf32, #tpu.memory_space<vmem_shared>>
      tpu.enqueue_indirect_dma source(%arg23 : memref<80xf32, #tpu.memory_space<vmem>>) target(%dma_start3A_215 : memref<10000xf32, #tpu.memory_space<vmem_shared>>) offsets(%arg12 : memref<80xi32, #tpu.memory_space<vmem>>) semaphore(%arg22 : memref<!tpu.dma_semaphore, #tpu.memory_space<semaphore_mem>>) {add = true}
      %dma_wait3A_216 = arith.constant 0 : i32
      %dma_wait3A_217 = arith.constant 0 : i32
      %dma_wait3A_218 = tpu.memref_slice %arg16[%dma_wait3A_216, %dma_wait3A_217] : memref<10000x128xf32, #tpu.memory_space<vmem_shared>> -> memref<10000x128xf32, #tpu.memory_space<vmem_shared>>
      tpu.wait_indirect_dma semaphore(%arg21 : memref<!tpu.dma_semaphore, #tpu.memory_space<semaphore_mem>>) src(%arg14 : memref<80x128xf32, #tpu.memory_space<vmem>>) dst(%dma_wait3A_218 : memref<10000x128xf32, #tpu.memory_space<vmem_shared>>)
      %dma_wait3A_219 = arith.constant 0 : i32
      %dma_wait3A_220 = tpu.memref_slice %arg25[%dma_wait3A_219] : memref<10000xf32, #tpu.memory_space<vmem_shared>> -> memref<10000xf32, #tpu.memory_space<vmem_shared>>
      tpu.wait_indirect_dma semaphore(%arg21 : memref<!tpu.dma_semaphore, #tpu.memory_space<semaphore_mem>>) src(%arg23 : memref<80xf32, #tpu.memory_space<vmem>>) dst(%dma_wait3A_220 : memref<10000xf32, #tpu.memory_space<vmem_shared>>)
      %scan3A_221 = arith.constant 0 : i32
      %scan3A_222 = arith.constant 5 : i32
      %scan3A_223 = arith.addi %scan3A_221, %scan3A_222 : i32
      %scan3A_224 = arith.constant 1 : i32
      scf.for %scan3A_229 = %scan3A_221 to %scan3A_223 step %scan3A_224  : i32 {
        %mul3A_230 = arith.constant 1 : i32
        %mul3A_231 = arith.muli %scan3A_229, %mul3A_230 : i32
        %add3A_232 = arith.constant 0 : i32
        %add3A_233 = arith.addi %add3A_232, %mul3A_231 : i32
        %mul3A_234 = arith.constant 16 : i32
        %mul3A_235 = arith.muli %add3A_233, %mul3A_234 : i32
        %get3A = arith.index_cast %add3A_207 : i32 to index
        %get3A_236 = arith.index_cast %mul3A_235 : i32 to index
        %get3A_237 = tpu.vector_load %arg6[%get3A, %get3A_236] {strides = array<i32>} : memref<125x80xi32, #tpu.memory_space<vmem>>, vector<1x16xi32>,
        %get3A_238 = vector.shape_cast %get3A_237 : vector<1x16xi32> to vector<16xi32>
        %and3A = arith.andi %get3A_238, %broadcast_in_dim3A_3 : vector<16xi32>
        %mul3A_239 = arith.constant 16 : i32
        %mul3A_240 = arith.muli %add3A_233, %mul3A_239 : i32
        %swap3A = arith.index_cast %mul3A_240 : i32 to index
        %swap3A_241 = tpu.vector_load %arg8[%swap3A] {strides = array<i32>} : memref<80xi32, #tpu.memory_space<vmem>>, vector<16xi32>,
        %swap3A_242 = vector.shape_cast %swap3A_241 : vector<16xi32> to vector<16xi32>
        %swap3A_243 = vector.shape_cast %and3A : vector<16xi32> to vector<16xi32>
        tpu.vector_store %arg8[%swap3A], %swap3A_243 {strides = array<i32>} : memref<80xi32, #tpu.memory_space<vmem>>, vector<16xi32>,
        %shift_right_logical3A = arith.constant 16 : i32
        %shift_right_logical3A_244 = vector.broadcast %shift_right_logical3A : i32 to vector<16xi32>
        %shift_right_logical3A_245 = arith.shrui %get3A_238, %shift_right_logical3A_244 : vector<16xi32>
        %mul3A_246 = arith.constant 16 : i32
        %mul3A_247 = arith.muli %add3A_233, %mul3A_246 : i32
        %swap3A_248 = arith.index_cast %mul3A_247 : i32 to index
        %swap3A_249 = tpu.vector_load %arg11[%swap3A_248] {strides = array<i32>} : memref<80xi32, #tpu.memory_space<vmem>>, vector<16xi32>,
        %swap3A_250 = vector.shape_cast %swap3A_249 : vector<16xi32> to vector<16xi32>
        %swap3A_251 = vector.shape_cast %shift_right_logical3A_245 : vector<16xi32> to vector<16xi32>
        tpu.vector_store %arg11[%swap3A_248], %swap3A_251 {strides = array<i32>} : memref<80xi32, #tpu.memory_space<vmem>>, vector<16xi32>,
      }
      %scan3A_225 = arith.constant 5 : i32
      %dma_start3A_226 = arith.constant 0 : i32
      %dma_start3A_227 = arith.constant 0 : i32
      %dma_start3A_228 = tpu.memref_slice %arg2[%dma_start3A_226, %dma_start3A_227] : memref<10000x128xf32, #tpu.memory_space<hbm>> -> memref<10000x128xf32, #tpu.memory_space<hbm>>
      tpu.enqueue_indirect_dma source(%dma_start3A_228 : memref<10000x128xf32, #tpu.memory_space<hbm>>) target(%arg14 : memref<80x128xf32, #tpu.memory_space<vmem>>) offsets(%arg8 : memref<80xi32, #tpu.memory_space<vmem>>) semaphore(%arg18 : memref<!tpu.dma_semaphore, #tpu.memory_space<semaphore_mem>>)
    }
    %scan3A_109 = arith.constant 40 : i32
    %dma_wait3A_110 = arith.constant 0 : i32
    %dma_wait3A_111 = arith.constant 0 : i32
    %dma_wait3A_112 = tpu.memref_slice %arg2[%dma_wait3A_110, %dma_wait3A_111] : memref<10000x128xf32, #tpu.memory_space<hbm>> -> memref<10000x128xf32, #tpu.memory_space<hbm>>
    tpu.wait_indirect_dma semaphore(%arg17 : memref<!tpu.dma_semaphore, #tpu.memory_space<semaphore_mem>>) src(%dma_wait3A_112 : memref<10000x128xf32, #tpu.memory_space<hbm>>) dst(%arg13 : memref<80x128xf32, #tpu.memory_space<vmem>>)
    %dma_start3A_113 = arith.constant 0 : i32
    %dma_start3A_114 = arith.constant 0 : i32
    %dma_start3A_115 = tpu.memref_slice %arg16[%dma_start3A_113, %dma_start3A_114] : memref<10000x128xf32, #tpu.memory_space<vmem_shared>> -> memref<10000x128xf32, #tpu.memory_space<vmem_shared>>
    tpu.enqueue_indirect_dma source(%arg13 : memref<80x128xf32, #tpu.memory_space<vmem>>) target(%dma_start3A_115 : memref<10000x128xf32, #tpu.memory_space<vmem_shared>>) offsets(%arg10 : memref<80xi32, #tpu.memory_space<vmem>>) semaphore(%arg20 : memref<!tpu.dma_semaphore, #tpu.memory_space<semaphore_mem>>) {add = true}
    %dma_start3A_116 = arith.constant 0 : i32
    %dma_start3A_117 = tpu.memref_slice %arg25[%dma_start3A_116] : memref<10000xf32, #tpu.memory_space<vmem_shared>> -> memref<10000xf32, #tpu.memory_space<vmem_shared>>
    tpu.enqueue_indirect_dma source(%arg23 : memref<80xf32, #tpu.memory_space<vmem>>) target(%dma_start3A_117 : memref<10000xf32, #tpu.memory_space<vmem_shared>>) offsets(%arg10 : memref<80xi32, #tpu.memory_space<vmem>>) semaphore(%arg20 : memref<!tpu.dma_semaphore, #tpu.memory_space<semaphore_mem>>) {add = true}
    %dma_wait3A_118 = arith.constant 0 : i32
    %dma_wait3A_119 = arith.constant 0 : i32
    %dma_wait3A_120 = tpu.memref_slice %arg2[%dma_wait3A_118, %dma_wait3A_119] : memref<10000x128xf32, #tpu.memory_space<hbm>> -> memref<10000x128xf32, #tpu.memory_space<hbm>>
    tpu.wait_indirect_dma semaphore(%arg18 : memref<!tpu.dma_semaphore, #tpu.memory_space<semaphore_mem>>) src(%dma_wait3A_120 : memref<10000x128xf32, #tpu.memory_space<hbm>>) dst(%arg14 : memref<80x128xf32, #tpu.memory_space<vmem>>)
    %dma_start3A_121 = arith.constant 0 : i32
    %dma_start3A_122 = arith.constant 0 : i32
    %dma_start3A_123 = tpu.memref_slice %arg16[%dma_start3A_121, %dma_start3A_122] : memref<10000x128xf32, #tpu.memory_space<vmem_shared>> -> memref<10000x128xf32, #tpu.memory_space<vmem_shared>>
    tpu.enqueue_indirect_dma source(%arg14 : memref<80x128xf32, #tpu.memory_space<vmem>>) target(%dma_start3A_123 : memref<10000x128xf32, #tpu.memory_space<vmem_shared>>) offsets(%arg11 : memref<80xi32, #tpu.memory_space<vmem>>) semaphore(%arg21 : memref<!tpu.dma_semaphore, #tpu.memory_space<semaphore_mem>>) {add = true}
    %dma_start3A_124 = arith.constant 0 : i32
    %dma_start3A_125 = tpu.memref_slice %arg25[%dma_start3A_124] : memref<10000xf32, #tpu.memory_space<vmem_shared>> -> memref<10000xf32, #tpu.memory_space<vmem_shared>>
    tpu.enqueue_indirect_dma source(%arg23 : memref<80xf32, #tpu.memory_space<vmem>>) target(%dma_start3A_125 : memref<10000xf32, #tpu.memory_space<vmem_shared>>) offsets(%arg11 : memref<80xi32, #tpu.memory_space<vmem>>) semaphore(%arg21 : memref<!tpu.dma_semaphore, #tpu.memory_space<semaphore_mem>>) {add = true}
    %dma_wait3A_126 = arith.constant 0 : i32
    %dma_wait3A_127 = arith.constant 0 : i32
    %dma_wait3A_128 = tpu.memref_slice %arg16[%dma_wait3A_126, %dma_wait3A_127] : memref<10000x128xf32, #tpu.memory_space<vmem_shared>> -> memref<10000x128xf32, #tpu.memory_space<vmem_shared>>
    tpu.wait_indirect_dma semaphore(%arg22 : memref<!tpu.dma_semaphore, #tpu.memory_space<semaphore_mem>>) src(%arg15 : memref<80x128xf32, #tpu.memory_space<vmem>>) dst(%dma_wait3A_128 : memref<10000x128xf32, #tpu.memory_space<vmem_shared>>)
    %dma_wait3A_129 = arith.constant 0 : i32
    %dma_wait3A_130 = tpu.memref_slice %arg25[%dma_wait3A_129] : memref<10000xf32, #tpu.memory_space<vmem_shared>> -> memref<10000xf32, #tpu.memory_space<vmem_shared>>
    tpu.wait_indirect_dma semaphore(%arg22 : memref<!tpu.dma_semaphore, #tpu.memory_space<semaphore_mem>>) src(%arg23 : memref<80xf32, #tpu.memory_space<vmem>>) dst(%dma_wait3A_130 : memref<10000xf32, #tpu.memory_space<vmem_shared>>)
    %dma_wait3A_131 = arith.constant 0 : i32
    %dma_wait3A_132 = arith.constant 0 : i32
    %dma_wait3A_133 = tpu.memref_slice %arg16[%dma_wait3A_131, %dma_wait3A_132] : memref<10000x128xf32, #tpu.memory_space<vmem_shared>> -> memref<10000x128xf32, #tpu.memory_space<vmem_shared>>
    tpu.wait_indirect_dma semaphore(%arg20 : memref<!tpu.dma_semaphore, #tpu.memory_space<semaphore_mem>>) src(%arg13 : memref<80x128xf32, #tpu.memory_space<vmem>>) dst(%dma_wait3A_133 : memref<10000x128xf32, #tpu.memory_space<vmem_shared>>)
    %dma_wait3A_134 = arith.constant 0 : i32
    %dma_wait3A_135 = tpu.memref_slice %arg25[%dma_wait3A_134] : memref<10000xf32, #tpu.memory_space<vmem_shared>> -> memref<10000xf32, #tpu.memory_space<vmem_shared>>
    tpu.wait_indirect_dma semaphore(%arg20 : memref<!tpu.dma_semaphore, #tpu.memory_space<semaphore_mem>>) src(%arg23 : memref<80xf32, #tpu.memory_space<vmem>>) dst(%dma_wait3A_135 : memref<10000xf32, #tpu.memory_space<vmem_shared>>)
    %dma_wait3A_136 = arith.constant 0 : i32
    %dma_wait3A_137 = arith.constant 0 : i32
    %dma_wait3A_138 = tpu.memref_slice %arg16[%dma_wait3A_136, %dma_wait3A_137] : memref<10000x128xf32, #tpu.memory_space<vmem_shared>> -> memref<10000x128xf32, #tpu.memory_space<vmem_shared>>
    tpu.wait_indirect_dma semaphore(%arg21 : memref<!tpu.dma_semaphore, #tpu.memory_space<semaphore_mem>>) src(%arg14 : memref<80x128xf32, #tpu.memory_space<vmem>>) dst(%dma_wait3A_138 : memref<10000x128xf32, #tpu.memory_space<vmem_shared>>)
    %dma_wait3A_139 = arith.constant 0 : i32
    %dma_wait3A_140 = tpu.memref_slice %arg25[%dma_wait3A_139] : memref<10000xf32, #tpu.memory_space<vmem_shared>> -> memref<10000xf32, #tpu.memory_space<vmem_shared>>
    tpu.wait_indirect_dma semaphore(%arg21 : memref<!tpu.dma_semaphore, #tpu.memory_space<semaphore_mem>>) src(%arg23 : memref<80xf32, #tpu.memory_space<vmem>>) dst(%dma_wait3A_140 : memref<10000xf32, #tpu.memory_space<vmem_shared>>)
    %barrier3A_141 = arith.constant 0 : index
    tpu.barrier barrier_id(%barrier3A_141)
    %mul3A_142 = arith.constant 625 : i32
    %mul3A_143 = arith.muli %arg1, %mul3A_142 : i32
    %mul3A_144 = arith.constant 625 : i32
    %mul3A_145 = arith.muli %arg1, %mul3A_144 : i32
    "tpu.region"() ({
      %run_scoped3A = tpu.sem_alloc : memref<!tpu.dma_semaphore, #tpu.memory_space<semaphore_mem>>
      %dma_start3A_151 = arith.constant 0 : i32
      %dma_start3A_152 = tpu.memref_slice %arg4[%arg0, %mul3A_145, %dma_start3A_151] : memref<2x10000x128xf32, #tpu.memory_space<hbm>> -> memref<1x625x128xf32, #tpu.memory_space<hbm>>
      %dma_start3A_153 = tpu.memref_squeeze %dma_start3A_152 : memref<1x625x128xf32, #tpu.memory_space<hbm>> -> memref<625x128xf32, #tpu.memory_space<hbm>>
      %dma_start3A_154 = arith.constant 0 : i32
      %dma_start3A_155 = tpu.memref_slice %arg16[%mul3A_143, %dma_start3A_154] : memref<10000x128xf32, #tpu.memory_space<vmem_shared>> -> memref<625x128xf32, #tpu.memory_space<vmem_shared>>
      tpu.enqueue_dma source(%dma_start3A_155 : memref<625x128xf32, #tpu.memory_space<vmem_shared>>) target(%dma_start3A_153 : memref<625x128xf32, #tpu.memory_space<hbm>>) target_semaphore(%run_scoped3A : memref<!tpu.dma_semaphore, #tpu.memory_space<semaphore_mem>>)
      %dma_wait3A_156 = arith.constant 0 : i32
      %dma_wait3A_157 = tpu.memref_slice %arg4[%arg0, %mul3A_145, %dma_wait3A_156] : memref<2x10000x128xf32, #tpu.memory_space<hbm>> -> memref<1x625x128xf32, #tpu.memory_space<hbm>>
      %dma_wait3A_158 = tpu.memref_squeeze %dma_wait3A_157 : memref<1x625x128xf32, #tpu.memory_space<hbm>> -> memref<625x128xf32, #tpu.memory_space<hbm>>
      %dma_wait3A_159 = arith.constant 0 : i32
      %dma_wait3A_160 = tpu.memref_slice %arg16[%mul3A_143, %dma_wait3A_159] : memref<10000x128xf32, #tpu.memory_space<vmem_shared>> -> memref<625x128xf32, #tpu.memory_space<vmem_shared>>
      tpu.wait_dma2 semaphore(%run_scoped3A : memref<!tpu.dma_semaphore, #tpu.memory_space<semaphore_mem>>) src(%dma_wait3A_160 : memref<625x128xf32, #tpu.memory_space<vmem_shared>>) dst(%dma_wait3A_158 : memref<625x128xf32, #tpu.memory_space<hbm>>)
      tpu.yield
    }) : () -> ()
    %lt3A_146 = arith.constant 10 : i32
    %lt3A_147 = arith.cmpi slt, %arg1, %lt3A_146 : i32
    %convert_element_type3A_148 = arith.extui %lt3A_147 : i1 to i32
    %cond3A_149 = arith.constant 0 : i32
    %cond3A_150 = arith.cmpi ne, %convert_element_type3A_148, %cond3A_149 : i32
    scf.if %cond3A_150 {
      %mul3A_151 = arith.constant 1000 : i32
      %mul3A_152 = arith.muli %arg1, %mul3A_151 : i32
      %mul3A_153 = arith.constant 1000 : i32
      %mul3A_154 = arith.muli %arg1, %mul3A_153 : i32
      "tpu.region"() ({
        %run_scoped3A = tpu.sem_alloc : memref<!tpu.dma_semaphore, #tpu.memory_space<semaphore_mem>>
        %dma_start3A_155 = tpu.memref_slice %arg5[%arg0, %mul3A_154] : memref<2x10000xf32, #tpu.memory_space<hbm>> -> memref<1x1000xf32, #tpu.memory_space<hbm>>
        %dma_start3A_156 = tpu.memref_squeeze %dma_start3A_155 : memref<1x1000xf32, #tpu.memory_space<hbm>> -> memref<1000xf32, #tpu.memory_space<hbm>>
        %dma_start3A_157 = tpu.memref_slice %arg25[%mul3A_152] : memref<10000xf32, #tpu.memory_space<vmem_shared>> -> memref<1000xf32, #tpu.memory_space<vmem_shared>>
        tpu.enqueue_dma source(%dma_start3A_157 : memref<1000xf32, #tpu.memory_space<vmem_shared>>) target(%dma_start3A_156 : memref<1000xf32, #tpu.memory_space<hbm>>) target_semaphore(%run_scoped3A : memref<!tpu.dma_semaphore, #tpu.memory_space<semaphore_mem>>)
        %dma_wait3A_158 = tpu.memref_slice %arg5[%arg0, %mul3A_154] : memref<2x10000xf32, #tpu.memory_space<hbm>> -> memref<1x1000xf32, #tpu.memory_space<hbm>>
        %dma_wait3A_159 = tpu.memref_squeeze %dma_wait3A_158 : memref<1x1000xf32, #tpu.memory_space<hbm>> -> memref<1000xf32, #tpu.memory_space<hbm>>
        %dma_wait3A_160 = tpu.memref_slice %arg25[%mul3A_152] : memref<10000xf32, #tpu.memory_space<vmem_shared>> -> memref<1000xf32, #tpu.memory_space<vmem_shared>>
        tpu.wait_dma2 semaphore(%run_scoped3A : memref<!tpu.dma_semaphore, #tpu.memory_space<semaphore_mem>>) src(%dma_wait3A_160 : memref<1000xf32, #tpu.memory_space<vmem_shared>>) dst(%dma_wait3A_159 : memref<1000xf32, #tpu.memory_space<hbm>>)
        tpu.yield
      }) : () -> ()
    } else {
    }
    return
  }
}

#map = affine_map<(d0, d1) -> (0, 0)>
#map1 = affine_map<(d0, d1) -> (0, 0, 0)>
module attributes {stable_mosaic.version = 14 : i64} {
  func.func @seg_kernel(%arg0: i32, %arg1: i32, %arg2: memref<10000x128xf32, #tpu.memory_space<hbm>>, %arg3: memref<4000x80xi32, #tpu.memory_space<hbm>>, %arg4: memref<2x10000x128xf32, #tpu.memory_space<hbm>>, %arg5: memref<125x80xi32, #tpu.memory_space<vmem>>, %arg6: memref<80xi32, #tpu.memory_space<vmem>>, %arg7: memref<80xi32, #tpu.memory_space<vmem>>, %arg8: memref<80xi32, #tpu.memory_space<vmem>>, %arg9: memref<80xi32, #tpu.memory_space<vmem>>, %arg10: memref<80xi32, #tpu.memory_space<vmem>>, %arg11: memref<80xi32, #tpu.memory_space<vmem>>, %arg12: memref<80x128xf32, #tpu.memory_space<vmem>>, %arg13: memref<80x128xf32, #tpu.memory_space<vmem>>, %arg14: memref<80x128xf32, #tpu.memory_space<vmem>>, %arg15: memref<10000x128xf32, #tpu.memory_space<vmem_shared>>, %arg16: memref<!tpu.dma_semaphore, #tpu.memory_space<semaphore_mem>>, %arg17: memref<!tpu.dma_semaphore, #tpu.memory_space<semaphore_mem>>, %arg18: memref<!tpu.dma_semaphore, #tpu.memory_space<semaphore_mem>>, %arg19: memref<!tpu.dma_semaphore, #tpu.memory_space<semaphore_mem>>, %arg20: memref<!tpu.dma_semaphore, #tpu.memory_space<semaphore_mem>>, %arg21: memref<!tpu.dma_semaphore, #tpu.memory_space<semaphore_mem>>) attributes {dimension_semantics = [#tpu.dimension_semantics<core_parallel>, #tpu.dimension_semantics<subcore_parallel>], iteration_bounds = array<i64: 2, 16>, scalar_prefetch = 0 : i64, scratch_operands = 17 : i64, tpu.core_type = #tpu.core_type<sc_vector_subcore>, window_params = [{transform_indices = #map}, {transform_indices = #map}, {transform_indices = #map1}]} {
    %mul3A = arith.constant 16 : i32
    %mul3A_0 = arith.muli %arg0, %mul3A : i32
    %add3A = arith.addi %mul3A_0, %arg1 : i32
    %broadcast_in_dim3A = arith.constant 0.000000e+00 : f32
    %broadcast_in_dim3A_1 = vector.broadcast %broadcast_in_dim3A : f32 to vector<16xf32>
    %broadcast_in_dim3A_2 = arith.constant 65535 : i32
    %broadcast_in_dim3A_3 = vector.broadcast %broadcast_in_dim3A_2 : i32 to vector<16xi32>
    %scan3A = arith.constant 0 : i32
    %scan3A_4 = arith.constant 80 : i32
    %scan3A_5 = arith.addi %scan3A, %scan3A_4 : i32
    %scan3A_6 = arith.constant 1 : i32
    scf.for %scan3A_112 = %scan3A to %scan3A_5 step %scan3A_6  : i32 {
      %mul3A_113 = arith.constant 1 : i32
      %mul3A_114 = arith.muli %scan3A_112, %mul3A_113 : i32
      %add3A_115 = arith.constant 0 : i32
      %add3A_116 = arith.addi %add3A_115, %mul3A_114 : i32
      %scan3A_117 = arith.constant 0 : i32
      %scan3A_118 = arith.constant 8 : i32
      %scan3A_119 = arith.addi %scan3A_117, %scan3A_118 : i32
      %scan3A_120 = arith.constant 1 : i32
      scf.for %scan3A_122 = %scan3A_117 to %scan3A_119 step %scan3A_120  : i32 {
        %mul3A_123 = arith.constant 1 : i32
        %mul3A_124 = arith.muli %scan3A_122, %mul3A_123 : i32
        %add3A_125 = arith.constant 0 : i32
        %add3A_126 = arith.addi %add3A_125, %mul3A_124 : i32
        %mul3A_127 = arith.constant 16 : i32
        %mul3A_128 = arith.muli %add3A_126, %mul3A_127 : i32
        %swap3A = arith.index_cast %add3A_116 : i32 to index
        %swap3A_129 = arith.index_cast %mul3A_128 : i32 to index
        %swap3A_130 = tpu.vector_load %arg14[%swap3A, %swap3A_129] {strides = array<i32>} : memref<80x128xf32, #tpu.memory_space<vmem>>, vector<1x16xf32>,
        %swap3A_131 = vector.shape_cast %swap3A_130 : vector<1x16xf32> to vector<16xf32>
        %swap3A_132 = vector.shape_cast %broadcast_in_dim3A_1 : vector<16xf32> to vector<1x16xf32>
        tpu.vector_store %arg14[%swap3A, %swap3A_129], %swap3A_132 {strides = array<i32>} : memref<80x128xf32, #tpu.memory_space<vmem>>, vector<1x16xf32>,
      }
      %scan3A_121 = arith.constant 8 : i32
    }
    %scan3A_7 = arith.constant 80 : i32
    %mul3A_8 = arith.constant 125 : i32
    %mul3A_9 = arith.muli %add3A, %mul3A_8 : i32
    "tpu.region"() ({
      %run_scoped3A = tpu.sem_alloc : memref<!tpu.dma_semaphore, #tpu.memory_space<semaphore_mem>>
      %dma_start3A_112 = arith.constant 0 : i32
      %dma_start3A_113 = tpu.memref_slice %arg3[%mul3A_9, %dma_start3A_112] : memref<4000x80xi32, #tpu.memory_space<hbm>> -> memref<125x80xi32, #tpu.memory_space<hbm>>
      %dma_start3A_114 = arith.constant 0 : i32
      %dma_start3A_115 = tpu.memref_slice %arg3[%mul3A_9, %dma_start3A_114] : memref<4000x80xi32, #tpu.memory_space<hbm>> -> memref<125x80xi32, #tpu.memory_space<hbm>>
      tpu.enqueue_dma source(%dma_start3A_115 : memref<125x80xi32, #tpu.memory_space<hbm>>) target(%arg5 : memref<125x80xi32, #tpu.memory_space<vmem>>) target_semaphore(%run_scoped3A : memref<!tpu.dma_semaphore, #tpu.memory_space<semaphore_mem>>)
      %dma_wait3A_116 = arith.constant 0 : i32
      %dma_wait3A_117 = tpu.memref_slice %arg3[%mul3A_9, %dma_wait3A_116] : memref<4000x80xi32, #tpu.memory_space<hbm>> -> memref<125x80xi32, #tpu.memory_space<hbm>>
      %dma_wait3A_118 = arith.constant 0 : i32
      %dma_wait3A_119 = tpu.memref_slice %arg3[%mul3A_9, %dma_wait3A_118] : memref<4000x80xi32, #tpu.memory_space<hbm>> -> memref<125x80xi32, #tpu.memory_space<hbm>>
      tpu.wait_dma2 semaphore(%run_scoped3A : memref<!tpu.dma_semaphore, #tpu.memory_space<semaphore_mem>>) src(%dma_wait3A_119 : memref<125x80xi32, #tpu.memory_space<hbm>>) dst(%arg5 : memref<125x80xi32, #tpu.memory_space<vmem>>)
      tpu.yield
    }) : () -> ()
    %scan3A_10 = arith.constant 0 : i32
    %scan3A_11 = arith.constant 5 : i32
    %scan3A_12 = arith.addi %scan3A_10, %scan3A_11 : i32
    %scan3A_13 = arith.constant 1 : i32
    scf.for %scan3A_112 = %scan3A_10 to %scan3A_12 step %scan3A_13  : i32 {
      %mul3A_113 = arith.constant 1 : i32
      %mul3A_114 = arith.muli %scan3A_112, %mul3A_113 : i32
      %add3A_115 = arith.constant 0 : i32
      %add3A_116 = arith.addi %add3A_115, %mul3A_114 : i32
      %mul3A_117 = arith.constant 16 : i32
      %mul3A_118 = arith.muli %add3A_116, %mul3A_117 : i32
      %get3A = arith.constant 0 : i32
      %get3A_119 = arith.index_cast %get3A : i32 to index
      %get3A_120 = arith.index_cast %mul3A_118 : i32 to index
      %get3A_121 = tpu.vector_load %arg5[%get3A_119, %get3A_120] {strides = array<i32>} : memref<125x80xi32, #tpu.memory_space<vmem>>, vector<1x16xi32>,
      %get3A_122 = vector.shape_cast %get3A_121 : vector<1x16xi32> to vector<16xi32>
      %and3A = arith.andi %get3A_122, %broadcast_in_dim3A_3 : vector<16xi32>
      %mul3A_123 = arith.constant 16 : i32
      %mul3A_124 = arith.muli %add3A_116, %mul3A_123 : i32
      %swap3A = arith.index_cast %mul3A_124 : i32 to index
      %swap3A_125 = tpu.vector_load %arg6[%swap3A] {strides = array<i32>} : memref<80xi32, #tpu.memory_space<vmem>>, vector<16xi32>,
      %swap3A_126 = vector.shape_cast %swap3A_125 : vector<16xi32> to vector<16xi32>
      %swap3A_127 = vector.shape_cast %and3A : vector<16xi32> to vector<16xi32>
      tpu.vector_store %arg6[%swap3A], %swap3A_127 {strides = array<i32>} : memref<80xi32, #tpu.memory_space<vmem>>, vector<16xi32>,
      %shift_right_logical3A = arith.constant 16 : i32
      %shift_right_logical3A_128 = vector.broadcast %shift_right_logical3A : i32 to vector<16xi32>
      %shift_right_logical3A_129 = arith.shrui %get3A_122, %shift_right_logical3A_128 : vector<16xi32>
      %mul3A_130 = arith.constant 16 : i32
      %mul3A_131 = arith.muli %add3A_116, %mul3A_130 : i32
      %swap3A_132 = arith.index_cast %mul3A_131 : i32 to index
      %swap3A_133 = tpu.vector_load %arg9[%swap3A_132] {strides = array<i32>} : memref<80xi32, #tpu.memory_space<vmem>>, vector<16xi32>,
      %swap3A_134 = vector.shape_cast %swap3A_133 : vector<16xi32> to vector<16xi32>
      %swap3A_135 = vector.shape_cast %shift_right_logical3A_129 : vector<16xi32> to vector<16xi32>
      tpu.vector_store %arg9[%swap3A_132], %swap3A_135 {strides = array<i32>} : memref<80xi32, #tpu.memory_space<vmem>>, vector<16xi32>,
    }
    %scan3A_14 = arith.constant 5 : i32
    %dma_start3A = arith.constant 0 : i32
    %dma_start3A_15 = arith.constant 0 : i32
    %dma_start3A_16 = tpu.memref_slice %arg2[%dma_start3A, %dma_start3A_15] : memref<10000x128xf32, #tpu.memory_space<hbm>> -> memref<10000x128xf32, #tpu.memory_space<hbm>>
    tpu.enqueue_indirect_dma source(%dma_start3A_16 : memref<10000x128xf32, #tpu.memory_space<hbm>>) target(%arg12 : memref<80x128xf32, #tpu.memory_space<vmem>>) offsets(%arg6 : memref<80xi32, #tpu.memory_space<vmem>>) semaphore(%arg16 : memref<!tpu.dma_semaphore, #tpu.memory_space<semaphore_mem>>)
    %scan3A_17 = arith.constant 0 : i32
    %scan3A_18 = arith.constant 5 : i32
    %scan3A_19 = arith.addi %scan3A_17, %scan3A_18 : i32
    %scan3A_20 = arith.constant 1 : i32
    scf.for %scan3A_112 = %scan3A_17 to %scan3A_19 step %scan3A_20  : i32 {
      %mul3A_113 = arith.constant 1 : i32
      %mul3A_114 = arith.muli %scan3A_112, %mul3A_113 : i32
      %add3A_115 = arith.constant 0 : i32
      %add3A_116 = arith.addi %add3A_115, %mul3A_114 : i32
      %mul3A_117 = arith.constant 16 : i32
      %mul3A_118 = arith.muli %add3A_116, %mul3A_117 : i32
      %get3A = arith.constant 1 : i32
      %get3A_119 = arith.index_cast %get3A : i32 to index
      %get3A_120 = arith.index_cast %mul3A_118 : i32 to index
      %get3A_121 = tpu.vector_load %arg5[%get3A_119, %get3A_120] {strides = array<i32>} : memref<125x80xi32, #tpu.memory_space<vmem>>, vector<1x16xi32>,
      %get3A_122 = vector.shape_cast %get3A_121 : vector<1x16xi32> to vector<16xi32>
      %and3A = arith.andi %get3A_122, %broadcast_in_dim3A_3 : vector<16xi32>
      %mul3A_123 = arith.constant 16 : i32
      %mul3A_124 = arith.muli %add3A_116, %mul3A_123 : i32
      %swap3A = arith.index_cast %mul3A_124 : i32 to index
      %swap3A_125 = tpu.vector_load %arg7[%swap3A] {strides = array<i32>} : memref<80xi32, #tpu.memory_space<vmem>>, vector<16xi32>,
      %swap3A_126 = vector.shape_cast %swap3A_125 : vector<16xi32> to vector<16xi32>
      %swap3A_127 = vector.shape_cast %and3A : vector<16xi32> to vector<16xi32>
      tpu.vector_store %arg7[%swap3A], %swap3A_127 {strides = array<i32>} : memref<80xi32, #tpu.memory_space<vmem>>, vector<16xi32>,
      %shift_right_logical3A = arith.constant 16 : i32
      %shift_right_logical3A_128 = vector.broadcast %shift_right_logical3A : i32 to vector<16xi32>
      %shift_right_logical3A_129 = arith.shrui %get3A_122, %shift_right_logical3A_128 : vector<16xi32>
      %mul3A_130 = arith.constant 16 : i32
      %mul3A_131 = arith.muli %add3A_116, %mul3A_130 : i32
      %swap3A_132 = arith.index_cast %mul3A_131 : i32 to index
      %swap3A_133 = tpu.vector_load %arg10[%swap3A_132] {strides = array<i32>} : memref<80xi32, #tpu.memory_space<vmem>>, vector<16xi32>,
      %swap3A_134 = vector.shape_cast %swap3A_133 : vector<16xi32> to vector<16xi32>
      %swap3A_135 = vector.shape_cast %shift_right_logical3A_129 : vector<16xi32> to vector<16xi32>
      tpu.vector_store %arg10[%swap3A_132], %swap3A_135 {strides = array<i32>} : memref<80xi32, #tpu.memory_space<vmem>>, vector<16xi32>,
    }
    %scan3A_21 = arith.constant 5 : i32
    %dma_start3A_22 = arith.constant 0 : i32
    %dma_start3A_23 = arith.constant 0 : i32
    %dma_start3A_24 = tpu.memref_slice %arg2[%dma_start3A_22, %dma_start3A_23] : memref<10000x128xf32, #tpu.memory_space<hbm>> -> memref<10000x128xf32, #tpu.memory_space<hbm>>
    tpu.enqueue_indirect_dma source(%dma_start3A_24 : memref<10000x128xf32, #tpu.memory_space<hbm>>) target(%arg13 : memref<80x128xf32, #tpu.memory_space<vmem>>) offsets(%arg7 : memref<80xi32, #tpu.memory_space<vmem>>) semaphore(%arg17 : memref<!tpu.dma_semaphore, #tpu.memory_space<semaphore_mem>>)
    %scan3A_25 = arith.constant 0 : i32
    %scan3A_26 = arith.constant 7 : i32
    %scan3A_27 = arith.addi %scan3A_25, %scan3A_26 : i32
    %scan3A_28 = arith.constant 1 : i32
    scf.for %scan3A_112 = %scan3A_25 to %scan3A_27 step %scan3A_28  : i32 {
      %mul3A_113 = arith.constant 1 : i32
      %mul3A_114 = arith.muli %scan3A_112, %mul3A_113 : i32
      %add3A_115 = arith.constant 0 : i32
      %add3A_116 = arith.addi %add3A_115, %mul3A_114 : i32
      %mul3A_117 = arith.constant 625 : i32
      %mul3A_118 = arith.muli %arg1, %mul3A_117 : i32
      %mul3A_119 = arith.constant 80 : i32
      %mul3A_120 = arith.muli %add3A_116, %mul3A_119 : i32
      %add3A_121 = arith.addi %mul3A_118, %mul3A_120 : i32
      "tpu.region"() ({
        %run_scoped3A = tpu.sem_alloc : memref<!tpu.dma_semaphore, #tpu.memory_space<semaphore_mem>>
        %dma_start3A_122 = arith.constant 0 : i32
        %dma_start3A_123 = tpu.memref_slice %arg15[%add3A_121, %dma_start3A_122] : memref<10000x128xf32, #tpu.memory_space<vmem_shared>> -> memref<80x128xf32, #tpu.memory_space<vmem_shared>>
        %dma_start3A_124 = arith.constant 0 : i32
        %dma_start3A_125 = tpu.memref_slice %arg15[%add3A_121, %dma_start3A_124] : memref<10000x128xf32, #tpu.memory_space<vmem_shared>> -> memref<80x128xf32, #tpu.memory_space<vmem_shared>>
        tpu.enqueue_dma source(%arg14 : memref<80x128xf32, #tpu.memory_space<vmem>>) target(%dma_start3A_125 : memref<80x128xf32, #tpu.memory_space<vmem_shared>>) target_semaphore(%run_scoped3A : memref<!tpu.dma_semaphore, #tpu.memory_space<semaphore_mem>>)
        %dma_wait3A_126 = arith.constant 0 : i32
        %dma_wait3A_127 = tpu.memref_slice %arg15[%add3A_121, %dma_wait3A_126] : memref<10000x128xf32, #tpu.memory_space<vmem_shared>> -> memref<80x128xf32, #tpu.memory_space<vmem_shared>>
        %dma_wait3A_128 = arith.constant 0 : i32
        %dma_wait3A_129 = tpu.memref_slice %arg15[%add3A_121, %dma_wait3A_128] : memref<10000x128xf32, #tpu.memory_space<vmem_shared>> -> memref<80x128xf32, #tpu.memory_space<vmem_shared>>
        tpu.wait_dma2 semaphore(%run_scoped3A : memref<!tpu.dma_semaphore, #tpu.memory_space<semaphore_mem>>) src(%arg14 : memref<80x128xf32, #tpu.memory_space<vmem>>) dst(%dma_wait3A_129 : memref<80x128xf32, #tpu.memory_space<vmem_shared>>)
        tpu.yield
      }) : () -> ()
    }
    %scan3A_29 = arith.constant 7 : i32
    %mul3A_30 = arith.constant 625 : i32
    %mul3A_31 = arith.muli %arg1, %mul3A_30 : i32
    %add3A_32 = arith.constant 560 : i32
    %add3A_33 = arith.addi %mul3A_31, %add3A_32 : i32
    "tpu.region"() ({
      %run_scoped3A = tpu.sem_alloc : memref<!tpu.dma_semaphore, #tpu.memory_space<semaphore_mem>>
      %dma_start3A_112 = arith.constant 0 : i32
      %dma_start3A_113 = arith.constant 0 : i32
      %dma_start3A_114 = tpu.memref_slice %arg14[%dma_start3A_112, %dma_start3A_113] : memref<80x128xf32, #tpu.memory_space<vmem>> -> memref<65x128xf32, #tpu.memory_space<vmem>>
      %dma_start3A_115 = arith.constant 0 : i32
      %dma_start3A_116 = tpu.memref_slice %arg15[%add3A_33, %dma_start3A_115] : memref<10000x128xf32, #tpu.memory_space<vmem_shared>> -> memref<65x128xf32, #tpu.memory_space<vmem_shared>>
      %dma_start3A_117 = arith.constant 0 : i32
      %dma_start3A_118 = tpu.memref_slice %arg15[%add3A_33, %dma_start3A_117] : memref<10000x128xf32, #tpu.memory_space<vmem_shared>> -> memref<65x128xf32, #tpu.memory_space<vmem_shared>>
      %dma_start3A_119 = arith.constant 0 : i32
      %dma_start3A_120 = arith.constant 0 : i32
      %dma_start3A_121 = tpu.memref_slice %arg14[%dma_start3A_119, %dma_start3A_120] : memref<80x128xf32, #tpu.memory_space<vmem>> -> memref<65x128xf32, #tpu.memory_space<vmem>>
      tpu.enqueue_dma source(%dma_start3A_121 : memref<65x128xf32, #tpu.memory_space<vmem>>) target(%dma_start3A_118 : memref<65x128xf32, #tpu.memory_space<vmem_shared>>) target_semaphore(%run_scoped3A : memref<!tpu.dma_semaphore, #tpu.memory_space<semaphore_mem>>)
      %dma_wait3A_122 = arith.constant 0 : i32
      %dma_wait3A_123 = arith.constant 0 : i32
      %dma_wait3A_124 = tpu.memref_slice %arg14[%dma_wait3A_122, %dma_wait3A_123] : memref<80x128xf32, #tpu.memory_space<vmem>> -> memref<65x128xf32, #tpu.memory_space<vmem>>
      %dma_wait3A_125 = arith.constant 0 : i32
      %dma_wait3A_126 = tpu.memref_slice %arg15[%add3A_33, %dma_wait3A_125] : memref<10000x128xf32, #tpu.memory_space<vmem_shared>> -> memref<65x128xf32, #tpu.memory_space<vmem_shared>>
      %dma_wait3A_127 = arith.constant 0 : i32
      %dma_wait3A_128 = tpu.memref_slice %arg15[%add3A_33, %dma_wait3A_127] : memref<10000x128xf32, #tpu.memory_space<vmem_shared>> -> memref<65x128xf32, #tpu.memory_space<vmem_shared>>
      %dma_wait3A_129 = arith.constant 0 : i32
      %dma_wait3A_130 = arith.constant 0 : i32
      %dma_wait3A_131 = tpu.memref_slice %arg14[%dma_wait3A_129, %dma_wait3A_130] : memref<80x128xf32, #tpu.memory_space<vmem>> -> memref<65x128xf32, #tpu.memory_space<vmem>>
      tpu.wait_dma2 semaphore(%run_scoped3A : memref<!tpu.dma_semaphore, #tpu.memory_space<semaphore_mem>>) src(%dma_wait3A_131 : memref<65x128xf32, #tpu.memory_space<vmem>>) dst(%dma_wait3A_128 : memref<65x128xf32, #tpu.memory_space<vmem_shared>>)
      tpu.yield
    }) : () -> ()
    %barrier3A = arith.constant 0 : index
    tpu.barrier barrier_id(%barrier3A)
    %dma_wait3A = arith.constant 0 : i32
    %dma_wait3A_34 = arith.constant 0 : i32
    %dma_wait3A_35 = tpu.memref_slice %arg2[%dma_wait3A, %dma_wait3A_34] : memref<10000x128xf32, #tpu.memory_space<hbm>> -> memref<10000x128xf32, #tpu.memory_space<hbm>>
    tpu.wait_indirect_dma semaphore(%arg16 : memref<!tpu.dma_semaphore, #tpu.memory_space<semaphore_mem>>) src(%dma_wait3A_35 : memref<10000x128xf32, #tpu.memory_space<hbm>>) dst(%arg12 : memref<80x128xf32, #tpu.memory_space<vmem>>)
    %dma_start3A_36 = arith.constant 0 : i32
    %dma_start3A_37 = arith.constant 0 : i32
    %dma_start3A_38 = tpu.memref_slice %arg15[%dma_start3A_36, %dma_start3A_37] : memref<10000x128xf32, #tpu.memory_space<vmem_shared>> -> memref<10000x128xf32, #tpu.memory_space<vmem_shared>>
    tpu.enqueue_indirect_dma source(%arg12 : memref<80x128xf32, #tpu.memory_space<vmem>>) target(%dma_start3A_38 : memref<10000x128xf32, #tpu.memory_space<vmem_shared>>) offsets(%arg9 : memref<80xi32, #tpu.memory_space<vmem>>) semaphore(%arg19 : memref<!tpu.dma_semaphore, #tpu.memory_space<semaphore_mem>>) {add = true}
    %scan3A_39 = arith.constant 0 : i32
    %scan3A_40 = arith.constant 5 : i32
    %scan3A_41 = arith.addi %scan3A_39, %scan3A_40 : i32
    %scan3A_42 = arith.constant 1 : i32
    scf.for %scan3A_112 = %scan3A_39 to %scan3A_41 step %scan3A_42  : i32 {
      %mul3A_113 = arith.constant 1 : i32
      %mul3A_114 = arith.muli %scan3A_112, %mul3A_113 : i32
      %add3A_115 = arith.constant 0 : i32
      %add3A_116 = arith.addi %add3A_115, %mul3A_114 : i32
      %mul3A_117 = arith.constant 16 : i32
      %mul3A_118 = arith.muli %add3A_116, %mul3A_117 : i32
      %get3A = arith.constant 2 : i32
      %get3A_119 = arith.index_cast %get3A : i32 to index
      %get3A_120 = arith.index_cast %mul3A_118 : i32 to index
      %get3A_121 = tpu.vector_load %arg5[%get3A_119, %get3A_120] {strides = array<i32>} : memref<125x80xi32, #tpu.memory_space<vmem>>, vector<1x16xi32>,
      %get3A_122 = vector.shape_cast %get3A_121 : vector<1x16xi32> to vector<16xi32>
      %and3A = arith.andi %get3A_122, %broadcast_in_dim3A_3 : vector<16xi32>
      %mul3A_123 = arith.constant 16 : i32
      %mul3A_124 = arith.muli %add3A_116, %mul3A_123 : i32
      %swap3A = arith.index_cast %mul3A_124 : i32 to index
      %swap3A_125 = tpu.vector_load %arg8[%swap3A] {strides = array<i32>} : memref<80xi32, #tpu.memory_space<vmem>>, vector<16xi32>,
      %swap3A_126 = vector.shape_cast %swap3A_125 : vector<16xi32> to vector<16xi32>
      %swap3A_127 = vector.shape_cast %and3A : vector<16xi32> to vector<16xi32>
      tpu.vector_store %arg8[%swap3A], %swap3A_127 {strides = array<i32>} : memref<80xi32, #tpu.memory_space<vmem>>, vector<16xi32>,
      %shift_right_logical3A = arith.constant 16 : i32
      %shift_right_logical3A_128 = vector.broadcast %shift_right_logical3A : i32 to vector<16xi32>
      %shift_right_logical3A_129 = arith.shrui %get3A_122, %shift_right_logical3A_128 : vector<16xi32>
      %mul3A_130 = arith.constant 16 : i32
      %mul3A_131 = arith.muli %add3A_116, %mul3A_130 : i32
      %swap3A_132 = arith.index_cast %mul3A_131 : i32 to index
      %swap3A_133 = tpu.vector_load %arg11[%swap3A_132] {strides = array<i32>} : memref<80xi32, #tpu.memory_space<vmem>>, vector<16xi32>,
      %swap3A_134 = vector.shape_cast %swap3A_133 : vector<16xi32> to vector<16xi32>
      %swap3A_135 = vector.shape_cast %shift_right_logical3A_129 : vector<16xi32> to vector<16xi32>
      tpu.vector_store %arg11[%swap3A_132], %swap3A_135 {strides = array<i32>} : memref<80xi32, #tpu.memory_space<vmem>>, vector<16xi32>,
    }
    %scan3A_43 = arith.constant 5 : i32
    %dma_start3A_44 = arith.constant 0 : i32
    %dma_start3A_45 = arith.constant 0 : i32
    %dma_start3A_46 = tpu.memref_slice %arg2[%dma_start3A_44, %dma_start3A_45] : memref<10000x128xf32, #tpu.memory_space<hbm>> -> memref<10000x128xf32, #tpu.memory_space<hbm>>
    tpu.enqueue_indirect_dma source(%dma_start3A_46 : memref<10000x128xf32, #tpu.memory_space<hbm>>) target(%arg14 : memref<80x128xf32, #tpu.memory_space<vmem>>) offsets(%arg8 : memref<80xi32, #tpu.memory_space<vmem>>) semaphore(%arg18 : memref<!tpu.dma_semaphore, #tpu.memory_space<semaphore_mem>>)
    %dma_wait3A_47 = arith.constant 0 : i32
    %dma_wait3A_48 = arith.constant 0 : i32
    %dma_wait3A_49 = tpu.memref_slice %arg2[%dma_wait3A_47, %dma_wait3A_48] : memref<10000x128xf32, #tpu.memory_space<hbm>> -> memref<10000x128xf32, #tpu.memory_space<hbm>>
    tpu.wait_indirect_dma semaphore(%arg17 : memref<!tpu.dma_semaphore, #tpu.memory_space<semaphore_mem>>) src(%dma_wait3A_49 : memref<10000x128xf32, #tpu.memory_space<hbm>>) dst(%arg13 : memref<80x128xf32, #tpu.memory_space<vmem>>)
    %dma_start3A_50 = arith.constant 0 : i32
    %dma_start3A_51 = arith.constant 0 : i32
    %dma_start3A_52 = tpu.memref_slice %arg15[%dma_start3A_50, %dma_start3A_51] : memref<10000x128xf32, #tpu.memory_space<vmem_shared>> -> memref<10000x128xf32, #tpu.memory_space<vmem_shared>>
    tpu.enqueue_indirect_dma source(%arg13 : memref<80x128xf32, #tpu.memory_space<vmem>>) target(%dma_start3A_52 : memref<10000x128xf32, #tpu.memory_space<vmem_shared>>) offsets(%arg10 : memref<80xi32, #tpu.memory_space<vmem>>) semaphore(%arg20 : memref<!tpu.dma_semaphore, #tpu.memory_space<semaphore_mem>>) {add = true}
    %dma_wait3A_53 = arith.constant 0 : i32
    %dma_wait3A_54 = arith.constant 0 : i32
    %dma_wait3A_55 = tpu.memref_slice %arg15[%dma_wait3A_53, %dma_wait3A_54] : memref<10000x128xf32, #tpu.memory_space<vmem_shared>> -> memref<10000x128xf32, #tpu.memory_space<vmem_shared>>
    tpu.wait_indirect_dma semaphore(%arg19 : memref<!tpu.dma_semaphore, #tpu.memory_space<semaphore_mem>>) src(%arg12 : memref<80x128xf32, #tpu.memory_space<vmem>>) dst(%dma_wait3A_55 : memref<10000x128xf32, #tpu.memory_space<vmem_shared>>)
    %scan3A_56 = arith.constant 0 : i32
    %scan3A_57 = arith.constant 5 : i32
    %scan3A_58 = arith.addi %scan3A_56, %scan3A_57 : i32
    %scan3A_59 = arith.constant 1 : i32
    scf.for %scan3A_112 = %scan3A_56 to %scan3A_58 step %scan3A_59  : i32 {
      %mul3A_113 = arith.constant 1 : i32
      %mul3A_114 = arith.muli %scan3A_112, %mul3A_113 : i32
      %add3A_115 = arith.constant 0 : i32
      %add3A_116 = arith.addi %add3A_115, %mul3A_114 : i32
      %mul3A_117 = arith.constant 16 : i32
      %mul3A_118 = arith.muli %add3A_116, %mul3A_117 : i32
      %get3A = arith.constant 3 : i32
      %get3A_119 = arith.index_cast %get3A : i32 to index
      %get3A_120 = arith.index_cast %mul3A_118 : i32 to index
      %get3A_121 = tpu.vector_load %arg5[%get3A_119, %get3A_120] {strides = array<i32>} : memref<125x80xi32, #tpu.memory_space<vmem>>, vector<1x16xi32>,
      %get3A_122 = vector.shape_cast %get3A_121 : vector<1x16xi32> to vector<16xi32>
      %and3A = arith.andi %get3A_122, %broadcast_in_dim3A_3 : vector<16xi32>
      %mul3A_123 = arith.constant 16 : i32
      %mul3A_124 = arith.muli %add3A_116, %mul3A_123 : i32
      %swap3A = arith.index_cast %mul3A_124 : i32 to index
      %swap3A_125 = tpu.vector_load %arg6[%swap3A] {strides = array<i32>} : memref<80xi32, #tpu.memory_space<vmem>>, vector<16xi32>,
      %swap3A_126 = vector.shape_cast %swap3A_125 : vector<16xi32> to vector<16xi32>
      %swap3A_127 = vector.shape_cast %and3A : vector<16xi32> to vector<16xi32>
      tpu.vector_store %arg6[%swap3A], %swap3A_127 {strides = array<i32>} : memref<80xi32, #tpu.memory_space<vmem>>, vector<16xi32>,
      %shift_right_logical3A = arith.constant 16 : i32
      %shift_right_logical3A_128 = vector.broadcast %shift_right_logical3A : i32 to vector<16xi32>
      %shift_right_logical3A_129 = arith.shrui %get3A_122, %shift_right_logical3A_128 : vector<16xi32>
      %mul3A_130 = arith.constant 16 : i32
      %mul3A_131 = arith.muli %add3A_116, %mul3A_130 : i32
      %swap3A_132 = arith.index_cast %mul3A_131 : i32 to index
      %swap3A_133 = tpu.vector_load %arg9[%swap3A_132] {strides = array<i32>} : memref<80xi32, #tpu.memory_space<vmem>>, vector<16xi32>,
      %swap3A_134 = vector.shape_cast %swap3A_133 : vector<16xi32> to vector<16xi32>
      %swap3A_135 = vector.shape_cast %shift_right_logical3A_129 : vector<16xi32> to vector<16xi32>
      tpu.vector_store %arg9[%swap3A_132], %swap3A_135 {strides = array<i32>} : memref<80xi32, #tpu.memory_space<vmem>>, vector<16xi32>,
    }
    %scan3A_60 = arith.constant 5 : i32
    %dma_start3A_61 = arith.constant 0 : i32
    %dma_start3A_62 = arith.constant 0 : i32
    %dma_start3A_63 = tpu.memref_slice %arg2[%dma_start3A_61, %dma_start3A_62] : memref<10000x128xf32, #tpu.memory_space<hbm>> -> memref<10000x128xf32, #tpu.memory_space<hbm>>
    tpu.enqueue_indirect_dma source(%dma_start3A_63 : memref<10000x128xf32, #tpu.memory_space<hbm>>) target(%arg12 : memref<80x128xf32, #tpu.memory_space<vmem>>) offsets(%arg6 : memref<80xi32, #tpu.memory_space<vmem>>) semaphore(%arg16 : memref<!tpu.dma_semaphore, #tpu.memory_space<semaphore_mem>>)
    %dma_wait3A_64 = arith.constant 0 : i32
    %dma_wait3A_65 = arith.constant 0 : i32
    %dma_wait3A_66 = tpu.memref_slice %arg2[%dma_wait3A_64, %dma_wait3A_65] : memref<10000x128xf32, #tpu.memory_space<hbm>> -> memref<10000x128xf32, #tpu.memory_space<hbm>>
    tpu.wait_indirect_dma semaphore(%arg18 : memref<!tpu.dma_semaphore, #tpu.memory_space<semaphore_mem>>) src(%dma_wait3A_66 : memref<10000x128xf32, #tpu.memory_space<hbm>>) dst(%arg14 : memref<80x128xf32, #tpu.memory_space<vmem>>)
    %dma_start3A_67 = arith.constant 0 : i32
    %dma_start3A_68 = arith.constant 0 : i32
    %dma_start3A_69 = tpu.memref_slice %arg15[%dma_start3A_67, %dma_start3A_68] : memref<10000x128xf32, #tpu.memory_space<vmem_shared>> -> memref<10000x128xf32, #tpu.memory_space<vmem_shared>>
    tpu.enqueue_indirect_dma source(%arg14 : memref<80x128xf32, #tpu.memory_space<vmem>>) target(%dma_start3A_69 : memref<10000x128xf32, #tpu.memory_space<vmem_shared>>) offsets(%arg11 : memref<80xi32, #tpu.memory_space<vmem>>) semaphore(%arg21 : memref<!tpu.dma_semaphore, #tpu.memory_space<semaphore_mem>>) {add = true}
    %dma_wait3A_70 = arith.constant 0 : i32
    %dma_wait3A_71 = arith.constant 0 : i32
    %dma_wait3A_72 = tpu.memref_slice %arg15[%dma_wait3A_70, %dma_wait3A_71] : memref<10000x128xf32, #tpu.memory_space<vmem_shared>> -> memref<10000x128xf32, #tpu.memory_space<vmem_shared>>
    tpu.wait_indirect_dma semaphore(%arg20 : memref<!tpu.dma_semaphore, #tpu.memory_space<semaphore_mem>>) src(%arg13 : memref<80x128xf32, #tpu.memory_space<vmem>>) dst(%dma_wait3A_72 : memref<10000x128xf32, #tpu.memory_space<vmem_shared>>)
    %scan3A_73 = arith.constant 0 : i32
    %scan3A_74 = arith.constant 5 : i32
    %scan3A_75 = arith.addi %scan3A_73, %scan3A_74 : i32
    %scan3A_76 = arith.constant 1 : i32
    scf.for %scan3A_112 = %scan3A_73 to %scan3A_75 step %scan3A_76  : i32 {
      %mul3A_113 = arith.constant 1 : i32
      %mul3A_114 = arith.muli %scan3A_112, %mul3A_113 : i32
      %add3A_115 = arith.constant 0 : i32
      %add3A_116 = arith.addi %add3A_115, %mul3A_114 : i32
      %mul3A_117 = arith.constant 16 : i32
      %mul3A_118 = arith.muli %add3A_116, %mul3A_117 : i32
      %get3A = arith.constant 4 : i32
      %get3A_119 = arith.index_cast %get3A : i32 to index
      %get3A_120 = arith.index_cast %mul3A_118 : i32 to index
      %get3A_121 = tpu.vector_load %arg5[%get3A_119, %get3A_120] {strides = array<i32>} : memref<125x80xi32, #tpu.memory_space<vmem>>, vector<1x16xi32>,
      %get3A_122 = vector.shape_cast %get3A_121 : vector<1x16xi32> to vector<16xi32>
      %and3A = arith.andi %get3A_122, %broadcast_in_dim3A_3 : vector<16xi32>
      %mul3A_123 = arith.constant 16 : i32
      %mul3A_124 = arith.muli %add3A_116, %mul3A_123 : i32
      %swap3A = arith.index_cast %mul3A_124 : i32 to index
      %swap3A_125 = tpu.vector_load %arg7[%swap3A] {strides = array<i32>} : memref<80xi32, #tpu.memory_space<vmem>>, vector<16xi32>,
      %swap3A_126 = vector.shape_cast %swap3A_125 : vector<16xi32> to vector<16xi32>
      %swap3A_127 = vector.shape_cast %and3A : vector<16xi32> to vector<16xi32>
      tpu.vector_store %arg7[%swap3A], %swap3A_127 {strides = array<i32>} : memref<80xi32, #tpu.memory_space<vmem>>, vector<16xi32>,
      %shift_right_logical3A = arith.constant 16 : i32
      %shift_right_logical3A_128 = vector.broadcast %shift_right_logical3A : i32 to vector<16xi32>
      %shift_right_logical3A_129 = arith.shrui %get3A_122, %shift_right_logical3A_128 : vector<16xi32>
      %mul3A_130 = arith.constant 16 : i32
      %mul3A_131 = arith.muli %add3A_116, %mul3A_130 : i32
      %swap3A_132 = arith.index_cast %mul3A_131 : i32 to index
      %swap3A_133 = tpu.vector_load %arg10[%swap3A_132] {strides = array<i32>} : memref<80xi32, #tpu.memory_space<vmem>>, vector<16xi32>,
      %swap3A_134 = vector.shape_cast %swap3A_133 : vector<16xi32> to vector<16xi32>
      %swap3A_135 = vector.shape_cast %shift_right_logical3A_129 : vector<16xi32> to vector<16xi32>
      tpu.vector_store %arg10[%swap3A_132], %swap3A_135 {strides = array<i32>} : memref<80xi32, #tpu.memory_space<vmem>>, vector<16xi32>,
    }
    %scan3A_77 = arith.constant 5 : i32
    %dma_start3A_78 = arith.constant 0 : i32
    %dma_start3A_79 = arith.constant 0 : i32
    %dma_start3A_80 = tpu.memref_slice %arg2[%dma_start3A_78, %dma_start3A_79] : memref<10000x128xf32, #tpu.memory_space<hbm>> -> memref<10000x128xf32, #tpu.memory_space<hbm>>
    tpu.enqueue_indirect_dma source(%dma_start3A_80 : memref<10000x128xf32, #tpu.memory_space<hbm>>) target(%arg13 : memref<80x128xf32, #tpu.memory_space<vmem>>) offsets(%arg7 : memref<80xi32, #tpu.memory_space<vmem>>) semaphore(%arg17 : memref<!tpu.dma_semaphore, #tpu.memory_space<semaphore_mem>>)
    %scan3A_81 = arith.constant 0 : i32
    %scan3A_82 = arith.constant 40 : i32
    %scan3A_83 = arith.addi %scan3A_81, %scan3A_82 : i32
    %scan3A_84 = arith.constant 1 : i32
    scf.for %scan3A_112 = %scan3A_81 to %scan3A_83 step %scan3A_84  : i32 {
      %mul3A_113 = arith.constant 1 : i32
      %mul3A_114 = arith.muli %scan3A_112, %mul3A_113 : i32
      %add3A_115 = arith.constant 0 : i32
      %add3A_116 = arith.addi %add3A_115, %mul3A_114 : i32
      %mul3A_117 = arith.constant 3 : i32
      %mul3A_118 = arith.muli %add3A_116, %mul3A_117 : i32
      %add3A_119 = arith.constant 3 : i32
      %add3A_120 = arith.addi %add3A_119, %mul3A_118 : i32
      %add3A_121 = arith.constant 2 : i32
      %add3A_122 = arith.addi %add3A_120, %add3A_121 : i32
      %dma_wait3A_123 = arith.constant 0 : i32
      %dma_wait3A_124 = arith.constant 0 : i32
      %dma_wait3A_125 = tpu.memref_slice %arg2[%dma_wait3A_123, %dma_wait3A_124] : memref<10000x128xf32, #tpu.memory_space<hbm>> -> memref<10000x128xf32, #tpu.memory_space<hbm>>
      tpu.wait_indirect_dma semaphore(%arg16 : memref<!tpu.dma_semaphore, #tpu.memory_space<semaphore_mem>>) src(%dma_wait3A_125 : memref<10000x128xf32, #tpu.memory_space<hbm>>) dst(%arg12 : memref<80x128xf32, #tpu.memory_space<vmem>>)
      %dma_start3A_126 = arith.constant 0 : i32
      %dma_start3A_127 = arith.constant 0 : i32
      %dma_start3A_128 = tpu.memref_slice %arg15[%dma_start3A_126, %dma_start3A_127] : memref<10000x128xf32, #tpu.memory_space<vmem_shared>> -> memref<10000x128xf32, #tpu.memory_space<vmem_shared>>
      tpu.enqueue_indirect_dma source(%arg12 : memref<80x128xf32, #tpu.memory_space<vmem>>) target(%dma_start3A_128 : memref<10000x128xf32, #tpu.memory_space<vmem_shared>>) offsets(%arg9 : memref<80xi32, #tpu.memory_space<vmem>>) semaphore(%arg19 : memref<!tpu.dma_semaphore, #tpu.memory_space<semaphore_mem>>) {add = true}
      %dma_wait3A_129 = arith.constant 0 : i32
      %dma_wait3A_130 = arith.constant 0 : i32
      %dma_wait3A_131 = tpu.memref_slice %arg15[%dma_wait3A_129, %dma_wait3A_130] : memref<10000x128xf32, #tpu.memory_space<vmem_shared>> -> memref<10000x128xf32, #tpu.memory_space<vmem_shared>>
      tpu.wait_indirect_dma semaphore(%arg21 : memref<!tpu.dma_semaphore, #tpu.memory_space<semaphore_mem>>) src(%arg14 : memref<80x128xf32, #tpu.memory_space<vmem>>) dst(%dma_wait3A_131 : memref<10000x128xf32, #tpu.memory_space<vmem_shared>>)
      %scan3A_132 = arith.constant 0 : i32
      %scan3A_133 = arith.constant 5 : i32
      %scan3A_134 = arith.addi %scan3A_132, %scan3A_133 : i32
      %scan3A_135 = arith.constant 1 : i32
      scf.for %scan3A_178 = %scan3A_132 to %scan3A_134 step %scan3A_135  : i32 {
        %mul3A_179 = arith.constant 1 : i32
        %mul3A_180 = arith.muli %scan3A_178, %mul3A_179 : i32
        %add3A_181 = arith.constant 0 : i32
        %add3A_182 = arith.addi %add3A_181, %mul3A_180 : i32
        %mul3A_183 = arith.constant 16 : i32
        %mul3A_184 = arith.muli %add3A_182, %mul3A_183 : i32
        %get3A = arith.index_cast %add3A_122 : i32 to index
        %get3A_185 = arith.index_cast %mul3A_184 : i32 to index
        %get3A_186 = tpu.vector_load %arg5[%get3A, %get3A_185] {strides = array<i32>} : memref<125x80xi32, #tpu.memory_space<vmem>>, vector<1x16xi32>,
        %get3A_187 = vector.shape_cast %get3A_186 : vector<1x16xi32> to vector<16xi32>
        %and3A = arith.andi %get3A_187, %broadcast_in_dim3A_3 : vector<16xi32>
        %mul3A_188 = arith.constant 16 : i32
        %mul3A_189 = arith.muli %add3A_182, %mul3A_188 : i32
        %swap3A = arith.index_cast %mul3A_189 : i32 to index
        %swap3A_190 = tpu.vector_load %arg8[%swap3A] {strides = array<i32>} : memref<80xi32, #tpu.memory_space<vmem>>, vector<16xi32>,
        %swap3A_191 = vector.shape_cast %swap3A_190 : vector<16xi32> to vector<16xi32>
        %swap3A_192 = vector.shape_cast %and3A : vector<16xi32> to vector<16xi32>
        tpu.vector_store %arg8[%swap3A], %swap3A_192 {strides = array<i32>} : memref<80xi32, #tpu.memory_space<vmem>>, vector<16xi32>,
        %shift_right_logical3A = arith.constant 16 : i32
        %shift_right_logical3A_193 = vector.broadcast %shift_right_logical3A : i32 to vector<16xi32>
        %shift_right_logical3A_194 = arith.shrui %get3A_187, %shift_right_logical3A_193 : vector<16xi32>
        %mul3A_195 = arith.constant 16 : i32
        %mul3A_196 = arith.muli %add3A_182, %mul3A_195 : i32
        %swap3A_197 = arith.index_cast %mul3A_196 : i32 to index
        %swap3A_198 = tpu.vector_load %arg11[%swap3A_197] {strides = array<i32>} : memref<80xi32, #tpu.memory_space<vmem>>, vector<16xi32>,
        %swap3A_199 = vector.shape_cast %swap3A_198 : vector<16xi32> to vector<16xi32>
        %swap3A_200 = vector.shape_cast %shift_right_logical3A_194 : vector<16xi32> to vector<16xi32>
        tpu.vector_store %arg11[%swap3A_197], %swap3A_200 {strides = array<i32>} : memref<80xi32, #tpu.memory_space<vmem>>, vector<16xi32>,
      }
      %scan3A_136 = arith.constant 5 : i32
      %dma_start3A_137 = arith.constant 0 : i32
      %dma_start3A_138 = arith.constant 0 : i32
      %dma_start3A_139 = tpu.memref_slice %arg2[%dma_start3A_137, %dma_start3A_138] : memref<10000x128xf32, #tpu.memory_space<hbm>> -> memref<10000x128xf32, #tpu.memory_space<hbm>>
      tpu.enqueue_indirect_dma source(%dma_start3A_139 : memref<10000x128xf32, #tpu.memory_space<hbm>>) target(%arg14 : memref<80x128xf32, #tpu.memory_space<vmem>>) offsets(%arg8 : memref<80xi32, #tpu.memory_space<vmem>>) semaphore(%arg18 : memref<!tpu.dma_semaphore, #tpu.memory_space<semaphore_mem>>)
      %add3A_140 = arith.constant 3 : i32
      %add3A_141 = arith.addi %add3A_120, %add3A_140 : i32
      %dma_wait3A_142 = arith.constant 0 : i32
      %dma_wait3A_143 = arith.constant 0 : i32
      %dma_wait3A_144 = tpu.memref_slice %arg2[%dma_wait3A_142, %dma_wait3A_143] : memref<10000x128xf32, #tpu.memory_space<hbm>> -> memref<10000x128xf32, #tpu.memory_space<hbm>>
      tpu.wait_indirect_dma semaphore(%arg17 : memref<!tpu.dma_semaphore, #tpu.memory_space<semaphore_mem>>) src(%dma_wait3A_144 : memref<10000x128xf32, #tpu.memory_space<hbm>>) dst(%arg13 : memref<80x128xf32, #tpu.memory_space<vmem>>)
      %dma_start3A_145 = arith.constant 0 : i32
      %dma_start3A_146 = arith.constant 0 : i32
      %dma_start3A_147 = tpu.memref_slice %arg15[%dma_start3A_145, %dma_start3A_146] : memref<10000x128xf32, #tpu.memory_space<vmem_shared>> -> memref<10000x128xf32, #tpu.memory_space<vmem_shared>>
      tpu.enqueue_indirect_dma source(%arg13 : memref<80x128xf32, #tpu.memory_space<vmem>>) target(%dma_start3A_147 : memref<10000x128xf32, #tpu.memory_space<vmem_shared>>) offsets(%arg10 : memref<80xi32, #tpu.memory_space<vmem>>) semaphore(%arg20 : memref<!tpu.dma_semaphore, #tpu.memory_space<semaphore_mem>>) {add = true}
      %dma_wait3A_148 = arith.constant 0 : i32
      %dma_wait3A_149 = arith.constant 0 : i32
      %dma_wait3A_150 = tpu.memref_slice %arg15[%dma_wait3A_148, %dma_wait3A_149] : memref<10000x128xf32, #tpu.memory_space<vmem_shared>> -> memref<10000x128xf32, #tpu.memory_space<vmem_shared>>
      tpu.wait_indirect_dma semaphore(%arg19 : memref<!tpu.dma_semaphore, #tpu.memory_space<semaphore_mem>>) src(%arg12 : memref<80x128xf32, #tpu.memory_space<vmem>>) dst(%dma_wait3A_150 : memref<10000x128xf32, #tpu.memory_space<vmem_shared>>)
      %scan3A_151 = arith.constant 0 : i32
      %scan3A_152 = arith.constant 5 : i32
      %scan3A_153 = arith.addi %scan3A_151, %scan3A_152 : i32
      %scan3A_154 = arith.constant 1 : i32
      scf.for %scan3A_178 = %scan3A_151 to %scan3A_153 step %scan3A_154  : i32 {
        %mul3A_179 = arith.constant 1 : i32
        %mul3A_180 = arith.muli %scan3A_178, %mul3A_179 : i32
        %add3A_181 = arith.constant 0 : i32
        %add3A_182 = arith.addi %add3A_181, %mul3A_180 : i32
        %mul3A_183 = arith.constant 16 : i32
        %mul3A_184 = arith.muli %add3A_182, %mul3A_183 : i32
        %get3A = arith.index_cast %add3A_141 : i32 to index
        %get3A_185 = arith.index_cast %mul3A_184 : i32 to index
        %get3A_186 = tpu.vector_load %arg5[%get3A, %get3A_185] {strides = array<i32>} : memref<125x80xi32, #tpu.memory_space<vmem>>, vector<1x16xi32>,
        %get3A_187 = vector.shape_cast %get3A_186 : vector<1x16xi32> to vector<16xi32>
        %and3A = arith.andi %get3A_187, %broadcast_in_dim3A_3 : vector<16xi32>
        %mul3A_188 = arith.constant 16 : i32
        %mul3A_189 = arith.muli %add3A_182, %mul3A_188 : i32
        %swap3A = arith.index_cast %mul3A_189 : i32 to index
        %swap3A_190 = tpu.vector_load %arg6[%swap3A] {strides = array<i32>} : memref<80xi32, #tpu.memory_space<vmem>>, vector<16xi32>,
        %swap3A_191 = vector.shape_cast %swap3A_190 : vector<16xi32> to vector<16xi32>
        %swap3A_192 = vector.shape_cast %and3A : vector<16xi32> to vector<16xi32>
        tpu.vector_store %arg6[%swap3A], %swap3A_192 {strides = array<i32>} : memref<80xi32, #tpu.memory_space<vmem>>, vector<16xi32>,
        %shift_right_logical3A = arith.constant 16 : i32
        %shift_right_logical3A_193 = vector.broadcast %shift_right_logical3A : i32 to vector<16xi32>
        %shift_right_logical3A_194 = arith.shrui %get3A_187, %shift_right_logical3A_193 : vector<16xi32>
        %mul3A_195 = arith.constant 16 : i32
        %mul3A_196 = arith.muli %add3A_182, %mul3A_195 : i32
        %swap3A_197 = arith.index_cast %mul3A_196 : i32 to index
        %swap3A_198 = tpu.vector_load %arg9[%swap3A_197] {strides = array<i32>} : memref<80xi32, #tpu.memory_space<vmem>>, vector<16xi32>,
        %swap3A_199 = vector.shape_cast %swap3A_198 : vector<16xi32> to vector<16xi32>
        %swap3A_200 = vector.shape_cast %shift_right_logical3A_194 : vector<16xi32> to vector<16xi32>
        tpu.vector_store %arg9[%swap3A_197], %swap3A_200 {strides = array<i32>} : memref<80xi32, #tpu.memory_space<vmem>>, vector<16xi32>,
      }
      %scan3A_155 = arith.constant 5 : i32
      %dma_start3A_156 = arith.constant 0 : i32
      %dma_start3A_157 = arith.constant 0 : i32
      %dma_start3A_158 = tpu.memref_slice %arg2[%dma_start3A_156, %dma_start3A_157] : memref<10000x128xf32, #tpu.memory_space<hbm>> -> memref<10000x128xf32, #tpu.memory_space<hbm>>
      tpu.enqueue_indirect_dma source(%dma_start3A_158 : memref<10000x128xf32, #tpu.memory_space<hbm>>) target(%arg12 : memref<80x128xf32, #tpu.memory_space<vmem>>) offsets(%arg6 : memref<80xi32, #tpu.memory_space<vmem>>) semaphore(%arg16 : memref<!tpu.dma_semaphore, #tpu.memory_space<semaphore_mem>>)
      %add3A_159 = arith.constant 4 : i32
      %add3A_160 = arith.addi %add3A_120, %add3A_159 : i32
      %dma_wait3A_161 = arith.constant 0 : i32
      %dma_wait3A_162 = arith.constant 0 : i32
      %dma_wait3A_163 = tpu.memref_slice %arg2[%dma_wait3A_161, %dma_wait3A_162] : memref<10000x128xf32, #tpu.memory_space<hbm>> -> memref<10000x128xf32, #tpu.memory_space<hbm>>
      tpu.wait_indirect_dma semaphore(%arg18 : memref<!tpu.dma_semaphore, #tpu.memory_space<semaphore_mem>>) src(%dma_wait3A_163 : memref<10000x128xf32, #tpu.memory_space<hbm>>) dst(%arg14 : memref<80x128xf32, #tpu.memory_space<vmem>>)
      %dma_start3A_164 = arith.constant 0 : i32
      %dma_start3A_165 = arith.constant 0 : i32
      %dma_start3A_166 = tpu.memref_slice %arg15[%dma_start3A_164, %dma_start3A_165] : memref<10000x128xf32, #tpu.memory_space<vmem_shared>> -> memref<10000x128xf32, #tpu.memory_space<vmem_shared>>
      tpu.enqueue_indirect_dma source(%arg14 : memref<80x128xf32, #tpu.memory_space<vmem>>) target(%dma_start3A_166 : memref<10000x128xf32, #tpu.memory_space<vmem_shared>>) offsets(%arg11 : memref<80xi32, #tpu.memory_space<vmem>>) semaphore(%arg21 : memref<!tpu.dma_semaphore, #tpu.memory_space<semaphore_mem>>) {add = true}
      %dma_wait3A_167 = arith.constant 0 : i32
      %dma_wait3A_168 = arith.constant 0 : i32
      %dma_wait3A_169 = tpu.memref_slice %arg15[%dma_wait3A_167, %dma_wait3A_168] : memref<10000x128xf32, #tpu.memory_space<vmem_shared>> -> memref<10000x128xf32, #tpu.memory_space<vmem_shared>>
      tpu.wait_indirect_dma semaphore(%arg20 : memref<!tpu.dma_semaphore, #tpu.memory_space<semaphore_mem>>) src(%arg13 : memref<80x128xf32, #tpu.memory_space<vmem>>) dst(%dma_wait3A_169 : memref<10000x128xf32, #tpu.memory_space<vmem_shared>>)
      %scan3A_170 = arith.constant 0 : i32
      %scan3A_171 = arith.constant 5 : i32
      %scan3A_172 = arith.addi %scan3A_170, %scan3A_171 : i32
      %scan3A_173 = arith.constant 1 : i32
      scf.for %scan3A_178 = %scan3A_170 to %scan3A_172 step %scan3A_173  : i32 {
        %mul3A_179 = arith.constant 1 : i32
        %mul3A_180 = arith.muli %scan3A_178, %mul3A_179 : i32
        %add3A_181 = arith.constant 0 : i32
        %add3A_182 = arith.addi %add3A_181, %mul3A_180 : i32
        %mul3A_183 = arith.constant 16 : i32
        %mul3A_184 = arith.muli %add3A_182, %mul3A_183 : i32
        %get3A = arith.index_cast %add3A_160 : i32 to index
        %get3A_185 = arith.index_cast %mul3A_184 : i32 to index
        %get3A_186 = tpu.vector_load %arg5[%get3A, %get3A_185] {strides = array<i32>} : memref<125x80xi32, #tpu.memory_space<vmem>>, vector<1x16xi32>,
        %get3A_187 = vector.shape_cast %get3A_186 : vector<1x16xi32> to vector<16xi32>
        %and3A = arith.andi %get3A_187, %broadcast_in_dim3A_3 : vector<16xi32>
        %mul3A_188 = arith.constant 16 : i32
        %mul3A_189 = arith.muli %add3A_182, %mul3A_188 : i32
        %swap3A = arith.index_cast %mul3A_189 : i32 to index
        %swap3A_190 = tpu.vector_load %arg7[%swap3A] {strides = array<i32>} : memref<80xi32, #tpu.memory_space<vmem>>, vector<16xi32>,
        %swap3A_191 = vector.shape_cast %swap3A_190 : vector<16xi32> to vector<16xi32>
        %swap3A_192 = vector.shape_cast %and3A : vector<16xi32> to vector<16xi32>
        tpu.vector_store %arg7[%swap3A], %swap3A_192 {strides = array<i32>} : memref<80xi32, #tpu.memory_space<vmem>>, vector<16xi32>,
        %shift_right_logical3A = arith.constant 16 : i32
        %shift_right_logical3A_193 = vector.broadcast %shift_right_logical3A : i32 to vector<16xi32>
        %shift_right_logical3A_194 = arith.shrui %get3A_187, %shift_right_logical3A_193 : vector<16xi32>
        %mul3A_195 = arith.constant 16 : i32
        %mul3A_196 = arith.muli %add3A_182, %mul3A_195 : i32
        %swap3A_197 = arith.index_cast %mul3A_196 : i32 to index
        %swap3A_198 = tpu.vector_load %arg10[%swap3A_197] {strides = array<i32>} : memref<80xi32, #tpu.memory_space<vmem>>, vector<16xi32>,
        %swap3A_199 = vector.shape_cast %swap3A_198 : vector<16xi32> to vector<16xi32>
        %swap3A_200 = vector.shape_cast %shift_right_logical3A_194 : vector<16xi32> to vector<16xi32>
        tpu.vector_store %arg10[%swap3A_197], %swap3A_200 {strides = array<i32>} : memref<80xi32, #tpu.memory_space<vmem>>, vector<16xi32>,
      }
      %scan3A_174 = arith.constant 5 : i32
      %dma_start3A_175 = arith.constant 0 : i32
      %dma_start3A_176 = arith.constant 0 : i32
      %dma_start3A_177 = tpu.memref_slice %arg2[%dma_start3A_175, %dma_start3A_176] : memref<10000x128xf32, #tpu.memory_space<hbm>> -> memref<10000x128xf32, #tpu.memory_space<hbm>>
      tpu.enqueue_indirect_dma source(%dma_start3A_177 : memref<10000x128xf32, #tpu.memory_space<hbm>>) target(%arg13 : memref<80x128xf32, #tpu.memory_space<vmem>>) offsets(%arg7 : memref<80xi32, #tpu.memory_space<vmem>>) semaphore(%arg17 : memref<!tpu.dma_semaphore, #tpu.memory_space<semaphore_mem>>)
    }
    %scan3A_85 = arith.constant 40 : i32
    %dma_wait3A_86 = arith.constant 0 : i32
    %dma_wait3A_87 = arith.constant 0 : i32
    %dma_wait3A_88 = tpu.memref_slice %arg2[%dma_wait3A_86, %dma_wait3A_87] : memref<10000x128xf32, #tpu.memory_space<hbm>> -> memref<10000x128xf32, #tpu.memory_space<hbm>>
    tpu.wait_indirect_dma semaphore(%arg16 : memref<!tpu.dma_semaphore, #tpu.memory_space<semaphore_mem>>) src(%dma_wait3A_88 : memref<10000x128xf32, #tpu.memory_space<hbm>>) dst(%arg12 : memref<80x128xf32, #tpu.memory_space<vmem>>)
    %dma_start3A_89 = arith.constant 0 : i32
    %dma_start3A_90 = arith.constant 0 : i32
    %dma_start3A_91 = tpu.memref_slice %arg15[%dma_start3A_89, %dma_start3A_90] : memref<10000x128xf32, #tpu.memory_space<vmem_shared>> -> memref<10000x128xf32, #tpu.memory_space<vmem_shared>>
    tpu.enqueue_indirect_dma source(%arg12 : memref<80x128xf32, #tpu.memory_space<vmem>>) target(%dma_start3A_91 : memref<10000x128xf32, #tpu.memory_space<vmem_shared>>) offsets(%arg9 : memref<80xi32, #tpu.memory_space<vmem>>) semaphore(%arg19 : memref<!tpu.dma_semaphore, #tpu.memory_space<semaphore_mem>>) {add = true}
    %dma_wait3A_92 = arith.constant 0 : i32
    %dma_wait3A_93 = arith.constant 0 : i32
    %dma_wait3A_94 = tpu.memref_slice %arg2[%dma_wait3A_92, %dma_wait3A_93] : memref<10000x128xf32, #tpu.memory_space<hbm>> -> memref<10000x128xf32, #tpu.memory_space<hbm>>
    tpu.wait_indirect_dma semaphore(%arg17 : memref<!tpu.dma_semaphore, #tpu.memory_space<semaphore_mem>>) src(%dma_wait3A_94 : memref<10000x128xf32, #tpu.memory_space<hbm>>) dst(%arg13 : memref<80x128xf32, #tpu.memory_space<vmem>>)
    %dma_start3A_95 = arith.constant 0 : i32
    %dma_start3A_96 = arith.constant 0 : i32
    %dma_start3A_97 = tpu.memref_slice %arg15[%dma_start3A_95, %dma_start3A_96] : memref<10000x128xf32, #tpu.memory_space<vmem_shared>> -> memref<10000x128xf32, #tpu.memory_space<vmem_shared>>
    tpu.enqueue_indirect_dma source(%arg13 : memref<80x128xf32, #tpu.memory_space<vmem>>) target(%dma_start3A_97 : memref<10000x128xf32, #tpu.memory_space<vmem_shared>>) offsets(%arg10 : memref<80xi32, #tpu.memory_space<vmem>>) semaphore(%arg20 : memref<!tpu.dma_semaphore, #tpu.memory_space<semaphore_mem>>) {add = true}
    %dma_wait3A_98 = arith.constant 0 : i32
    %dma_wait3A_99 = arith.constant 0 : i32
    %dma_wait3A_100 = tpu.memref_slice %arg15[%dma_wait3A_98, %dma_wait3A_99] : memref<10000x128xf32, #tpu.memory_space<vmem_shared>> -> memref<10000x128xf32, #tpu.memory_space<vmem_shared>>
    tpu.wait_indirect_dma semaphore(%arg21 : memref<!tpu.dma_semaphore, #tpu.memory_space<semaphore_mem>>) src(%arg14 : memref<80x128xf32, #tpu.memory_space<vmem>>) dst(%dma_wait3A_100 : memref<10000x128xf32, #tpu.memory_space<vmem_shared>>)
    %dma_wait3A_101 = arith.constant 0 : i32
    %dma_wait3A_102 = arith.constant 0 : i32
    %dma_wait3A_103 = tpu.memref_slice %arg15[%dma_wait3A_101, %dma_wait3A_102] : memref<10000x128xf32, #tpu.memory_space<vmem_shared>> -> memref<10000x128xf32, #tpu.memory_space<vmem_shared>>
    tpu.wait_indirect_dma semaphore(%arg19 : memref<!tpu.dma_semaphore, #tpu.memory_space<semaphore_mem>>) src(%arg12 : memref<80x128xf32, #tpu.memory_space<vmem>>) dst(%dma_wait3A_103 : memref<10000x128xf32, #tpu.memory_space<vmem_shared>>)
    %dma_wait3A_104 = arith.constant 0 : i32
    %dma_wait3A_105 = arith.constant 0 : i32
    %dma_wait3A_106 = tpu.memref_slice %arg15[%dma_wait3A_104, %dma_wait3A_105] : memref<10000x128xf32, #tpu.memory_space<vmem_shared>> -> memref<10000x128xf32, #tpu.memory_space<vmem_shared>>
    tpu.wait_indirect_dma semaphore(%arg20 : memref<!tpu.dma_semaphore, #tpu.memory_space<semaphore_mem>>) src(%arg13 : memref<80x128xf32, #tpu.memory_space<vmem>>) dst(%dma_wait3A_106 : memref<10000x128xf32, #tpu.memory_space<vmem_shared>>)
    %barrier3A_107 = arith.constant 0 : index
    tpu.barrier barrier_id(%barrier3A_107)
    %mul3A_108 = arith.constant 625 : i32
    %mul3A_109 = arith.muli %arg1, %mul3A_108 : i32
    %mul3A_110 = arith.constant 625 : i32
    %mul3A_111 = arith.muli %arg1, %mul3A_110 : i32
    "tpu.region"() ({
      %run_scoped3A = tpu.sem_alloc : memref<!tpu.dma_semaphore, #tpu.memory_space<semaphore_mem>>
      %dma_start3A_112 = arith.constant 0 : i32
      %dma_start3A_113 = tpu.memref_slice %arg4[%arg0, %mul3A_111, %dma_start3A_112] : memref<2x10000x128xf32, #tpu.memory_space<hbm>> -> memref<1x625x128xf32, #tpu.memory_space<hbm>>
      %dma_start3A_114 = tpu.memref_squeeze %dma_start3A_113 : memref<1x625x128xf32, #tpu.memory_space<hbm>> -> memref<625x128xf32, #tpu.memory_space<hbm>>
      %dma_start3A_115 = arith.constant 0 : i32
      %dma_start3A_116 = tpu.memref_slice %arg15[%mul3A_109, %dma_start3A_115] : memref<10000x128xf32, #tpu.memory_space<vmem_shared>> -> memref<625x128xf32, #tpu.memory_space<vmem_shared>>
      tpu.enqueue_dma source(%dma_start3A_116 : memref<625x128xf32, #tpu.memory_space<vmem_shared>>) target(%dma_start3A_114 : memref<625x128xf32, #tpu.memory_space<hbm>>) target_semaphore(%run_scoped3A : memref<!tpu.dma_semaphore, #tpu.memory_space<semaphore_mem>>)
      %dma_wait3A_117 = arith.constant 0 : i32
      %dma_wait3A_118 = tpu.memref_slice %arg4[%arg0, %mul3A_111, %dma_wait3A_117] : memref<2x10000x128xf32, #tpu.memory_space<hbm>> -> memref<1x625x128xf32, #tpu.memory_space<hbm>>
      %dma_wait3A_119 = tpu.memref_squeeze %dma_wait3A_118 : memref<1x625x128xf32, #tpu.memory_space<hbm>> -> memref<625x128xf32, #tpu.memory_space<hbm>>
      %dma_wait3A_120 = arith.constant 0 : i32
      %dma_wait3A_121 = tpu.memref_slice %arg15[%mul3A_109, %dma_wait3A_120] : memref<10000x128xf32, #tpu.memory_space<vmem_shared>> -> memref<625x128xf32, #tpu.memory_space<vmem_shared>>
      tpu.wait_dma2 semaphore(%run_scoped3A : memref<!tpu.dma_semaphore, #tpu.memory_space<semaphore_mem>>) src(%dma_wait3A_121 : memref<625x128xf32, #tpu.memory_space<vmem_shared>>) dst(%dma_wait3A_119 : memref<625x128xf32, #tpu.memory_space<hbm>>)
      tpu.yield
    }) : () -> ()
    return
  }
}

module attributes {stable_mosaic.version = 14 : i64} {
  func.func @body(%arg0: memref<2x10000x128xf32, #tpu.memory_space<vmem>>, %arg1: memref<2x10000xf32, #tpu.memory_space<vmem>>, %arg2: memref<10000x128xf32, #tpu.memory_space<vmem>>, %arg3: memref<128x256xf32, #tpu.memory_space<vmem>>, %arg4: memref<256xf32, #tpu.memory_space<vmem>>, %arg5: memref<256xf32, #tpu.memory_space<vmem>>, %arg6: memref<256xf32, #tpu.memory_space<vmem>>, %arg7: memref<256x128xf32, #tpu.memory_space<vmem>>, %arg8: memref<128xf32, #tpu.memory_space<vmem>>, %arg9: memref<10000x128xf32, #tpu.memory_space<vmem>>, %arg10: memref<10000x128xf32, #tpu.memory_space<vmem>>, %arg11: memref<10000x1xf32, #tpu.memory_space<vmem>>) attributes {dimension_semantics = [], scalar_prefetch = 0 : i64, scratch_operands = 0 : i64, tpu.core_type = #tpu.core_type<tc>} {
    %get3A = arith.constant 0 : index
    %get3A_0 = arith.constant 0 : index
    %get3A_1 = arith.constant 0 : index
    %get3A_2 = vector.load %arg0[%get3A, %get3A_0, %get3A_1] : memref<2x10000x128xf32, #tpu.memory_space<vmem>>, vector<1x10000x128xf32>
    %get3A_3 = vector.shape_cast %get3A_2 : vector<1x10000x128xf32> to vector<10000x128xf32>
    %get3A_4 = arith.constant 1 : index
    %get3A_5 = arith.constant 0 : index
    %get3A_6 = arith.constant 0 : index
    %get3A_7 = vector.load %arg0[%get3A_4, %get3A_5, %get3A_6] : memref<2x10000x128xf32, #tpu.memory_space<vmem>>, vector<1x10000x128xf32>
    %get3A_8 = vector.shape_cast %get3A_7 : vector<1x10000x128xf32> to vector<10000x128xf32>
    %add3A = arith.addf %get3A_3, %get3A_8 : vector<10000x128xf32>
    %get3A_9 = arith.constant 0 : index
    %get3A_10 = arith.constant 0 : index
    %get3A_11 = vector.load %arg1[%get3A_9, %get3A_10] : memref<2x10000xf32, #tpu.memory_space<vmem>>, vector<1x10000xf32>
    %get3A_12 = vector.shape_cast %get3A_11 : vector<1x10000xf32> to vector<10000xf32>
    %get3A_13 = arith.constant 1 : index
    %get3A_14 = arith.constant 0 : index
    %get3A_15 = vector.load %arg1[%get3A_13, %get3A_14] : memref<2x10000xf32, #tpu.memory_space<vmem>>, vector<1x10000xf32>
    %get3A_16 = vector.shape_cast %get3A_15 : vector<1x10000xf32> to vector<10000xf32>
    %add3A_17 = arith.addf %get3A_12, %get3A_16 : vector<10000xf32>
    %broadcast_in_dim3A = vector.shape_cast %add3A_17 : vector<10000xf32> to vector<10000x1xf32>
    %max3A = arith.constant 1.000000e+00 : f32
    %max3A_18 = vector.broadcast %max3A : f32 to vector<10000x1xf32>
    %max3A_19 = arith.maximumf %broadcast_in_dim3A, %max3A_18 : vector<10000x1xf32>
    %div3A = arith.constant 1.000000e+00 : f32
    %div3A_20 = vector.broadcast %div3A : f32 to vector<10000x1xf32>
    %div3A_21 = arith.divf %div3A_20, %max3A_19 : vector<10000x1xf32>
    %mul3A = vector.broadcast %div3A_21 : vector<10000x1xf32> to vector<10000x128xf32>
    %mul3A_22 = arith.mulf %add3A, %mul3A : vector<10000x128xf32>
    %get3A_23 = arith.constant 0 : index
    %get3A_24 = arith.constant 0 : index
    %get3A_25 = vector.load %arg2[%get3A_23, %get3A_24] : memref<10000x128xf32, #tpu.memory_space<vmem>>, vector<10000x128xf32>
    %add3A_26 = arith.addf %mul3A_22, %get3A_25 : vector<10000x128xf32>
    %get3A_27 = arith.constant 0 : index
    %get3A_28 = arith.constant 0 : index
    %get3A_29 = vector.load %arg3[%get3A_27, %get3A_28] : memref<128x256xf32, #tpu.memory_space<vmem>>, vector<128x256xf32>
    %get3A_30 = arith.constant 0 : index
    %get3A_31 = vector.load %arg4[%get3A_30] : memref<256xf32, #tpu.memory_space<vmem>>, vector<256xf32>
    %get3A_32 = arith.constant 0 : index
    %get3A_33 = vector.load %arg5[%get3A_32] : memref<256xf32, #tpu.memory_space<vmem>>, vector<256xf32>
    %get3A_34 = arith.constant 0 : index
    %get3A_35 = vector.load %arg6[%get3A_34] : memref<256xf32, #tpu.memory_space<vmem>>, vector<256xf32>
    %get3A_36 = arith.constant 0 : index
    %get3A_37 = arith.constant 0 : index
    %get3A_38 = vector.load %arg7[%get3A_36, %get3A_37] : memref<256x128xf32, #tpu.memory_space<vmem>>, vector<256x128xf32>
    %get3A_39 = arith.constant 0 : index
    %get3A_40 = vector.load %arg8[%get3A_39] : memref<128xf32, #tpu.memory_space<vmem>>, vector<128xf32>
    %dot_general3A = arith.constant dense<0.000000e+00> : vector<10000x256xf32>
    %dot_general3A_41 = tpu.matmul %add3A_26, %get3A_29, %dot_general3A {dimension_numbers = #tpu.dot_dimension_numbers<[1], [0], [0], [1], [0, 0, 1, 1], [], []>, transpose_lhs_hint = false} : vector<10000x128xf32>, vector<128x256xf32>, vector<10000x256xf32> -> vector<10000x256xf32>
    %broadcast_in_dim3A_42 = vector.shape_cast %get3A_31 : vector<256xf32> to vector<1x256xf32>
    %add3A_43 = vector.broadcast %broadcast_in_dim3A_42 : vector<1x256xf32> to vector<10000x256xf32>
    %add3A_44 = arith.addf %dot_general3A_41, %add3A_43 : vector<10000x256xf32>
    %reduce_sum3A = arith.constant dense<0.000000e+00> : vector<256xf32>
    %reduce_sum3A_45 = vector.multi_reduction <add>, %add3A_44, %reduce_sum3A [0] : vector<10000x256xf32> to vector<256xf32>
    %broadcast_in_dim3A_46 = vector.shape_cast %reduce_sum3A_45 : vector<256xf32> to vector<1x256xf32>
    %div3A_47 = arith.constant 1.000000e+04 : f32
    %div3A_48 = vector.broadcast %div3A_47 : f32 to vector<1x256xf32>
    %div3A_49 = arith.divf %broadcast_in_dim3A_46, %div3A_48 : vector<1x256xf32>
    %sub3A = vector.broadcast %div3A_49 : vector<1x256xf32> to vector<10000x256xf32>
    %sub3A_50 = arith.subf %add3A_44, %sub3A : vector<10000x256xf32>
    %mul3A_51 = arith.mulf %sub3A_50, %sub3A_50 : vector<10000x256xf32>
    %reduce_sum3A_52 = arith.constant dense<0.000000e+00> : vector<256xf32>
    %reduce_sum3A_53 = vector.multi_reduction <add>, %mul3A_51, %reduce_sum3A_52 [0] : vector<10000x256xf32> to vector<256xf32>
    %broadcast_in_dim3A_54 = vector.shape_cast %reduce_sum3A_53 : vector<256xf32> to vector<1x256xf32>
    %div3A_55 = arith.constant 1.000000e+04 : f32
    %div3A_56 = vector.broadcast %div3A_55 : f32 to vector<1x256xf32>
    %div3A_57 = arith.divf %broadcast_in_dim3A_54, %div3A_56 : vector<1x256xf32>
    %broadcast_in_dim3A_58 = vector.shape_cast %get3A_33 : vector<256xf32> to vector<1x256xf32>
    %mul3A_59 = vector.broadcast %broadcast_in_dim3A_58 : vector<1x256xf32> to vector<10000x256xf32>
    %mul3A_60 = arith.mulf %mul3A_59, %sub3A_50 : vector<10000x256xf32>
    %add3A_61 = arith.constant 9.99999974E-6 : f32
    %add3A_62 = vector.broadcast %add3A_61 : f32 to vector<1x256xf32>
    %add3A_63 = arith.addf %div3A_57, %add3A_62 : vector<1x256xf32>
    %rsqrt3A = math.rsqrt %add3A_63 : vector<1x256xf32>
    %mul3A_64 = vector.broadcast %rsqrt3A : vector<1x256xf32> to vector<10000x256xf32>
    %mul3A_65 = arith.mulf %mul3A_60, %mul3A_64 : vector<10000x256xf32>
    %broadcast_in_dim3A_66 = vector.shape_cast %get3A_35 : vector<256xf32> to vector<1x256xf32>
    %add3A_67 = vector.broadcast %broadcast_in_dim3A_66 : vector<1x256xf32> to vector<10000x256xf32>
    %add3A_68 = arith.addf %mul3A_65, %add3A_67 : vector<10000x256xf32>
    %max3A_69 = arith.constant 0.000000e+00 : f32
    %max3A_70 = vector.broadcast %max3A_69 : f32 to vector<10000x256xf32>
    %max3A_71 = arith.maximumf %add3A_68, %max3A_70 : vector<10000x256xf32>
    %dot_general3A_72 = arith.constant dense<0.000000e+00> : vector<10000x128xf32>
    %dot_general3A_73 = tpu.matmul %max3A_71, %get3A_38, %dot_general3A_72 {dimension_numbers = #tpu.dot_dimension_numbers<[1], [0], [0], [1], [0, 0, 1, 1], [], []>, transpose_lhs_hint = false} : vector<10000x256xf32>, vector<256x128xf32>, vector<10000x128xf32> -> vector<10000x128xf32>
    %broadcast_in_dim3A_74 = vector.shape_cast %get3A_40 : vector<128xf32> to vector<1x128xf32>
    %add3A_75 = vector.broadcast %broadcast_in_dim3A_74 : vector<1x128xf32> to vector<10000x128xf32>
    %add3A_76 = arith.addf %dot_general3A_73, %add3A_75 : vector<10000x128xf32>
    %gt3A = arith.constant 0.000000e+00 : f32
    %gt3A_77 = vector.broadcast %gt3A : f32 to vector<10000x128xf32>
    %gt3A_78 = arith.cmpf ogt, %add3A_76, %gt3A_77 : vector<10000x128xf32>
    %min3A = arith.constant 0.000000e+00 : f32
    %min3A_79 = vector.broadcast %min3A : f32 to vector<10000x128xf32>
    %min3A_80 = arith.minimumf %add3A_76, %min3A_79 : vector<10000x128xf32>
    %exp3A = math.exp %min3A_80 : vector<10000x128xf32>
    %sub3A_81 = arith.constant 1.000000e+00 : f32
    %sub3A_82 = vector.broadcast %sub3A_81 : f32 to vector<10000x128xf32>
    %sub3A_83 = arith.subf %exp3A, %sub3A_82 : vector<10000x128xf32>
    %select_n3A = arith.select %gt3A_78, %add3A_76, %sub3A_83 : vector<10000x128xi1>, vector<10000x128xf32>
    %swap3A = arith.constant 0 : index
    %swap3A_84 = arith.constant 0 : index
    %swap3A_85 = vector.load %arg9[%swap3A, %swap3A_84] : memref<10000x128xf32, #tpu.memory_space<vmem>>, vector<10000x128xf32>
    tpu.vector_store %arg9[%swap3A, %swap3A_84], %select_n3A {strides = array<i32>} : memref<10000x128xf32, #tpu.memory_space<vmem>>, vector<10000x128xf32>,
    %max3A_86 = arith.constant 0.000000e+00 : f32
    %max3A_87 = vector.broadcast %max3A_86 : f32 to vector<10000x128xf32>
    %max3A_88 = arith.maximumf %add3A_76, %max3A_87 : vector<10000x128xf32>
    %add3A_89 = arith.constant 1.000000e-07 : f32
    %add3A_90 = vector.broadcast %add3A_89 : f32 to vector<10000x128xf32>
    %add3A_91 = arith.addf %max3A_88, %add3A_90 : vector<10000x128xf32>
    %swap3A_92 = arith.constant 0 : index
    %swap3A_93 = arith.constant 0 : index
    %swap3A_94 = vector.load %arg10[%swap3A_92, %swap3A_93] : memref<10000x128xf32, #tpu.memory_space<vmem>>, vector<10000x128xf32>
    tpu.vector_store %arg10[%swap3A_92, %swap3A_93], %add3A_91 {strides = array<i32>} : memref<10000x128xf32, #tpu.memory_space<vmem>>, vector<10000x128xf32>,
    %swap3A_95 = arith.constant 0 : index
    %swap3A_96 = arith.constant 0 : index
    %swap3A_97 = vector.load %arg11[%swap3A_95, %swap3A_96] : memref<10000x1xf32, #tpu.memory_space<vmem>>, vector<10000x1xf32>
    tpu.vector_store %arg11[%swap3A_95, %swap3A_96], %div3A_21 {strides = array<i32>} : memref<10000x1xf32, #tpu.memory_space<vmem>>, vector<10000x1xf32>,
    return
  }
}

module attributes {stable_mosaic.version = 14 : i64} {
  func.func @body(%arg0: memref<10000x128xf32, #tpu.memory_space<vmem>>, %arg1: memref<10000x128xf32, #tpu.memory_space<vmem>>) attributes {dimension_semantics = [], scalar_prefetch = 0 : i64, scratch_operands = 0 : i64, tpu.core_type = #tpu.core_type<tc>} {
    %get3A = arith.constant 0 : index
    %get3A_0 = arith.constant 0 : index
    %get3A_1 = vector.load %arg0[%get3A, %get3A_0] : memref<10000x128xf32, #tpu.memory_space<vmem>>, vector<10000x128xf32>
    %max3A = arith.constant 0.000000e+00 : f32
    %max3A_2 = vector.broadcast %max3A : f32 to vector<10000x128xf32>
    %max3A_3 = arith.maximumf %get3A_1, %max3A_2 : vector<10000x128xf32>
    %add3A = arith.constant 1.000000e-07 : f32
    %add3A_4 = vector.broadcast %add3A : f32 to vector<10000x128xf32>
    %add3A_5 = arith.addf %max3A_3, %add3A_4 : vector<10000x128xf32>
    %swap3A = arith.constant 0 : index
    %swap3A_6 = arith.constant 0 : index
    %swap3A_7 = vector.load %arg1[%swap3A, %swap3A_6] : memref<10000x128xf32, #tpu.memory_space<vmem>>, vector<10000x128xf32>
    tpu.vector_store %arg1[%swap3A, %swap3A_6], %add3A_5 {strides = array<i32>} : memref<10000x128xf32, #tpu.memory_space<vmem>>, vector<10000x128xf32>,
    return
  }
}

module attributes {stable_mosaic.version = 14 : i64} {
  func.func @body(%arg0: memref<2x10000x128xf32, #tpu.memory_space<vmem>>, %arg1: memref<10000x128xf32, #tpu.memory_space<vmem>>, %arg2: memref<10000x1xf32, #tpu.memory_space<vmem>>, %arg3: memref<128x256xf32, #tpu.memory_space<vmem>>, %arg4: memref<256xf32, #tpu.memory_space<vmem>>, %arg5: memref<256xf32, #tpu.memory_space<vmem>>, %arg6: memref<256xf32, #tpu.memory_space<vmem>>, %arg7: memref<256x128xf32, #tpu.memory_space<vmem>>, %arg8: memref<128xf32, #tpu.memory_space<vmem>>, %arg9: memref<10000x128xf32, #tpu.memory_space<vmem>>, %arg10: memref<10000x128xf32, #tpu.memory_space<vmem>>) attributes {dimension_semantics = [], scalar_prefetch = 0 : i64, scratch_operands = 0 : i64, tpu.core_type = #tpu.core_type<tc>} {
    %get3A = arith.constant 0 : index
    %get3A_0 = arith.constant 0 : index
    %get3A_1 = arith.constant 0 : index
    %get3A_2 = vector.load %arg0[%get3A, %get3A_0, %get3A_1] : memref<2x10000x128xf32, #tpu.memory_space<vmem>>, vector<1x10000x128xf32>
    %get3A_3 = vector.shape_cast %get3A_2 : vector<1x10000x128xf32> to vector<10000x128xf32>
    %get3A_4 = arith.constant 1 : index
    %get3A_5 = arith.constant 0 : index
    %get3A_6 = arith.constant 0 : index
    %get3A_7 = vector.load %arg0[%get3A_4, %get3A_5, %get3A_6] : memref<2x10000x128xf32, #tpu.memory_space<vmem>>, vector<1x10000x128xf32>
    %get3A_8 = vector.shape_cast %get3A_7 : vector<1x10000x128xf32> to vector<10000x128xf32>
    %add3A = arith.addf %get3A_3, %get3A_8 : vector<10000x128xf32>
    %get3A_9 = arith.constant 0 : index
    %get3A_10 = arith.constant 0 : index
    %get3A_11 = vector.load %arg2[%get3A_9, %get3A_10] : memref<10000x1xf32, #tpu.memory_space<vmem>>, vector<10000x1xf32>
    %mul3A = vector.broadcast %get3A_11 : vector<10000x1xf32> to vector<10000x128xf32>
    %mul3A_12 = arith.mulf %add3A, %mul3A : vector<10000x128xf32>
    %get3A_13 = arith.constant 0 : index
    %get3A_14 = arith.constant 0 : index
    %get3A_15 = vector.load %arg1[%get3A_13, %get3A_14] : memref<10000x128xf32, #tpu.memory_space<vmem>>, vector<10000x128xf32>
    %add3A_16 = arith.addf %mul3A_12, %get3A_15 : vector<10000x128xf32>
    %get3A_17 = arith.constant 0 : index
    %get3A_18 = arith.constant 0 : index
    %get3A_19 = vector.load %arg3[%get3A_17, %get3A_18] : memref<128x256xf32, #tpu.memory_space<vmem>>, vector<128x256xf32>
    %get3A_20 = arith.constant 0 : index
    %get3A_21 = vector.load %arg4[%get3A_20] : memref<256xf32, #tpu.memory_space<vmem>>, vector<256xf32>
    %get3A_22 = arith.constant 0 : index
    %get3A_23 = vector.load %arg5[%get3A_22] : memref<256xf32, #tpu.memory_space<vmem>>, vector<256xf32>
    %get3A_24 = arith.constant 0 : index
    %get3A_25 = vector.load %arg6[%get3A_24] : memref<256xf32, #tpu.memory_space<vmem>>, vector<256xf32>
    %get3A_26 = arith.constant 0 : index
    %get3A_27 = arith.constant 0 : index
    %get3A_28 = vector.load %arg7[%get3A_26, %get3A_27] : memref<256x128xf32, #tpu.memory_space<vmem>>, vector<256x128xf32>
    %get3A_29 = arith.constant 0 : index
    %get3A_30 = vector.load %arg8[%get3A_29] : memref<128xf32, #tpu.memory_space<vmem>>, vector<128xf32>
    %dot_general3A = arith.constant dense<0.000000e+00> : vector<10000x256xf32>
    %dot_general3A_31 = tpu.matmul %add3A_16, %get3A_19, %dot_general3A {dimension_numbers = #tpu.dot_dimension_numbers<[1], [0], [0], [1], [0, 0, 1, 1], [], []>, transpose_lhs_hint = false} : vector<10000x128xf32>, vector<128x256xf32>, vector<10000x256xf32> -> vector<10000x256xf32>
    %broadcast_in_dim3A = vector.shape_cast %get3A_21 : vector<256xf32> to vector<1x256xf32>
    %add3A_32 = vector.broadcast %broadcast_in_dim3A : vector<1x256xf32> to vector<10000x256xf32>
    %add3A_33 = arith.addf %dot_general3A_31, %add3A_32 : vector<10000x256xf32>
    %reduce_sum3A = arith.constant dense<0.000000e+00> : vector<256xf32>
    %reduce_sum3A_34 = vector.multi_reduction <add>, %add3A_33, %reduce_sum3A [0] : vector<10000x256xf32> to vector<256xf32>
    %broadcast_in_dim3A_35 = vector.shape_cast %reduce_sum3A_34 : vector<256xf32> to vector<1x256xf32>
    %div3A = arith.constant 1.000000e+04 : f32
    %div3A_36 = vector.broadcast %div3A : f32 to vector<1x256xf32>
    %div3A_37 = arith.divf %broadcast_in_dim3A_35, %div3A_36 : vector<1x256xf32>
    %sub3A = vector.broadcast %div3A_37 : vector<1x256xf32> to vector<10000x256xf32>
    %sub3A_38 = arith.subf %add3A_33, %sub3A : vector<10000x256xf32>
    %mul3A_39 = arith.mulf %sub3A_38, %sub3A_38 : vector<10000x256xf32>
    %reduce_sum3A_40 = arith.constant dense<0.000000e+00> : vector<256xf32>
    %reduce_sum3A_41 = vector.multi_reduction <add>, %mul3A_39, %reduce_sum3A_40 [0] : vector<10000x256xf32> to vector<256xf32>
    %broadcast_in_dim3A_42 = vector.shape_cast %reduce_sum3A_41 : vector<256xf32> to vector<1x256xf32>
    %div3A_43 = arith.constant 1.000000e+04 : f32
    %div3A_44 = vector.broadcast %div3A_43 : f32 to vector<1x256xf32>
    %div3A_45 = arith.divf %broadcast_in_dim3A_42, %div3A_44 : vector<1x256xf32>
    %broadcast_in_dim3A_46 = vector.shape_cast %get3A_23 : vector<256xf32> to vector<1x256xf32>
    %mul3A_47 = vector.broadcast %broadcast_in_dim3A_46 : vector<1x256xf32> to vector<10000x256xf32>
    %mul3A_48 = arith.mulf %mul3A_47, %sub3A_38 : vector<10000x256xf32>
    %add3A_49 = arith.constant 9.99999974E-6 : f32
    %add3A_50 = vector.broadcast %add3A_49 : f32 to vector<1x256xf32>
    %add3A_51 = arith.addf %div3A_45, %add3A_50 : vector<1x256xf32>
    %rsqrt3A = math.rsqrt %add3A_51 : vector<1x256xf32>
    %mul3A_52 = vector.broadcast %rsqrt3A : vector<1x256xf32> to vector<10000x256xf32>
    %mul3A_53 = arith.mulf %mul3A_48, %mul3A_52 : vector<10000x256xf32>
    %broadcast_in_dim3A_54 = vector.shape_cast %get3A_25 : vector<256xf32> to vector<1x256xf32>
    %add3A_55 = vector.broadcast %broadcast_in_dim3A_54 : vector<1x256xf32> to vector<10000x256xf32>
    %add3A_56 = arith.addf %mul3A_53, %add3A_55 : vector<10000x256xf32>
    %max3A = arith.constant 0.000000e+00 : f32
    %max3A_57 = vector.broadcast %max3A : f32 to vector<10000x256xf32>
    %max3A_58 = arith.maximumf %add3A_56, %max3A_57 : vector<10000x256xf32>
    %dot_general3A_59 = arith.constant dense<0.000000e+00> : vector<10000x128xf32>
    %dot_general3A_60 = tpu.matmul %max3A_58, %get3A_28, %dot_general3A_59 {dimension_numbers = #tpu.dot_dimension_numbers<[1], [0], [0], [1], [0, 0, 1, 1], [], []>, transpose_lhs_hint = false} : vector<10000x256xf32>, vector<256x128xf32>, vector<10000x128xf32> -> vector<10000x128xf32>
    %broadcast_in_dim3A_61 = vector.shape_cast %get3A_30 : vector<128xf32> to vector<1x128xf32>
    %add3A_62 = vector.broadcast %broadcast_in_dim3A_61 : vector<1x128xf32> to vector<10000x128xf32>
    %add3A_63 = arith.addf %dot_general3A_60, %add3A_62 : vector<10000x128xf32>
    %gt3A = arith.constant 0.000000e+00 : f32
    %gt3A_64 = vector.broadcast %gt3A : f32 to vector<10000x128xf32>
    %gt3A_65 = arith.cmpf ogt, %add3A_63, %gt3A_64 : vector<10000x128xf32>
    %min3A = arith.constant 0.000000e+00 : f32
    %min3A_66 = vector.broadcast %min3A : f32 to vector<10000x128xf32>
    %min3A_67 = arith.minimumf %add3A_63, %min3A_66 : vector<10000x128xf32>
    %exp3A = math.exp %min3A_67 : vector<10000x128xf32>
    %sub3A_68 = arith.constant 1.000000e+00 : f32
    %sub3A_69 = vector.broadcast %sub3A_68 : f32 to vector<10000x128xf32>
    %sub3A_70 = arith.subf %exp3A, %sub3A_69 : vector<10000x128xf32>
    %select_n3A = arith.select %gt3A_65, %add3A_63, %sub3A_70 : vector<10000x128xi1>, vector<10000x128xf32>
    %swap3A = arith.constant 0 : index
    %swap3A_71 = arith.constant 0 : index
    %swap3A_72 = vector.load %arg9[%swap3A, %swap3A_71] : memref<10000x128xf32, #tpu.memory_space<vmem>>, vector<10000x128xf32>
    tpu.vector_store %arg9[%swap3A, %swap3A_71], %select_n3A {strides = array<i32>} : memref<10000x128xf32, #tpu.memory_space<vmem>>, vector<10000x128xf32>,
    %max3A_73 = arith.constant 0.000000e+00 : f32
    %max3A_74 = vector.broadcast %max3A_73 : f32 to vector<10000x128xf32>
    %max3A_75 = arith.maximumf %add3A_63, %max3A_74 : vector<10000x128xf32>
    %add3A_76 = arith.constant 1.000000e-07 : f32
    %add3A_77 = vector.broadcast %add3A_76 : f32 to vector<10000x128xf32>
    %add3A_78 = arith.addf %max3A_75, %add3A_77 : vector<10000x128xf32>
    %swap3A_79 = arith.constant 0 : index
    %swap3A_80 = arith.constant 0 : index
    %swap3A_81 = vector.load %arg10[%swap3A_79, %swap3A_80] : memref<10000x128xf32, #tpu.memory_space<vmem>>, vector<10000x128xf32>
    tpu.vector_store %arg10[%swap3A_79, %swap3A_80], %add3A_78 {strides = array<i32>} : memref<10000x128xf32, #tpu.memory_space<vmem>>, vector<10000x128xf32>,
    return
  }
}

module attributes {stable_mosaic.version = 14 : i64} {
  func.func @body(%arg0: memref<2x10000x128xf32, #tpu.memory_space<vmem>>, %arg1: memref<10000x128xf32, #tpu.memory_space<vmem>>, %arg2: memref<10000x1xf32, #tpu.memory_space<vmem>>, %arg3: memref<128x256xf32, #tpu.memory_space<vmem>>, %arg4: memref<256xf32, #tpu.memory_space<vmem>>, %arg5: memref<256xf32, #tpu.memory_space<vmem>>, %arg6: memref<256xf32, #tpu.memory_space<vmem>>, %arg7: memref<256x128xf32, #tpu.memory_space<vmem>>, %arg8: memref<128xf32, #tpu.memory_space<vmem>>, %arg9: memref<10000x128xf32, #tpu.memory_space<vmem>>) attributes {dimension_semantics = [], scalar_prefetch = 0 : i64, scratch_operands = 0 : i64, tpu.core_type = #tpu.core_type<tc>} {
    %get3A = arith.constant 0 : index
    %get3A_0 = arith.constant 0 : index
    %get3A_1 = arith.constant 0 : index
    %get3A_2 = vector.load %arg0[%get3A, %get3A_0, %get3A_1] : memref<2x10000x128xf32, #tpu.memory_space<vmem>>, vector<1x10000x128xf32>
    %get3A_3 = vector.shape_cast %get3A_2 : vector<1x10000x128xf32> to vector<10000x128xf32>
    %get3A_4 = arith.constant 1 : index
    %get3A_5 = arith.constant 0 : index
    %get3A_6 = arith.constant 0 : index
    %get3A_7 = vector.load %arg0[%get3A_4, %get3A_5, %get3A_6] : memref<2x10000x128xf32, #tpu.memory_space<vmem>>, vector<1x10000x128xf32>
    %get3A_8 = vector.shape_cast %get3A_7 : vector<1x10000x128xf32> to vector<10000x128xf32>
    %add3A = arith.addf %get3A_3, %get3A_8 : vector<10000x128xf32>
    %get3A_9 = arith.constant 0 : index
    %get3A_10 = arith.constant 0 : index
    %get3A_11 = vector.load %arg2[%get3A_9, %get3A_10] : memref<10000x1xf32, #tpu.memory_space<vmem>>, vector<10000x1xf32>
    %mul3A = vector.broadcast %get3A_11 : vector<10000x1xf32> to vector<10000x128xf32>
    %mul3A_12 = arith.mulf %add3A, %mul3A : vector<10000x128xf32>
    %get3A_13 = arith.constant 0 : index
    %get3A_14 = arith.constant 0 : index
    %get3A_15 = vector.load %arg1[%get3A_13, %get3A_14] : memref<10000x128xf32, #tpu.memory_space<vmem>>, vector<10000x128xf32>
    %add3A_16 = arith.addf %mul3A_12, %get3A_15 : vector<10000x128xf32>
    %get3A_17 = arith.constant 0 : index
    %get3A_18 = arith.constant 0 : index
    %get3A_19 = vector.load %arg3[%get3A_17, %get3A_18] : memref<128x256xf32, #tpu.memory_space<vmem>>, vector<128x256xf32>
    %get3A_20 = arith.constant 0 : index
    %get3A_21 = vector.load %arg4[%get3A_20] : memref<256xf32, #tpu.memory_space<vmem>>, vector<256xf32>
    %get3A_22 = arith.constant 0 : index
    %get3A_23 = vector.load %arg5[%get3A_22] : memref<256xf32, #tpu.memory_space<vmem>>, vector<256xf32>
    %get3A_24 = arith.constant 0 : index
    %get3A_25 = vector.load %arg6[%get3A_24] : memref<256xf32, #tpu.memory_space<vmem>>, vector<256xf32>
    %get3A_26 = arith.constant 0 : index
    %get3A_27 = arith.constant 0 : index
    %get3A_28 = vector.load %arg7[%get3A_26, %get3A_27] : memref<256x128xf32, #tpu.memory_space<vmem>>, vector<256x128xf32>
    %get3A_29 = arith.constant 0 : index
    %get3A_30 = vector.load %arg8[%get3A_29] : memref<128xf32, #tpu.memory_space<vmem>>, vector<128xf32>
    %dot_general3A = arith.constant dense<0.000000e+00> : vector<10000x256xf32>
    %dot_general3A_31 = tpu.matmul %add3A_16, %get3A_19, %dot_general3A {dimension_numbers = #tpu.dot_dimension_numbers<[1], [0], [0], [1], [0, 0, 1, 1], [], []>, transpose_lhs_hint = false} : vector<10000x128xf32>, vector<128x256xf32>, vector<10000x256xf32> -> vector<10000x256xf32>
    %broadcast_in_dim3A = vector.shape_cast %get3A_21 : vector<256xf32> to vector<1x256xf32>
    %add3A_32 = vector.broadcast %broadcast_in_dim3A : vector<1x256xf32> to vector<10000x256xf32>
    %add3A_33 = arith.addf %dot_general3A_31, %add3A_32 : vector<10000x256xf32>
    %reduce_sum3A = arith.constant dense<0.000000e+00> : vector<256xf32>
    %reduce_sum3A_34 = vector.multi_reduction <add>, %add3A_33, %reduce_sum3A [0] : vector<10000x256xf32> to vector<256xf32>
    %broadcast_in_dim3A_35 = vector.shape_cast %reduce_sum3A_34 : vector<256xf32> to vector<1x256xf32>
    %div3A = arith.constant 1.000000e+04 : f32
    %div3A_36 = vector.broadcast %div3A : f32 to vector<1x256xf32>
    %div3A_37 = arith.divf %broadcast_in_dim3A_35, %div3A_36 : vector<1x256xf32>
    %sub3A = vector.broadcast %div3A_37 : vector<1x256xf32> to vector<10000x256xf32>
    %sub3A_38 = arith.subf %add3A_33, %sub3A : vector<10000x256xf32>
    %mul3A_39 = arith.mulf %sub3A_38, %sub3A_38 : vector<10000x256xf32>
    %reduce_sum3A_40 = arith.constant dense<0.000000e+00> : vector<256xf32>
    %reduce_sum3A_41 = vector.multi_reduction <add>, %mul3A_39, %reduce_sum3A_40 [0] : vector<10000x256xf32> to vector<256xf32>
    %broadcast_in_dim3A_42 = vector.shape_cast %reduce_sum3A_41 : vector<256xf32> to vector<1x256xf32>
    %div3A_43 = arith.constant 1.000000e+04 : f32
    %div3A_44 = vector.broadcast %div3A_43 : f32 to vector<1x256xf32>
    %div3A_45 = arith.divf %broadcast_in_dim3A_42, %div3A_44 : vector<1x256xf32>
    %broadcast_in_dim3A_46 = vector.shape_cast %get3A_23 : vector<256xf32> to vector<1x256xf32>
    %mul3A_47 = vector.broadcast %broadcast_in_dim3A_46 : vector<1x256xf32> to vector<10000x256xf32>
    %mul3A_48 = arith.mulf %mul3A_47, %sub3A_38 : vector<10000x256xf32>
    %add3A_49 = arith.constant 9.99999974E-6 : f32
    %add3A_50 = vector.broadcast %add3A_49 : f32 to vector<1x256xf32>
    %add3A_51 = arith.addf %div3A_45, %add3A_50 : vector<1x256xf32>
    %rsqrt3A = math.rsqrt %add3A_51 : vector<1x256xf32>
    %mul3A_52 = vector.broadcast %rsqrt3A : vector<1x256xf32> to vector<10000x256xf32>
    %mul3A_53 = arith.mulf %mul3A_48, %mul3A_52 : vector<10000x256xf32>
    %broadcast_in_dim3A_54 = vector.shape_cast %get3A_25 : vector<256xf32> to vector<1x256xf32>
    %add3A_55 = vector.broadcast %broadcast_in_dim3A_54 : vector<1x256xf32> to vector<10000x256xf32>
    %add3A_56 = arith.addf %mul3A_53, %add3A_55 : vector<10000x256xf32>
    %max3A = arith.constant 0.000000e+00 : f32
    %max3A_57 = vector.broadcast %max3A : f32 to vector<10000x256xf32>
    %max3A_58 = arith.maximumf %add3A_56, %max3A_57 : vector<10000x256xf32>
    %dot_general3A_59 = arith.constant dense<0.000000e+00> : vector<10000x128xf32>
    %dot_general3A_60 = tpu.matmul %max3A_58, %get3A_28, %dot_general3A_59 {dimension_numbers = #tpu.dot_dimension_numbers<[1], [0], [0], [1], [0, 0, 1, 1], [], []>, transpose_lhs_hint = false} : vector<10000x256xf32>, vector<256x128xf32>, vector<10000x128xf32> -> vector<10000x128xf32>
    %broadcast_in_dim3A_61 = vector.shape_cast %get3A_30 : vector<128xf32> to vector<1x128xf32>
    %add3A_62 = vector.broadcast %broadcast_in_dim3A_61 : vector<1x128xf32> to vector<10000x128xf32>
    %add3A_63 = arith.addf %dot_general3A_60, %add3A_62 : vector<10000x128xf32>
    %swap3A = arith.constant 0 : index
    %swap3A_64 = arith.constant 0 : index
    %swap3A_65 = vector.load %arg9[%swap3A, %swap3A_64] : memref<10000x128xf32, #tpu.memory_space<vmem>>, vector<10000x128xf32>
    tpu.vector_store %arg9[%swap3A, %swap3A_64], %add3A_63 {strides = array<i32>} : memref<10000x128xf32, #tpu.memory_space<vmem>>, vector<10000x128xf32>,
    return
  }
}

</mosaic_0001>

<sc_bundles>
// kernel: kernel.12.cloned.1.call-start
scs
__scs_entry_jumppad:
0x0: {  	(pc) =	sbr.rel $0x88, $3  }
0x1: {  	(tag) =	ssettag $0x0;
	lr =	simm.s32 $0x1  }
0x2: {  	[smem:$0x3F8D] =	sst lr;
	_ =	strace $0xD0000000  }
0x3: {  	_ = 	snop  }
0x4: {  	_ = 	snop  }
0x5: {  	_ = 	snop  }
0x6: {  	_ = 	snop  }
0x7: {  	_ = 	snop  }
__scs_overlays_trampoline_lowered:
0x8: {  	[smem:$0x3F9C] =	sst s0  }
0x9: {  	[smem:$0x3F9D] =	sst s1  }
0xa: {  	[smem:$0x3F9E] =	sst s2  }
0xb: {  	[smem:$0x3F9F] =	sst s3  }
0xc: {  	[smem:$0x3FA0] =	sst s4  }
0xd: {  	[smem:$0x3FA1] =	sst s5  }
0xe: {  	[smem:$0x3FA2] =	sst s6  }
0xf: {  	[smem:$0x3FA3] =	sst s7  }
0x10: {  	[smem:$0x3FA4] =	sst s8  }
0x11: {  	[smem:$0x3FA5] =	sst s9;
	s0 =	simm.s32 @!p0 $0x0  }
0x12: {  	s1 =	sld [smem:$0x3F8B];
	s0 =	simm.s32 @p0 $0x1  }
0x13: {  	[smem:$0x3FA6] =	sst s0;
	s0 =	simm.s32 @!p1 $0x0  }
0x14: {  	s2 =	sld [smem:$0x3F8A];
	s0 =	simm.s32 @p1 $0x1  }
0x15: {  	[smem:$0x3FA7] =	sst s0;
	s0 =	simm.s32 @!p2 $0x0  }
0x16: {  	s3 =	sld [smem:$0x3FDB];
	s0 =	simm.s32 @p2 $0x1  }
0x17: {  	s4 =	simm.s32 $0x1BF5;
	[smem:$0x3FA9] =	sst s0  }
0x18: {  	s0 =	sld [smem:$0x3F8C];
	_ =	swait.ge [sflag:s4], $0x0  }
0x19: {  	s7 =	sld [smem:$0x3F8D]  }
0x1a: {  	s8 =	sadd.s32 $0xFFFFE003, lr  }
0x1b: {  	s9 =	sadd.s32 $0xFFFFFEF7, lr;
	s5 =	simm.s32 $0xFFFFFFFF;
	p2 =	slt.u32 s8, $0xFFFFF086  }
0x1c: {  	p1 =	slt.u32 s9, $0xF7A;
	s5 =	simm.s32 @!p2 $0x0  }
0x1d: {  	s5 =	simm.s32 @p1 $0x1;
	p0 =	seq.s32 s7, s2  }
0x1e: {  	s7 =	smul.u32 @!p0 $0xF7A, s2;
	p2 =	seq.s32 @!p0 s5, $0x0  }
0x1f: {  	s9 =	smul.u32 $0xF7A, s1;
	s8 =	simm.s32 @!p0 $0x1BF5;
	p2 =	por !p2, p0  }
0x20: {  	[sflag:s8] =	ssyncset.s32 @!p0 $0xFFFFF086;
	s6 =	sadd.s32 @!p0 s3, s7;
	s7 =	simm.s32 @!p0 $0x108  }
0x21: {  	s3 =	sadd.s32 s3, s9;
	s6 =	sadd.s32 @!p0 $0x88, s6;
	s7 =	simm.s32 @p2 $0x1082  }
0x22: {  	[simem:s7], [sflag:s8] =	dma.local @!p0 [hbm:s6], $0xF7A  }
0x23: {  	s9 =	sor.u32 $0xD0000000, s2;
	s6 =	simm.s32 $0x108;
	_ =	swait.ge @!p0 [sflag:s8], $0x0  }
0x24: {  	s3 =	sadd.s32 $0x88, s3;
	s6 =	simm.s32 @!p1 $0x1082;
	[sflag:s4] =	ssyncset.s32 $0xFFFFF086  }
0x25: {  	[simem:s6], [sflag:s4] =	dma.local [hbm:s3], $0xF7A  }
0x26: {  	[smem:$0x3F8D] =	sst s1;
	(tag) =	ssettag s2;
	_ =	strace s9  }
0x27: {  	s1 =	sld [smem:$0x3F9D]  }
0x28: {  	s2 =	sld [smem:$0x3F9E]  }
0x29: {  	s4 =	sld [smem:$0x3FA0]  }
0x2a: {  	p0 =	seq.s32 s5, $0x0;
	s5 =	sld [smem:$0x3FA1]  }
0x2b: {  	s6 =	sld [smem:$0x3FA2]  }
0x2c: {  	s7 =	sld [smem:$0x3FA3]  }
0x2d: {  	s3 =	simm.s32 $0x108;
	s8 =	sld [smem:$0x3FA4]  }
0x2e: {  	s3 =	simm.s32 @!p0 $0x1082;
	s9 =	sld [smem:$0x3FA5]  }
0x2f: {  	lr =	sadd.s32 s0, s3;
	s0 =	sld [smem:$0x3F9C]  }
0x30: {  	s3 =	sld [smem:$0x3F9F]  }
0x31: {  	[smem:$0x3FA8] =	sst s10  }
0x32: {  	s10 =	sld [smem:$0x3FA6];
	_ =	sdelay $0x3  }
0x33: {  	p0 =	seq.s32 s10, $0x1;
	s10 =	sld [smem:$0x3FA8];
	_ =	sdelay $0x3  }
0x34: {  	[smem:$0x3FA8] =	sst s10  }
0x35: {  	s10 =	sld [smem:$0x3FA7];
	_ =	sdelay $0x3  }
0x36: {  	p1 =	seq.s32 s10, $0x1;
	s10 =	sld [smem:$0x3FA8];
	_ =	sdelay $0x3  }
0x37: {  	[smem:$0x3FA8] =	sst s10  }
0x38: {  	s10 =	sld [smem:$0x3FA9]  }
0x39: {  	_ = 	snop;
	(pc) =	sbr.ind lr, $3  }
0x3a: {  	_ = 	snop  }
0x3b: {  	_ = 	snop  }
0x3c: {  	p2 =	seq.s32 s10, $0x1;
	s10 =	sld [smem:$0x3FA8]  }
0x3d: {  	_ =	shalt  }
0x3e: {  	_ =	shalt  }
0x3f: {  	_ =	shalt  }
0x40: {  	_ =	shalt  }
0x41: {  	_ =	shalt  }
0x42: {  	_ =	shalt  }
0x43: {  	_ =	shalt  }
0x44: {  	_ =	shalt  }
0x45: {  	_ =	shalt  }
0x46: {  	_ =	shalt  }
0x47: {  	_ =	shalt  }
0x48: {  	_ =	shalt  }
0x49: {  	_ =	shalt  }
0x4a: {  	_ =	shalt  }
0x4b: {  	_ =	shalt  }
0x4c: {  	_ =	shalt  }
0x4d: {  	_ =	shalt  }
0x4e: {  	_ =	shalt  }
0x4f: {  	_ =	shalt  }
0x50: {  	_ =	shalt  }
0x51: {  	_ =	shalt  }
0x52: {  	_ =	shalt  }
0x53: {  	_ =	shalt  }
0x54: {  	_ =	shalt  }
0x55: {  	_ =	shalt  }
0x56: {  	_ =	shalt  }
0x57: {  	_ =	shalt  }
0x58: {  	_ =	shalt  }
0x59: {  	_ =	shalt  }
0x5a: {  	_ =	shalt  }
0x5b: {  	_ =	shalt  }
0x5c: {  	_ =	shalt  }
0x5d: {  	_ =	shalt  }
0x5e: {  	_ =	shalt  }
0x5f: {  	_ =	shalt  }
0x60: {  	_ =	shalt  }
0x61: {  	_ =	shalt  }
0x62: {  	_ =	shalt  }
0x63: {  	_ =	shalt  }
0x64: {  	_ =	shalt  }
0x65: {  	_ =	shalt  }
0x66: {  	_ =	shalt  }
0x67: {  	_ =	shalt  }
0x68: {  	_ =	shalt  }
0x69: {  	_ =	shalt  }
0x6a: {  	_ =	shalt  }
0x6b: {  	_ =	shalt  }
0x6c: {  	_ =	shalt  }
0x6d: {  	_ =	shalt  }
0x6e: {  	_ =	shalt  }
0x6f: {  	_ =	shalt  }
0x70: {  	_ =	shalt  }
0x71: {  	_ =	shalt  }
0x72: {  	_ =	shalt  }
0x73: {  	_ =	shalt  }
0x74: {  	_ =	shalt  }
0x75: {  	_ =	shalt  }
0x76: {  	_ =	shalt  }
0x77: {  	_ =	shalt  }
0x78: {  	_ =	shalt  }
0x79: {  	_ =	shalt  }
0x7a: {  	_ =	shalt  }
0x7b: {  	_ =	shalt  }
0x7c: {  	_ =	shalt  }
0x7d: {  	_ =	shalt  }
0x7e: {  	_ =	shalt  }
0x7f: {  	_ =	shalt  }
0x80: {  	_ =	shalt  }
0x81: {  	_ =	shalt  }
0x82: {  	_ =	shalt  }
0x83: {  	_ =	shalt  }
0x84: {  	_ =	shalt  }
0x85: {  	_ =	shalt  }
0x86: {  	_ =	shalt  }
0x87: {  	_ =	shalt  }
.Lfunc_end0:
.L_simem_size_0:
called_computation.1_lowered:
.L_overlay_start_0:
0x88: {  	s2 =	sld [smem:$0x3FD9]  }
0x89: {  	s3 =	sld [smem:$0x3FFE];
	_ =	sdelay $0x1  }
0x8a: {  	s1 =	srdreg.scid  }
0x8b: {  	s0 =	sand.u32 $0x1, s1  }
0x8c: {  	s17 =	sshll.u32 s0, $0xA;
	s2 =	sadd.s32 s3, s2  }
0x8d: {  	s2 =	sadd.s32 s2, s17  }
0x8e: {  	[smem:$0x3FB4] =	sst s2  }
0x8f: {  	_ = 	snop  }
0x90: {  	s2 =	sld [smem:$0x3FD0];
	(tm) =	ssettm $0x1  }
0x91: {  	s18 =	sld [smem:$0x3FFB];
	_ =	sdelay $0x3  }
0x92: {  	_ =	strace s18  }
0x93: {  	s3 =	sld [smem:$0x3FFC];
	_ =	sdelay $0x3  }
0x94: {  	_ =	strace s3  }
0x95: {  	s3 =	sld [smem:$0x3FFD];
	_ =	sdelay $0x3  }
0x96: {  	_ =	strace s3  }
0x97: {  	_ =	strace $0x8FFFFFFF  }
0x98: {  	s19 =	sld [smem:$0x3FDB];
	_ =	sdelay $0x1  }
0x99: {  	s4 =	simm.s32 $_scs_section_size  }
0x9a: {  	s5 =	simm.s32 $_size__tile_overlayer_lowered;
	s6 =	simm.s32 $_tile_overlayer_lowered  }
0x9b: {  	s22 =	simm.s32 $0x1BFF;
	s21 =	sshll.u32 s6, $0x1;
	s3 =	sadd.s32 s4, s19  }
0x9c: {  	s7 =	simm.s32 $0x0;
	s20 =	sshll.u32 s5, $0x1;
	s5 =	sadd.s32 s21, s3  }
0x9d: {  	[timem:s7], [sflag:s22] =	dma.local [hbm:s5], s20  }
0x9e: {  	_ =	swait.ge [sflag:s22], s20  }
0x9f: {  	s4 =	ssub.s32 $0x0, s20;
	[sflag:s22] =	ssyncset.done $0x0  }
0xa0: {  	[sflag:s22] =	ssyncadd.s32 s4;
	_ =	sdelay $0x1  }
0xa1: {  	s23 =	simm.s32 $0x1B8B  }
0xa2: {  	_ =	swait.ge [sflag:s23], $0x1  }
0xa3: {  	[sflag:s23] =	ssyncset.done $0x0  }
0xa4: {  	s25 =	simm.s32 $0x1B8E;
	s24 =	sld [smem:$0x3FFE];
	[sflag:s23] =	ssyncadd.s32 $0xFFFFFFFF  }
0xa5: {  	s26 =	simm.s32 $execute0_lowered;
	[smem:$0x3FD2] =	sst s25  }
0xa6: {  	s5 =	sshll.u32 s26, $0x1;
	_ =	strace $0x80000049;
	[dreg:$0x1] =	wrdreg $0xFFFFFFFF  }
0xa7: {  	s28 =	simm.s32 $_size_execute0_lowered;
	s3 =	sadd.s32 s3, s5;
	[dreg:$0x0] =	wrdreg $0x0  }
0xa8: {  	s5 =	sshll.u32 s28, $0x1;
	[dreg:$0x2] =	wrdreg s3  }
0xa9: {  	[dreg:$0x3] =	wrdreg s5  }
0xaa: {  	[dreg:$0x4] =	wrdreg $0xC0  }
0xab: {  	_ =	task [dreg:s7], $0x5FFFF  }
0xac: {  	[dreg:$0x1] =	wrdreg $0xFFFFFFFF  }
0xad: {  	[dreg:$0x0] =	wrdreg $0x60  }
0xae: {  	[dreg:$0x2] =	wrdreg s2  }
0xaf: {  	[dreg:$0x3] =	wrdreg s24  }
0xb0: {  	[dreg:$0x4] =	wrdreg $0xA0F00  }
0xb1: {  	[dreg:$0x5] =	wrdreg $0x9  }
0xb2: {  	_ =	task.clear_ibuf [dreg:s7], $0x6FFFF;
	_ =	strace $0x90000049  }
0xb3: {  	s29 =	simm.s32 $0x9;
	_ =	strace $0x8000004B  }
0xb4: {  	_ =	swait.ge [sflag:s29], $0x1  }
0xb5: {  	[sflag:s29] =	ssyncadd.s32 $0xFFFFFFFF  }
0xb6: {  	_ =	strace $0x9000004B  }
0xb7: {  	_ =	sfence  }
0xb8: {  	s30 =	sld [smem:$0x0];
	_ =	sdelay $0x2  }
0xb9: {  	s31 =	sshll.u32 s1, $0xD;
	s1 =	sshrl.u32 s1, $0x2  }
0xba: {  	s3 =	sand.u32 $0x4000, s31;
	s1 =	sadd.s32 s1, s30  }
0xbb: {  	s0 =	sor.u32 s3, s0;
	s1 =	sshll.u32 s1, $0x11  }
0xbc: {  	s0 =	sor.u32 s1, s0  }
0xbd: {  	s0 =	sadd.s32 $0x8F2B, s0  }
0xbe: {  	[sflag:s0] =	ssyncadd.remote.s32 $0x1  }
0xbf: {  	_ =	sfence.sel $0xFFFF  }
0xc0: {  	[dreg:$0x0] =	wrdreg $0xFFFFFFFF;
	(pc) =	sbr.abs _section_cstart, $3  }
0xc1: {  	[dreg:$0x1] =	wrdreg $0xFFFFFFFF  }
0xc2: {  	_ =	task.clear_ibuf [dreg:s7], $0x2FFFF;
	_ =	strace $0x9FFFFFFF  }
0xc3: {  	(tm) =	ssettm $0x7FFFFFFF  }
tec
execute0_lowered:
.L_overlay_start_1:
0x0: {  	(tag) =	ssettag $0x1  }
0x1: {  	s2 =	rddreg [dreg:$0x0]  }
0x2: {  	s0 =	srdreg.scid;
	s5 =	rddreg [dreg:$0x1]  }
0x3: {  	s8 =	stileid.u32;
	s3 =	rddreg [dreg:$0x2];
	s4 =	simm.s32 $0x0  }
0x4: {  	s16 =	simm.s32 $0x7;
	s17 =	simm.s32 $0x50;
	s18 =	simm.s32 $0x2710  }
0x5: {  	s19 =	simm.s32 $0x28F0;
	s20 =	simm.s32 $0x2760;
	s21 =	simm.s32 $0x50F0  }
0x6: {  	s22 =	simm.s32 $0x78F0;
	s23 =	simm.s32 $0x1;
	s28 =	simm.s32 $0x2  }
0x7: {  	s29 =	simm.s32 $0x2850;
	s30 =	simm.s32 $0x4;
	s31 =	simm.s32 $0x3  }
0x8: {  	s0 =	sand.u32 $0x1, s0;
	s7 =	smul.u32 $0x13880, s8;
	[smem:$0x7FF] =	sst s4  }
0x9: {  	s1 =	sshll.u32 s0, $0x4;
	s6 =	smul.u32 $0x138800, s0;
	_ =	strace $0x8000004A  }
0xa: {  	s0 =	ssub.s32 $0x2, s0;
	s1 =	sor.u32 s8, s1;
	s8 =	smul.u32 $0x4E200, s8  }
0xb: {  	s9 =	sshrl.u32 s0, $0x1;
	s1 =	smul.u32 $0x4E2, s1;
	s6 =	sadd.s32 s7, s6  }
0xc: {  	s26 =	sadd.s32 s7, s3;
	s0 =	ssub.s32 s0, s9;
	s6 =	sshrl.u32 s6, $0x3  }
0xd: {  	s8 =	sshrl.u32 s8, $0x2;
	s0 =	smax.u32 s0, $0x1;
	s1 =	sadd.s32 s1, s5  }
0xe: {  	s6 =	sadd.s32 s6, s5;
	s5 =	sadd.s32 s8, s3;
	[dreg:$0x7] =	wrdreg s0  }
0xf: {  	s0 =	simm.s32 $0x5;
	s1 =	sadd.s32 $0x3E00, s1;
	s24 =	sadd.s32 $0x11800, s5  }
0x10: {  	s25 =	sadd.s32 $0xDC00, s6;
	s10 =	sadd.s32 $0x2800, s5;
	s11 =	sadd.s32 $0x5000, s5  }
0x11: {  	s12 =	sadd.s32 $0x7800, s5;
	s13 =	sadd.s32 $0xA000, s5;
	[dreg:$0x4] =	wrdreg s1  }
0x12: {  	s14 =	sadd.s32 $0xC800, s5;
	s15 =	sadd.s32 $0xF000, s5;
	[dreg:$0x5] =	wrdreg s24  }
0x13: {  	s6 =	simm.s32 $0x6;
	[dreg:$0x6] =	wrdreg s25;
	s24 =	simm.s32 $0x2800  }
0x14: {  	v0 =	vimm.f32 $0.0e+00;
	s25 =	sshrl.u32 s26, $0x3;
	s26 =	simm.s32 $0x27B0;
	s1 =	simm.s32 $0x28A0  }
.LBB2_1:
0x15: {  	s7 =	simm.s32 $0x70;
	s8 =	simm.s32 $0x3C0  }
.LBB2_2:
0x16: {  	p0 =	sne.s32 s8, $0x9FC0;
	[tilespmem:s7+$0x78F0] =	vst v0  }
0x17: {  	[tilespmem:s7+$0x7880] =	vst v0  }
0x18: {  	[tilespmem:s7+$0x7890] =	vst v0  }
.Ltmp0:
0x19: {  	[tilespmem:s7+$0x78A0] =	vst v0;
	(pc) =	sbr.rel @p0 .LBB2_2-.Ltmp0, $4  }
0x1a: {  	[tilespmem:s7+$0x78B0] =	vst v0  }
0x1b: {  	[tilespmem:s7+$0x78C0] =	vst v0  }
0x1c: {  	[tilespmem:s7+$0x78D0] =	vst v0  }
0x1d: {  	[tilespmem:s7+$0x78E0] =	vst v0;
	s7 =	sshra.s32 s8, $0x2;
	s8 =	sadd.s32 $0x200, s8  }
0x1e: {  	[tilespmem:s7+$0x78F0] =	vst v0  }
0x1f: {  	[tilespmem:s7+$0x7880] =	vst v0  }
0x20: {  	[tilespmem:s7+$0x7890] =	vst v0  }
0x21: {  	[tilespmem:s7+$0x78A0] =	vst v0  }
0x22: {  	[tilespmem:s7+$0x78B0] =	vst v0  }
0x23: {  	[tilespmem:s7+$0x78C0] =	vst v0  }
0x24: {  	[tilespmem:s7+$0x78D0] =	vst v0  }
0x25: {  	[tilespmem:s7+$0x78E0] =	vst v0;
	s9 =	simm.s32 $0x0;
	s8 =	rddreg [dreg:$0x4]  }
0x26: {  	[tilespmem:s9], [sflag:$0x7] =	stream.linear.gather [hbm4b:s8+s9], $0x2710, $0x38;
	[tilespmem:$0x1D970] =	vst v63  }
0x27: {  	_ =	swait.ge [sflag:s16], $0x2710  }
0x28: {  	[sflag:s16] =	ssyncset.done $0x0  }
0x29: {  	[sflag:s16] =	ssyncadd.s32 $0xFFFFD8F0  }
0x2a: {  	v1 =	vld [tilespmem:$0x0];
	_ =	sdelay $0x1  }
0x2b: {  	v2 =	vld [tilespmem:$0x10];
	_ =	sdelay $0x1  }
0x2c: {  	v3 =	vld [tilespmem:$0x20]  }
0x2d: {  	v4 =	vand.u32 $0xFFFF, v1  }
0x2e: {  	v55 =	vld [tilespmem:$0x30];
	v1 =	vshrl.u32 v1, $0x10;
	[tilespmem:$0x2710] =	vst v4  }
0x2f: {  	[tilespmem:$0x2800] =	vst v1;
	v1 =	vand.u32 $0xFFFF, v2  }
0x30: {  	[tilespmem:$0x2720] =	vst v1;
	v1 =	vshrl.u32 v2, $0x10;
	v2 =	vld [tilespmem:$0x40]  }
0x31: {  	[tilespmem:$0x2810] =	vst v1;
	v1 =	vand.u32 $0xFFFF, v3  }
0x32: {  	[tilespmem:$0x2730] =	vst v1;
	v1 =	vshrl.u32 v3, $0x10  }
0x33: {  	[tilespmem:$0x2820] =	vst v1;
	v1 =	vand.u32 $0xFFFF, v55  }
0x34: {  	[tilespmem:$0x2740] =	vst v1;
	v1 =	vshrl.u32 v55, $0x10  }
0x35: {  	[tilespmem:$0x2830] =	vst v1;
	v1 =	vand.u32 $0xFFFF, v2  }
0x36: {  	[tilespmem:$0x2750] =	vst v1;
	v1 =	vshrl.u32 v2, $0x10  }
0x37: {  	[tilespmem:$0x2840] =	vst v1  }
0x38: {  	[tilespmem:s19], [sflag:$0x1] =	stream.indirect.gather [hbm4b:s2+s17], $0x80, s18, s17, $0xb8;
	[tilespmem:$0x1D970] =	vst v63  }
0x39: {  	v1 =	vld [tilespmem:$0x50];
	_ =	sdelay $0x1  }
0x3a: {  	v2 =	vld [tilespmem:$0x60];
	_ =	sdelay $0x1  }
0x3b: {  	v3 =	vld [tilespmem:$0x70]  }
0x3c: {  	v56 =	vand.u32 $0xFFFF, v1  }
0x3d: {  	v57 =	vld [tilespmem:$0x80];
	v1 =	vshrl.u32 v1, $0x10;
	[tilespmem:$0x2760] =	vst v56  }
0x3e: {  	[tilespmem:$0x2850] =	vst v1;
	v1 =	vand.u32 $0xFFFF, v2  }
0x3f: {  	[tilespmem:$0x2770] =	vst v1;
	v1 =	vshrl.u32 v2, $0x10;
	v2 =	vld [tilespmem:$0x90]  }
0x40: {  	[tilespmem:$0x2860] =	vst v1;
	v1 =	vand.u32 $0xFFFF, v3  }
0x41: {  	[tilespmem:$0x2780] =	vst v1;
	v1 =	vshrl.u32 v3, $0x10  }
0x42: {  	[tilespmem:$0x2870] =	vst v1;
	v1 =	vand.u32 $0xFFFF, v57  }
0x43: {  	[tilespmem:$0x2790] =	vst v1;
	v1 =	vshrl.u32 v57, $0x10  }
0x44: {  	[tilespmem:$0x2880] =	vst v1;
	v1 =	vand.u32 $0xFFFF, v2  }
0x45: {  	[tilespmem:$0x27A0] =	vst v1;
	v1 =	vshrl.u32 v2, $0x10  }
0x46: {  	[tilespmem:$0x2890] =	vst v1  }
0x47: {  	[tilespmem:s21], [sflag:$0x2] =	stream.indirect.gather [hbm4b:s2+s17], $0x80, s20, s17, $0xb8;
	[tilespmem:$0x1D970] =	vst v63  }
0x48: {  	_ = 	snop  }
0x49: {  	[spmem:s5] =	stream.linear.scatter [tilespmem:s22], [sflag:$0x7], $0x2800, $0x38;
	[tilespmem:$0x1D970] =	vst v63  }
0x4a: {  	_ =	swait.ge [sflag:s16], $0x2800  }
0x4b: {  	[sflag:s16] =	ssyncset.done $0x0  }
0x4c: {  	[sflag:s16] =	ssyncadd.s32 $0xFFFFD800  }
0x4d: {  	[spmem:s10] =	stream.linear.scatter [tilespmem:s22], [sflag:$0x7], $0x2800, $0x38;
	[tilespmem:$0x1D970] =	vst v63  }
0x4e: {  	_ =	swait.ge [sflag:s16], $0x2800  }
0x4f: {  	[sflag:s16] =	ssyncset.done $0x0  }
0x50: {  	[sflag:s16] =	ssyncadd.s32 $0xFFFFD800  }
0x51: {  	[spmem:s11] =	stream.linear.scatter [tilespmem:s22], [sflag:$0x7], $0x2800, $0x38;
	[tilespmem:$0x1D970] =	vst v63  }
0x52: {  	_ =	swait.ge [sflag:s16], $0x2800  }
0x53: {  	[sflag:s16] =	ssyncset.done $0x0  }
0x54: {  	[sflag:s16] =	ssyncadd.s32 $0xFFFFD800  }
0x55: {  	[spmem:s12] =	stream.linear.scatter [tilespmem:s22], [sflag:$0x7], $0x2800, $0x38;
	[tilespmem:$0x1D970] =	vst v63  }
0x56: {  	_ =	swait.ge [sflag:s16], $0x2800  }
0x57: {  	[sflag:s16] =	ssyncset.done $0x0  }
0x58: {  	[sflag:s16] =	ssyncadd.s32 $0xFFFFD800  }
0x59: {  	[spmem:s13] =	stream.linear.scatter [tilespmem:s22], [sflag:$0x7], $0x2800, $0x38;
	[tilespmem:$0x1D970] =	vst v63  }
0x5a: {  	_ =	swait.ge [sflag:s16], $0x2800  }
0x5b: {  	[sflag:s16] =	ssyncset.done $0x0  }
0x5c: {  	[sflag:s16] =	ssyncadd.s32 $0xFFFFD800  }
0x5d: {  	[spmem:s14] =	stream.linear.scatter [tilespmem:s22], [sflag:$0x7], $0x2800, $0x38;
	[tilespmem:$0x1D970] =	vst v63  }
0x5e: {  	_ =	swait.ge [sflag:s16], $0x2800  }
0x5f: {  	[sflag:s16] =	ssyncset.done $0x0  }
0x60: {  	[sflag:s16] =	ssyncadd.s32 $0xFFFFD800  }
0x61: {  	[spmem:s15] =	stream.linear.scatter [tilespmem:s22], [sflag:$0x7], $0x2800, $0x38;
	[tilespmem:$0x1D970] =	vst v63  }
0x62: {  	_ =	swait.ge [sflag:s16], $0x2800  }
0x63: {  	[sflag:s16] =	ssyncset.done $0x0  }
0x64: {  	s9 =	rddreg [dreg:$0x5];
	[sflag:s16] =	ssyncadd.s32 $0xFFFFD800  }
0x65: {  	[spmem:s9] =	stream.linear.scatter [tilespmem:s22], [sflag:$0x7], $0x2080, $0x38;
	[tilespmem:$0x1D970] =	vst v63  }
0x66: {  	_ =	swait.ge [sflag:s16], $0x2080  }
0x67: {  	[sflag:s16] =	ssyncset.done $0x0  }
0x68: {  	[sflag:s16] =	ssyncadd.s32 $0xFFFFDF80  }
0x69: {  	[bflag:$0x0] =	sbarrier.arrive $0xFFFF  }
0x6a: {  	_ =	swait.ge [sflag:s23], $0x2800  }
0x6b: {  	[sflag:s23] =	ssyncset.done $0x0  }
0x6c: {  	[sflag:s23] =	ssyncadd.s32 $0xFFFFD800  }
0x6d: {  	[spmem:s3] =	stream.indirect.scatter.add.f32 [tilespmem:s19], [sflag:$0x4], $0x80, s24, s17, $0xb8;
	[tilespmem:$0x1D970] =	vst v63  }
0x6e: {  	v1 =	vld [tilespmem:$0xA0];
	_ =	sdelay $0x1  }
0x6f: {  	v2 =	vld [tilespmem:$0xB0];
	_ =	sdelay $0x1  }
0x70: {  	v3 =	vld [tilespmem:$0xC0]  }
0x71: {  	v58 =	vand.u32 $0xFFFF, v1  }
0x72: {  	v59 =	vld [tilespmem:$0xD0];
	v1 =	vshrl.u32 v1, $0x10;
	[tilespmem:$0x27B0] =	vst v58  }
0x73: {  	[tilespmem:$0x28A0] =	vst v1;
	v1 =	vand.u32 $0xFFFF, v2  }
0x74: {  	[tilespmem:$0x27C0] =	vst v1;
	v1 =	vshrl.u32 v2, $0x10;
	v2 =	vld [tilespmem:$0xE0]  }
0x75: {  	[tilespmem:$0x28B0] =	vst v1;
	v1 =	vand.u32 $0xFFFF, v3  }
0x76: {  	[tilespmem:$0x27D0] =	vst v1;
	v1 =	vshrl.u32 v3, $0x10  }
0x77: {  	[tilespmem:$0x28C0] =	vst v1;
	v1 =	vand.u32 $0xFFFF, v59  }
0x78: {  	[tilespmem:$0x27E0] =	vst v1;
	v1 =	vshrl.u32 v59, $0x10  }
0x79: {  	[tilespmem:$0x28D0] =	vst v1;
	v1 =	vand.u32 $0xFFFF, v2  }
0x7a: {  	[tilespmem:$0x27F0] =	vst v1;
	v1 =	vshrl.u32 v2, $0x10  }
0x7b: {  	[tilespmem:$0x28E0] =	vst v1  }
0x7c: {  	[tilespmem:s22], [sflag:$0x3] =	stream.indirect.gather [hbm4b:s2+s17], $0x80, s26, s17, $0xb8;
	[tilespmem:$0x1D970] =	vst v63  }
0x7d: {  	_ =	swait.ge [sflag:s28], $0x2800  }
0x7e: {  	[sflag:s28] =	ssyncset.done $0x0  }
0x7f: {  	[sflag:s28] =	ssyncadd.s32 $0xFFFFD800  }
0x80: {  	[spmem:s3] =	stream.indirect.scatter.add.f32 [tilespmem:s21], [sflag:$0x5], $0x80, s29, s17, $0xb8;
	[tilespmem:$0x1D970] =	vst v63  }
0x81: {  	_ =	swait.ge [sflag:s30], $0x2800  }
0x82: {  	[sflag:s30] =	ssyncset.done $0x0  }
0x83: {  	[sflag:s30] =	ssyncadd.s32 $0xFFFFD800  }
0x84: {  	v1 =	vld [tilespmem:$0xF0];
	_ =	sdelay $0x1  }
0x85: {  	v2 =	vld [tilespmem:$0x100];
	_ =	sdelay $0x1  }
0x86: {  	v3 =	vld [tilespmem:$0x110]  }
0x87: {  	v60 =	vand.u32 $0xFFFF, v1  }
0x88: {  	v61 =	vld [tilespmem:$0x120];
	v1 =	vshrl.u32 v1, $0x10;
	[tilespmem:$0x2710] =	vst v60  }
0x89: {  	[tilespmem:$0x2800] =	vst v1;
	v1 =	vand.u32 $0xFFFF, v2  }
0x8a: {  	[tilespmem:$0x2720] =	vst v1;
	v1 =	vshrl.u32 v2, $0x10;
	v2 =	vld [tilespmem:$0x130]  }
0x8b: {  	[tilespmem:$0x2810] =	vst v1;
	v1 =	vand.u32 $0xFFFF, v3  }
0x8c: {  	[tilespmem:$0x2730] =	vst v1;
	v1 =	vshrl.u32 v3, $0x10  }
0x8d: {  	[tilespmem:$0x2820] =	vst v1;
	v1 =	vand.u32 $0xFFFF, v61  }
0x8e: {  	[tilespmem:$0x2740] =	vst v1;
	v1 =	vshrl.u32 v61, $0x10  }
0x8f: {  	[tilespmem:$0x2830] =	vst v1;
	v1 =	vand.u32 $0xFFFF, v2  }
0x90: {  	[tilespmem:$0x2750] =	vst v1;
	v1 =	vshrl.u32 v2, $0x10  }
0x91: {  	[tilespmem:$0x2840] =	vst v1  }
0x92: {  	[tilespmem:s19], [sflag:$0x1] =	stream.indirect.gather [hbm4b:s2+s17], $0x80, s18, s17, $0xb8;
	[tilespmem:$0x1D970] =	vst v63  }
0x93: {  	_ =	swait.ge [sflag:s31], $0x2800  }
0x94: {  	[sflag:s31] =	ssyncset.done $0x0  }
0x95: {  	[sflag:s31] =	ssyncadd.s32 $0xFFFFD800  }
0x96: {  	[spmem:s3] =	stream.indirect.scatter.add.f32 [tilespmem:s22], [sflag:$0x6], $0x80, s1, s17, $0xb8;
	[tilespmem:$0x1D970] =	vst v63  }
0x97: {  	_ =	swait.ge [sflag:s0], $0x2800  }
0x98: {  	[sflag:s0] =	ssyncset.done $0x0  }
0x99: {  	[sflag:s0] =	ssyncadd.s32 $0xFFFFD800  }
0x9a: {  	v1 =	vld [tilespmem:$0x140];
	_ =	sdelay $0x1  }
0x9b: {  	v2 =	vld [tilespmem:$0x150];
	_ =	sdelay $0x1  }
0x9c: {  	v3 =	vld [tilespmem:$0x160]  }
0x9d: {  	v62 =	vand.u32 $0xFFFF, v1  }
0x9e: {  	v63 =	vld [tilespmem:$0x170];
	v1 =	vshrl.u32 v1, $0x10;
	[tilespmem:$0x2760] =	vst v62  }
0x9f: {  	[tilespmem:$0x2850] =	vst v1;
	v1 =	vand.u32 $0xFFFF, v2  }
0xa0: {  	[tilespmem:$0x2770] =	vst v1;
	v1 =	vshrl.u32 v2, $0x10;
	v2 =	vld [tilespmem:$0x180]  }
0xa1: {  	[tilespmem:$0x2860] =	vst v1;
	v1 =	vand.u32 $0xFFFF, v3  }
0xa2: {  	[tilespmem:$0x2780] =	vst v1;
	v1 =	vshrl.u32 v3, $0x10  }
0xa3: {  	[tilespmem:$0x2870] =	vst v1;
	v1 =	vand.u32 $0xFFFF, v63  }
0xa4: {  	[tilespmem:$0x2790] =	vst v1;
	v1 =	vshrl.u32 v63, $0x10  }
0xa5: {  	[tilespmem:$0x2880] =	vst v1;
	v1 =	vand.u32 $0xFFFF, v2  }
0xa6: {  	[tilespmem:$0x27A0] =	vst v1;
	v1 =	vshrl.u32 v2, $0x10  }
0xa7: {  	[tilespmem:$0x2890] =	vst v1  }
0xa8: {  	[tilespmem:s21], [sflag:$0x2] =	stream.indirect.gather [hbm4b:s2+s17], $0x80, s20, s17, $0xb8;
	[tilespmem:$0x1D970] =	vst v63  }
0xa9: {  	_ =	swait.ge [sflag:s23], $0x2800  }
0xaa: {  	[sflag:s23] =	ssyncset.done $0x0  }
0xab: {  	[sflag:s23] =	ssyncadd.s32 $0xFFFFD800  }
0xac: {  	[spmem:s3] =	stream.indirect.scatter.add.f32 [tilespmem:s19], [sflag:$0x4], $0x80, s24, s17, $0xb8;
	[tilespmem:$0x1D970] =	vst v63  }
0xad: {  	_ =	swait.ge [sflag:s6], $0x2800  }
0xae: {  	[sflag:s6] =	ssyncset.done $0x0  }
0xaf: {  	s7 =	simm.s32 $0x0;
	[sflag:s6] =	ssyncadd.s32 $0xFFFFD800  }
0xb0: {  	v1 =	vld [tilespmem:s7+$0x190];
	_ =	sdelay $0x4  }
0xb1: {  	v2 =	vand.u32 $0xFFFF, v1  }
0xb2: {  	v1 =	vshrl.u32 v1, $0x10;
	[tilespmem:$0x27B0] =	vst v2  }
0xb3: {  	[tilespmem:$0x28A0] =	vst v1  }
0xb4: {  	v1 =	vld [tilespmem:s7+$0x1A0];
	_ =	sdelay $0x4  }
0xb5: {  	v2 =	vand.u32 $0xFFFF, v1  }
0xb6: {  	v1 =	vshrl.u32 v1, $0x10;
	[tilespmem:$0x27C0] =	vst v2  }
0xb7: {  	[tilespmem:$0x28B0] =	vst v1  }
0xb8: {  	v1 =	vld [tilespmem:s7+$0x1B0];
	_ =	sdelay $0x4  }
0xb9: {  	v2 =	vand.u32 $0xFFFF, v1  }
0xba: {  	v1 =	vshrl.u32 v1, $0x10;
	[tilespmem:$0x27D0] =	vst v2  }
0xbb: {  	[tilespmem:$0x28C0] =	vst v1  }
0xbc: {  	v1 =	vld [tilespmem:s7+$0x1C0];
	_ =	sdelay $0x4  }
0xbd: {  	v2 =	vand.u32 $0xFFFF, v1  }
0xbe: {  	v1 =	vshrl.u32 v1, $0x10;
	[tilespmem:$0x27E0] =	vst v2  }
0xbf: {  	[tilespmem:$0x28D0] =	vst v1  }
0xc0: {  	v1 =	vld [tilespmem:s7+$0x1D0];
	_ =	sdelay $0x4  }
0xc1: {  	v2 =	vand.u32 $0xFFFF, v1  }
0xc2: {  	v1 =	vshrl.u32 v1, $0x10;
	[tilespmem:$0x27F0] =	vst v2  }
0xc3: {  	[tilespmem:$0x28E0] =	vst v1  }
0xc4: {  	[tilespmem:s22], [sflag:$0x3] =	stream.indirect.gather [hbm4b:s2+s17], $0x80, s26, s17, $0xb8;
	[tilespmem:$0x1D970] =	vst v63  }
0xc5: {  	_ =	swait.ge [sflag:s28], $0x2800  }
0xc6: {  	[sflag:s28] =	ssyncset.done $0x0  }
0xc7: {  	[sflag:s28] =	ssyncadd.s32 $0xFFFFD800  }
0xc8: {  	[spmem:s3] =	stream.indirect.scatter.add.f32 [tilespmem:s21], [sflag:$0x5], $0x80, s29, s17, $0xb8;
	[tilespmem:$0x1D970] =	vst v63  }
0xc9: {  	_ =	swait.ge [sflag:s30], $0x2800  }
0xca: {  	[sflag:s30] =	ssyncset.done $0x0  }
0xcb: {  	[sflag:s30] =	ssyncadd.s32 $0xFFFFD800  }
0xcc: {  	v1 =	vld [tilespmem:s7+$0x1E0];
	_ =	sdelay $0x4  }
0xcd: {  	v2 =	vand.u32 $0xFFFF, v1  }
0xce: {  	v1 =	vshrl.u32 v1, $0x10;
	[tilespmem:$0x2710] =	vst v2  }
0xcf: {  	[tilespmem:$0x2800] =	vst v1  }
0xd0: {  	v1 =	vld [tilespmem:s7+$0x1F0];
	_ =	sdelay $0x4  }
0xd1: {  	v2 =	vand.u32 $0xFFFF, v1  }
0xd2: {  	v1 =	vshrl.u32 v1, $0x10;
	[tilespmem:$0x2720] =	vst v2  }
0xd3: {  	[tilespmem:$0x2810] =	vst v1  }
0xd4: {  	v1 =	vld [tilespmem:s7+$0x200];
	_ =	sdelay $0x4  }
0xd5: {  	v2 =	vand.u32 $0xFFFF, v1  }
0xd6: {  	v1 =	vshrl.u32 v1, $0x10;
	[tilespmem:$0x2730] =	vst v2  }
0xd7: {  	[tilespmem:$0x2820] =	vst v1  }
0xd8: {  	v1 =	vld [tilespmem:s7+$0x210];
	_ =	sdelay $0x4  }
0xd9: {  	v2 =	vand.u32 $0xFFFF, v1  }
0xda: {  	v1 =	vshrl.u32 v1, $0x10;
	[tilespmem:$0x2740] =	vst v2  }
0xdb: {  	[tilespmem:$0x2830] =	vst v1  }
0xdc: {  	v1 =	vld [tilespmem:s7+$0x220];
	_ =	sdelay $0x4  }
0xdd: {  	v2 =	vand.u32 $0xFFFF, v1  }
0xde: {  	v1 =	vshrl.u32 v1, $0x10;
	[tilespmem:$0x2750] =	vst v2  }
0xdf: {  	[tilespmem:$0x2840] =	vst v1  }
0xe0: {  	[tilespmem:s19], [sflag:$0x1] =	stream.indirect.gather [hbm4b:s2+s17], $0x80, s18, s17, $0xb8;
	[tilespmem:$0x1D970] =	vst v63  }
0xe1: {  	_ =	swait.ge [sflag:s31], $0x2800  }
0xe2: {  	[sflag:s31] =	ssyncset.done $0x0  }
0xe3: {  	[sflag:s31] =	ssyncadd.s32 $0xFFFFD800  }
0xe4: {  	[spmem:s3] =	stream.indirect.scatter.add.f32 [tilespmem:s22], [sflag:$0x6], $0x80, s1, s17, $0xb8;
	[tilespmem:$0x1D970] =	vst v63  }
0xe5: {  	_ =	swait.ge [sflag:s0], $0x2800  }
0xe6: {  	[sflag:s0] =	ssyncset.done $0x0  }
0xe7: {  	[sflag:s0] =	ssyncadd.s32 $0xFFFFD800  }
0xe8: {  	v1 =	vld [tilespmem:s7+$0x230];
	_ =	sdelay $0x4  }
0xe9: {  	v2 =	vand.u32 $0xFFFF, v1  }
0xea: {  	v1 =	vshrl.u32 v1, $0x10;
	[tilespmem:$0x2760] =	vst v2  }
0xeb: {  	[tilespmem:$0x2850] =	vst v1  }
0xec: {  	v1 =	vld [tilespmem:s7+$0x240];
	_ =	sdelay $0x4  }
0xed: {  	v2 =	vand.u32 $0xFFFF, v1  }
0xee: {  	v1 =	vshrl.u32 v1, $0x10;
	[tilespmem:$0x2770] =	vst v2  }
0xef: {  	[tilespmem:$0x2860] =	vst v1  }
0xf0: {  	v1 =	vld [tilespmem:s7+$0x250];
	_ =	sdelay $0x4  }
0xf1: {  	v2 =	vand.u32 $0xFFFF, v1  }
0xf2: {  	v1 =	vshrl.u32 v1, $0x10;
	[tilespmem:$0x2780] =	vst v2  }
0xf3: {  	[tilespmem:$0x2870] =	vst v1  }
0xf4: {  	s8 =	simm.s32 $0x3C0;
	v1 =	vld [tilespmem:s7+$0x260]  }
.LBB2_4:
0xf5: {  	p0 =	sne.s32 s8, $0x9240;
	s9 =	smov.u32 s8;
	s8 =	sadd.s32 $0x3C0, s8  }
0xf6: {  	_ =	sdelay $0x2  }
0xf7: {  	v2 =	vand.u32 $0xFFFF, v1;
	v1 =	vshrl.u32 v1, $0x10  }
0xf8: {  	[tilespmem:$0x2790] =	vst v2  }
0xf9: {  	[tilespmem:$0x2880] =	vst v1  }
0xfa: {  	v1 =	vld [tilespmem:s7+$0x270];
	_ =	sdelay $0x4  }
0xfb: {  	v2 =	vand.u32 $0xFFFF, v1;
	v1 =	vshrl.u32 v1, $0x10  }
0xfc: {  	[tilespmem:$0x27A0] =	vst v2  }
0xfd: {  	[tilespmem:$0x2890] =	vst v1  }
0xfe: {  	[tilespmem:s21], [sflag:$0x2] =	stream.indirect.gather [hbm4b:s2+s17], $0x80, s20, s17, $0xb8;
	[tilespmem:$0x1D970] =	vst v63  }
0xff: {  	_ =	swait.ge [sflag:s23], $0x2800  }
0x100: {  	[sflag:s23] =	ssyncset.done $0x0  }
0x101: {  	[sflag:s23] =	ssyncadd.s32 $0xFFFFD800  }
0x102: {  	[spmem:s3] =	stream.indirect.scatter.add.f32 [tilespmem:s19], [sflag:$0x4], $0x80, s24, s17, $0xb8;
	[tilespmem:$0x1D970] =	vst v63  }
0x103: {  	_ =	swait.ge [sflag:s6], $0x2800  }
0x104: {  	[sflag:s6] =	ssyncset.done $0x0  }
0x105: {  	s7 =	sshra.s32 s9, $0x2;
	[sflag:s6] =	ssyncadd.s32 $0xFFFFD800  }
0x106: {  	v1 =	vld [tilespmem:s7+$0x190];
	_ =	sdelay $0x4  }
0x107: {  	v2 =	vand.u32 $0xFFFF, v1;
	v1 =	vshrl.u32 v1, $0x10  }
0x108: {  	[tilespmem:$0x27B0] =	vst v2  }
0x109: {  	[tilespmem:$0x28A0] =	vst v1  }
0x10a: {  	v1 =	vld [tilespmem:s7+$0x1A0];
	_ =	sdelay $0x4  }
0x10b: {  	v2 =	vand.u32 $0xFFFF, v1;
	v1 =	vshrl.u32 v1, $0x10  }
0x10c: {  	[tilespmem:$0x27C0] =	vst v2  }
0x10d: {  	[tilespmem:$0x28B0] =	vst v1  }
0x10e: {  	v1 =	vld [tilespmem:s7+$0x1B0];
	_ =	sdelay $0x4  }
0x10f: {  	v2 =	vand.u32 $0xFFFF, v1;
	v1 =	vshrl.u32 v1, $0x10  }
0x110: {  	[tilespmem:$0x27D0] =	vst v2  }
0x111: {  	[tilespmem:$0x28C0] =	vst v1  }
0x112: {  	v1 =	vld [tilespmem:s7+$0x1C0];
	_ =	sdelay $0x4  }
0x113: {  	v2 =	vand.u32 $0xFFFF, v1;
	v1 =	vshrl.u32 v1, $0x10  }
0x114: {  	[tilespmem:$0x27E0] =	vst v2  }
0x115: {  	[tilespmem:$0x28D0] =	vst v1  }
0x116: {  	v1 =	vld [tilespmem:s7+$0x1D0];
	_ =	sdelay $0x4  }
0x117: {  	v2 =	vand.u32 $0xFFFF, v1;
	v1 =	vshrl.u32 v1, $0x10  }
0x118: {  	[tilespmem:$0x27F0] =	vst v2  }
0x119: {  	[tilespmem:$0x28E0] =	vst v1  }
0x11a: {  	[tilespmem:s22], [sflag:$0x3] =	stream.indirect.gather [hbm4b:s2+s17], $0x80, s26, s17, $0xb8;
	[tilespmem:$0x1D970] =	vst v63  }
0x11b: {  	_ =	swait.ge [sflag:s28], $0x2800  }
0x11c: {  	[sflag:s28] =	ssyncset.done $0x0  }
0x11d: {  	[sflag:s28] =	ssyncadd.s32 $0xFFFFD800  }
0x11e: {  	[spmem:s3] =	stream.indirect.scatter.add.f32 [tilespmem:s21], [sflag:$0x5], $0x80, s29, s17, $0xb8;
	[tilespmem:$0x1D970] =	vst v63  }
0x11f: {  	_ =	swait.ge [sflag:s30], $0x2800  }
0x120: {  	[sflag:s30] =	ssyncset.done $0x0  }
0x121: {  	[sflag:s30] =	ssyncadd.s32 $0xFFFFD800  }
0x122: {  	v1 =	vld [tilespmem:s7+$0x1E0];
	_ =	sdelay $0x4  }
0x123: {  	v2 =	vand.u32 $0xFFFF, v1;
	v1 =	vshrl.u32 v1, $0x10  }
0x124: {  	[tilespmem:$0x2710] =	vst v2  }
0x125: {  	[tilespmem:$0x2800] =	vst v1  }
0x126: {  	v1 =	vld [tilespmem:s7+$0x1F0];
	_ =	sdelay $0x4  }
0x127: {  	v2 =	vand.u32 $0xFFFF, v1;
	v1 =	vshrl.u32 v1, $0x10  }
0x128: {  	[tilespmem:$0x2720] =	vst v2  }
0x129: {  	[tilespmem:$0x2810] =	vst v1  }
0x12a: {  	v1 =	vld [tilespmem:s7+$0x200];
	_ =	sdelay $0x4  }
0x12b: {  	v2 =	vand.u32 $0xFFFF, v1;
	v1 =	vshrl.u32 v1, $0x10  }
0x12c: {  	[tilespmem:$0x2730] =	vst v2  }
0x12d: {  	[tilespmem:$0x2820] =	vst v1  }
0x12e: {  	v1 =	vld [tilespmem:s7+$0x210];
	_ =	sdelay $0x4  }
0x12f: {  	v2 =	vand.u32 $0xFFFF, v1;
	v1 =	vshrl.u32 v1, $0x10  }
0x130: {  	[tilespmem:$0x2740] =	vst v2  }
0x131: {  	[tilespmem:$0x2830] =	vst v1  }
0x132: {  	v1 =	vld [tilespmem:s7+$0x220];
	_ =	sdelay $0x4  }
0x133: {  	v2 =	vand.u32 $0xFFFF, v1;
	v1 =	vshrl.u32 v1, $0x10  }
0x134: {  	[tilespmem:$0x2750] =	vst v2  }
0x135: {  	[tilespmem:$0x2840] =	vst v1  }
0x136: {  	[tilespmem:s19], [sflag:$0x1] =	stream.indirect.gather [hbm4b:s2+s17], $0x80, s18, s17, $0xb8;
	[tilespmem:$0x1D970] =	vst v63  }
0x137: {  	_ =	swait.ge [sflag:s31], $0x2800  }
0x138: {  	[sflag:s31] =	ssyncset.done $0x0  }
0x139: {  	[sflag:s31] =	ssyncadd.s32 $0xFFFFD800  }
0x13a: {  	[spmem:s3] =	stream.indirect.scatter.add.f32 [tilespmem:s22], [sflag:$0x6], $0x80, s1, s17, $0xb8;
	[tilespmem:$0x1D970] =	vst v63  }
0x13b: {  	_ =	swait.ge [sflag:s0], $0x2800  }
0x13c: {  	[sflag:s0] =	ssyncset.done $0x0  }
0x13d: {  	[sflag:s0] =	ssyncadd.s32 $0xFFFFD800  }
0x13e: {  	v1 =	vld [tilespmem:s7+$0x230];
	_ =	sdelay $0x4  }
0x13f: {  	v2 =	vand.u32 $0xFFFF, v1;
	v1 =	vshrl.u32 v1, $0x10  }
0x140: {  	[tilespmem:$0x2760] =	vst v2  }
0x141: {  	[tilespmem:$0x2850] =	vst v1  }
0x142: {  	v1 =	vld [tilespmem:s7+$0x240];
	_ =	sdelay $0x4  }
0x143: {  	v2 =	vand.u32 $0xFFFF, v1;
	v1 =	vshrl.u32 v1, $0x10  }
0x144: {  	[tilespmem:$0x2770] =	vst v2  }
0x145: {  	[tilespmem:$0x2860] =	vst v1  }
0x146: {  	v1 =	vld [tilespmem:s7+$0x250];
	_ =	sdelay $0x3  }
.Ltmp1:
0x147: {  	(pc) =	sbr.rel @p0 .LBB2_4-.Ltmp1, $4  }
0x148: {  	v2 =	vand.u32 $0xFFFF, v1;
	v1 =	vshrl.u32 v1, $0x10  }
0x149: {  	[tilespmem:$0x2780] =	vst v2  }
0x14a: {  	[tilespmem:$0x2870] =	vst v1  }
0x14b: {  	v1 =	vld [tilespmem:s7+$0x260]  }
0x14c: {  	_ =	sdelay $0x3  }
0x14d: {  	v2 =	vand.u32 $0xFFFF, v1  }
0x14e: {  	v1 =	vshrl.u32 v1, $0x10;
	[tilespmem:$0x2790] =	vst v2  }
0x14f: {  	[tilespmem:$0x2880] =	vst v1  }
0x150: {  	v1 =	vld [tilespmem:s7+$0x270];
	_ =	sdelay $0x4  }
0x151: {  	v2 =	vand.u32 $0xFFFF, v1  }
0x152: {  	v1 =	vshrl.u32 v1, $0x10;
	[tilespmem:$0x27A0] =	vst v2  }
0x153: {  	[tilespmem:$0x2890] =	vst v1  }
0x154: {  	[tilespmem:s21], [sflag:$0x2] =	stream.indirect.gather [hbm4b:s2+s17], $0x80, s20, s17, $0xb8;
	[tilespmem:$0x1D970] =	vst v63  }
0x155: {  	_ =	swait.ge [sflag:s23], $0x2800  }
0x156: {  	[sflag:s23] =	ssyncset.done $0x0  }
0x157: {  	[sflag:s23] =	ssyncadd.s32 $0xFFFFD800  }
0x158: {  	[spmem:s3] =	stream.indirect.scatter.add.f32 [tilespmem:s19], [sflag:$0x4], $0x80, s24, s17, $0xb8;
	[tilespmem:$0x1D970] =	vst v63  }
0x159: {  	_ =	swait.ge [sflag:s28], $0x2800  }
0x15a: {  	[sflag:s28] =	ssyncset.done $0x0  }
0x15b: {  	[sflag:s28] =	ssyncadd.s32 $0xFFFFD800  }
0x15c: {  	[spmem:s3] =	stream.indirect.scatter.add.f32 [tilespmem:s21], [sflag:$0x5], $0x80, s29, s17, $0xb8;
	[tilespmem:$0x1D970] =	vst v63  }
0x15d: {  	_ =	swait.ge [sflag:s6], $0x2800  }
0x15e: {  	[sflag:s6] =	ssyncset.done $0x0  }
0x15f: {  	[sflag:s6] =	ssyncadd.s32 $0xFFFFD800  }
0x160: {  	_ =	swait.ge [sflag:s30], $0x2800  }
0x161: {  	[sflag:s30] =	ssyncset.done $0x0  }
0x162: {  	[sflag:s30] =	ssyncadd.s32 $0xFFFFD800  }
0x163: {  	_ =	swait.ge [sflag:s0], $0x2800  }
0x164: {  	[sflag:s0] =	ssyncset.done $0x0  }
0x165: {  	s8 =	stileid.u32;
	[sflag:s0] =	ssyncadd.s32 $0xFFFFD800  }
0x166: {  	s7 =	sshll.u32 s8, $0x6;
	[bflag:$0x0] =	sbarrier.arrive $0xFFFF  }
0x167: {  	s7 =	sor.u32 $0x1C07, s7;
	s8 =	rddreg [dreg:$0x6]  }
0x168: {  	[hbm:s8], [sflag:s7] =	dma.local [spmem:s25], $0x2710  }
0x169: {  	_ =	swait.ge [sflag:s16], $0x2710  }
0x16a: {  	s4 =	sadd.s32 $0x1, s4;
	s9 =	rddreg [dreg:$0x7]  }
0x16b: {  	p0 =	sne.s32 s4, s9  }
.Ltmp2:
0x16c: {  	_ = 	snop;
	(pc) =	sbr.rel @p0 .LBB2_1-.Ltmp2, $3  }
0x16d: {  	_ =	sdelay $0x1  }
0x16e: {  	[sflag:s16] =	ssyncset.done $0x0  }
0x16f: {  	[sflag:s16] =	ssyncadd.s32 $0xFFFFD8F0  }
0x170: {  	_ =	sfence.sel $0x180000  }
0x171: {  	[bflag:$0x0] =	sbarrier.arrive $0xFFFF  }
0x172: {  	_ =	strace $0x9000004A  }
0x173: {  	s0 =	stileid.u32;
	[bflag:$0x2] =	sbarrier.arrive $0xFFFF  }
0x174: {  	p0 =	sne.s32 s0, $0x0;
	s0 =	rddreg [dreg:$0x3]  }
0x175: {  	s0 =	sadd.s32 @!p0 $0x100000, s0  }
0x176: {  	[sflag:s0] =	ssyncadd.tile.s32 @!p0 $0x1;
	_ =	shalt  }
.Lfunc_end2:
_tile_overlayer_lowered:
.L_overlay_start_2:
0x177: {  	(tag) =	ssettag $0x2  }
0x178: {  	s0 =	rddreg [dreg:$0x0];
	s2 =	stileid.u32  }
0x179: {  	s1 =	rddreg [dreg:$0x1];
	p0 =	sne.s32 s2, $0x0  }
0x17a: {  	s3 =	rddreg [dreg:$0x2];
	[bflag:$0x3] =	sbarrier.arrive $0xFFFF;
	s2 =	simm.s32 @!p0 $0x1C07  }
0x17b: {  	[timem:s3], [sflag:s2] =	dma.local @!p0 [hbm:s0], s1  }
0x17c: {  	s0 =	simm.s32 @!p0 $0x7  }
0x17d: {  	_ =	swait.ge @!p0 [sflag:s0], s1  }
0x17e: {  	s1 =	ssub.s32 @!p0 $0x0, s1;
	[sflag:s0] =	ssyncset.done @!p0 $0x0  }
0x17f: {  	[sflag:s0] =	ssyncadd.s32 @!p0 s1  }
0x180: {  	[bflag:$0x3] =	sbarrier.arrive $0xFFFF  }
0x181: {  	_ =	shalt  }

// kernel: kernel.15.cloned.1.call-start
scs
__scs_entry_jumppad:
0x0: {  	(pc) =	sbr.rel $0x88, $3  }
0x1: {  	(tag) =	ssettag $0x0;
	lr =	simm.s32 $0x1  }
0x2: {  	[smem:$0x3F8D] =	sst lr;
	_ =	strace $0xD0000000  }
0x3: {  	_ = 	snop  }
0x4: {  	_ = 	snop  }
0x5: {  	_ = 	snop  }
0x6: {  	_ = 	snop  }
0x7: {  	_ = 	snop  }
__scs_overlays_trampoline_lowered:
0x8: {  	[smem:$0x3F9C] =	sst s0  }
0x9: {  	[smem:$0x3F9D] =	sst s1  }
0xa: {  	[smem:$0x3F9E] =	sst s2  }
0xb: {  	[smem:$0x3F9F] =	sst s3  }
0xc: {  	[smem:$0x3FA0] =	sst s4  }
0xd: {  	[smem:$0x3FA1] =	sst s5  }
0xe: {  	[smem:$0x3FA2] =	sst s6  }
0xf: {  	[smem:$0x3FA3] =	sst s7  }
0x10: {  	[smem:$0x3FA4] =	sst s8  }
0x11: {  	[smem:$0x3FA5] =	sst s9;
	s0 =	simm.s32 @!p0 $0x0  }
0x12: {  	s1 =	sld [smem:$0x3F8B];
	s0 =	simm.s32 @p0 $0x1  }
0x13: {  	[smem:$0x3FA6] =	sst s0;
	s0 =	simm.s32 @!p1 $0x0  }
0x14: {  	s2 =	sld [smem:$0x3F8A];
	s0 =	simm.s32 @p1 $0x1  }
0x15: {  	[smem:$0x3FA7] =	sst s0;
	s0 =	simm.s32 @!p2 $0x0  }
0x16: {  	s3 =	sld [smem:$0x3FDB];
	s0 =	simm.s32 @p2 $0x1  }
0x17: {  	s4 =	simm.s32 $0x1BF5;
	[smem:$0x3FA9] =	sst s0  }
0x18: {  	s0 =	sld [smem:$0x3F8C];
	_ =	swait.ge [sflag:s4], $0x0  }
0x19: {  	s7 =	sld [smem:$0x3F8D]  }
0x1a: {  	s8 =	sadd.s32 $0xFFFFE003, lr  }
0x1b: {  	s9 =	sadd.s32 $0xFFFFFEF7, lr;
	s5 =	simm.s32 $0xFFFFFFFF;
	p2 =	slt.u32 s8, $0xFFFFF086  }
0x1c: {  	p1 =	slt.u32 s9, $0xF7A;
	s5 =	simm.s32 @!p2 $0x0  }
0x1d: {  	s5 =	simm.s32 @p1 $0x1;
	p0 =	seq.s32 s7, s2  }
0x1e: {  	s7 =	smul.u32 @!p0 $0xF7A, s2;
	p2 =	seq.s32 @!p0 s5, $0x0  }
0x1f: {  	s9 =	smul.u32 $0xF7A, s1;
	s8 =	simm.s32 @!p0 $0x1BF5;
	p2 =	por !p2, p0  }
0x20: {  	[sflag:s8] =	ssyncset.s32 @!p0 $0xFFFFF086;
	s6 =	sadd.s32 @!p0 s3, s7;
	s7 =	simm.s32 @!p0 $0x108  }
0x21: {  	s3 =	sadd.s32 s3, s9;
	s6 =	sadd.s32 @!p0 $0x88, s6;
	s7 =	simm.s32 @p2 $0x1082  }
0x22: {  	[simem:s7], [sflag:s8] =	dma.local @!p0 [hbm:s6], $0xF7A  }
0x23: {  	s9 =	sor.u32 $0xD0000000, s2;
	s6 =	simm.s32 $0x108;
	_ =	swait.ge @!p0 [sflag:s8], $0x0  }
0x24: {  	s3 =	sadd.s32 $0x88, s3;
	s6 =	simm.s32 @!p1 $0x1082;
	[sflag:s4] =	ssyncset.s32 $0xFFFFF086  }
0x25: {  	[simem:s6], [sflag:s4] =	dma.local [hbm:s3], $0xF7A  }
0x26: {  	[smem:$0x3F8D] =	sst s1;
	(tag) =	ssettag s2;
	_ =	strace s9  }
0x27: {  	s1 =	sld [smem:$0x3F9D]  }
0x28: {  	s2 =	sld [smem:$0x3F9E]  }
0x29: {  	s4 =	sld [smem:$0x3FA0]  }
0x2a: {  	p0 =	seq.s32 s5, $0x0;
	s5 =	sld [smem:$0x3FA1]  }
0x2b: {  	s6 =	sld [smem:$0x3FA2]  }
0x2c: {  	s7 =	sld [smem:$0x3FA3]  }
0x2d: {  	s3 =	simm.s32 $0x108;
	s8 =	sld [smem:$0x3FA4]  }
0x2e: {  	s3 =	simm.s32 @!p0 $0x1082;
	s9 =	sld [smem:$0x3FA5]  }
0x2f: {  	lr =	sadd.s32 s0, s3;
	s0 =	sld [smem:$0x3F9C]  }
0x30: {  	s3 =	sld [smem:$0x3F9F]  }
0x31: {  	[smem:$0x3FA8] =	sst s10  }
0x32: {  	s10 =	sld [smem:$0x3FA6];
	_ =	sdelay $0x3  }
0x33: {  	p0 =	seq.s32 s10, $0x1;
	s10 =	sld [smem:$0x3FA8];
	_ =	sdelay $0x3  }
0x34: {  	[smem:$0x3FA8] =	sst s10  }
0x35: {  	s10 =	sld [smem:$0x3FA7];
	_ =	sdelay $0x3  }
0x36: {  	p1 =	seq.s32 s10, $0x1;
	s10 =	sld [smem:$0x3FA8];
	_ =	sdelay $0x3  }
0x37: {  	[smem:$0x3FA8] =	sst s10  }
0x38: {  	s10 =	sld [smem:$0x3FA9]  }
0x39: {  	_ = 	snop;
	(pc) =	sbr.ind lr, $3  }
0x3a: {  	_ = 	snop  }
0x3b: {  	_ = 	snop  }
0x3c: {  	p2 =	seq.s32 s10, $0x1;
	s10 =	sld [smem:$0x3FA8]  }
0x3d: {  	_ =	shalt  }
0x3e: {  	_ =	shalt  }
0x3f: {  	_ =	shalt  }
0x40: {  	_ =	shalt  }
0x41: {  	_ =	shalt  }
0x42: {  	_ =	shalt  }
0x43: {  	_ =	shalt  }
0x44: {  	_ =	shalt  }
0x45: {  	_ =	shalt  }
0x46: {  	_ =	shalt  }
0x47: {  	_ =	shalt  }
0x48: {  	_ =	shalt  }
0x49: {  	_ =	shalt  }
0x4a: {  	_ =	shalt  }
0x4b: {  	_ =	shalt  }
0x4c: {  	_ =	shalt  }
0x4d: {  	_ =	shalt  }
0x4e: {  	_ =	shalt  }
0x4f: {  	_ =	shalt  }
0x50: {  	_ =	shalt  }
0x51: {  	_ =	shalt  }
0x52: {  	_ =	shalt  }
0x53: {  	_ =	shalt  }
0x54: {  	_ =	shalt  }
0x55: {  	_ =	shalt  }
0x56: {  	_ =	shalt  }
0x57: {  	_ =	shalt  }
0x58: {  	_ =	shalt  }
0x59: {  	_ =	shalt  }
0x5a: {  	_ =	shalt  }
0x5b: {  	_ =	shalt  }
0x5c: {  	_ =	shalt  }
0x5d: {  	_ =	shalt  }
0x5e: {  	_ =	shalt  }
0x5f: {  	_ =	shalt  }
0x60: {  	_ =	shalt  }
0x61: {  	_ =	shalt  }
0x62: {  	_ =	shalt  }
0x63: {  	_ =	shalt  }
0x64: {  	_ =	shalt  }
0x65: {  	_ =	shalt  }
0x66: {  	_ =	shalt  }
0x67: {  	_ =	shalt  }
0x68: {  	_ =	shalt  }
0x69: {  	_ =	shalt  }
0x6a: {  	_ =	shalt  }
0x6b: {  	_ =	shalt  }
0x6c: {  	_ =	shalt  }
0x6d: {  	_ =	shalt  }
0x6e: {  	_ =	shalt  }
0x6f: {  	_ =	shalt  }
0x70: {  	_ =	shalt  }
0x71: {  	_ =	shalt  }
0x72: {  	_ =	shalt  }
0x73: {  	_ =	shalt  }
0x74: {  	_ =	shalt  }
0x75: {  	_ =	shalt  }
0x76: {  	_ =	shalt  }
0x77: {  	_ =	shalt  }
0x78: {  	_ =	shalt  }
0x79: {  	_ =	shalt  }
0x7a: {  	_ =	shalt  }
0x7b: {  	_ =	shalt  }
0x7c: {  	_ =	shalt  }
0x7d: {  	_ =	shalt  }
0x7e: {  	_ =	shalt  }
0x7f: {  	_ =	shalt  }
0x80: {  	_ =	shalt  }
0x81: {  	_ =	shalt  }
0x82: {  	_ =	shalt  }
0x83: {  	_ =	shalt  }
0x84: {  	_ =	shalt  }
0x85: {  	_ =	shalt  }
0x86: {  	_ =	shalt  }
0x87: {  	_ =	shalt  }
.Lfunc_end0:
.L_simem_size_0:
called_computation.2_lowered:
.L_overlay_start_0:
0x88: {  	s2 =	sld [smem:$0x3FD9]  }
0x89: {  	s3 =	sld [smem:$0x3FFE];
	_ =	sdelay $0x1  }
0x8a: {  	s1 =	srdreg.scid  }
0x8b: {  	s0 =	sand.u32 $0x1, s1  }
0x8c: {  	s17 =	sshll.u32 s0, $0xA;
	s2 =	sadd.s32 s3, s2  }
0x8d: {  	s2 =	sadd.s32 s2, s17  }
0x8e: {  	[smem:$0x3FB4] =	sst s2  }
0x8f: {  	_ = 	snop  }
0x90: {  	s2 =	sld [smem:$0x3FD0];
	(tm) =	ssettm $0x1  }
0x91: {  	s18 =	sld [smem:$0x3FFB];
	_ =	sdelay $0x3  }
0x92: {  	_ =	strace s18  }
0x93: {  	s3 =	sld [smem:$0x3FFC];
	_ =	sdelay $0x3  }
0x94: {  	_ =	strace s3  }
0x95: {  	s3 =	sld [smem:$0x3FFD];
	_ =	sdelay $0x3  }
0x96: {  	_ =	strace s3  }
0x97: {  	_ =	strace $0x8FFFFFFF  }
0x98: {  	s19 =	sld [smem:$0x3FDB];
	_ =	sdelay $0x1  }
0x99: {  	s4 =	simm.s32 $_scs_section_size  }
0x9a: {  	s5 =	simm.s32 $_size__tile_overlayer_lowered;
	s6 =	simm.s32 $_tile_overlayer_lowered  }
0x9b: {  	s22 =	simm.s32 $0x1BFF;
	s21 =	sshll.u32 s6, $0x1;
	s3 =	sadd.s32 s4, s19  }
0x9c: {  	s7 =	simm.s32 $0x0;
	s20 =	sshll.u32 s5, $0x1;
	s5 =	sadd.s32 s21, s3  }
0x9d: {  	[timem:s7], [sflag:s22] =	dma.local [hbm:s5], s20  }
0x9e: {  	_ =	swait.ge [sflag:s22], s20  }
0x9f: {  	s4 =	ssub.s32 $0x0, s20;
	[sflag:s22] =	ssyncset.done $0x0  }
0xa0: {  	[sflag:s22] =	ssyncadd.s32 s4;
	_ =	sdelay $0x1  }
0xa1: {  	s23 =	simm.s32 $0x1B8B  }
0xa2: {  	_ =	swait.ge [sflag:s23], $0x1  }
0xa3: {  	[sflag:s23] =	ssyncset.done $0x0  }
0xa4: {  	s25 =	simm.s32 $0x1B8E;
	s24 =	sld [smem:$0x3FFE];
	[sflag:s23] =	ssyncadd.s32 $0xFFFFFFFF  }
0xa5: {  	s26 =	simm.s32 $execute0_lowered;
	[smem:$0x3FD2] =	sst s25  }
0xa6: {  	s5 =	sshll.u32 s26, $0x1;
	_ =	strace $0x8000004C;
	[dreg:$0x1] =	wrdreg $0xFFFFFFFF  }
0xa7: {  	s28 =	simm.s32 $_size_execute0_lowered;
	s3 =	sadd.s32 s3, s5;
	[dreg:$0x0] =	wrdreg $0x0  }
0xa8: {  	s5 =	sshll.u32 s28, $0x1;
	[dreg:$0x2] =	wrdreg s3  }
0xa9: {  	[dreg:$0x3] =	wrdreg s5  }
0xaa: {  	[dreg:$0x4] =	wrdreg $0xC0  }
0xab: {  	_ =	task [dreg:s7], $0x5FFFF  }
0xac: {  	[dreg:$0x1] =	wrdreg $0xFFFFFFFF  }
0xad: {  	[dreg:$0x0] =	wrdreg $0x60  }
0xae: {  	[dreg:$0x2] =	wrdreg s2  }
0xaf: {  	[dreg:$0x3] =	wrdreg s24  }
0xb0: {  	[dreg:$0x4] =	wrdreg $0xA0F00  }
0xb1: {  	[dreg:$0x5] =	wrdreg $0x9  }
0xb2: {  	_ =	task.clear_ibuf [dreg:s7], $0x6FFFF;
	_ =	strace $0x9000004C  }
0xb3: {  	s29 =	simm.s32 $0x9;
	_ =	strace $0x8000004E  }
0xb4: {  	_ =	swait.ge [sflag:s29], $0x1  }
0xb5: {  	[sflag:s29] =	ssyncadd.s32 $0xFFFFFFFF  }
0xb6: {  	_ =	strace $0x9000004E  }
0xb7: {  	_ =	sfence  }
0xb8: {  	s30 =	sld [smem:$0x0];
	_ =	sdelay $0x2  }
0xb9: {  	s31 =	sshll.u32 s1, $0xD;
	s1 =	sshrl.u32 s1, $0x2  }
0xba: {  	s3 =	sand.u32 $0x4000, s31;
	s1 =	sadd.s32 s1, s30  }
0xbb: {  	s0 =	sor.u32 s3, s0;
	s1 =	sshll.u32 s1, $0x11  }
0xbc: {  	s0 =	sor.u32 s1, s0  }
0xbd: {  	s0 =	sadd.s32 $0x8F2B, s0  }
0xbe: {  	[sflag:s0] =	ssyncadd.remote.s32 $0x1  }
0xbf: {  	_ =	sfence.sel $0xFFFF  }
0xc0: {  	[dreg:$0x0] =	wrdreg $0xFFFFFFFF;
	(pc) =	sbr.abs _section_cstart, $3  }
0xc1: {  	[dreg:$0x1] =	wrdreg $0xFFFFFFFF  }
0xc2: {  	_ =	task.clear_ibuf [dreg:s7], $0x2FFFF;
	_ =	strace $0x9FFFFFFF  }
0xc3: {  	(tm) =	ssettm $0x7FFFFFFF  }
tec
execute0_lowered:
.L_overlay_start_1:
0x0: {  	(tag) =	ssettag $0x1  }
0x1: {  	s2 =	rddreg [dreg:$0x0]  }
0x2: {  	s0 =	srdreg.scid;
	s5 =	rddreg [dreg:$0x1]  }
0x3: {  	s8 =	stileid.u32;
	s3 =	rddreg [dreg:$0x2];
	s4 =	simm.s32 $0x0  }
0x4: {  	s16 =	simm.s32 $0x7;
	s17 =	simm.s32 $0x50;
	s18 =	simm.s32 $0x2710  }
0x5: {  	s19 =	simm.s32 $0x28F0;
	s20 =	simm.s32 $0x2760;
	s21 =	simm.s32 $0x50F0  }
0x6: {  	s22 =	simm.s32 $0x78F0;
	s23 =	simm.s32 $0x1;
	s28 =	simm.s32 $0x2  }
0x7: {  	s29 =	simm.s32 $0x2850;
	s30 =	simm.s32 $0x4;
	s31 =	simm.s32 $0x3  }
0x8: {  	s0 =	sand.u32 $0x1, s0;
	s7 =	smul.u32 $0x13880, s8;
	[smem:$0x7FF] =	sst s4  }
0x9: {  	s1 =	sshll.u32 s0, $0x4;
	s6 =	smul.u32 $0x138800, s0;
	_ =	strace $0x8000004D  }
0xa: {  	s0 =	ssub.s32 $0x2, s0;
	s1 =	sor.u32 s8, s1;
	s8 =	smul.u32 $0x4E200, s8  }
0xb: {  	s9 =	sshrl.u32 s0, $0x1;
	s1 =	smul.u32 $0x4E2, s1;
	s6 =	sadd.s32 s7, s6  }
0xc: {  	s26 =	sadd.s32 s7, s3;
	s0 =	ssub.s32 s0, s9;
	s6 =	sshrl.u32 s6, $0x3  }
0xd: {  	s8 =	sshrl.u32 s8, $0x2;
	s0 =	smax.u32 s0, $0x1;
	s1 =	sadd.s32 s1, s5  }
0xe: {  	s6 =	sadd.s32 s6, s5;
	s5 =	sadd.s32 s8, s3;
	[dreg:$0x7] =	wrdreg s0  }
0xf: {  	s0 =	simm.s32 $0x5;
	s1 =	sadd.s32 $0x3E00, s1;
	s24 =	sadd.s32 $0x11800, s5  }
0x10: {  	s25 =	sadd.s32 $0xDC00, s6;
	s10 =	sadd.s32 $0x2800, s5;
	s11 =	sadd.s32 $0x5000, s5  }
0x11: {  	s12 =	sadd.s32 $0x7800, s5;
	s13 =	sadd.s32 $0xA000, s5;
	[dreg:$0x4] =	wrdreg s1  }
0x12: {  	s14 =	sadd.s32 $0xC800, s5;
	s15 =	sadd.s32 $0xF000, s5;
	[dreg:$0x5] =	wrdreg s24  }
0x13: {  	s6 =	simm.s32 $0x6;
	[dreg:$0x6] =	wrdreg s25;
	s24 =	simm.s32 $0x2800  }
0x14: {  	v0 =	vimm.f32 $0.0e+00;
	s25 =	sshrl.u32 s26, $0x3;
	s26 =	simm.s32 $0x27B0;
	s1 =	simm.s32 $0x28A0  }
.LBB2_1:
0x15: {  	s7 =	simm.s32 $0x70;
	s8 =	simm.s32 $0x3C0  }
.LBB2_2:
0x16: {  	p0 =	sne.s32 s8, $0x9FC0;
	[tilespmem:s7+$0x78F0] =	vst v0  }
0x17: {  	[tilespmem:s7+$0x7880] =	vst v0  }
0x18: {  	[tilespmem:s7+$0x7890] =	vst v0  }
.Ltmp0:
0x19: {  	[tilespmem:s7+$0x78A0] =	vst v0;
	(pc) =	sbr.rel @p0 .LBB2_2-.Ltmp0, $4  }
0x1a: {  	[tilespmem:s7+$0x78B0] =	vst v0  }
0x1b: {  	[tilespmem:s7+$0x78C0] =	vst v0  }
0x1c: {  	[tilespmem:s7+$0x78D0] =	vst v0  }
0x1d: {  	[tilespmem:s7+$0x78E0] =	vst v0;
	s7 =	sshra.s32 s8, $0x2;
	s8 =	sadd.s32 $0x200, s8  }
0x1e: {  	[tilespmem:s7+$0x78F0] =	vst v0  }
0x1f: {  	[tilespmem:s7+$0x7880] =	vst v0  }
0x20: {  	[tilespmem:s7+$0x7890] =	vst v0  }
0x21: {  	[tilespmem:s7+$0x78A0] =	vst v0  }
0x22: {  	[tilespmem:s7+$0x78B0] =	vst v0  }
0x23: {  	[tilespmem:s7+$0x78C0] =	vst v0  }
0x24: {  	[tilespmem:s7+$0x78D0] =	vst v0  }
0x25: {  	[tilespmem:s7+$0x78E0] =	vst v0;
	s9 =	simm.s32 $0x0;
	s8 =	rddreg [dreg:$0x4]  }
0x26: {  	[tilespmem:s9], [sflag:$0x7] =	stream.linear.gather [hbm4b:s8+s9], $0x2710, $0x38;
	[tilespmem:$0x1D970] =	vst v63  }
0x27: {  	_ =	swait.ge [sflag:s16], $0x2710  }
0x28: {  	[sflag:s16] =	ssyncset.done $0x0  }
0x29: {  	[sflag:s16] =	ssyncadd.s32 $0xFFFFD8F0  }
0x2a: {  	v1 =	vld [tilespmem:$0x0];
	_ =	sdelay $0x1  }
0x2b: {  	v2 =	vld [tilespmem:$0x10];
	_ =	sdelay $0x1  }
0x2c: {  	v3 =	vld [tilespmem:$0x20]  }
0x2d: {  	v4 =	vand.u32 $0xFFFF, v1  }
0x2e: {  	v55 =	vld [tilespmem:$0x30];
	v1 =	vshrl.u32 v1, $0x10;
	[tilespmem:$0x2710] =	vst v4  }
0x2f: {  	[tilespmem:$0x2800] =	vst v1;
	v1 =	vand.u32 $0xFFFF, v2  }
0x30: {  	[tilespmem:$0x2720] =	vst v1;
	v1 =	vshrl.u32 v2, $0x10;
	v2 =	vld [tilespmem:$0x40]  }
0x31: {  	[tilespmem:$0x2810] =	vst v1;
	v1 =	vand.u32 $0xFFFF, v3  }
0x32: {  	[tilespmem:$0x2730] =	vst v1;
	v1 =	vshrl.u32 v3, $0x10  }
0x33: {  	[tilespmem:$0x2820] =	vst v1;
	v1 =	vand.u32 $0xFFFF, v55  }
0x34: {  	[tilespmem:$0x2740] =	vst v1;
	v1 =	vshrl.u32 v55, $0x10  }
0x35: {  	[tilespmem:$0x2830] =	vst v1;
	v1 =	vand.u32 $0xFFFF, v2  }
0x36: {  	[tilespmem:$0x2750] =	vst v1;
	v1 =	vshrl.u32 v2, $0x10  }
0x37: {  	[tilespmem:$0x2840] =	vst v1  }
0x38: {  	[tilespmem:s19], [sflag:$0x1] =	stream.indirect.gather [hbm4b:s2+s17], $0x80, s18, s17, $0xb8;
	[tilespmem:$0x1D970] =	vst v63  }
0x39: {  	v1 =	vld [tilespmem:$0x50];
	_ =	sdelay $0x1  }
0x3a: {  	v2 =	vld [tilespmem:$0x60];
	_ =	sdelay $0x1  }
0x3b: {  	v3 =	vld [tilespmem:$0x70]  }
0x3c: {  	v56 =	vand.u32 $0xFFFF, v1  }
0x3d: {  	v57 =	vld [tilespmem:$0x80];
	v1 =	vshrl.u32 v1, $0x10;
	[tilespmem:$0x2760] =	vst v56  }
0x3e: {  	[tilespmem:$0x2850] =	vst v1;
	v1 =	vand.u32 $0xFFFF, v2  }
0x3f: {  	[tilespmem:$0x2770] =	vst v1;
	v1 =	vshrl.u32 v2, $0x10;
	v2 =	vld [tilespmem:$0x90]  }
0x40: {  	[tilespmem:$0x2860] =	vst v1;
	v1 =	vand.u32 $0xFFFF, v3  }
0x41: {  	[tilespmem:$0x2780] =	vst v1;
	v1 =	vshrl.u32 v3, $0x10  }
0x42: {  	[tilespmem:$0x2870] =	vst v1;
	v1 =	vand.u32 $0xFFFF, v57  }
0x43: {  	[tilespmem:$0x2790] =	vst v1;
	v1 =	vshrl.u32 v57, $0x10  }
0x44: {  	[tilespmem:$0x2880] =	vst v1;
	v1 =	vand.u32 $0xFFFF, v2  }
0x45: {  	[tilespmem:$0x27A0] =	vst v1;
	v1 =	vshrl.u32 v2, $0x10  }
0x46: {  	[tilespmem:$0x2890] =	vst v1  }
0x47: {  	[tilespmem:s21], [sflag:$0x2] =	stream.indirect.gather [hbm4b:s2+s17], $0x80, s20, s17, $0xb8;
	[tilespmem:$0x1D970] =	vst v63  }
0x48: {  	_ = 	snop  }
0x49: {  	[spmem:s5] =	stream.linear.scatter [tilespmem:s22], [sflag:$0x7], $0x2800, $0x38;
	[tilespmem:$0x1D970] =	vst v63  }
0x4a: {  	_ =	swait.ge [sflag:s16], $0x2800  }
0x4b: {  	[sflag:s16] =	ssyncset.done $0x0  }
0x4c: {  	[sflag:s16] =	ssyncadd.s32 $0xFFFFD800  }
0x4d: {  	[spmem:s10] =	stream.linear.scatter [tilespmem:s22], [sflag:$0x7], $0x2800, $0x38;
	[tilespmem:$0x1D970] =	vst v63  }
0x4e: {  	_ =	swait.ge [sflag:s16], $0x2800  }
0x4f: {  	[sflag:s16] =	ssyncset.done $0x0  }
0x50: {  	[sflag:s16] =	ssyncadd.s32 $0xFFFFD800  }
0x51: {  	[spmem:s11] =	stream.linear.scatter [tilespmem:s22], [sflag:$0x7], $0x2800, $0x38;
	[tilespmem:$0x1D970] =	vst v63  }
0x52: {  	_ =	swait.ge [sflag:s16], $0x2800  }
0x53: {  	[sflag:s16] =	ssyncset.done $0x0  }
0x54: {  	[sflag:s16] =	ssyncadd.s32 $0xFFFFD800  }
0x55: {  	[spmem:s12] =	stream.linear.scatter [tilespmem:s22], [sflag:$0x7], $0x2800, $0x38;
	[tilespmem:$0x1D970] =	vst v63  }
0x56: {  	_ =	swait.ge [sflag:s16], $0x2800  }
0x57: {  	[sflag:s16] =	ssyncset.done $0x0  }
0x58: {  	[sflag:s16] =	ssyncadd.s32 $0xFFFFD800  }
0x59: {  	[spmem:s13] =	stream.linear.scatter [tilespmem:s22], [sflag:$0x7], $0x2800, $0x38;
	[tilespmem:$0x1D970] =	vst v63  }
0x5a: {  	_ =	swait.ge [sflag:s16], $0x2800  }
0x5b: {  	[sflag:s16] =	ssyncset.done $0x0  }
0x5c: {  	[sflag:s16] =	ssyncadd.s32 $0xFFFFD800  }
0x5d: {  	[spmem:s14] =	stream.linear.scatter [tilespmem:s22], [sflag:$0x7], $0x2800, $0x38;
	[tilespmem:$0x1D970] =	vst v63  }
0x5e: {  	_ =	swait.ge [sflag:s16], $0x2800  }
0x5f: {  	[sflag:s16] =	ssyncset.done $0x0  }
0x60: {  	[sflag:s16] =	ssyncadd.s32 $0xFFFFD800  }
0x61: {  	[spmem:s15] =	stream.linear.scatter [tilespmem:s22], [sflag:$0x7], $0x2800, $0x38;
	[tilespmem:$0x1D970] =	vst v63  }
0x62: {  	_ =	swait.ge [sflag:s16], $0x2800  }
0x63: {  	[sflag:s16] =	ssyncset.done $0x0  }
0x64: {  	s9 =	rddreg [dreg:$0x5];
	[sflag:s16] =	ssyncadd.s32 $0xFFFFD800  }
0x65: {  	[spmem:s9] =	stream.linear.scatter [tilespmem:s22], [sflag:$0x7], $0x2080, $0x38;
	[tilespmem:$0x1D970] =	vst v63  }
0x66: {  	_ =	swait.ge [sflag:s16], $0x2080  }
0x67: {  	[sflag:s16] =	ssyncset.done $0x0  }
0x68: {  	[sflag:s16] =	ssyncadd.s32 $0xFFFFDF80  }
0x69: {  	[bflag:$0x0] =	sbarrier.arrive $0xFFFF  }
0x6a: {  	_ =	swait.ge [sflag:s23], $0x2800  }
0x6b: {  	[sflag:s23] =	ssyncset.done $0x0  }
0x6c: {  	[sflag:s23] =	ssyncadd.s32 $0xFFFFD800  }
0x6d: {  	[spmem:s3] =	stream.indirect.scatter.add.f32 [tilespmem:s19], [sflag:$0x4], $0x80, s24, s17, $0xb8;
	[tilespmem:$0x1D970] =	vst v63  }
0x6e: {  	v1 =	vld [tilespmem:$0xA0];
	_ =	sdelay $0x1  }
0x6f: {  	v2 =	vld [tilespmem:$0xB0];
	_ =	sdelay $0x1  }
0x70: {  	v3 =	vld [tilespmem:$0xC0]  }
0x71: {  	v58 =	vand.u32 $0xFFFF, v1  }
0x72: {  	v59 =	vld [tilespmem:$0xD0];
	v1 =	vshrl.u32 v1, $0x10;
	[tilespmem:$0x27B0] =	vst v58  }
0x73: {  	[tilespmem:$0x28A0] =	vst v1;
	v1 =	vand.u32 $0xFFFF, v2  }
0x74: {  	[tilespmem:$0x27C0] =	vst v1;
	v1 =	vshrl.u32 v2, $0x10;
	v2 =	vld [tilespmem:$0xE0]  }
0x75: {  	[tilespmem:$0x28B0] =	vst v1;
	v1 =	vand.u32 $0xFFFF, v3  }
0x76: {  	[tilespmem:$0x27D0] =	vst v1;
	v1 =	vshrl.u32 v3, $0x10  }
0x77: {  	[tilespmem:$0x28C0] =	vst v1;
	v1 =	vand.u32 $0xFFFF, v59  }
0x78: {  	[tilespmem:$0x27E0] =	vst v1;
	v1 =	vshrl.u32 v59, $0x10  }
0x79: {  	[tilespmem:$0x28D0] =	vst v1;
	v1 =	vand.u32 $0xFFFF, v2  }
0x7a: {  	[tilespmem:$0x27F0] =	vst v1;
	v1 =	vshrl.u32 v2, $0x10  }
0x7b: {  	[tilespmem:$0x28E0] =	vst v1  }
0x7c: {  	[tilespmem:s22], [sflag:$0x3] =	stream.indirect.gather [hbm4b:s2+s17], $0x80, s26, s17, $0xb8;
	[tilespmem:$0x1D970] =	vst v63  }
0x7d: {  	_ =	swait.ge [sflag:s28], $0x2800  }
0x7e: {  	[sflag:s28] =	ssyncset.done $0x0  }
0x7f: {  	[sflag:s28] =	ssyncadd.s32 $0xFFFFD800  }
0x80: {  	[spmem:s3] =	stream.indirect.scatter.add.f32 [tilespmem:s21], [sflag:$0x5], $0x80, s29, s17, $0xb8;
	[tilespmem:$0x1D970] =	vst v63  }
0x81: {  	_ =	swait.ge [sflag:s30], $0x2800  }
0x82: {  	[sflag:s30] =	ssyncset.done $0x0  }
0x83: {  	[sflag:s30] =	ssyncadd.s32 $0xFFFFD800  }
0x84: {  	v1 =	vld [tilespmem:$0xF0];
	_ =	sdelay $0x1  }
0x85: {  	v2 =	vld [tilespmem:$0x100];
	_ =	sdelay $0x1  }
0x86: {  	v3 =	vld [tilespmem:$0x110]  }
0x87: {  	v60 =	vand.u32 $0xFFFF, v1  }
0x88: {  	v61 =	vld [tilespmem:$0x120];
	v1 =	vshrl.u32 v1, $0x10;
	[tilespmem:$0x2710] =	vst v60  }
0x89: {  	[tilespmem:$0x2800] =	vst v1;
	v1 =	vand.u32 $0xFFFF, v2  }
0x8a: {  	[tilespmem:$0x2720] =	vst v1;
	v1 =	vshrl.u32 v2, $0x10;
	v2 =	vld [tilespmem:$0x130]  }
0x8b: {  	[tilespmem:$0x2810] =	vst v1;
	v1 =	vand.u32 $0xFFFF, v3  }
0x8c: {  	[tilespmem:$0x2730] =	vst v1;
	v1 =	vshrl.u32 v3, $0x10  }
0x8d: {  	[tilespmem:$0x2820] =	vst v1;
	v1 =	vand.u32 $0xFFFF, v61  }
0x8e: {  	[tilespmem:$0x2740] =	vst v1;
	v1 =	vshrl.u32 v61, $0x10  }
0x8f: {  	[tilespmem:$0x2830] =	vst v1;
	v1 =	vand.u32 $0xFFFF, v2  }
0x90: {  	[tilespmem:$0x2750] =	vst v1;
	v1 =	vshrl.u32 v2, $0x10  }
0x91: {  	[tilespmem:$0x2840] =	vst v1  }
0x92: {  	[tilespmem:s19], [sflag:$0x1] =	stream.indirect.gather [hbm4b:s2+s17], $0x80, s18, s17, $0xb8;
	[tilespmem:$0x1D970] =	vst v63  }
0x93: {  	_ =	swait.ge [sflag:s31], $0x2800  }
0x94: {  	[sflag:s31] =	ssyncset.done $0x0  }
0x95: {  	[sflag:s31] =	ssyncadd.s32 $0xFFFFD800  }
0x96: {  	[spmem:s3] =	stream.indirect.scatter.add.f32 [tilespmem:s22], [sflag:$0x6], $0x80, s1, s17, $0xb8;
	[tilespmem:$0x1D970] =	vst v63  }
0x97: {  	_ =	swait.ge [sflag:s0], $0x2800  }
0x98: {  	[sflag:s0] =	ssyncset.done $0x0  }
0x99: {  	[sflag:s0] =	ssyncadd.s32 $0xFFFFD800  }
0x9a: {  	v1 =	vld [tilespmem:$0x140];
	_ =	sdelay $0x1  }
0x9b: {  	v2 =	vld [tilespmem:$0x150];
	_ =	sdelay $0x1  }
0x9c: {  	v3 =	vld [tilespmem:$0x160]  }
0x9d: {  	v62 =	vand.u32 $0xFFFF, v1  }
0x9e: {  	v63 =	vld [tilespmem:$0x170];
	v1 =	vshrl.u32 v1, $0x10;
	[tilespmem:$0x2760] =	vst v62  }
0x9f: {  	[tilespmem:$0x2850] =	vst v1;
	v1 =	vand.u32 $0xFFFF, v2  }
0xa0: {  	[tilespmem:$0x2770] =	vst v1;
	v1 =	vshrl.u32 v2, $0x10;
	v2 =	vld [tilespmem:$0x180]  }
0xa1: {  	[tilespmem:$0x2860] =	vst v1;
	v1 =	vand.u32 $0xFFFF, v3  }
0xa2: {  	[tilespmem:$0x2780] =	vst v1;
	v1 =	vshrl.u32 v3, $0x10  }
0xa3: {  	[tilespmem:$0x2870] =	vst v1;
	v1 =	vand.u32 $0xFFFF, v63  }
0xa4: {  	[tilespmem:$0x2790] =	vst v1;
	v1 =	vshrl.u32 v63, $0x10  }
0xa5: {  	[tilespmem:$0x2880] =	vst v1;
	v1 =	vand.u32 $0xFFFF, v2  }
0xa6: {  	[tilespmem:$0x27A0] =	vst v1;
	v1 =	vshrl.u32 v2, $0x10  }
0xa7: {  	[tilespmem:$0x2890] =	vst v1  }
0xa8: {  	[tilespmem:s21], [sflag:$0x2] =	stream.indirect.gather [hbm4b:s2+s17], $0x80, s20, s17, $0xb8;
	[tilespmem:$0x1D970] =	vst v63  }
0xa9: {  	_ =	swait.ge [sflag:s23], $0x2800  }
0xaa: {  	[sflag:s23] =	ssyncset.done $0x0  }
0xab: {  	[sflag:s23] =	ssyncadd.s32 $0xFFFFD800  }
0xac: {  	[spmem:s3] =	stream.indirect.scatter.add.f32 [tilespmem:s19], [sflag:$0x4], $0x80, s24, s17, $0xb8;
	[tilespmem:$0x1D970] =	vst v63  }
0xad: {  	_ =	swait.ge [sflag:s6], $0x2800  }
0xae: {  	[sflag:s6] =	ssyncset.done $0x0  }
0xaf: {  	s7 =	simm.s32 $0x0;
	[sflag:s6] =	ssyncadd.s32 $0xFFFFD800  }
0xb0: {  	v1 =	vld [tilespmem:s7+$0x190];
	_ =	sdelay $0x4  }
0xb1: {  	v2 =	vand.u32 $0xFFFF, v1  }
0xb2: {  	v1 =	vshrl.u32 v1, $0x10;
	[tilespmem:$0x27B0] =	vst v2  }
0xb3: {  	[tilespmem:$0x28A0] =	vst v1  }
0xb4: {  	v1 =	vld [tilespmem:s7+$0x1A0];
	_ =	sdelay $0x4  }
0xb5: {  	v2 =	vand.u32 $0xFFFF, v1  }
0xb6: {  	v1 =	vshrl.u32 v1, $0x10;
	[tilespmem:$0x27C0] =	vst v2  }
0xb7: {  	[tilespmem:$0x28B0] =	vst v1  }
0xb8: {  	v1 =	vld [tilespmem:s7+$0x1B0];
	_ =	sdelay $0x4  }
0xb9: {  	v2 =	vand.u32 $0xFFFF, v1  }
0xba: {  	v1 =	vshrl.u32 v1, $0x10;
	[tilespmem:$0x27D0] =	vst v2  }
0xbb: {  	[tilespmem:$0x28C0] =	vst v1  }
0xbc: {  	v1 =	vld [tilespmem:s7+$0x1C0];
	_ =	sdelay $0x4  }
0xbd: {  	v2 =	vand.u32 $0xFFFF, v1  }
0xbe: {  	v1 =	vshrl.u32 v1, $0x10;
	[tilespmem:$0x27E0] =	vst v2  }
0xbf: {  	[tilespmem:$0x28D0] =	vst v1  }
0xc0: {  	v1 =	vld [tilespmem:s7+$0x1D0];
	_ =	sdelay $0x4  }
0xc1: {  	v2 =	vand.u32 $0xFFFF, v1  }
0xc2: {  	v1 =	vshrl.u32 v1, $0x10;
	[tilespmem:$0x27F0] =	vst v2  }
0xc3: {  	[tilespmem:$0x28E0] =	vst v1  }
0xc4: {  	[tilespmem:s22], [sflag:$0x3] =	stream.indirect.gather [hbm4b:s2+s17], $0x80, s26, s17, $0xb8;
	[tilespmem:$0x1D970] =	vst v63  }
0xc5: {  	_ =	swait.ge [sflag:s28], $0x2800  }
0xc6: {  	[sflag:s28] =	ssyncset.done $0x0  }
0xc7: {  	[sflag:s28] =	ssyncadd.s32 $0xFFFFD800  }
0xc8: {  	[spmem:s3] =	stream.indirect.scatter.add.f32 [tilespmem:s21], [sflag:$0x5], $0x80, s29, s17, $0xb8;
	[tilespmem:$0x1D970] =	vst v63  }
0xc9: {  	_ =	swait.ge [sflag:s30], $0x2800  }
0xca: {  	[sflag:s30] =	ssyncset.done $0x0  }
0xcb: {  	[sflag:s30] =	ssyncadd.s32 $0xFFFFD800  }
0xcc: {  	v1 =	vld [tilespmem:s7+$0x1E0];
	_ =	sdelay $0x4  }
0xcd: {  	v2 =	vand.u32 $0xFFFF, v1  }
0xce: {  	v1 =	vshrl.u32 v1, $0x10;
	[tilespmem:$0x2710] =	vst v2  }
0xcf: {  	[tilespmem:$0x2800] =	vst v1  }
0xd0: {  	v1 =	vld [tilespmem:s7+$0x1F0];
	_ =	sdelay $0x4  }
0xd1: {  	v2 =	vand.u32 $0xFFFF, v1  }
0xd2: {  	v1 =	vshrl.u32 v1, $0x10;
	[tilespmem:$0x2720] =	vst v2  }
0xd3: {  	[tilespmem:$0x2810] =	vst v1  }
0xd4: {  	v1 =	vld [tilespmem:s7+$0x200];
	_ =	sdelay $0x4  }
0xd5: {  	v2 =	vand.u32 $0xFFFF, v1  }
0xd6: {  	v1 =	vshrl.u32 v1, $0x10;
	[tilespmem:$0x2730] =	vst v2  }
0xd7: {  	[tilespmem:$0x2820] =	vst v1  }
0xd8: {  	v1 =	vld [tilespmem:s7+$0x210];
	_ =	sdelay $0x4  }
0xd9: {  	v2 =	vand.u32 $0xFFFF, v1  }
0xda: {  	v1 =	vshrl.u32 v1, $0x10;
	[tilespmem:$0x2740] =	vst v2  }
0xdb: {  	[tilespmem:$0x2830] =	vst v1  }
0xdc: {  	v1 =	vld [tilespmem:s7+$0x220];
	_ =	sdelay $0x4  }
0xdd: {  	v2 =	vand.u32 $0xFFFF, v1  }
0xde: {  	v1 =	vshrl.u32 v1, $0x10;
	[tilespmem:$0x2750] =	vst v2  }
0xdf: {  	[tilespmem:$0x2840] =	vst v1  }
0xe0: {  	[tilespmem:s19], [sflag:$0x1] =	stream.indirect.gather [hbm4b:s2+s17], $0x80, s18, s17, $0xb8;
	[tilespmem:$0x1D970] =	vst v63  }
0xe1: {  	_ =	swait.ge [sflag:s31], $0x2800  }
0xe2: {  	[sflag:s31] =	ssyncset.done $0x0  }
0xe3: {  	[sflag:s31] =	ssyncadd.s32 $0xFFFFD800  }
0xe4: {  	[spmem:s3] =	stream.indirect.scatter.add.f32 [tilespmem:s22], [sflag:$0x6], $0x80, s1, s17, $0xb8;
	[tilespmem:$0x1D970] =	vst v63  }
0xe5: {  	_ =	swait.ge [sflag:s0], $0x2800  }
0xe6: {  	[sflag:s0] =	ssyncset.done $0x0  }
0xe7: {  	[sflag:s0] =	ssyncadd.s32 $0xFFFFD800  }
0xe8: {  	v1 =	vld [tilespmem:s7+$0x230];
	_ =	sdelay $0x4  }
0xe9: {  	v2 =	vand.u32 $0xFFFF, v1  }
0xea: {  	v1 =	vshrl.u32 v1, $0x10;
	[tilespmem:$0x2760] =	vst v2  }
0xeb: {  	[tilespmem:$0x2850] =	vst v1  }
0xec: {  	v1 =	vld [tilespmem:s7+$0x240];
	_ =	sdelay $0x4  }
0xed: {  	v2 =	vand.u32 $0xFFFF, v1  }
0xee: {  	v1 =	vshrl.u32 v1, $0x10;
	[tilespmem:$0x2770] =	vst v2  }
0xef: {  	[tilespmem:$0x2860] =	vst v1  }
0xf0: {  	v1 =	vld [tilespmem:s7+$0x250];
	_ =	sdelay $0x4  }
0xf1: {  	v2 =	vand.u32 $0xFFFF, v1  }
0xf2: {  	v1 =	vshrl.u32 v1, $0x10;
	[tilespmem:$0x2780] =	vst v2  }
0xf3: {  	[tilespmem:$0x2870] =	vst v1  }
0xf4: {  	s8 =	simm.s32 $0x3C0;
	v1 =	vld [tilespmem:s7+$0x260]  }
.LBB2_4:
0xf5: {  	p0 =	sne.s32 s8, $0x9240;
	s9 =	smov.u32 s8;
	s8 =	sadd.s32 $0x3C0, s8  }
0xf6: {  	_ =	sdelay $0x2  }
0xf7: {  	v2 =	vand.u32 $0xFFFF, v1;
	v1 =	vshrl.u32 v1, $0x10  }
0xf8: {  	[tilespmem:$0x2790] =	vst v2  }
0xf9: {  	[tilespmem:$0x2880] =	vst v1  }
0xfa: {  	v1 =	vld [tilespmem:s7+$0x270];
	_ =	sdelay $0x4  }
0xfb: {  	v2 =	vand.u32 $0xFFFF, v1;
	v1 =	vshrl.u32 v1, $0x10  }
0xfc: {  	[tilespmem:$0x27A0] =	vst v2  }
0xfd: {  	[tilespmem:$0x2890] =	vst v1  }
0xfe: {  	[tilespmem:s21], [sflag:$0x2] =	stream.indirect.gather [hbm4b:s2+s17], $0x80, s20, s17, $0xb8;
	[tilespmem:$0x1D970] =	vst v63  }
0xff: {  	_ =	swait.ge [sflag:s23], $0x2800  }
0x100: {  	[sflag:s23] =	ssyncset.done $0x0  }
0x101: {  	[sflag:s23] =	ssyncadd.s32 $0xFFFFD800  }
0x102: {  	[spmem:s3] =	stream.indirect.scatter.add.f32 [tilespmem:s19], [sflag:$0x4], $0x80, s24, s17, $0xb8;
	[tilespmem:$0x1D970] =	vst v63  }
0x103: {  	_ =	swait.ge [sflag:s6], $0x2800  }
0x104: {  	[sflag:s6] =	ssyncset.done $0x0  }
0x105: {  	s7 =	sshra.s32 s9, $0x2;
	[sflag:s6] =	ssyncadd.s32 $0xFFFFD800  }
0x106: {  	v1 =	vld [tilespmem:s7+$0x190];
	_ =	sdelay $0x4  }
0x107: {  	v2 =	vand.u32 $0xFFFF, v1;
	v1 =	vshrl.u32 v1, $0x10  }
0x108: {  	[tilespmem:$0x27B0] =	vst v2  }
0x109: {  	[tilespmem:$0x28A0] =	vst v1  }
0x10a: {  	v1 =	vld [tilespmem:s7+$0x1A0];
	_ =	sdelay $0x4  }
0x10b: {  	v2 =	vand.u32 $0xFFFF, v1;
	v1 =	vshrl.u32 v1, $0x10  }
0x10c: {  	[tilespmem:$0x27C0] =	vst v2  }
0x10d: {  	[tilespmem:$0x28B0] =	vst v1  }
0x10e: {  	v1 =	vld [tilespmem:s7+$0x1B0];
	_ =	sdelay $0x4  }
0x10f: {  	v2 =	vand.u32 $0xFFFF, v1;
	v1 =	vshrl.u32 v1, $0x10  }
0x110: {  	[tilespmem:$0x27D0] =	vst v2  }
0x111: {  	[tilespmem:$0x28C0] =	vst v1  }
0x112: {  	v1 =	vld [tilespmem:s7+$0x1C0];
	_ =	sdelay $0x4  }
0x113: {  	v2 =	vand.u32 $0xFFFF, v1;
	v1 =	vshrl.u32 v1, $0x10  }
0x114: {  	[tilespmem:$0x27E0] =	vst v2  }
0x115: {  	[tilespmem:$0x28D0] =	vst v1  }
0x116: {  	v1 =	vld [tilespmem:s7+$0x1D0];
	_ =	sdelay $0x4  }
0x117: {  	v2 =	vand.u32 $0xFFFF, v1;
	v1 =	vshrl.u32 v1, $0x10  }
0x118: {  	[tilespmem:$0x27F0] =	vst v2  }
0x119: {  	[tilespmem:$0x28E0] =	vst v1  }
0x11a: {  	[tilespmem:s22], [sflag:$0x3] =	stream.indirect.gather [hbm4b:s2+s17], $0x80, s26, s17, $0xb8;
	[tilespmem:$0x1D970] =	vst v63  }
0x11b: {  	_ =	swait.ge [sflag:s28], $0x2800  }
0x11c: {  	[sflag:s28] =	ssyncset.done $0x0  }
0x11d: {  	[sflag:s28] =	ssyncadd.s32 $0xFFFFD800  }
0x11e: {  	[spmem:s3] =	stream.indirect.scatter.add.f32 [tilespmem:s21], [sflag:$0x5], $0x80, s29, s17, $0xb8;
	[tilespmem:$0x1D970] =	vst v63  }
0x11f: {  	_ =	swait.ge [sflag:s30], $0x2800  }
0x120: {  	[sflag:s30] =	ssyncset.done $0x0  }
0x121: {  	[sflag:s30] =	ssyncadd.s32 $0xFFFFD800  }
0x122: {  	v1 =	vld [tilespmem:s7+$0x1E0];
	_ =	sdelay $0x4  }
0x123: {  	v2 =	vand.u32 $0xFFFF, v1;
	v1 =	vshrl.u32 v1, $0x10  }
0x124: {  	[tilespmem:$0x2710] =	vst v2  }
0x125: {  	[tilespmem:$0x2800] =	vst v1  }
0x126: {  	v1 =	vld [tilespmem:s7+$0x1F0];
	_ =	sdelay $0x4  }
0x127: {  	v2 =	vand.u32 $0xFFFF, v1;
	v1 =	vshrl.u32 v1, $0x10  }
0x128: {  	[tilespmem:$0x2720] =	vst v2  }
0x129: {  	[tilespmem:$0x2810] =	vst v1  }
0x12a: {  	v1 =	vld [tilespmem:s7+$0x200];
	_ =	sdelay $0x4  }
0x12b: {  	v2 =	vand.u32 $0xFFFF, v1;
	v1 =	vshrl.u32 v1, $0x10  }
0x12c: {  	[tilespmem:$0x2730] =	vst v2  }
0x12d: {  	[tilespmem:$0x2820] =	vst v1  }
0x12e: {  	v1 =	vld [tilespmem:s7+$0x210];
	_ =	sdelay $0x4  }
0x12f: {  	v2 =	vand.u32 $0xFFFF, v1;
	v1 =	vshrl.u32 v1, $0x10  }
0x130: {  	[tilespmem:$0x2740] =	vst v2  }
0x131: {  	[tilespmem:$0x2830] =	vst v1  }
0x132: {  	v1 =	vld [tilespmem:s7+$0x220];
	_ =	sdelay $0x4  }
0x133: {  	v2 =	vand.u32 $0xFFFF, v1;
	v1 =	vshrl.u32 v1, $0x10  }
0x134: {  	[tilespmem:$0x2750] =	vst v2  }
0x135: {  	[tilespmem:$0x2840] =	vst v1  }
0x136: {  	[tilespmem:s19], [sflag:$0x1] =	stream.indirect.gather [hbm4b:s2+s17], $0x80, s18, s17, $0xb8;
	[tilespmem:$0x1D970] =	vst v63  }
0x137: {  	_ =	swait.ge [sflag:s31], $0x2800  }
0x138: {  	[sflag:s31] =	ssyncset.done $0x0  }
0x139: {  	[sflag:s31] =	ssyncadd.s32 $0xFFFFD800  }
0x13a: {  	[spmem:s3] =	stream.indirect.scatter.add.f32 [tilespmem:s22], [sflag:$0x6], $0x80, s1, s17, $0xb8;
	[tilespmem:$0x1D970] =	vst v63  }
0x13b: {  	_ =	swait.ge [sflag:s0], $0x2800  }
0x13c: {  	[sflag:s0] =	ssyncset.done $0x0  }
0x13d: {  	[sflag:s0] =	ssyncadd.s32 $0xFFFFD800  }
0x13e: {  	v1 =	vld [tilespmem:s7+$0x230];
	_ =	sdelay $0x4  }
0x13f: {  	v2 =	vand.u32 $0xFFFF, v1;
	v1 =	vshrl.u32 v1, $0x10  }
0x140: {  	[tilespmem:$0x2760] =	vst v2  }
0x141: {  	[tilespmem:$0x2850] =	vst v1  }
0x142: {  	v1 =	vld [tilespmem:s7+$0x240];
	_ =	sdelay $0x4  }
0x143: {  	v2 =	vand.u32 $0xFFFF, v1;
	v1 =	vshrl.u32 v1, $0x10  }
0x144: {  	[tilespmem:$0x2770] =	vst v2  }
0x145: {  	[tilespmem:$0x2860] =	vst v1  }
0x146: {  	v1 =	vld [tilespmem:s7+$0x250];
	_ =	sdelay $0x3  }
.Ltmp1:
0x147: {  	(pc) =	sbr.rel @p0 .LBB2_4-.Ltmp1, $4  }
0x148: {  	v2 =	vand.u32 $0xFFFF, v1;
	v1 =	vshrl.u32 v1, $0x10  }
0x149: {  	[tilespmem:$0x2780] =	vst v2  }
0x14a: {  	[tilespmem:$0x2870] =	vst v1  }
0x14b: {  	v1 =	vld [tilespmem:s7+$0x260]  }
0x14c: {  	_ =	sdelay $0x3  }
0x14d: {  	v2 =	vand.u32 $0xFFFF, v1  }
0x14e: {  	v1 =	vshrl.u32 v1, $0x10;
	[tilespmem:$0x2790] =	vst v2  }
0x14f: {  	[tilespmem:$0x2880] =	vst v1  }
0x150: {  	v1 =	vld [tilespmem:s7+$0x270];
	_ =	sdelay $0x4  }
0x151: {  	v2 =	vand.u32 $0xFFFF, v1  }
0x152: {  	v1 =	vshrl.u32 v1, $0x10;
	[tilespmem:$0x27A0] =	vst v2  }
0x153: {  	[tilespmem:$0x2890] =	vst v1  }
0x154: {  	[tilespmem:s21], [sflag:$0x2] =	stream.indirect.gather [hbm4b:s2+s17], $0x80, s20, s17, $0xb8;
	[tilespmem:$0x1D970] =	vst v63  }
0x155: {  	_ =	swait.ge [sflag:s23], $0x2800  }
0x156: {  	[sflag:s23] =	ssyncset.done $0x0  }
0x157: {  	[sflag:s23] =	ssyncadd.s32 $0xFFFFD800  }
0x158: {  	[spmem:s3] =	stream.indirect.scatter.add.f32 [tilespmem:s19], [sflag:$0x4], $0x80, s24, s17, $0xb8;
	[tilespmem:$0x1D970] =	vst v63  }
0x159: {  	_ =	swait.ge [sflag:s28], $0x2800  }
0x15a: {  	[sflag:s28] =	ssyncset.done $0x0  }
0x15b: {  	[sflag:s28] =	ssyncadd.s32 $0xFFFFD800  }
0x15c: {  	[spmem:s3] =	stream.indirect.scatter.add.f32 [tilespmem:s21], [sflag:$0x5], $0x80, s29, s17, $0xb8;
	[tilespmem:$0x1D970] =	vst v63  }
0x15d: {  	_ =	swait.ge [sflag:s6], $0x2800  }
0x15e: {  	[sflag:s6] =	ssyncset.done $0x0  }
0x15f: {  	[sflag:s6] =	ssyncadd.s32 $0xFFFFD800  }
0x160: {  	_ =	swait.ge [sflag:s30], $0x2800  }
0x161: {  	[sflag:s30] =	ssyncset.done $0x0  }
0x162: {  	[sflag:s30] =	ssyncadd.s32 $0xFFFFD800  }
0x163: {  	_ =	swait.ge [sflag:s0], $0x2800  }
0x164: {  	[sflag:s0] =	ssyncset.done $0x0  }
0x165: {  	s8 =	stileid.u32;
	[sflag:s0] =	ssyncadd.s32 $0xFFFFD800  }
0x166: {  	s7 =	sshll.u32 s8, $0x6;
	[bflag:$0x0] =	sbarrier.arrive $0xFFFF  }
0x167: {  	s7 =	sor.u32 $0x1C07, s7;
	s8 =	rddreg [dreg:$0x6]  }
0x168: {  	[hbm:s8], [sflag:s7] =	dma.local [spmem:s25], $0x2710  }
0x169: {  	_ =	swait.ge [sflag:s16], $0x2710  }
0x16a: {  	s4 =	sadd.s32 $0x1, s4;
	s9 =	rddreg [dreg:$0x7]  }
0x16b: {  	p0 =	sne.s32 s4, s9  }
.Ltmp2:
0x16c: {  	_ = 	snop;
	(pc) =	sbr.rel @p0 .LBB2_1-.Ltmp2, $3  }
0x16d: {  	_ =	sdelay $0x1  }
0x16e: {  	[sflag:s16] =	ssyncset.done $0x0  }
0x16f: {  	[sflag:s16] =	ssyncadd.s32 $0xFFFFD8F0  }
0x170: {  	_ =	sfence.sel $0x180000  }
0x171: {  	[bflag:$0x0] =	sbarrier.arrive $0xFFFF  }
0x172: {  	_ =	strace $0x9000004D  }
0x173: {  	s0 =	stileid.u32;
	[bflag:$0x2] =	sbarrier.arrive $0xFFFF  }
0x174: {  	p0 =	sne.s32 s0, $0x0;
	s0 =	rddreg [dreg:$0x3]  }
0x175: {  	s0 =	sadd.s32 @!p0 $0x100000, s0  }
0x176: {  	[sflag:s0] =	ssyncadd.tile.s32 @!p0 $0x1;
	_ =	shalt  }
.Lfunc_end2:
_tile_overlayer_lowered:
.L_overlay_start_2:
0x177: {  	(tag) =	ssettag $0x2  }
0x178: {  	s0 =	rddreg [dreg:$0x0];
	s2 =	stileid.u32  }
0x179: {  	s1 =	rddreg [dreg:$0x1];
	p0 =	sne.s32 s2, $0x0  }
0x17a: {  	s3 =	rddreg [dreg:$0x2];
	[bflag:$0x3] =	sbarrier.arrive $0xFFFF;
	s2 =	simm.s32 @!p0 $0x1C07  }
0x17b: {  	[timem:s3], [sflag:s2] =	dma.local @!p0 [hbm:s0], s1  }
0x17c: {  	s0 =	simm.s32 @!p0 $0x7  }
0x17d: {  	_ =	swait.ge @!p0 [sflag:s0], s1  }
0x17e: {  	s1 =	ssub.s32 @!p0 $0x0, s1;
	[sflag:s0] =	ssyncset.done @!p0 $0x0  }
0x17f: {  	[sflag:s0] =	ssyncadd.s32 @!p0 s1  }
0x180: {  	[bflag:$0x3] =	sbarrier.arrive $0xFFFF  }
0x181: {  	_ =	shalt  }

// kernel: kernel.9.cloned.1.call-start
scs
__scs_entry_jumppad:
0x0: {  	(pc) =	sbr.rel $0x88, $3  }
0x1: {  	(tag) =	ssettag $0x0;
	lr =	simm.s32 $0x1  }
0x2: {  	[smem:$0x3F8D] =	sst lr;
	_ =	strace $0xD0000000  }
0x3: {  	_ = 	snop  }
0x4: {  	_ = 	snop  }
0x5: {  	_ = 	snop  }
0x6: {  	_ = 	snop  }
0x7: {  	_ = 	snop  }
__scs_overlays_trampoline_lowered:
0x8: {  	[smem:$0x3F9C] =	sst s0  }
0x9: {  	[smem:$0x3F9D] =	sst s1  }
0xa: {  	[smem:$0x3F9E] =	sst s2  }
0xb: {  	[smem:$0x3F9F] =	sst s3  }
0xc: {  	[smem:$0x3FA0] =	sst s4  }
0xd: {  	[smem:$0x3FA1] =	sst s5  }
0xe: {  	[smem:$0x3FA2] =	sst s6  }
0xf: {  	[smem:$0x3FA3] =	sst s7  }
0x10: {  	[smem:$0x3FA4] =	sst s8  }
0x11: {  	[smem:$0x3FA5] =	sst s9;
	s0 =	simm.s32 @!p0 $0x0  }
0x12: {  	s1 =	sld [smem:$0x3F8B];
	s0 =	simm.s32 @p0 $0x1  }
0x13: {  	[smem:$0x3FA6] =	sst s0;
	s0 =	simm.s32 @!p1 $0x0  }
0x14: {  	s2 =	sld [smem:$0x3F8A];
	s0 =	simm.s32 @p1 $0x1  }
0x15: {  	[smem:$0x3FA7] =	sst s0;
	s0 =	simm.s32 @!p2 $0x0  }
0x16: {  	s3 =	sld [smem:$0x3FDB];
	s0 =	simm.s32 @p2 $0x1  }
0x17: {  	s4 =	simm.s32 $0x1BF5;
	[smem:$0x3FA9] =	sst s0  }
0x18: {  	s0 =	sld [smem:$0x3F8C];
	_ =	swait.ge [sflag:s4], $0x0  }
0x19: {  	s7 =	sld [smem:$0x3F8D]  }
0x1a: {  	s8 =	sadd.s32 $0xFFFFE003, lr  }
0x1b: {  	s9 =	sadd.s32 $0xFFFFFEF7, lr;
	s5 =	simm.s32 $0xFFFFFFFF;
	p2 =	slt.u32 s8, $0xFFFFF086  }
0x1c: {  	p1 =	slt.u32 s9, $0xF7A;
	s5 =	simm.s32 @!p2 $0x0  }
0x1d: {  	s5 =	simm.s32 @p1 $0x1;
	p0 =	seq.s32 s7, s2  }
0x1e: {  	s7 =	smul.u32 @!p0 $0xF7A, s2;
	p2 =	seq.s32 @!p0 s5, $0x0  }
0x1f: {  	s9 =	smul.u32 $0xF7A, s1;
	s8 =	simm.s32 @!p0 $0x1BF5;
	p2 =	por !p2, p0  }
0x20: {  	[sflag:s8] =	ssyncset.s32 @!p0 $0xFFFFF086;
	s6 =	sadd.s32 @!p0 s3, s7;
	s7 =	simm.s32 @!p0 $0x108  }
0x21: {  	s3 =	sadd.s32 s3, s9;
	s6 =	sadd.s32 @!p0 $0x88, s6;
	s7 =	simm.s32 @p2 $0x1082  }
0x22: {  	[simem:s7], [sflag:s8] =	dma.local @!p0 [hbm:s6], $0xF7A  }
0x23: {  	s9 =	sor.u32 $0xD0000000, s2;
	s6 =	simm.s32 $0x108;
	_ =	swait.ge @!p0 [sflag:s8], $0x0  }
0x24: {  	s3 =	sadd.s32 $0x88, s3;
	s6 =	simm.s32 @!p1 $0x1082;
	[sflag:s4] =	ssyncset.s32 $0xFFFFF086  }
0x25: {  	[simem:s6], [sflag:s4] =	dma.local [hbm:s3], $0xF7A  }
0x26: {  	[smem:$0x3F8D] =	sst s1;
	(tag) =	ssettag s2;
	_ =	strace s9  }
0x27: {  	s1 =	sld [smem:$0x3F9D]  }
0x28: {  	s2 =	sld [smem:$0x3F9E]  }
0x29: {  	s4 =	sld [smem:$0x3FA0]  }
0x2a: {  	p0 =	seq.s32 s5, $0x0;
	s5 =	sld [smem:$0x3FA1]  }
0x2b: {  	s6 =	sld [smem:$0x3FA2]  }
0x2c: {  	s7 =	sld [smem:$0x3FA3]  }
0x2d: {  	s3 =	simm.s32 $0x108;
	s8 =	sld [smem:$0x3FA4]  }
0x2e: {  	s3 =	simm.s32 @!p0 $0x1082;
	s9 =	sld [smem:$0x3FA5]  }
0x2f: {  	lr =	sadd.s32 s0, s3;
	s0 =	sld [smem:$0x3F9C]  }
0x30: {  	s3 =	sld [smem:$0x3F9F]  }
0x31: {  	[smem:$0x3FA8] =	sst s10  }
0x32: {  	s10 =	sld [smem:$0x3FA6];
	_ =	sdelay $0x3  }
0x33: {  	p0 =	seq.s32 s10, $0x1;
	s10 =	sld [smem:$0x3FA8];
	_ =	sdelay $0x3  }
0x34: {  	[smem:$0x3FA8] =	sst s10  }
0x35: {  	s10 =	sld [smem:$0x3FA7];
	_ =	sdelay $0x3  }
0x36: {  	p1 =	seq.s32 s10, $0x1;
	s10 =	sld [smem:$0x3FA8];
	_ =	sdelay $0x3  }
0x37: {  	[smem:$0x3FA8] =	sst s10  }
0x38: {  	s10 =	sld [smem:$0x3FA9]  }
0x39: {  	_ = 	snop;
	(pc) =	sbr.ind lr, $3  }
0x3a: {  	_ = 	snop  }
0x3b: {  	_ = 	snop  }
0x3c: {  	p2 =	seq.s32 s10, $0x1;
	s10 =	sld [smem:$0x3FA8]  }
0x3d: {  	_ =	shalt  }
0x3e: {  	_ =	shalt  }
0x3f: {  	_ =	shalt  }
0x40: {  	_ =	shalt  }
0x41: {  	_ =	shalt  }
0x42: {  	_ =	shalt  }
0x43: {  	_ =	shalt  }
0x44: {  	_ =	shalt  }
0x45: {  	_ =	shalt  }
0x46: {  	_ =	shalt  }
0x47: {  	_ =	shalt  }
0x48: {  	_ =	shalt  }
0x49: {  	_ =	shalt  }
0x4a: {  	_ =	shalt  }
0x4b: {  	_ =	shalt  }
0x4c: {  	_ =	shalt  }
0x4d: {  	_ =	shalt  }
0x4e: {  	_ =	shalt  }
0x4f: {  	_ =	shalt  }
0x50: {  	_ =	shalt  }
0x51: {  	_ =	shalt  }
0x52: {  	_ =	shalt  }
0x53: {  	_ =	shalt  }
0x54: {  	_ =	shalt  }
0x55: {  	_ =	shalt  }
0x56: {  	_ =	shalt  }
0x57: {  	_ =	shalt  }
0x58: {  	_ =	shalt  }
0x59: {  	_ =	shalt  }
0x5a: {  	_ =	shalt  }
0x5b: {  	_ =	shalt  }
0x5c: {  	_ =	shalt  }
0x5d: {  	_ =	shalt  }
0x5e: {  	_ =	shalt  }
0x5f: {  	_ =	shalt  }
0x60: {  	_ =	shalt  }
0x61: {  	_ =	shalt  }
0x62: {  	_ =	shalt  }
0x63: {  	_ =	shalt  }
0x64: {  	_ =	shalt  }
0x65: {  	_ =	shalt  }
0x66: {  	_ =	shalt  }
0x67: {  	_ =	shalt  }
0x68: {  	_ =	shalt  }
0x69: {  	_ =	shalt  }
0x6a: {  	_ =	shalt  }
0x6b: {  	_ =	shalt  }
0x6c: {  	_ =	shalt  }
0x6d: {  	_ =	shalt  }
0x6e: {  	_ =	shalt  }
0x6f: {  	_ =	shalt  }
0x70: {  	_ =	shalt  }
0x71: {  	_ =	shalt  }
0x72: {  	_ =	shalt  }
0x73: {  	_ =	shalt  }
0x74: {  	_ =	shalt  }
0x75: {  	_ =	shalt  }
0x76: {  	_ =	shalt  }
0x77: {  	_ =	shalt  }
0x78: {  	_ =	shalt  }
0x79: {  	_ =	shalt  }
0x7a: {  	_ =	shalt  }
0x7b: {  	_ =	shalt  }
0x7c: {  	_ =	shalt  }
0x7d: {  	_ =	shalt  }
0x7e: {  	_ =	shalt  }
0x7f: {  	_ =	shalt  }
0x80: {  	_ =	shalt  }
0x81: {  	_ =	shalt  }
0x82: {  	_ =	shalt  }
0x83: {  	_ =	shalt  }
0x84: {  	_ =	shalt  }
0x85: {  	_ =	shalt  }
0x86: {  	_ =	shalt  }
0x87: {  	_ =	shalt  }
.Lfunc_end0:
.L_simem_size_0:
called_computation_lowered:
.L_overlay_start_0:
0x88: {  	s2 =	sld [smem:$0x3FD9]  }
0x89: {  	s3 =	sld [smem:$0x3FFE];
	_ =	sdelay $0x1  }
0x8a: {  	s1 =	srdreg.scid  }
0x8b: {  	s0 =	sand.u32 $0x1, s1  }
0x8c: {  	s17 =	sshll.u32 s0, $0xA;
	s2 =	sadd.s32 s3, s2  }
0x8d: {  	s2 =	sadd.s32 s2, s17  }
0x8e: {  	[smem:$0x3FB4] =	sst s2  }
0x8f: {  	_ = 	snop  }
0x90: {  	s2 =	sld [smem:$0x3FD0];
	(tm) =	ssettm $0x1  }
0x91: {  	s18 =	sld [smem:$0x3FFB];
	_ =	sdelay $0x3  }
0x92: {  	_ =	strace s18  }
0x93: {  	s3 =	sld [smem:$0x3FFC];
	_ =	sdelay $0x3  }
0x94: {  	_ =	strace s3  }
0x95: {  	s3 =	sld [smem:$0x3FFD];
	_ =	sdelay $0x3  }
0x96: {  	_ =	strace s3  }
0x97: {  	_ =	strace $0x8FFFFFFF  }
0x98: {  	s19 =	sld [smem:$0x3FDB];
	_ =	sdelay $0x1  }
0x99: {  	s4 =	simm.s32 $_scs_section_size  }
0x9a: {  	s5 =	simm.s32 $_size__tile_overlayer_lowered;
	s6 =	simm.s32 $_tile_overlayer_lowered  }
0x9b: {  	s22 =	simm.s32 $0x1BFF;
	s21 =	sshll.u32 s6, $0x1;
	s3 =	sadd.s32 s4, s19  }
0x9c: {  	s7 =	simm.s32 $0x0;
	s20 =	sshll.u32 s5, $0x1;
	s5 =	sadd.s32 s21, s3  }
0x9d: {  	[timem:s7], [sflag:s22] =	dma.local [hbm:s5], s20  }
0x9e: {  	_ =	swait.ge [sflag:s22], s20  }
0x9f: {  	s4 =	ssub.s32 $0x0, s20;
	[sflag:s22] =	ssyncset.done $0x0  }
0xa0: {  	[sflag:s22] =	ssyncadd.s32 s4;
	_ =	sdelay $0x1  }
0xa1: {  	s23 =	simm.s32 $0x1B8B  }
0xa2: {  	_ =	swait.ge [sflag:s23], $0x1  }
0xa3: {  	[sflag:s23] =	ssyncset.done $0x0  }
0xa4: {  	s25 =	simm.s32 $0x1B8E;
	s24 =	sld [smem:$0x3FFE];
	[sflag:s23] =	ssyncadd.s32 $0xFFFFFFFF  }
0xa5: {  	s26 =	simm.s32 $execute0_lowered;
	[smem:$0x3FD2] =	sst s25  }
0xa6: {  	s5 =	sshll.u32 s26, $0x1;
	_ =	strace $0x80000046;
	[dreg:$0x1] =	wrdreg $0xFFFFFFFF  }
0xa7: {  	s28 =	simm.s32 $_size_execute0_lowered;
	s3 =	sadd.s32 s3, s5;
	[dreg:$0x0] =	wrdreg $0x0  }
0xa8: {  	s5 =	sshll.u32 s28, $0x1;
	[dreg:$0x2] =	wrdreg s3  }
0xa9: {  	[dreg:$0x3] =	wrdreg s5  }
0xaa: {  	[dreg:$0x4] =	wrdreg $0xC0  }
0xab: {  	_ =	task [dreg:s7], $0x5FFFF  }
0xac: {  	[dreg:$0x1] =	wrdreg $0xFFFFFFFF  }
0xad: {  	[dreg:$0x0] =	wrdreg $0x60  }
0xae: {  	[dreg:$0x2] =	wrdreg s2  }
0xaf: {  	[dreg:$0x3] =	wrdreg s24  }
0xb0: {  	[dreg:$0x4] =	wrdreg $0xA0F00  }
0xb1: {  	[dreg:$0x5] =	wrdreg $0x1DDC00  }
0xb2: {  	[dreg:$0x6] =	wrdreg $0x9  }
0xb3: {  	_ =	task.clear_ibuf [dreg:s7], $0x7FFFF;
	_ =	strace $0x90000046  }
0xb4: {  	s29 =	simm.s32 $0x9;
	_ =	strace $0x80000048  }
0xb5: {  	_ =	swait.ge [sflag:s29], $0x1  }
0xb6: {  	[sflag:s29] =	ssyncadd.s32 $0xFFFFFFFF  }
0xb7: {  	_ =	strace $0x90000048  }
0xb8: {  	_ =	sfence  }
0xb9: {  	s30 =	sld [smem:$0x0];
	_ =	sdelay $0x2  }
0xba: {  	s31 =	sshll.u32 s1, $0xD;
	s1 =	sshrl.u32 s1, $0x2  }
0xbb: {  	s3 =	sand.u32 $0x4000, s31;
	s1 =	sadd.s32 s1, s30  }
0xbc: {  	s0 =	sor.u32 s3, s0;
	s1 =	sshll.u32 s1, $0x11  }
0xbd: {  	s0 =	sor.u32 s1, s0  }
0xbe: {  	s0 =	sadd.s32 $0x8F2B, s0  }
0xbf: {  	[sflag:s0] =	ssyncadd.remote.s32 $0x1  }
0xc0: {  	_ =	sfence.sel $0xFFFF  }
0xc1: {  	[dreg:$0x0] =	wrdreg $0xFFFFFFFF;
	(pc) =	sbr.abs _section_cstart, $3  }
0xc2: {  	[dreg:$0x1] =	wrdreg $0xFFFFFFFF  }
0xc3: {  	_ =	task.clear_ibuf [dreg:s7], $0x2FFFF;
	_ =	strace $0x9FFFFFFF  }
0xc4: {  	(tm) =	ssettm $0x7FFFFFFF  }
0xc5: {  	_ =	shalt  }
tec
execute0_lowered:
.L_overlay_start_1:
0x0: {  	(tag) =	ssettag $0x1  }
0x1: {  	s1 =	rddreg [dreg:$0x0]  }
0x2: {  	s6 =	rddreg [dreg:$0x1]  }
0x3: {  	s0 =	srdreg.scid;
	s3 =	rddreg [dreg:$0x2]  }
0x4: {  	s14 =	stileid.u32;
	s4 =	rddreg [dreg:$0x3];
	s5 =	simm.s32 $0x0  }
0x5: {  	s19 =	simm.s32 $0x7;
	s20 =	simm.s32 $0x50;
	s8 =	smul.u32 $0x13880, s14  }
0x6: {  	s21 =	simm.s32 $0x2710;
	s22 =	simm.s32 $0x28F0;
	s10 =	smul.u32 $0x3E8, s14  }
0x7: {  	s28 =	simm.s32 $0x78F0;
	s29 =	simm.s32 $0x1;
	s11 =	smul.u32 $0x4E200, s14  }
0x8: {  	s30 =	simm.s32 $0x2800;
	s0 =	sand.u32 $0x1, s0;
	s13 =	smul.u32 $0xFA0, s14  }
0x9: {  	s31 =	simm.s32 $0x1D970;
	[smem:$0x7FF] =	sst s5;
	s7 =	smul.u32 $0x138800, s0  }
0xa: {  	p0 =	sgt.u32 s14, $0x9;
	s2 =	sshll.u32 s0, $0x4;
	s9 =	smul.u32 $0x2710, s0  }
0xb: {  	_ =	strace $0x80000047;
	s0 =	ssub.s32 $0x2, s0;
	s2 =	sor.u32 s14, s2  }
0xc: {  	s12 =	sshrl.u32 s0, $0x1;
	s11 =	sshrl.u32 s11, $0x2;
	s15 =	sadd.s32 s8, s3  }
0xd: {  	s2 =	smul.u32 $0x4E2, s2;
	s7 =	sadd.s32 s8, s7;
	s9 =	sadd.s32 s10, s9  }
0xe: {  	s0 =	ssub.s32 s0, s12;
	s12 =	sshrl.u32 s13, $0x2;
	s8 =	simm.s32 $0x4  }
0xf: {  	s7 =	sshrl.u32 s7, $0x3;
	s9 =	sshrl.u32 s9, $0x3;
	s0 =	smax.u32 s0, $0x1  }
0x10: {  	s2 =	sadd.s32 s2, s6;
	s7 =	sadd.s32 s7, s6;
	s9 =	sadd.s32 s9, s6  }
0x11: {  	s6 =	sadd.s32 s11, s3;
	[dreg:$0xa] =	wrdreg s0;
	s2 =	sadd.s32 $0x3E00, s2  }
0x12: {  	s0 =	simm.s32 $0x2;
	s11 =	sadd.s32 $0x11800, s6;
	[dreg:$0x5] =	wrdreg s2  }
0x13: {  	s13 =	sadd.s32 $0xE600, s7;
	s23 =	sadd.s32 $0xDC00, s9;
	[dreg:$0x6] =	wrdreg s11  }
0x14: {  	s7 =	sadd.s32 s10, s4;
	s24 =	sadd.s32 $0x2800, s6;
	[dreg:$0x8] =	wrdreg s13  }
0x15: {  	s25 =	sadd.s32 $0x5000, s6;
	s26 =	sadd.s32 $0x7800, s6;
	[dreg:$0x9] =	wrdreg s23  }
0x16: {  	s16 =	sadd.s32 $0xA000, s6;
	s17 =	sadd.s32 $0xC800, s6;
	[dreg:$0xb] =	wrdreg s24  }
0x17: {  	s18 =	sadd.s32 $0xF000, s6;
	s9 =	simm.s32 $0x3;
	[dreg:$0xc] =	wrdreg s25  }
0x18: {  	s10 =	simm.s32 $0x28A0;
	s2 =	sadd.s32 s12, s4;
	[dreg:$0xd] =	wrdreg s26  }
0x19: {  	s23 =	simm.s32 $0x2760;
	s24 =	sshrl.u32 s15, $0x3;
	s25 =	sshrl.u32 @!p0 s7, $0x3  }
0x1a: {  	s26 =	simm.s32 $0x50F0;
	s7 =	simm.s32 $0x2850;
	s11 =	simm.s32 $0x5  }
0x1b: {  	v0 =	vimm.f32 $0.0e+00;
	v1 =	vimm.f32 $1.000000000e+00;
	s12 =	simm.s32 $0x6;
	[dreg:$0x7] =	wrdreg s2;
	s2 =	simm.s32 $0x27B0  }
.LBB2_1:
0x1c: {  	s13 =	simm.s32 $0x70;
	s14 =	simm.s32 $0x3C0  }
.LBB2_2:
0x1d: {  	p1 =	sne.s32 s14, $0x9FC0;
	[tilespmem:s13+$0x78F0] =	vst v0  }
0x1e: {  	[tilespmem:s13+$0x7880] =	vst v0  }
0x1f: {  	[tilespmem:s13+$0x7890] =	vst v0  }
.Ltmp0:
0x20: {  	[tilespmem:s13+$0x78A0] =	vst v0;
	(pc) =	sbr.rel @p1 .LBB2_2-.Ltmp0, $4  }
0x21: {  	[tilespmem:s13+$0x78B0] =	vst v0  }
0x22: {  	[tilespmem:s13+$0x78C0] =	vst v0  }
0x23: {  	[tilespmem:s13+$0x78D0] =	vst v0  }
0x24: {  	[tilespmem:s13+$0x78E0] =	vst v0;
	s13 =	sshra.s32 s14, $0x2;
	s14 =	sadd.s32 $0x200, s14  }
0x25: {  	[tilespmem:s13+$0x78F0] =	vst v0  }
0x26: {  	[tilespmem:s13+$0x7880] =	vst v0  }
0x27: {  	[tilespmem:s13+$0x7890] =	vst v0  }
0x28: {  	[tilespmem:s13+$0x78A0] =	vst v0  }
0x29: {  	[tilespmem:s13+$0x78B0] =	vst v0  }
0x2a: {  	[tilespmem:s13+$0x78C0] =	vst v0  }
0x2b: {  	[tilespmem:s13+$0x78D0] =	vst v0  }
0x2c: {  	[tilespmem:s13+$0x78E0] =	vst v0;
	s15 =	simm.s32 $0x0;
	s14 =	rddreg [dreg:$0x5]  }
0x2d: {  	[tilespmem:s15], [sflag:$0x7] =	stream.linear.gather [hbm4b:s14+s15], $0x2710, $0x38;
	[tilespmem:$0x1E038] =	vst v63  }
0x2e: {  	_ =	swait.ge [sflag:s19], $0x2710  }
0x2f: {  	[sflag:s19] =	ssyncset.done $0x0  }
0x30: {  	[sflag:s19] =	ssyncadd.s32 $0xFFFFD8F0  }
0x31: {  	v2 =	vld [tilespmem:$0x0];
	_ =	sdelay $0x1  }
0x32: {  	v3 =	vld [tilespmem:$0x10];
	_ =	sdelay $0x1  }
0x33: {  	v4 =	vld [tilespmem:$0x20]  }
0x34: {  	v5 =	vand.u32 $0xFFFF, v2  }
0x35: {  	v60 =	vld [tilespmem:$0x30];
	v2 =	vshrl.u32 v2, $0x10;
	[tilespmem:$0x2710] =	vst v5  }
0x36: {  	[tilespmem:$0x2800] =	vst v2;
	v2 =	vand.u32 $0xFFFF, v3  }
0x37: {  	[tilespmem:$0x2720] =	vst v2;
	v2 =	vshrl.u32 v3, $0x10;
	v3 =	vld [tilespmem:$0x40]  }
0x38: {  	[tilespmem:$0x2810] =	vst v2;
	v2 =	vand.u32 $0xFFFF, v4  }
0x39: {  	[tilespmem:$0x2730] =	vst v2;
	v2 =	vshrl.u32 v4, $0x10  }
0x3a: {  	[tilespmem:$0x2820] =	vst v2;
	v2 =	vand.u32 $0xFFFF, v60  }
0x3b: {  	[tilespmem:$0x2740] =	vst v2;
	v2 =	vshrl.u32 v60, $0x10  }
0x3c: {  	[tilespmem:$0x2830] =	vst v2;
	v2 =	vand.u32 $0xFFFF, v3  }
0x3d: {  	[tilespmem:$0x2750] =	vst v2;
	v2 =	vshrl.u32 v3, $0x10  }
0x3e: {  	[tilespmem:$0x2840] =	vst v2  }
0x3f: {  	[tilespmem:s22], [sflag:$0x1] =	stream.indirect.gather [hbm4b:s1+s20], $0x80, s21, s20, $0xb8;
	[tilespmem:$0x1E038] =	vst v63  }
0x40: {  	v2 =	vld [tilespmem:$0x50];
	_ =	sdelay $0x1  }
0x41: {  	v3 =	vld [tilespmem:$0x60];
	_ =	sdelay $0x1  }
0x42: {  	v61 =	vld [tilespmem:$0x70]  }
0x43: {  	v62 =	vand.u32 $0xFFFF, v2  }
0x44: {  	v63 =	vld [tilespmem:$0x80];
	v2 =	vshrl.u32 v2, $0x10;
	[tilespmem:$0x2760] =	vst v62  }
0x45: {  	[tilespmem:$0x2850] =	vst v2;
	v2 =	vand.u32 $0xFFFF, v3  }
0x46: {  	[tilespmem:$0x2770] =	vst v2;
	v2 =	vshrl.u32 v3, $0x10;
	v3 =	vld [tilespmem:$0x90]  }
0x47: {  	[tilespmem:$0x2860] =	vst v2;
	v2 =	vand.u32 $0xFFFF, v61  }
0x48: {  	[tilespmem:$0x2780] =	vst v2;
	v2 =	vshrl.u32 v61, $0x10  }
0x49: {  	[tilespmem:$0x2870] =	vst v2;
	v2 =	vand.u32 $0xFFFF, v63  }
0x4a: {  	[tilespmem:$0x2790] =	vst v2;
	v2 =	vshrl.u32 v63, $0x10  }
0x4b: {  	[tilespmem:$0x2880] =	vst v2;
	v2 =	vand.u32 $0xFFFF, v3  }
0x4c: {  	[tilespmem:$0x27A0] =	vst v2;
	v2 =	vshrl.u32 v3, $0x10  }
0x4d: {  	[tilespmem:$0x2890] =	vst v2  }
0x4e: {  	[tilespmem:s26], [sflag:$0x2] =	stream.indirect.gather [hbm4b:s1+s20], $0x80, s23, s20, $0xb8;
	[tilespmem:$0x1E038] =	vst v63  }
0x4f: {  	_ = 	snop  }
0x50: {  	[spmem:s6] =	stream.linear.scatter [tilespmem:s28], [sflag:$0x7], $0x2800, $0x38;
	[tilespmem:$0x1E038] =	vst v63  }
0x51: {  	_ =	swait.ge [sflag:s19], $0x2800  }
0x52: {  	[sflag:s19] =	ssyncset.done $0x0  }
0x53: {  	s14 =	rddreg [dreg:$0xb];
	[sflag:s19] =	ssyncadd.s32 $0xFFFFD800  }
0x54: {  	[spmem:s14] =	stream.linear.scatter [tilespmem:s28], [sflag:$0x7], $0x2800, $0x38;
	[tilespmem:$0x1E038] =	vst v63  }
0x55: {  	_ =	swait.ge [sflag:s19], $0x2800  }
0x56: {  	[sflag:s19] =	ssyncset.done $0x0  }
0x57: {  	s15 =	rddreg [dreg:$0xc];
	[sflag:s19] =	ssyncadd.s32 $0xFFFFD800  }
0x58: {  	[spmem:s15] =	stream.linear.scatter [tilespmem:s28], [sflag:$0x7], $0x2800, $0x38;
	[tilespmem:$0x1E038] =	vst v63  }
0x59: {  	_ =	swait.ge [sflag:s19], $0x2800  }
0x5a: {  	[sflag:s19] =	ssyncset.done $0x0  }
0x5b: {  	s14 =	rddreg [dreg:$0xd];
	[sflag:s19] =	ssyncadd.s32 $0xFFFFD800  }
0x5c: {  	[spmem:s14] =	stream.linear.scatter [tilespmem:s28], [sflag:$0x7], $0x2800, $0x38;
	[tilespmem:$0x1E038] =	vst v63  }
0x5d: {  	_ =	swait.ge [sflag:s19], $0x2800  }
0x5e: {  	[sflag:s19] =	ssyncset.done $0x0  }
0x5f: {  	[sflag:s19] =	ssyncadd.s32 $0xFFFFD800  }
0x60: {  	[spmem:s16] =	stream.linear.scatter [tilespmem:s28], [sflag:$0x7], $0x2800, $0x38;
	[tilespmem:$0x1E038] =	vst v63  }
0x61: {  	_ =	swait.ge [sflag:s19], $0x2800  }
0x62: {  	[sflag:s19] =	ssyncset.done $0x0  }
0x63: {  	[sflag:s19] =	ssyncadd.s32 $0xFFFFD800  }
0x64: {  	[spmem:s17] =	stream.linear.scatter [tilespmem:s28], [sflag:$0x7], $0x2800, $0x38;
	[tilespmem:$0x1E038] =	vst v63  }
0x65: {  	_ =	swait.ge [sflag:s19], $0x2800  }
0x66: {  	[sflag:s19] =	ssyncset.done $0x0  }
0x67: {  	[sflag:s19] =	ssyncadd.s32 $0xFFFFD800  }
0x68: {  	[spmem:s18] =	stream.linear.scatter [tilespmem:s28], [sflag:$0x7], $0x2800, $0x38;
	[tilespmem:$0x1E038] =	vst v63  }
0x69: {  	_ =	swait.ge [sflag:s19], $0x2800  }
0x6a: {  	[sflag:s19] =	ssyncset.done $0x0  }
0x6b: {  	s15 =	rddreg [dreg:$0x6];
	[sflag:s19] =	ssyncadd.s32 $0xFFFFD800  }
0x6c: {  	[spmem:s15] =	stream.linear.scatter [tilespmem:s28], [sflag:$0x7], $0x2080, $0x38;
	[tilespmem:$0x1E038] =	vst v63  }
0x6d: {  	_ =	swait.ge [sflag:s19], $0x2080  }
0x6e: {  	[sflag:s19] =	ssyncset.done $0x0  }
0x6f: {  	[sflag:s19] =	ssyncadd.s32 $0xFFFFDF80  }
0x70: {  	[tilespmem:$0x1D970] =	vst v1  }
0x71: {  	[tilespmem:$0x1D980] =	vst v1  }
0x72: {  	[tilespmem:$0x1D990] =	vst v1  }
0x73: {  	[tilespmem:$0x1D9A0] =	vst v1  }
0x74: {  	s13 =	simm.s32 $0x40;
	s14 =	simm.s32 $0x0;
	[tilespmem:$0x1D9B0] =	vst v1  }
.LBB2_4:
0x75: {  	p1 =	sne.s32 s13, $0xFC0;
	[tilespmem:s14+$0x1D9C0] =	vst v0;
	s14 =	smov.u32 s13;
	s13 =	sadd.s32 $0x40, s13  }
.Ltmp1:
0x76: {  	(pc) =	sbr.rel @p1 .LBB2_4-.Ltmp1, $2  }
0x77: {  	_ =	sdelay $0x2  }
0x78: {  	s14 =	sshra.s32 s14, $0x2  }
0x79: {  	[tilespmem:s14+$0x1D9C0] =	vst v0;
	s13 =	simm.s32 @!p0 $0x1D9C0;
	s14 =	rddreg [dreg:$0x7]  }
0x7a: {  	[spmem:s14] =	stream.linear.scatter @!p0 [tilespmem:s13], [sflag:$0x7], $0x3E8, $0x38;
	[tilespmem:$0x1E038] =	vst v63  }
0x7b: {  	s13 =	simm.s32 @!p0 $0x7  }
0x7c: {  	_ =	swait.ge @!p0 [sflag:s13], $0x3E8  }
0x7d: {  	[sflag:s13] =	ssyncset.done @!p0 $0x0  }
0x7e: {  	[sflag:s13] =	ssyncadd.s32 @!p0 $0xFFFFFC18  }
0x7f: {  	[bflag:$0x0] =	sbarrier.arrive $0xFFFF  }
0x80: {  	_ =	swait.ge [sflag:s29], $0x2800  }
0x81: {  	[sflag:s29] =	ssyncset.done $0x0  }
0x82: {  	[sflag:s29] =	ssyncadd.s32 $0xFFFFD800  }
0x83: {  	[spmem:s3] =	stream.indirect.scatter.add.f32 [tilespmem:s22], [sflag:$0x4], $0x80, s30, s20, $0xb8;
	[tilespmem:$0x1E038] =	vst v63  }
0x84: {  	_ = 	snop  }
0x85: {  	[spmem:s4] =	stream.indirect.scatter.add.f32 [tilespmem:s31], [sflag:$0x4], $0x1, s30, s20, $0xb8;
	[tilespmem:$0x1E038] =	vst v63  }
0x86: {  	v2 =	vld [tilespmem:$0xA0];
	_ =	sdelay $0x1  }
0x87: {  	v3 =	vld [tilespmem:$0xB0];
	_ =	sdelay $0x1  }
0x88: {  	v4 =	vld [tilespmem:$0xC0]  }
0x89: {  	v5 =	vand.u32 $0xFFFF, v2  }
0x8a: {  	v57 =	vld [tilespmem:$0xD0];
	v2 =	vshrl.u32 v2, $0x10;
	[tilespmem:$0x27B0] =	vst v5  }
0x8b: {  	[tilespmem:$0x28A0] =	vst v2;
	v2 =	vand.u32 $0xFFFF, v3  }
0x8c: {  	[tilespmem:$0x27C0] =	vst v2;
	v2 =	vshrl.u32 v3, $0x10;
	v3 =	vld [tilespmem:$0xE0]  }
0x8d: {  	[tilespmem:$0x28B0] =	vst v2;
	v2 =	vand.u32 $0xFFFF, v4  }
0x8e: {  	[tilespmem:$0x27D0] =	vst v2;
	v2 =	vshrl.u32 v4, $0x10  }
0x8f: {  	[tilespmem:$0x28C0] =	vst v2;
	v2 =	vand.u32 $0xFFFF, v57  }
0x90: {  	[tilespmem:$0x27E0] =	vst v2;
	v2 =	vshrl.u32 v57, $0x10  }
0x91: {  	[tilespmem:$0x28D0] =	vst v2;
	v2 =	vand.u32 $0xFFFF, v3  }
0x92: {  	[tilespmem:$0x27F0] =	vst v2;
	v2 =	vshrl.u32 v3, $0x10  }
0x93: {  	[tilespmem:$0x28E0] =	vst v2  }
0x94: {  	[tilespmem:s28], [sflag:$0x3] =	stream.indirect.gather [hbm4b:s1+s20], $0x80, s2, s20, $0xb8;
	[tilespmem:$0x1E038] =	vst v63  }
0x95: {  	_ =	swait.ge [sflag:s0], $0x2800  }
0x96: {  	[sflag:s0] =	ssyncset.done $0x0  }
0x97: {  	[sflag:s0] =	ssyncadd.s32 $0xFFFFD800  }
0x98: {  	[spmem:s3] =	stream.indirect.scatter.add.f32 [tilespmem:s26], [sflag:$0x5], $0x80, s7, s20, $0xb8;
	[tilespmem:$0x1E038] =	vst v63  }
0x99: {  	_ = 	snop  }
0x9a: {  	[spmem:s4] =	stream.indirect.scatter.add.f32 [tilespmem:s31], [sflag:$0x5], $0x1, s7, s20, $0xb8;
	[tilespmem:$0x1E038] =	vst v63  }
0x9b: {  	_ =	swait.ge [sflag:s8], $0x2800  }
0x9c: {  	[sflag:s8] =	ssyncset.done $0x0  }
0x9d: {  	[sflag:s8] =	ssyncadd.s32 $0xFFFFD800  }
0x9e: {  	_ =	swait.ge [sflag:s8], $0x50  }
0x9f: {  	[sflag:s8] =	ssyncset.done $0x0  }
0xa0: {  	[sflag:s8] =	ssyncadd.s32 $0xFFFFFFB0  }
0xa1: {  	v2 =	vld [tilespmem:$0xF0];
	_ =	sdelay $0x1  }
0xa2: {  	v3 =	vld [tilespmem:$0x100];
	_ =	sdelay $0x1  }
0xa3: {  	v58 =	vld [tilespmem:$0x110]  }
0xa4: {  	v59 =	vand.u32 $0xFFFF, v2  }
0xa5: {  	v60 =	vld [tilespmem:$0x120];
	v2 =	vshrl.u32 v2, $0x10;
	[tilespmem:$0x2710] =	vst v59  }
0xa6: {  	[tilespmem:$0x2800] =	vst v2;
	v2 =	vand.u32 $0xFFFF, v3  }
0xa7: {  	[tilespmem:$0x2720] =	vst v2;
	v2 =	vshrl.u32 v3, $0x10;
	v3 =	vld [tilespmem:$0x130]  }
0xa8: {  	[tilespmem:$0x2810] =	vst v2;
	v2 =	vand.u32 $0xFFFF, v58  }
0xa9: {  	[tilespmem:$0x2730] =	vst v2;
	v2 =	vshrl.u32 v58, $0x10  }
0xaa: {  	[tilespmem:$0x2820] =	vst v2;
	v2 =	vand.u32 $0xFFFF, v60  }
0xab: {  	[tilespmem:$0x2740] =	vst v2;
	v2 =	vshrl.u32 v60, $0x10  }
0xac: {  	[tilespmem:$0x2830] =	vst v2;
	v2 =	vand.u32 $0xFFFF, v3  }
0xad: {  	[tilespmem:$0x2750] =	vst v2;
	v2 =	vshrl.u32 v3, $0x10  }
0xae: {  	[tilespmem:$0x2840] =	vst v2  }
0xaf: {  	[tilespmem:s22], [sflag:$0x1] =	stream.indirect.gather [hbm4b:s1+s20], $0x80, s21, s20, $0xb8;
	[tilespmem:$0x1E038] =	vst v63  }
0xb0: {  	_ =	swait.ge [sflag:s9], $0x2800  }
0xb1: {  	[sflag:s9] =	ssyncset.done $0x0  }
0xb2: {  	[sflag:s9] =	ssyncadd.s32 $0xFFFFD800  }
0xb3: {  	[spmem:s3] =	stream.indirect.scatter.add.f32 [tilespmem:s28], [sflag:$0x6], $0x80, s10, s20, $0xb8;
	[tilespmem:$0x1E038] =	vst v63  }
0xb4: {  	_ = 	snop  }
0xb5: {  	[spmem:s4] =	stream.indirect.scatter.add.f32 [tilespmem:s31], [sflag:$0x6], $0x1, s10, s20, $0xb8;
	[tilespmem:$0x1E038] =	vst v63  }
0xb6: {  	_ =	swait.ge [sflag:s11], $0x2800  }
0xb7: {  	[sflag:s11] =	ssyncset.done $0x0  }
0xb8: {  	[sflag:s11] =	ssyncadd.s32 $0xFFFFD800  }
0xb9: {  	_ =	swait.ge [sflag:s11], $0x50  }
0xba: {  	[sflag:s11] =	ssyncset.done $0x0  }
0xbb: {  	[sflag:s11] =	ssyncadd.s32 $0xFFFFFFB0  }
0xbc: {  	v2 =	vld [tilespmem:$0x140];
	_ =	sdelay $0x1  }
0xbd: {  	v3 =	vld [tilespmem:$0x150];
	_ =	sdelay $0x1  }
0xbe: {  	v61 =	vld [tilespmem:$0x160]  }
0xbf: {  	v62 =	vand.u32 $0xFFFF, v2  }
0xc0: {  	v63 =	vld [tilespmem:$0x170];
	v2 =	vshrl.u32 v2, $0x10;
	[tilespmem:$0x2760] =	vst v62  }
0xc1: {  	[tilespmem:$0x2850] =	vst v2;
	v2 =	vand.u32 $0xFFFF, v3  }
0xc2: {  	[tilespmem:$0x2770] =	vst v2;
	v2 =	vshrl.u32 v3, $0x10;
	v3 =	vld [tilespmem:$0x180]  }
0xc3: {  	[tilespmem:$0x2860] =	vst v2;
	v2 =	vand.u32 $0xFFFF, v61  }
0xc4: {  	[tilespmem:$0x2780] =	vst v2;
	v2 =	vshrl.u32 v61, $0x10  }
0xc5: {  	[tilespmem:$0x2870] =	vst v2;
	v2 =	vand.u32 $0xFFFF, v63  }
0xc6: {  	[tilespmem:$0x2790] =	vst v2;
	v2 =	vshrl.u32 v63, $0x10  }
0xc7: {  	[tilespmem:$0x2880] =	vst v2;
	v2 =	vand.u32 $0xFFFF, v3  }
0xc8: {  	[tilespmem:$0x27A0] =	vst v2;
	v2 =	vshrl.u32 v3, $0x10  }
0xc9: {  	[tilespmem:$0x2890] =	vst v2  }
0xca: {  	[tilespmem:s26], [sflag:$0x2] =	stream.indirect.gather [hbm4b:s1+s20], $0x80, s23, s20, $0xb8;
	[tilespmem:$0x1E038] =	vst v63  }
0xcb: {  	_ =	swait.ge [sflag:s29], $0x2800  }
0xcc: {  	[sflag:s29] =	ssyncset.done $0x0  }
0xcd: {  	[sflag:s29] =	ssyncadd.s32 $0xFFFFD800  }
0xce: {  	[spmem:s3] =	stream.indirect.scatter.add.f32 [tilespmem:s22], [sflag:$0x4], $0x80, s30, s20, $0xb8;
	[tilespmem:$0x1E038] =	vst v63  }
0xcf: {  	_ = 	snop  }
0xd0: {  	[spmem:s4] =	stream.indirect.scatter.add.f32 [tilespmem:s31], [sflag:$0x4], $0x1, s30, s20, $0xb8;
	[tilespmem:$0x1E038] =	vst v63  }
0xd1: {  	_ =	swait.ge [sflag:s12], $0x2800  }
0xd2: {  	[sflag:s12] =	ssyncset.done $0x0  }
0xd3: {  	[sflag:s12] =	ssyncadd.s32 $0xFFFFD800  }
0xd4: {  	_ =	swait.ge [sflag:s12], $0x50  }
0xd5: {  	[sflag:s12] =	ssyncset.done $0x0  }
0xd6: {  	s13 =	simm.s32 $0x0;
	[sflag:s12] =	ssyncadd.s32 $0xFFFFFFB0  }
0xd7: {  	v2 =	vld [tilespmem:s13+$0x190];
	_ =	sdelay $0x4  }
0xd8: {  	v3 =	vand.u32 $0xFFFF, v2  }
0xd9: {  	v2 =	vshrl.u32 v2, $0x10;
	[tilespmem:$0x27B0] =	vst v3  }
0xda: {  	[tilespmem:$0x28A0] =	vst v2  }
0xdb: {  	v2 =	vld [tilespmem:s13+$0x1A0];
	_ =	sdelay $0x4  }
0xdc: {  	v3 =	vand.u32 $0xFFFF, v2  }
0xdd: {  	v2 =	vshrl.u32 v2, $0x10;
	[tilespmem:$0x27C0] =	vst v3  }
0xde: {  	[tilespmem:$0x28B0] =	vst v2  }
0xdf: {  	v2 =	vld [tilespmem:s13+$0x1B0];
	_ =	sdelay $0x4  }
0xe0: {  	v3 =	vand.u32 $0xFFFF, v2  }
0xe1: {  	v2 =	vshrl.u32 v2, $0x10;
	[tilespmem:$0x27D0] =	vst v3  }
0xe2: {  	[tilespmem:$0x28C0] =	vst v2  }
0xe3: {  	v2 =	vld [tilespmem:s13+$0x1C0];
	_ =	sdelay $0x4  }
0xe4: {  	v3 =	vand.u32 $0xFFFF, v2  }
0xe5: {  	v2 =	vshrl.u32 v2, $0x10;
	[tilespmem:$0x27E0] =	vst v3  }
0xe6: {  	[tilespmem:$0x28D0] =	vst v2  }
0xe7: {  	v2 =	vld [tilespmem:s13+$0x1D0];
	_ =	sdelay $0x4  }
0xe8: {  	v3 =	vand.u32 $0xFFFF, v2  }
0xe9: {  	v2 =	vshrl.u32 v2, $0x10;
	[tilespmem:$0x27F0] =	vst v3  }
0xea: {  	[tilespmem:$0x28E0] =	vst v2  }
0xeb: {  	[tilespmem:s28], [sflag:$0x3] =	stream.indirect.gather [hbm4b:s1+s20], $0x80, s2, s20, $0xb8;
	[tilespmem:$0x1E038] =	vst v63  }
0xec: {  	_ =	swait.ge [sflag:s0], $0x2800  }
0xed: {  	[sflag:s0] =	ssyncset.done $0x0  }
0xee: {  	[sflag:s0] =	ssyncadd.s32 $0xFFFFD800  }
0xef: {  	[spmem:s3] =	stream.indirect.scatter.add.f32 [tilespmem:s26], [sflag:$0x5], $0x80, s7, s20, $0xb8;
	[tilespmem:$0x1E038] =	vst v63  }
0xf0: {  	_ = 	snop  }
0xf1: {  	[spmem:s4] =	stream.indirect.scatter.add.f32 [tilespmem:s31], [sflag:$0x5], $0x1, s7, s20, $0xb8;
	[tilespmem:$0x1E038] =	vst v63  }
0xf2: {  	_ =	swait.ge [sflag:s8], $0x2800  }
0xf3: {  	[sflag:s8] =	ssyncset.done $0x0  }
0xf4: {  	[sflag:s8] =	ssyncadd.s32 $0xFFFFD800  }
0xf5: {  	_ =	swait.ge [sflag:s8], $0x50  }
0xf6: {  	[sflag:s8] =	ssyncset.done $0x0  }
0xf7: {  	[sflag:s8] =	ssyncadd.s32 $0xFFFFFFB0  }
0xf8: {  	v2 =	vld [tilespmem:s13+$0x1E0];
	_ =	sdelay $0x4  }
0xf9: {  	v3 =	vand.u32 $0xFFFF, v2  }
0xfa: {  	v2 =	vshrl.u32 v2, $0x10;
	[tilespmem:$0x2710] =	vst v3  }
0xfb: {  	[tilespmem:$0x2800] =	vst v2  }
0xfc: {  	v2 =	vld [tilespmem:s13+$0x1F0];
	_ =	sdelay $0x4  }
0xfd: {  	v3 =	vand.u32 $0xFFFF, v2  }
0xfe: {  	v2 =	vshrl.u32 v2, $0x10;
	[tilespmem:$0x2720] =	vst v3  }
0xff: {  	[tilespmem:$0x2810] =	vst v2  }
0x100: {  	v2 =	vld [tilespmem:s13+$0x200];
	_ =	sdelay $0x4  }
0x101: {  	v3 =	vand.u32 $0xFFFF, v2  }
0x102: {  	v2 =	vshrl.u32 v2, $0x10;
	[tilespmem:$0x2730] =	vst v3  }
0x103: {  	[tilespmem:$0x2820] =	vst v2  }
0x104: {  	v2 =	vld [tilespmem:s13+$0x210];
	_ =	sdelay $0x4  }
0x105: {  	v3 =	vand.u32 $0xFFFF, v2  }
0x106: {  	v2 =	vshrl.u32 v2, $0x10;
	[tilespmem:$0x2740] =	vst v3  }
0x107: {  	[tilespmem:$0x2830] =	vst v2  }
0x108: {  	v2 =	vld [tilespmem:s13+$0x220];
	_ =	sdelay $0x4  }
0x109: {  	v3 =	vand.u32 $0xFFFF, v2  }
0x10a: {  	v2 =	vshrl.u32 v2, $0x10;
	[tilespmem:$0x2750] =	vst v3  }
0x10b: {  	[tilespmem:$0x2840] =	vst v2  }
0x10c: {  	[tilespmem:s22], [sflag:$0x1] =	stream.indirect.gather [hbm4b:s1+s20], $0x80, s21, s20, $0xb8;
	[tilespmem:$0x1E038] =	vst v63  }
0x10d: {  	_ =	swait.ge [sflag:s9], $0x2800  }
0x10e: {  	[sflag:s9] =	ssyncset.done $0x0  }
0x10f: {  	[sflag:s9] =	ssyncadd.s32 $0xFFFFD800  }
0x110: {  	[spmem:s3] =	stream.indirect.scatter.add.f32 [tilespmem:s28], [sflag:$0x6], $0x80, s10, s20, $0xb8;
	[tilespmem:$0x1E038] =	vst v63  }
0x111: {  	_ = 	snop  }
0x112: {  	[spmem:s4] =	stream.indirect.scatter.add.f32 [tilespmem:s31], [sflag:$0x6], $0x1, s10, s20, $0xb8;
	[tilespmem:$0x1E038] =	vst v63  }
0x113: {  	_ =	swait.ge [sflag:s11], $0x2800  }
0x114: {  	[sflag:s11] =	ssyncset.done $0x0  }
0x115: {  	[sflag:s11] =	ssyncadd.s32 $0xFFFFD800  }
0x116: {  	_ =	swait.ge [sflag:s11], $0x50  }
0x117: {  	[sflag:s11] =	ssyncset.done $0x0  }
0x118: {  	[sflag:s11] =	ssyncadd.s32 $0xFFFFFFB0  }
0x119: {  	v2 =	vld [tilespmem:s13+$0x230];
	_ =	sdelay $0x4  }
0x11a: {  	v3 =	vand.u32 $0xFFFF, v2  }
0x11b: {  	v2 =	vshrl.u32 v2, $0x10;
	[tilespmem:$0x2760] =	vst v3  }
0x11c: {  	[tilespmem:$0x2850] =	vst v2  }
0x11d: {  	v2 =	vld [tilespmem:s13+$0x240];
	_ =	sdelay $0x4  }
0x11e: {  	v3 =	vand.u32 $0xFFFF, v2  }
0x11f: {  	v2 =	vshrl.u32 v2, $0x10;
	[tilespmem:$0x2770] =	vst v3  }
0x120: {  	[tilespmem:$0x2860] =	vst v2  }
0x121: {  	v2 =	vld [tilespmem:s13+$0x250];
	_ =	sdelay $0x4  }
0x122: {  	v3 =	vand.u32 $0xFFFF, v2  }
0x123: {  	v2 =	vshrl.u32 v2, $0x10;
	[tilespmem:$0x2780] =	vst v3  }
0x124: {  	[tilespmem:$0x2870] =	vst v2  }
0x125: {  	s14 =	simm.s32 $0x3C0;
	v2 =	vld [tilespmem:s13+$0x260]  }
.LBB2_6:
0x126: {  	p1 =	sne.s32 s14, $0x9240;
	s15 =	smov.u32 s14;
	s14 =	sadd.s32 $0x3C0, s14  }
0x127: {  	_ =	sdelay $0x2  }
0x128: {  	v3 =	vand.u32 $0xFFFF, v2;
	v2 =	vshrl.u32 v2, $0x10  }
0x129: {  	[tilespmem:$0x2790] =	vst v3  }
0x12a: {  	[tilespmem:$0x2880] =	vst v2  }
0x12b: {  	v2 =	vld [tilespmem:s13+$0x270];
	_ =	sdelay $0x4  }
0x12c: {  	v3 =	vand.u32 $0xFFFF, v2;
	v2 =	vshrl.u32 v2, $0x10  }
0x12d: {  	[tilespmem:$0x27A0] =	vst v3  }
0x12e: {  	[tilespmem:$0x2890] =	vst v2  }
0x12f: {  	[tilespmem:s26], [sflag:$0x2] =	stream.indirect.gather [hbm4b:s1+s20], $0x80, s23, s20, $0xb8;
	[tilespmem:$0x1E038] =	vst v63  }
0x130: {  	_ =	swait.ge [sflag:s29], $0x2800  }
0x131: {  	[sflag:s29] =	ssyncset.done $0x0  }
0x132: {  	[sflag:s29] =	ssyncadd.s32 $0xFFFFD800  }
0x133: {  	[spmem:s3] =	stream.indirect.scatter.add.f32 [tilespmem:s22], [sflag:$0x4], $0x80, s30, s20, $0xb8;
	[tilespmem:$0x1E038] =	vst v63  }
0x134: {  	_ = 	snop  }
0x135: {  	[spmem:s4] =	stream.indirect.scatter.add.f32 [tilespmem:s31], [sflag:$0x4], $0x1, s30, s20, $0xb8;
	[tilespmem:$0x1E038] =	vst v63  }
0x136: {  	_ =	swait.ge [sflag:s12], $0x2800  }
0x137: {  	[sflag:s12] =	ssyncset.done $0x0  }
0x138: {  	[sflag:s12] =	ssyncadd.s32 $0xFFFFD800  }
0x139: {  	_ =	swait.ge [sflag:s12], $0x50  }
0x13a: {  	[sflag:s12] =	ssyncset.done $0x0  }
0x13b: {  	s13 =	sshra.s32 s15, $0x2;
	[sflag:s12] =	ssyncadd.s32 $0xFFFFFFB0  }
0x13c: {  	v2 =	vld [tilespmem:s13+$0x190];
	_ =	sdelay $0x4  }
0x13d: {  	v3 =	vand.u32 $0xFFFF, v2;
	v2 =	vshrl.u32 v2, $0x10  }
0x13e: {  	[tilespmem:$0x27B0] =	vst v3  }
0x13f: {  	[tilespmem:$0x28A0] =	vst v2  }
0x140: {  	v2 =	vld [tilespmem:s13+$0x1A0];
	_ =	sdelay $0x4  }
0x141: {  	v3 =	vand.u32 $0xFFFF, v2;
	v2 =	vshrl.u32 v2, $0x10  }
0x142: {  	[tilespmem:$0x27C0] =	vst v3  }
0x143: {  	[tilespmem:$0x28B0] =	vst v2  }
0x144: {  	v2 =	vld [tilespmem:s13+$0x1B0];
	_ =	sdelay $0x4  }
0x145: {  	v3 =	vand.u32 $0xFFFF, v2;
	v2 =	vshrl.u32 v2, $0x10  }
0x146: {  	[tilespmem:$0x27D0] =	vst v3  }
0x147: {  	[tilespmem:$0x28C0] =	vst v2  }
0x148: {  	v2 =	vld [tilespmem:s13+$0x1C0];
	_ =	sdelay $0x4  }
0x149: {  	v3 =	vand.u32 $0xFFFF, v2;
	v2 =	vshrl.u32 v2, $0x10  }
0x14a: {  	[tilespmem:$0x27E0] =	vst v3  }
0x14b: {  	[tilespmem:$0x28D0] =	vst v2  }
0x14c: {  	v2 =	vld [tilespmem:s13+$0x1D0];
	_ =	sdelay $0x4  }
0x14d: {  	v3 =	vand.u32 $0xFFFF, v2;
	v2 =	vshrl.u32 v2, $0x10  }
0x14e: {  	[tilespmem:$0x27F0] =	vst v3  }
0x14f: {  	[tilespmem:$0x28E0] =	vst v2  }
0x150: {  	[tilespmem:s28], [sflag:$0x3] =	stream.indirect.gather [hbm4b:s1+s20], $0x80, s2, s20, $0xb8;
	[tilespmem:$0x1E038] =	vst v63  }
0x151: {  	_ =	swait.ge [sflag:s0], $0x2800  }
0x152: {  	[sflag:s0] =	ssyncset.done $0x0  }
0x153: {  	[sflag:s0] =	ssyncadd.s32 $0xFFFFD800  }
0x154: {  	[spmem:s3] =	stream.indirect.scatter.add.f32 [tilespmem:s26], [sflag:$0x5], $0x80, s7, s20, $0xb8;
	[tilespmem:$0x1E038] =	vst v63  }
0x155: {  	_ = 	snop  }
0x156: {  	[spmem:s4] =	stream.indirect.scatter.add.f32 [tilespmem:s31], [sflag:$0x5], $0x1, s7, s20, $0xb8;
	[tilespmem:$0x1E038] =	vst v63  }
0x157: {  	_ =	swait.ge [sflag:s8], $0x2800  }
0x158: {  	[sflag:s8] =	ssyncset.done $0x0  }
0x159: {  	[sflag:s8] =	ssyncadd.s32 $0xFFFFD800  }
0x15a: {  	_ =	swait.ge [sflag:s8], $0x50  }
0x15b: {  	[sflag:s8] =	ssyncset.done $0x0  }
0x15c: {  	[sflag:s8] =	ssyncadd.s32 $0xFFFFFFB0  }
0x15d: {  	v2 =	vld [tilespmem:s13+$0x1E0];
	_ =	sdelay $0x4  }
0x15e: {  	v3 =	vand.u32 $0xFFFF, v2;
	v2 =	vshrl.u32 v2, $0x10  }
0x15f: {  	[tilespmem:$0x2710] =	vst v3  }
0x160: {  	[tilespmem:$0x2800] =	vst v2  }
0x161: {  	v2 =	vld [tilespmem:s13+$0x1F0];
	_ =	sdelay $0x4  }
0x162: {  	v3 =	vand.u32 $0xFFFF, v2;
	v2 =	vshrl.u32 v2, $0x10  }
0x163: {  	[tilespmem:$0x2720] =	vst v3  }
0x164: {  	[tilespmem:$0x2810] =	vst v2  }
0x165: {  	v2 =	vld [tilespmem:s13+$0x200];
	_ =	sdelay $0x4  }
0x166: {  	v3 =	vand.u32 $0xFFFF, v2;
	v2 =	vshrl.u32 v2, $0x10  }
0x167: {  	[tilespmem:$0x2730] =	vst v3  }
0x168: {  	[tilespmem:$0x2820] =	vst v2  }
0x169: {  	v2 =	vld [tilespmem:s13+$0x210];
	_ =	sdelay $0x4  }
0x16a: {  	v3 =	vand.u32 $0xFFFF, v2;
	v2 =	vshrl.u32 v2, $0x10  }
0x16b: {  	[tilespmem:$0x2740] =	vst v3  }
0x16c: {  	[tilespmem:$0x2830] =	vst v2  }
0x16d: {  	v2 =	vld [tilespmem:s13+$0x220];
	_ =	sdelay $0x4  }
0x16e: {  	v3 =	vand.u32 $0xFFFF, v2;
	v2 =	vshrl.u32 v2, $0x10  }
0x16f: {  	[tilespmem:$0x2750] =	vst v3  }
0x170: {  	[tilespmem:$0x2840] =	vst v2  }
0x171: {  	[tilespmem:s22], [sflag:$0x1] =	stream.indirect.gather [hbm4b:s1+s20], $0x80, s21, s20, $0xb8;
	[tilespmem:$0x1E038] =	vst v63  }
0x172: {  	_ =	swait.ge [sflag:s9], $0x2800  }
0x173: {  	[sflag:s9] =	ssyncset.done $0x0  }
0x174: {  	[sflag:s9] =	ssyncadd.s32 $0xFFFFD800  }
0x175: {  	[spmem:s3] =	stream.indirect.scatter.add.f32 [tilespmem:s28], [sflag:$0x6], $0x80, s10, s20, $0xb8;
	[tilespmem:$0x1E038] =	vst v63  }
0x176: {  	_ = 	snop  }
0x177: {  	[spmem:s4] =	stream.indirect.scatter.add.f32 [tilespmem:s31], [sflag:$0x6], $0x1, s10, s20, $0xb8;
	[tilespmem:$0x1E038] =	vst v63  }
0x178: {  	_ =	swait.ge [sflag:s11], $0x2800  }
0x179: {  	[sflag:s11] =	ssyncset.done $0x0  }
0x17a: {  	[sflag:s11] =	ssyncadd.s32 $0xFFFFD800  }
0x17b: {  	_ =	swait.ge [sflag:s11], $0x50  }
0x17c: {  	[sflag:s11] =	ssyncset.done $0x0  }
0x17d: {  	[sflag:s11] =	ssyncadd.s32 $0xFFFFFFB0  }
0x17e: {  	v2 =	vld [tilespmem:s13+$0x230];
	_ =	sdelay $0x4  }
0x17f: {  	v3 =	vand.u32 $0xFFFF, v2;
	v2 =	vshrl.u32 v2, $0x10  }
0x180: {  	[tilespmem:$0x2760] =	vst v3  }
0x181: {  	[tilespmem:$0x2850] =	vst v2  }
0x182: {  	v2 =	vld [tilespmem:s13+$0x240];
	_ =	sdelay $0x4  }
0x183: {  	v3 =	vand.u32 $0xFFFF, v2;
	v2 =	vshrl.u32 v2, $0x10  }
0x184: {  	[tilespmem:$0x2770] =	vst v3  }
0x185: {  	[tilespmem:$0x2860] =	vst v2  }
0x186: {  	v2 =	vld [tilespmem:s13+$0x250];
	_ =	sdelay $0x3  }
.Ltmp2:
0x187: {  	(pc) =	sbr.rel @p1 .LBB2_6-.Ltmp2, $4  }
0x188: {  	v3 =	vand.u32 $0xFFFF, v2;
	v2 =	vshrl.u32 v2, $0x10  }
0x189: {  	[tilespmem:$0x2780] =	vst v3  }
0x18a: {  	[tilespmem:$0x2870] =	vst v2  }
0x18b: {  	v2 =	vld [tilespmem:s13+$0x260]  }
0x18c: {  	_ =	sdelay $0x3  }
0x18d: {  	v3 =	vand.u32 $0xFFFF, v2  }
0x18e: {  	v2 =	vshrl.u32 v2, $0x10;
	[tilespmem:$0x2790] =	vst v3  }
0x18f: {  	[tilespmem:$0x2880] =	vst v2  }
0x190: {  	v2 =	vld [tilespmem:s13+$0x270];
	_ =	sdelay $0x4  }
0x191: {  	v3 =	vand.u32 $0xFFFF, v2  }
0x192: {  	v2 =	vshrl.u32 v2, $0x10;
	[tilespmem:$0x27A0] =	vst v3  }
0x193: {  	[tilespmem:$0x2890] =	vst v2  }
0x194: {  	[tilespmem:s26], [sflag:$0x2] =	stream.indirect.gather [hbm4b:s1+s20], $0x80, s23, s20, $0xb8;
	[tilespmem:$0x1E038] =	vst v63  }
0x195: {  	_ =	swait.ge [sflag:s29], $0x2800  }
0x196: {  	[sflag:s29] =	ssyncset.done $0x0  }
0x197: {  	[sflag:s29] =	ssyncadd.s32 $0xFFFFD800  }
0x198: {  	[spmem:s3] =	stream.indirect.scatter.add.f32 [tilespmem:s22], [sflag:$0x4], $0x80, s30, s20, $0xb8;
	[tilespmem:$0x1E038] =	vst v63  }
0x199: {  	_ = 	snop  }
0x19a: {  	[spmem:s4] =	stream.indirect.scatter.add.f32 [tilespmem:s31], [sflag:$0x4], $0x1, s30, s20, $0xb8;
	[tilespmem:$0x1E038] =	vst v63  }
0x19b: {  	_ =	swait.ge [sflag:s0], $0x2800  }
0x19c: {  	[sflag:s0] =	ssyncset.done $0x0  }
0x19d: {  	[sflag:s0] =	ssyncadd.s32 $0xFFFFD800  }
0x19e: {  	[spmem:s3] =	stream.indirect.scatter.add.f32 [tilespmem:s26], [sflag:$0x5], $0x80, s7, s20, $0xb8;
	[tilespmem:$0x1E038] =	vst v63  }
0x19f: {  	_ = 	snop  }
0x1a0: {  	[spmem:s4] =	stream.indirect.scatter.add.f32 [tilespmem:s31], [sflag:$0x5], $0x1, s7, s20, $0xb8;
	[tilespmem:$0x1E038] =	vst v63  }
0x1a1: {  	_ =	swait.ge [sflag:s12], $0x2800  }
0x1a2: {  	[sflag:s12] =	ssyncset.done $0x0  }
0x1a3: {  	[sflag:s12] =	ssyncadd.s32 $0xFFFFD800  }
0x1a4: {  	_ =	swait.ge [sflag:s12], $0x50  }
0x1a5: {  	[sflag:s12] =	ssyncset.done $0x0  }
0x1a6: {  	[sflag:s12] =	ssyncadd.s32 $0xFFFFFFB0  }
0x1a7: {  	_ =	swait.ge [sflag:s8], $0x2800  }
0x1a8: {  	[sflag:s8] =	ssyncset.done $0x0  }
0x1a9: {  	[sflag:s8] =	ssyncadd.s32 $0xFFFFD800  }
0x1aa: {  	_ =	swait.ge [sflag:s8], $0x50  }
0x1ab: {  	[sflag:s8] =	ssyncset.done $0x0  }
0x1ac: {  	[sflag:s8] =	ssyncadd.s32 $0xFFFFFFB0  }
0x1ad: {  	_ =	swait.ge [sflag:s11], $0x2800  }
0x1ae: {  	[sflag:s11] =	ssyncset.done $0x0  }
0x1af: {  	[sflag:s11] =	ssyncadd.s32 $0xFFFFD800  }
0x1b0: {  	_ =	swait.ge [sflag:s11], $0x50  }
0x1b1: {  	[sflag:s11] =	ssyncset.done $0x0  }
0x1b2: {  	s14 =	stileid.u32;
	[sflag:s11] =	ssyncadd.s32 $0xFFFFFFB0  }
0x1b3: {  	s13 =	sshll.u32 s14, $0x6;
	[bflag:$0x0] =	sbarrier.arrive $0xFFFF  }
0x1b4: {  	s13 =	sor.u32 $0x1C07, s13;
	s14 =	rddreg [dreg:$0x8]  }
0x1b5: {  	[hbm:s14], [sflag:s13] =	dma.local [spmem:s24], $0x2710  }
0x1b6: {  	_ =	swait.ge [sflag:s19], $0x2710  }
0x1b7: {  	[sflag:s19] =	ssyncset.done $0x0  }
0x1b8: {  	s14 =	rddreg [dreg:$0x9];
	[sflag:s19] =	ssyncadd.s32 $0xFFFFD8F0  }
0x1b9: {  	[hbm:s14], [sflag:s13] =	dma.local @!p0 [spmem:s25], $0x7D  }
0x1ba: {  	s13 =	simm.s32 @!p0 $0x7  }
0x1bb: {  	_ =	swait.ge @!p0 [sflag:s13], $0x7D  }
0x1bc: {  	s5 =	sadd.s32 $0x1, s5;
	s15 =	rddreg [dreg:$0xa]  }
0x1bd: {  	p1 =	sne.s32 s5, s15  }
.Ltmp3:
0x1be: {  	_ = 	snop;
	(pc) =	sbr.rel @p1 .LBB2_1-.Ltmp3, $3  }
0x1bf: {  	_ =	sdelay $0x1  }
0x1c0: {  	[sflag:s13] =	ssyncset.done @!p0 $0x0  }
0x1c1: {  	[sflag:s13] =	ssyncadd.s32 @!p0 $0xFFFFFF83  }
0x1c2: {  	_ =	sfence.sel $0x180000  }
0x1c3: {  	[bflag:$0x0] =	sbarrier.arrive $0xFFFF  }
0x1c4: {  	_ =	strace $0x90000047  }
0x1c5: {  	s0 =	stileid.u32;
	[bflag:$0x2] =	sbarrier.arrive $0xFFFF  }
0x1c6: {  	p0 =	sne.s32 s0, $0x0;
	s0 =	rddreg [dreg:$0x4]  }
0x1c7: {  	s0 =	sadd.s32 @!p0 $0x100000, s0  }
0x1c8: {  	[sflag:s0] =	ssyncadd.tile.s32 @!p0 $0x1;
	_ =	shalt  }
.Lfunc_end2:
_tile_overlayer_lowered:
.L_overlay_start_2:
0x1c9: {  	(tag) =	ssettag $0x2  }
0x1ca: {  	s0 =	rddreg [dreg:$0x0];
	s2 =	stileid.u32  }
0x1cb: {  	s1 =	rddreg [dreg:$0x1];
	p0 =	sne.s32 s2, $0x0  }
0x1cc: {  	s3 =	rddreg [dreg:$0x2];
	[bflag:$0x3] =	sbarrier.arrive $0xFFFF;
	s2 =	simm.s32 @!p0 $0x1C07  }
0x1cd: {  	[timem:s3], [sflag:s2] =	dma.local @!p0 [hbm:s0], s1  }
0x1ce: {  	s0 =	simm.s32 @!p0 $0x7  }
0x1cf: {  	_ =	swait.ge @!p0 [sflag:s0], s1  }
0x1d0: {  	s1 =	ssub.s32 @!p0 $0x0, s1;
	[sflag:s0] =	ssyncset.done @!p0 $0x0  }
0x1d1: {  	[sflag:s0] =	ssyncadd.s32 @!p0 s1  }
0x1d2: {  	[bflag:$0x3] =	sbarrier.arrive $0xFFFF  }
0x1d3: {  	_ =	shalt  }

</sc_bundles>
